<compile_context>
chip_gen: v7x
topology: tpu7x:2x2x1
jax: 0.10.2.dev20260603
libtpu: 0.0.44.dev20260713+nightly
codegen_flags: <defaults>
</compile_context>

<pallas_src>
import functools

import jax
import jax.numpy as jnp
from jax import lax
from jax.experimental import pallas as pl
from jax.experimental.pallas import tpu as pltpu
from jax.experimental.pallas import tpu_sc as plsc

NC = 2
NS = 16
LANES = 16
CHUNK = 80
DCHUNK = 80
NBUF = 3


def _make_scatter(N, E, D):
    NW = NC * NS
    epw = E // NW
    cpt = epw // CHUNK
    U = CHUNK
    NP = -(-(N + 1) // U) * U
    nck = NP // U
    assert epw * NW == E and cpt * CHUNK == epw
    assert U % 8 == 0 and D % LANES == 0
    PSZ = 64
    passes = []
    st = 0
    while st < cpt:
        n = min(PSZ, cpt - st)
        passes.append((st, n))
        st += n
    BUF = max(n for _, n in passes)
    assert min(n for _, n in passes) >= NBUF
    assert all(st % 8 == 0 for st, _ in passes)

    mesh = plsc.VectorSubcoreMesh(core_axis_name="c", subcore_axis_name="s")

    @functools.partial(
        pl.kernel,
        out_type=jax.ShapeDtypeStruct((NC, NP, D), jnp.float32),
        mesh=mesh,
        scratch_types=[
            pltpu.VMEM((BUF, CHUNK), jnp.int32),
            pltpu.VMEM((BUF, CHUNK), jnp.int32),
            [pltpu.VMEM((CHUNK, D), jnp.float32) for _ in range(NBUF)],
            pltpu.VMEM_SHARED((NP, D), jnp.float32),
            [pltpu.SemaphoreType.DMA for _ in range(NBUF)],
            [pltpu.SemaphoreType.DMA for _ in range(NBUF)],
        ],
        compiler_params=pltpu.CompilerParams(needs_layout_passes=False),
    )
    def scat(y_hbm, src_hbm, dst_hbm, out_hbm, sidx, didx, rows, acc,
             gsem, ssem):
        c = lax.axis_index("c")
        s = lax.axis_index("s")
        wid = c * NS + s

        zero = jnp.zeros((LANES,), jnp.float32)
        stage = rows[0]

        def zrow(i, _):
            for k in range(D // LANES):
                stage[i, pl.ds(k * LANES, LANES)] = zero
            return 0

        lax.fori_loop(0, U, zrow, 0)
        ntile = (nck - s + NS - 1) // NS

        def zcp(t, _):
            pltpu.sync_copy(stage, acc.at[pl.ds((s + t * NS) * U, U)])
            return 0

        lax.fori_loop(0, ntile, zcp, 0)
        plsc.subcore_barrier()

        def run_pass(start, n):
            if n == BUF:
                pltpu.sync_copy(src_hbm.at[wid, pl.ds(start, n)], sidx)
                pltpu.sync_copy(dst_hbm.at[wid, pl.ds(start, n)], didx)
            else:
                sl = pl.ds(0, n)
                pltpu.sync_copy(src_hbm.at[wid, pl.ds(start, n)], sidx.at[sl])
                pltpu.sync_copy(dst_hbm.at[wid, pl.ds(start, n)], didx.at[sl])
            for b in range(NBUF - 1):
                pltpu.async_copy(y_hbm.at[sidx.at[b]], rows[b], gsem[b])

            def body(j, b):
                bm1 = (b - 1) % NBUF
                pltpu.make_async_copy(
                    y_hbm.at[sidx.at[j]], rows[b], gsem[b]
                ).wait()
                pltpu.async_copy(rows[b], acc.at[didx.at[j]], ssem[b], add=True)
                @pl.when(j > 0)
                def _():
                    pltpu.make_async_copy(
                        rows[bm1], acc.at[didx.at[j]], ssem[bm1]
                    ).wait()

                @pl.when(j + NBUF - 1 < n)
                def _():
                    pltpu.async_copy(
                        y_hbm.at[sidx.at[j + NBUF - 1]], rows[bm1], gsem[bm1]
                    )

            def grp(g, _):
                for b in range(NBUF):
                    body(g * NBUF + b, b)
                return 0

            ngroups = n // NBUF
            lax.fori_loop(0, ngroups, grp, 0)
            for r in range(n % NBUF):
                j = ngroups * NBUF + r
                body(jnp.int32(j), j % NBUF)
            lastb = (n - 1) % NBUF
            pltpu.make_async_copy(
                rows[lastb], acc.at[didx.at[0]], ssem[lastb]
            ).wait()

        for start, n in passes:
            run_pass(start, n)
        plsc.subcore_barrier()

        def wb(t, _):
            sl = pl.ds((s + t * NS) * U, U)
            pltpu.sync_copy(acc.at[sl], out_hbm.at[c, sl])
            return 0

        lax.fori_loop(0, ntile, wb, 0)

    return scat


def _make_deg(N, E):
    NW = NC * NS
    epw = E // NW
    cpt = epw // DCHUNK
    assert cpt * DCHUNK == epw and DCHUNK % LANES == 0
    NR = (-(-N // 128) + LANES - 1) // LANES * LANES
    mesh = plsc.VectorSubcoreMesh(core_axis_name="c", subcore_axis_name="s")

    @functools.partial(
        pl.kernel,
        out_type=jax.ShapeDtypeStruct((NC, NR, 128), jnp.float32),
        mesh=mesh,
        scratch_types=[
            pltpu.VMEM((cpt, DCHUNK), jnp.int32),
            pltpu.VMEM((NR, 128), jnp.float32),
            pltpu.VMEM((NR,), jnp.int32),
            pltpu.VMEM_SHARED((NR, 128), jnp.float32),
        ],
        compiler_params=pltpu.CompilerParams(needs_layout_passes=False),
    )
    def degk(dst_hbm, out_hbm, didx, hist, riota, acc):
        c = lax.axis_index("c")
        s = lax.axis_index("s")
        wid = c * NS + s

        zero = jnp.zeros((LANES,), jnp.float32)
        base = lax.iota(jnp.int32, LANES)

        def zrow(i, _):
            for k in range(128 // LANES):
                hist[i, pl.ds(k * LANES, LANES)] = zero
            return 0

        lax.fori_loop(0, NR, zrow, 0)
        for k in range(NR // LANES):
            riota[pl.ds(k * LANES, LANES)] = base + (k * LANES)

        @pl.when(s == 0)
        def _():
            pltpu.sync_copy(hist, acc)

        ones = jnp.ones((LANES,), jnp.float32)
        pltpu.sync_copy(dst_hbm.at[wid], didx)

        def step(j, _):
            for k in range(DCHUNK // LANES):
                idx = didx[j, pl.ds(k * LANES, LANES)]
                plsc.addupdate_scatter(hist, [idx >> 7, idx & 127], ones)
            return 0

        lax.fori_loop(0, cpt, step, 0)
        plsc.subcore_barrier()
        pltpu.sync_copy(hist, acc.at[riota], add=True)
        plsc.subcore_barrier()

        @pl.when(s == 0)
        def _():
            pltpu.sync_copy(acc, hist)
            pltpu.sync_copy(hist, out_hbm.at[c])

    return degk


def _dinv(d0, d1):
    return lax.rsqrt(d0 + d1 + 1.0)


def _mm_first(x_ref, w_ref, d0_ref, d1_ref, y_ref):
    dinv = _dinv(d0_ref[...], d1_ref[...])
    y_ref[...] = jnp.dot(
        x_ref[...] * dinv, w_ref[...], preferred_element_type=jnp.float32
    )


def _mm_mid(a_ref, y_ref, b_ref, w_ref, d0_ref, d1_ref, o_ref):
    n = y_ref.shape[0]
    dinv = _dinv(d0_ref[...], d1_ref[...])
    acc = a_ref[0, :n, :] + a_ref[1, :n, :]
    h = (acc + y_ref[...]) * dinv + b_ref[...]
    h = jnp.maximum(h, 0.0)
    o_ref[...] = jnp.dot(h * dinv, w_ref[...], preferred_element_type=jnp.float32)


def _mm_last(a_ref, y_ref, b_ref, d0_ref, d1_ref, o_ref):
    n = y_ref.shape[0]
    dinv = _dinv(d0_ref[...], d1_ref[...])
    acc = a_ref[0, :n, :] + a_ref[1, :n, :]
    o_ref[...] = (acc + y_ref[...]) * dinv + b_ref[...]


def kernel(x, edge_index, W1, b1, W2, b2, W3, b3):
    N, D = x.shape
    E = edge_index.shape[1]
    NW = NC * NS
    epw = E // NW
    epw_p = -(-epw // CHUNK) * CHUNK
    s2 = edge_index[0].reshape(NW, epw)
    d2 = edge_index[1].reshape(NW, epw)
    pad = epw_p - epw
    if pad:
        NP = -(-(N + 1) // CHUNK) * CHUNK
        sinks = N + (jnp.arange(pad, dtype=jnp.int32) % (NP - N))
        s2 = jnp.pad(s2, ((0, 0), (0, pad)))
        d2 = jnp.concatenate(
            [d2, jnp.broadcast_to(sinks, (NW, pad))], axis=1)
    src = s2.reshape(NW, epw_p // CHUNK, CHUNK)
    dst = d2.reshape(NW, epw_p // CHUNK, CHUNK)
    dstd = edge_index[1].reshape(NW, E // (NW * DCHUNK), DCHUNK)
    b1r, b2r, b3r = (b.reshape(1, -1) for b in (b1, b2, b3))

    deg = _make_deg(N, E)(dstd)
    d0 = deg[0].reshape(-1)[:N, None]
    d1 = deg[1].reshape(-1)[:N, None]
    scat = _make_scatter(N, NW * epw_p, D)

    shp = jax.ShapeDtypeStruct((N, D), jnp.float32)
    y1 = pl.pallas_call(_mm_first, out_shape=shp)(x, W1, d0, d1)
    a1 = scat(y1, src, dst)
    y2 = pl.pallas_call(_mm_mid, out_shape=shp)(a1, y1, b1r, W2, d0, d1)
    a2 = scat(y2, src, dst)
    y3 = pl.pallas_call(_mm_mid, out_shape=shp)(a2, y2, b2r, W3, d0, d1)
    a3 = scat(y3, src, dst)
    out = pl.pallas_call(_mm_last, out_shape=shp)(a3, y3, b3r, d0, d1)
    return out

# --- scband reference (transcript-rebuilt; emitter-appended) ---
"""Pipeline reference for scband-gcn-8083128451590 (READ-ONLY COPY).

The authoritative reference and input builder live on the scoring server;
editing this copy changes nothing except your own understanding.
"""

import jax, jax.numpy as jnp
import numpy as np

N_NODES = 10000
N_EDGES = 320000
D_IN = 128
D_HID = 128
D_OUT = 128


def glorot(key, shape):
    limit = np.sqrt(6.0 / (shape[0] + shape[1]))
    return jax.random.uniform(key, shape, minval=-limit, maxval=limit, dtype=jnp.float32)


def setup_inputs(seed: int = 0) -> dict:
    key = jax.random.key(seed)
    ks = jax.random.split(key, 8)
    x = jax.random.normal(ks[0], (N_NODES, D_IN), dtype=jnp.float32)
    edge_index = jax.random.randint(ks[1], (2, N_EDGES), 0, N_NODES, dtype=jnp.int64 if jax.config.read('jax_enable_x64') else jnp.int32).astype(jnp.int32)
    W1 = glorot(ks[2], (D_IN, D_HID))
    b1 = jnp.zeros((D_HID,), dtype=jnp.float32)
    W2 = glorot(ks[3], (D_HID, D_HID))
    b2 = jnp.zeros((D_HID,), dtype=jnp.float32)
    W3 = glorot(ks[4], (D_HID, D_OUT))
    b3 = jnp.zeros((D_OUT,), dtype=jnp.float32)
    return {"x": x, "edge_index": edge_index, "W1": W1, "b1": b1, "W2": W2, "b2": b2, "W3": W3, "b3": b3}


def gcn_conv(x, src, dst, norm, W, b):
    # PyG GCNConv: x @ W, propagate with symmetric norm (self-loops included), add bias
    xw = x @ W
    msg = jnp.take(xw, src, axis=0) * norm[:, None]
    out = jnp.zeros((x.shape[0], W.shape[1]), dtype=x.dtype).at[dst].add(msg)
    return out + b


def reference(x, edge_index, W1, b1, W2, b2, W3, b3):
    N = x.shape[0]
    loop = jnp.arange(N, dtype=edge_index.dtype)
    src = jnp.concatenate([edge_index[0], loop])
    dst = jnp.concatenate([edge_index[1], loop])
    # symmetric normalization D^{-1/2} A_hat D^{-1/2} with self-loops
    deg = jnp.zeros((N,), dtype=x.dtype).at[dst].add(1.0)
    dinv = jnp.where(deg > 0, deg ** -0.5, 0.0)
    norm = dinv[src] * dinv[dst]
    h = gcn_conv(x, src, dst, norm, W1, b1)
    h = jax.nn.relu(h)
    # dropout is identity in eval mode
    h = gcn_conv(h, src, dst, norm, W2, b2)
    h = jax.nn.relu(h)
    h = gcn_conv(h, src, dst, norm, W3, b3)
    return h

if __name__ == "__main__":
    import jax
    _d = setup_inputs()
    print(jax.jit(kernel)(*tuple(_d.values())))

</pallas_src>

<mosaic_0001>
#map = affine_map<(d0, d1) -> (0, 0)>
#map1 = affine_map<(d0, d1) -> (0, 0, 0)>
module attributes {stable_mosaic.version = 14 : i64} {
  func.func @scat(%arg0: i32, %arg1: i32, %arg2: memref<10000x128xf32, #tpu.memory_space<hbm>>, %arg3: memref<32x125x80xi32, #tpu.memory_space<hbm>>, %arg4: memref<32x125x80xi32, #tpu.memory_space<hbm>>, %arg5: memref<2x10080x128xf32, #tpu.memory_space<hbm>>, %arg6: memref<64x80xi32, #tpu.memory_space<vmem>>, %arg7: memref<64x80xi32, #tpu.memory_space<vmem>>, %arg8: memref<80x128xf32, #tpu.memory_space<vmem>>, %arg9: memref<80x128xf32, #tpu.memory_space<vmem>>, %arg10: memref<80x128xf32, #tpu.memory_space<vmem>>, %arg11: memref<10080x128xf32, #tpu.memory_space<vmem_shared>>, %arg12: memref<!tpu.dma_semaphore, #tpu.memory_space<semaphore_mem>>, %arg13: memref<!tpu.dma_semaphore, #tpu.memory_space<semaphore_mem>>, %arg14: memref<!tpu.dma_semaphore, #tpu.memory_space<semaphore_mem>>, %arg15: memref<!tpu.dma_semaphore, #tpu.memory_space<semaphore_mem>>, %arg16: memref<!tpu.dma_semaphore, #tpu.memory_space<semaphore_mem>>, %arg17: memref<!tpu.dma_semaphore, #tpu.memory_space<semaphore_mem>>) attributes {dimension_semantics = [#tpu.dimension_semantics<core_parallel>, #tpu.dimension_semantics<subcore_parallel>], iteration_bounds = array<i64: 2, 16>, scalar_prefetch = 0 : i64, scratch_operands = 12 : i64, tpu.core_type = #tpu.core_type<sc_vector_subcore>, window_params = [{transform_indices = #map}, {transform_indices = #map1}, {transform_indices = #map1}, {transform_indices = #map1}]} {
    %mul3A = arith.constant 16 : i32
    %mul3A_0 = arith.muli %arg0, %mul3A : i32
    %add3A = arith.addi %mul3A_0, %arg1 : i32
    %broadcast_in_dim3A = arith.constant 0.000000e+00 : f32
    %broadcast_in_dim3A_1 = vector.broadcast %broadcast_in_dim3A : f32 to vector<16xf32>
    %scan3A = arith.constant 0 : i32
    %scan3A_2 = arith.constant 0 : i32
    %scan3A_3 = arith.constant 80 : i32
    %scan3A_4 = arith.addi %scan3A_2, %scan3A_3 : i32
    %scan3A_5 = arith.constant 1 : i32
    %scan3A_6 = scf.for %scan3A_168 = %scan3A_2 to %scan3A_4 step %scan3A_5 iter_args(%scan3A_169 = %scan3A) -> (i32)  : i32 {
      %swap3A = arith.index_cast %scan3A_168 : i32 to index
      %swap3A_170 = arith.constant 0 : index
      %swap3A_171 = tpu.vector_load %arg8[%swap3A, %swap3A_170] {strides = array<i32>} : memref<80x128xf32, #tpu.memory_space<vmem>>, vector<16xf32>,
      tpu.vector_store %arg8[%swap3A, %swap3A_170], %broadcast_in_dim3A_1 {strides = array<i32>} : memref<80x128xf32, #tpu.memory_space<vmem>>, vector<16xf32>,
      %swap3A_172 = arith.index_cast %scan3A_168 : i32 to index
      %swap3A_173 = arith.constant 16 : index
      %swap3A_174 = tpu.vector_load %arg8[%swap3A_172, %swap3A_173] {strides = array<i32>} : memref<80x128xf32, #tpu.memory_space<vmem>>, vector<16xf32>,
      tpu.vector_store %arg8[%swap3A_172, %swap3A_173], %broadcast_in_dim3A_1 {strides = array<i32>} : memref<80x128xf32, #tpu.memory_space<vmem>>, vector<16xf32>,
      %swap3A_175 = arith.index_cast %scan3A_168 : i32 to index
      %swap3A_176 = arith.constant 32 : index
      %swap3A_177 = tpu.vector_load %arg8[%swap3A_175, %swap3A_176] {strides = array<i32>} : memref<80x128xf32, #tpu.memory_space<vmem>>, vector<16xf32>,
      tpu.vector_store %arg8[%swap3A_175, %swap3A_176], %broadcast_in_dim3A_1 {strides = array<i32>} : memref<80x128xf32, #tpu.memory_space<vmem>>, vector<16xf32>,
      %swap3A_178 = arith.index_cast %scan3A_168 : i32 to index
      %swap3A_179 = arith.constant 48 : index
      %swap3A_180 = tpu.vector_load %arg8[%swap3A_178, %swap3A_179] {strides = array<i32>} : memref<80x128xf32, #tpu.memory_space<vmem>>, vector<16xf32>,
      tpu.vector_store %arg8[%swap3A_178, %swap3A_179], %broadcast_in_dim3A_1 {strides = array<i32>} : memref<80x128xf32, #tpu.memory_space<vmem>>, vector<16xf32>,
      %swap3A_181 = arith.index_cast %scan3A_168 : i32 to index
      %swap3A_182 = arith.constant 64 : index
      %swap3A_183 = tpu.vector_load %arg8[%swap3A_181, %swap3A_182] {strides = array<i32>} : memref<80x128xf32, #tpu.memory_space<vmem>>, vector<16xf32>,
      tpu.vector_store %arg8[%swap3A_181, %swap3A_182], %broadcast_in_dim3A_1 {strides = array<i32>} : memref<80x128xf32, #tpu.memory_space<vmem>>, vector<16xf32>,
      %swap3A_184 = arith.index_cast %scan3A_168 : i32 to index
      %swap3A_185 = arith.constant 80 : index
      %swap3A_186 = tpu.vector_load %arg8[%swap3A_184, %swap3A_185] {strides = array<i32>} : memref<80x128xf32, #tpu.memory_space<vmem>>, vector<16xf32>,
      tpu.vector_store %arg8[%swap3A_184, %swap3A_185], %broadcast_in_dim3A_1 {strides = array<i32>} : memref<80x128xf32, #tpu.memory_space<vmem>>, vector<16xf32>,
      %swap3A_187 = arith.index_cast %scan3A_168 : i32 to index
      %swap3A_188 = arith.constant 96 : index
      %swap3A_189 = tpu.vector_load %arg8[%swap3A_187, %swap3A_188] {strides = array<i32>} : memref<80x128xf32, #tpu.memory_space<vmem>>, vector<16xf32>,
      tpu.vector_store %arg8[%swap3A_187, %swap3A_188], %broadcast_in_dim3A_1 {strides = array<i32>} : memref<80x128xf32, #tpu.memory_space<vmem>>, vector<16xf32>,
      %swap3A_190 = arith.index_cast %scan3A_168 : i32 to index
      %swap3A_191 = arith.constant 112 : index
      %swap3A_192 = tpu.vector_load %arg8[%swap3A_190, %swap3A_191] {strides = array<i32>} : memref<80x128xf32, #tpu.memory_space<vmem>>, vector<16xf32>,
      tpu.vector_store %arg8[%swap3A_190, %swap3A_191], %broadcast_in_dim3A_1 {strides = array<i32>} : memref<80x128xf32, #tpu.memory_space<vmem>>, vector<16xf32>,
      %scan3A_193 = arith.constant 0 : i32
      scf.yield %scan3A_193 : i32
    }
    %scan3A_7 = arith.constant 80 : i32
    %sub3A = arith.constant 126 : i32
    %sub3A_8 = arith.subi %sub3A, %arg1 : i32
    %add3A_9 = arith.constant 16 : i32
    %add3A_10 = arith.addi %sub3A_8, %add3A_9 : i32
    %sub3A_11 = arith.constant 1 : i32
    %sub3A_12 = arith.subi %add3A_10, %sub3A_11 : i32
    %jit3A = arith.constant 16 : i32
    %div3A = arith.divsi %sub3A_12, %jit3A : i32
    %sign3A = arith.constant 0 : i32
    %sign3A_13 = arith.cmpi sgt, %sub3A_12, %sign3A : i32
    %sign3A_14 = arith.extui %sign3A_13 : i1 to i32
    %sign3A_15 = arith.constant 0 : i32
    %sign3A_16 = arith.cmpi slt, %sub3A_12, %sign3A_15 : i32
    %sign3A_17 = arith.extui %sign3A_16 : i1 to i32
    %sign3A_18 = arith.subi %sign3A_14, %sign3A_17 : i32
    %sign3A_19 = arith.constant 0 : i32
    %sign3A_20 = arith.cmpi sgt, %jit3A, %sign3A_19 : i32
    %sign3A_21 = arith.extui %sign3A_20 : i1 to i32
    %sign3A_22 = arith.constant 0 : i32
    %sign3A_23 = arith.cmpi slt, %jit3A, %sign3A_22 : i32
    %sign3A_24 = arith.extui %sign3A_23 : i1 to i32
    %sign3A_25 = arith.subi %sign3A_21, %sign3A_24 : i32
    %ne3A = arith.cmpi ne, %sign3A_18, %sign3A_25 : i32
    %rem3A = arith.remsi %sub3A_12, %jit3A : i32
    %ne3A_26 = arith.constant 0 : i32
    %ne3A_27 = arith.cmpi ne, %rem3A, %ne3A_26 : i32
    %and3A = arith.andi %ne3A, %ne3A_27 : i1
    %sub3A_28 = arith.constant 1 : i32
    %sub3A_29 = arith.subi %div3A, %sub3A_28 : i32
    %select_n3A = arith.select %and3A, %sub3A_29, %div3A : i32
    %while3A = arith.constant 0 : i32
    %while3A_30 = arith.constant 0 : i32
    %while3A_31 = arith.subi %select_n3A, %while3A : i32
    %while3A_32 = arith.addi %while3A, %while3A_31 : i32
    %while3A_33 = arith.constant 1 : i32
    %while3A_34 = arith.divsi %while3A_31, %while3A_33 : i32
    %while3A_35 = arith.muli %while3A_34, %while3A_33 : i32
    %while3A_36 = arith.addi %while3A, %while3A_35 : i32
    %while3A_37 = arith.constant 1 : i32
    %while3A_38 = scf.for %while3A_168 = %while3A to %while3A_36 step %while3A_37 iter_args(%while3A_169 = %while3A_30) -> (i32)  : i32 {
      %mul3A_170 = arith.constant 16 : i32
      %mul3A_171 = arith.muli %while3A_168, %mul3A_170 : i32
      %add3A_172 = arith.addi %arg1, %mul3A_171 : i32
      %mul3A_173 = arith.constant 80 : i32
      %mul3A_174 = arith.muli %add3A_172, %mul3A_173 : i32
      "tpu.region"() ({
        %run_scoped3A = tpu.sem_alloc : memref<!tpu.dma_semaphore, #tpu.memory_space<semaphore_mem>>
        %dma_start3A_176 = arith.constant 0 : i32
        %dma_start3A_177 = tpu.memref_slice %arg11[%mul3A_174, %dma_start3A_176] : memref<10080x128xf32, #tpu.memory_space<vmem_shared>> -> memref<80x128xf32, #tpu.memory_space<vmem_shared>>
        %dma_start3A_178 = arith.constant 0 : i32
        %dma_start3A_179 = tpu.memref_slice %arg11[%mul3A_174, %dma_start3A_178] : memref<10080x128xf32, #tpu.memory_space<vmem_shared>> -> memref<80x128xf32, #tpu.memory_space<vmem_shared>>
        tpu.enqueue_dma source(%arg8 : memref<80x128xf32, #tpu.memory_space<vmem>>) target(%dma_start3A_179 : memref<80x128xf32, #tpu.memory_space<vmem_shared>>) target_semaphore(%run_scoped3A : memref<!tpu.dma_semaphore, #tpu.memory_space<semaphore_mem>>)
        %dma_wait3A_180 = arith.constant 0 : i32
        %dma_wait3A_181 = tpu.memref_slice %arg11[%mul3A_174, %dma_wait3A_180] : memref<10080x128xf32, #tpu.memory_space<vmem_shared>> -> memref<80x128xf32, #tpu.memory_space<vmem_shared>>
        %dma_wait3A_182 = arith.constant 0 : i32
        %dma_wait3A_183 = tpu.memref_slice %arg11[%mul3A_174, %dma_wait3A_182] : memref<10080x128xf32, #tpu.memory_space<vmem_shared>> -> memref<80x128xf32, #tpu.memory_space<vmem_shared>>
        tpu.wait_dma2 semaphore(%run_scoped3A : memref<!tpu.dma_semaphore, #tpu.memory_space<semaphore_mem>>) src(%arg8 : memref<80x128xf32, #tpu.memory_space<vmem>>) dst(%dma_wait3A_183 : memref<80x128xf32, #tpu.memory_space<vmem_shared>>)
        tpu.yield
      }) : () -> ()
      %while3A_175 = arith.constant 0 : i32
      scf.yield %while3A_175 : i32
    }
    %while3A_39 = arith.constant 1 : i32
    %while3A_40 = scf.for %while3A_168 = %while3A_36 to %while3A_32 step %while3A_39 iter_args(%while3A_169 = %while3A_38) -> (i32)  : i32 {
      %mul3A_170 = arith.constant 16 : i32
      %mul3A_171 = arith.muli %while3A_168, %mul3A_170 : i32
      %add3A_172 = arith.addi %arg1, %mul3A_171 : i32
      %mul3A_173 = arith.constant 80 : i32
      %mul3A_174 = arith.muli %add3A_172, %mul3A_173 : i32
      "tpu.region"() ({
        %run_scoped3A = tpu.sem_alloc : memref<!tpu.dma_semaphore, #tpu.memory_space<semaphore_mem>>
        %dma_start3A_176 = arith.constant 0 : i32
        %dma_start3A_177 = tpu.memref_slice %arg11[%mul3A_174, %dma_start3A_176] : memref<10080x128xf32, #tpu.memory_space<vmem_shared>> -> memref<80x128xf32, #tpu.memory_space<vmem_shared>>
        %dma_start3A_178 = arith.constant 0 : i32
        %dma_start3A_179 = tpu.memref_slice %arg11[%mul3A_174, %dma_start3A_178] : memref<10080x128xf32, #tpu.memory_space<vmem_shared>> -> memref<80x128xf32, #tpu.memory_space<vmem_shared>>
        tpu.enqueue_dma source(%arg8 : memref<80x128xf32, #tpu.memory_space<vmem>>) target(%dma_start3A_179 : memref<80x128xf32, #tpu.memory_space<vmem_shared>>) target_semaphore(%run_scoped3A : memref<!tpu.dma_semaphore, #tpu.memory_space<semaphore_mem>>)
        %dma_wait3A_180 = arith.constant 0 : i32
        %dma_wait3A_181 = tpu.memref_slice %arg11[%mul3A_174, %dma_wait3A_180] : memref<10080x128xf32, #tpu.memory_space<vmem_shared>> -> memref<80x128xf32, #tpu.memory_space<vmem_shared>>
        %dma_wait3A_182 = arith.constant 0 : i32
        %dma_wait3A_183 = tpu.memref_slice %arg11[%mul3A_174, %dma_wait3A_182] : memref<10080x128xf32, #tpu.memory_space<vmem_shared>> -> memref<80x128xf32, #tpu.memory_space<vmem_shared>>
        tpu.wait_dma2 semaphore(%run_scoped3A : memref<!tpu.dma_semaphore, #tpu.memory_space<semaphore_mem>>) src(%arg8 : memref<80x128xf32, #tpu.memory_space<vmem>>) dst(%dma_wait3A_183 : memref<80x128xf32, #tpu.memory_space<vmem_shared>>)
        tpu.yield
      }) : () -> ()
      %while3A_175 = arith.constant 0 : i32
      scf.yield %while3A_175 : i32
    }
    %barrier3A = arith.constant 0 : index
    tpu.barrier barrier_id(%barrier3A)
    "tpu.region"() ({
      %run_scoped3A = tpu.sem_alloc : memref<!tpu.dma_semaphore, #tpu.memory_space<semaphore_mem>>
      %dma_start3A_168 = arith.constant 0 : i32
      %dma_start3A_169 = arith.constant 0 : i32
      %dma_start3A_170 = tpu.memref_slice %arg3[%add3A, %dma_start3A_168, %dma_start3A_169] : memref<32x125x80xi32, #tpu.memory_space<hbm>> -> memref<1x64x80xi32, #tpu.memory_space<hbm>>
      %dma_start3A_171 = tpu.memref_squeeze %dma_start3A_170 : memref<1x64x80xi32, #tpu.memory_space<hbm>> -> memref<64x80xi32, #tpu.memory_space<hbm>>
      %dma_start3A_172 = arith.constant 0 : i32
      %dma_start3A_173 = arith.constant 0 : i32
      %dma_start3A_174 = tpu.memref_slice %arg3[%add3A, %dma_start3A_172, %dma_start3A_173] : memref<32x125x80xi32, #tpu.memory_space<hbm>> -> memref<1x64x80xi32, #tpu.memory_space<hbm>>
      %dma_start3A_175 = tpu.memref_squeeze %dma_start3A_174 : memref<1x64x80xi32, #tpu.memory_space<hbm>> -> memref<64x80xi32, #tpu.memory_space<hbm>>
      tpu.enqueue_dma source(%dma_start3A_175 : memref<64x80xi32, #tpu.memory_space<hbm>>) target(%arg6 : memref<64x80xi32, #tpu.memory_space<vmem>>) target_semaphore(%run_scoped3A : memref<!tpu.dma_semaphore, #tpu.memory_space<semaphore_mem>>)
      %dma_wait3A_176 = arith.constant 0 : i32
      %dma_wait3A_177 = arith.constant 0 : i32
      %dma_wait3A_178 = tpu.memref_slice %arg3[%add3A, %dma_wait3A_176, %dma_wait3A_177] : memref<32x125x80xi32, #tpu.memory_space<hbm>> -> memref<1x64x80xi32, #tpu.memory_space<hbm>>
      %dma_wait3A_179 = tpu.memref_squeeze %dma_wait3A_178 : memref<1x64x80xi32, #tpu.memory_space<hbm>> -> memref<64x80xi32, #tpu.memory_space<hbm>>
      %dma_wait3A_180 = arith.constant 0 : i32
      %dma_wait3A_181 = arith.constant 0 : i32
      %dma_wait3A_182 = tpu.memref_slice %arg3[%add3A, %dma_wait3A_180, %dma_wait3A_181] : memref<32x125x80xi32, #tpu.memory_space<hbm>> -> memref<1x64x80xi32, #tpu.memory_space<hbm>>
      %dma_wait3A_183 = tpu.memref_squeeze %dma_wait3A_182 : memref<1x64x80xi32, #tpu.memory_space<hbm>> -> memref<64x80xi32, #tpu.memory_space<hbm>>
      tpu.wait_dma2 semaphore(%run_scoped3A : memref<!tpu.dma_semaphore, #tpu.memory_space<semaphore_mem>>) src(%dma_wait3A_183 : memref<64x80xi32, #tpu.memory_space<hbm>>) dst(%arg6 : memref<64x80xi32, #tpu.memory_space<vmem>>)
      tpu.yield
    }) : () -> ()
    "tpu.region"() ({
      %run_scoped3A = tpu.sem_alloc : memref<!tpu.dma_semaphore, #tpu.memory_space<semaphore_mem>>
      %dma_start3A_168 = arith.constant 0 : i32
      %dma_start3A_169 = arith.constant 0 : i32
      %dma_start3A_170 = tpu.memref_slice %arg4[%add3A, %dma_start3A_168, %dma_start3A_169] : memref<32x125x80xi32, #tpu.memory_space<hbm>> -> memref<1x64x80xi32, #tpu.memory_space<hbm>>
      %dma_start3A_171 = tpu.memref_squeeze %dma_start3A_170 : memref<1x64x80xi32, #tpu.memory_space<hbm>> -> memref<64x80xi32, #tpu.memory_space<hbm>>
      %dma_start3A_172 = arith.constant 0 : i32
      %dma_start3A_173 = arith.constant 0 : i32
      %dma_start3A_174 = tpu.memref_slice %arg4[%add3A, %dma_start3A_172, %dma_start3A_173] : memref<32x125x80xi32, #tpu.memory_space<hbm>> -> memref<1x64x80xi32, #tpu.memory_space<hbm>>
      %dma_start3A_175 = tpu.memref_squeeze %dma_start3A_174 : memref<1x64x80xi32, #tpu.memory_space<hbm>> -> memref<64x80xi32, #tpu.memory_space<hbm>>
      tpu.enqueue_dma source(%dma_start3A_175 : memref<64x80xi32, #tpu.memory_space<hbm>>) target(%arg7 : memref<64x80xi32, #tpu.memory_space<vmem>>) target_semaphore(%run_scoped3A : memref<!tpu.dma_semaphore, #tpu.memory_space<semaphore_mem>>)
      %dma_wait3A_176 = arith.constant 0 : i32
      %dma_wait3A_177 = arith.constant 0 : i32
      %dma_wait3A_178 = tpu.memref_slice %arg4[%add3A, %dma_wait3A_176, %dma_wait3A_177] : memref<32x125x80xi32, #tpu.memory_space<hbm>> -> memref<1x64x80xi32, #tpu.memory_space<hbm>>
      %dma_wait3A_179 = tpu.memref_squeeze %dma_wait3A_178 : memref<1x64x80xi32, #tpu.memory_space<hbm>> -> memref<64x80xi32, #tpu.memory_space<hbm>>
      %dma_wait3A_180 = arith.constant 0 : i32
      %dma_wait3A_181 = arith.constant 0 : i32
      %dma_wait3A_182 = tpu.memref_slice %arg4[%add3A, %dma_wait3A_180, %dma_wait3A_181] : memref<32x125x80xi32, #tpu.memory_space<hbm>> -> memref<1x64x80xi32, #tpu.memory_space<hbm>>
      %dma_wait3A_183 = tpu.memref_squeeze %dma_wait3A_182 : memref<1x64x80xi32, #tpu.memory_space<hbm>> -> memref<64x80xi32, #tpu.memory_space<hbm>>
      tpu.wait_dma2 semaphore(%run_scoped3A : memref<!tpu.dma_semaphore, #tpu.memory_space<semaphore_mem>>) src(%dma_wait3A_183 : memref<64x80xi32, #tpu.memory_space<hbm>>) dst(%arg7 : memref<64x80xi32, #tpu.memory_space<vmem>>)
      tpu.yield
    }) : () -> ()
    %dma_start3A = arith.constant 0 : i32
    %dma_start3A_41 = arith.constant 0 : i32
    %dma_start3A_42 = tpu.memref_slice %arg6[%dma_start3A, %dma_start3A_41] : memref<64x80xi32, #tpu.memory_space<vmem>> -> memref<1x80xi32, #tpu.memory_space<vmem>>
    %dma_start3A_43 = tpu.memref_squeeze %dma_start3A_42 : memref<1x80xi32, #tpu.memory_space<vmem>> -> memref<80xi32, #tpu.memory_space<vmem>>
    %dma_start3A_44 = arith.constant 0 : i32
    %dma_start3A_45 = arith.constant 0 : i32
    %dma_start3A_46 = tpu.memref_slice %arg2[%dma_start3A_44, %dma_start3A_45] : memref<10000x128xf32, #tpu.memory_space<hbm>> -> memref<10000x128xf32, #tpu.memory_space<hbm>>
    tpu.enqueue_indirect_dma source(%dma_start3A_46 : memref<10000x128xf32, #tpu.memory_space<hbm>>) target(%arg8 : memref<80x128xf32, #tpu.memory_space<vmem>>) offsets(%dma_start3A_43 : memref<80xi32, #tpu.memory_space<vmem>>) semaphore(%arg12 : memref<!tpu.dma_semaphore, #tpu.memory_space<semaphore_mem>>)
    %dma_start3A_47 = arith.constant 1 : i32
    %dma_start3A_48 = arith.constant 0 : i32
    %dma_start3A_49 = tpu.memref_slice %arg6[%dma_start3A_47, %dma_start3A_48] : memref<64x80xi32, #tpu.memory_space<vmem>> -> memref<1x80xi32, #tpu.memory_space<vmem>>
    %dma_start3A_50 = tpu.memref_squeeze %dma_start3A_49 : memref<1x80xi32, #tpu.memory_space<vmem>> -> memref<80xi32, #tpu.memory_space<vmem>>
    %dma_start3A_51 = arith.constant 0 : i32
    %dma_start3A_52 = arith.constant 0 : i32
    %dma_start3A_53 = tpu.memref_slice %arg2[%dma_start3A_51, %dma_start3A_52] : memref<10000x128xf32, #tpu.memory_space<hbm>> -> memref<10000x128xf32, #tpu.memory_space<hbm>>
    tpu.enqueue_indirect_dma source(%dma_start3A_53 : memref<10000x128xf32, #tpu.memory_space<hbm>>) target(%arg9 : memref<80x128xf32, #tpu.memory_space<vmem>>) offsets(%dma_start3A_50 : memref<80xi32, #tpu.memory_space<vmem>>) semaphore(%arg13 : memref<!tpu.dma_semaphore, #tpu.memory_space<semaphore_mem>>)
    %scan3A_54 = arith.constant 0 : i32
    %scan3A_55 = arith.constant 0 : i32
    %scan3A_56 = arith.constant 21 : i32
    %scan3A_57 = arith.addi %scan3A_55, %scan3A_56 : i32
    %scan3A_58 = arith.constant 1 : i32
    %scan3A_59 = scf.for %scan3A_168 = %scan3A_55 to %scan3A_57 step %scan3A_58 iter_args(%scan3A_169 = %scan3A_54) -> (i32)  : i32 {
      %mul3A_170 = arith.constant 3 : i32
      %mul3A_171 = arith.muli %scan3A_168, %mul3A_170 : i32
      %add3A_172 = arith.constant 0 : i32
      %add3A_173 = arith.addi %mul3A_171, %add3A_172 : i32
      %dma_wait3A_174 = arith.constant 0 : i32
      %dma_wait3A_175 = tpu.memref_slice %arg6[%add3A_173, %dma_wait3A_174] : memref<64x80xi32, #tpu.memory_space<vmem>> -> memref<1x80xi32, #tpu.memory_space<vmem>>
      %dma_wait3A_176 = tpu.memref_squeeze %dma_wait3A_175 : memref<1x80xi32, #tpu.memory_space<vmem>> -> memref<80xi32, #tpu.memory_space<vmem>>
      %dma_wait3A_177 = arith.constant 0 : i32
      %dma_wait3A_178 = arith.constant 0 : i32
      %dma_wait3A_179 = tpu.memref_slice %arg2[%dma_wait3A_177, %dma_wait3A_178] : memref<10000x128xf32, #tpu.memory_space<hbm>> -> memref<10000x128xf32, #tpu.memory_space<hbm>>
      tpu.wait_indirect_dma semaphore(%arg12 : memref<!tpu.dma_semaphore, #tpu.memory_space<semaphore_mem>>) src(%dma_wait3A_179 : memref<10000x128xf32, #tpu.memory_space<hbm>>) dst(%arg8 : memref<80x128xf32, #tpu.memory_space<vmem>>)
      %dma_start3A_180 = arith.constant 0 : i32
      %dma_start3A_181 = tpu.memref_slice %arg7[%add3A_173, %dma_start3A_180] : memref<64x80xi32, #tpu.memory_space<vmem>> -> memref<1x80xi32, #tpu.memory_space<vmem>>
      %dma_start3A_182 = tpu.memref_squeeze %dma_start3A_181 : memref<1x80xi32, #tpu.memory_space<vmem>> -> memref<80xi32, #tpu.memory_space<vmem>>
      %dma_start3A_183 = arith.constant 0 : i32
      %dma_start3A_184 = arith.constant 0 : i32
      %dma_start3A_185 = tpu.memref_slice %arg11[%dma_start3A_183, %dma_start3A_184] : memref<10080x128xf32, #tpu.memory_space<vmem_shared>> -> memref<10080x128xf32, #tpu.memory_space<vmem_shared>>
      tpu.enqueue_indirect_dma source(%arg8 : memref<80x128xf32, #tpu.memory_space<vmem>>) target(%dma_start3A_185 : memref<10080x128xf32, #tpu.memory_space<vmem_shared>>) offsets(%dma_start3A_182 : memref<80xi32, #tpu.memory_space<vmem>>) semaphore(%arg15 : memref<!tpu.dma_semaphore, #tpu.memory_space<semaphore_mem>>) {add = true}
      %gt3A_186 = arith.constant 0 : i32
      %gt3A_187 = arith.cmpi sgt, %add3A_173, %gt3A_186 : i32
      %convert_element_type3A_188 = arith.extui %gt3A_187 : i1 to i32
      %cond3A_189 = arith.constant 0 : i32
      %cond3A_190 = arith.cmpi ne, %convert_element_type3A_188, %cond3A_189 : i32
      scf.if %cond3A_190 {
        %dma_wait3A_261 = arith.constant 0 : i32
        %dma_wait3A_262 = tpu.memref_slice %arg7[%add3A_173, %dma_wait3A_261] : memref<64x80xi32, #tpu.memory_space<vmem>> -> memref<1x80xi32, #tpu.memory_space<vmem>>
        %dma_wait3A_263 = tpu.memref_squeeze %dma_wait3A_262 : memref<1x80xi32, #tpu.memory_space<vmem>> -> memref<80xi32, #tpu.memory_space<vmem>>
        %dma_wait3A_264 = arith.constant 0 : i32
        %dma_wait3A_265 = arith.constant 0 : i32
        %dma_wait3A_266 = tpu.memref_slice %arg11[%dma_wait3A_264, %dma_wait3A_265] : memref<10080x128xf32, #tpu.memory_space<vmem_shared>> -> memref<10080x128xf32, #tpu.memory_space<vmem_shared>>
        tpu.wait_indirect_dma semaphore(%arg17 : memref<!tpu.dma_semaphore, #tpu.memory_space<semaphore_mem>>) src(%arg10 : memref<80x128xf32, #tpu.memory_space<vmem>>) dst(%dma_wait3A_266 : memref<10080x128xf32, #tpu.memory_space<vmem_shared>>)
      } else {
      }
      %add3A_191 = arith.constant 3 : i32
      %add3A_192 = arith.addi %add3A_173, %add3A_191 : i32
      %sub3A_193 = arith.constant 1 : i32
      %sub3A_194 = arith.subi %add3A_192, %sub3A_193 : i32
      %lt3A_195 = arith.constant 64 : i32
      %lt3A_196 = arith.cmpi slt, %sub3A_194, %lt3A_195 : i32
      %convert_element_type3A_197 = arith.extui %lt3A_196 : i1 to i32
      %cond3A_198 = arith.constant 0 : i32
      %cond3A_199 = arith.cmpi ne, %convert_element_type3A_197, %cond3A_198 : i32
      scf.if %cond3A_199 {
        %add3A_261 = arith.constant 3 : i32
        %add3A_262 = arith.addi %add3A_173, %add3A_261 : i32
        %sub3A_263 = arith.constant 1 : i32
        %sub3A_264 = arith.subi %add3A_262, %sub3A_263 : i32
        %dma_start3A_265 = arith.constant 0 : i32
        %dma_start3A_266 = tpu.memref_slice %arg6[%sub3A_264, %dma_start3A_265] : memref<64x80xi32, #tpu.memory_space<vmem>> -> memref<1x80xi32, #tpu.memory_space<vmem>>
        %dma_start3A_267 = tpu.memref_squeeze %dma_start3A_266 : memref<1x80xi32, #tpu.memory_space<vmem>> -> memref<80xi32, #tpu.memory_space<vmem>>
        %dma_start3A_268 = arith.constant 0 : i32
        %dma_start3A_269 = arith.constant 0 : i32
        %dma_start3A_270 = tpu.memref_slice %arg2[%dma_start3A_268, %dma_start3A_269] : memref<10000x128xf32, #tpu.memory_space<hbm>> -> memref<10000x128xf32, #tpu.memory_space<hbm>>
        tpu.enqueue_indirect_dma source(%dma_start3A_270 : memref<10000x128xf32, #tpu.memory_space<hbm>>) target(%arg10 : memref<80x128xf32, #tpu.memory_space<vmem>>) offsets(%dma_start3A_267 : memref<80xi32, #tpu.memory_space<vmem>>) semaphore(%arg14 : memref<!tpu.dma_semaphore, #tpu.memory_space<semaphore_mem>>)
      } else {
      }
      %mul3A_200 = arith.constant 3 : i32
      %mul3A_201 = arith.muli %scan3A_168, %mul3A_200 : i32
      %add3A_202 = arith.constant 1 : i32
      %add3A_203 = arith.addi %mul3A_201, %add3A_202 : i32
      %dma_wait3A_204 = arith.constant 0 : i32
      %dma_wait3A_205 = tpu.memref_slice %arg6[%add3A_203, %dma_wait3A_204] : memref<64x80xi32, #tpu.memory_space<vmem>> -> memref<1x80xi32, #tpu.memory_space<vmem>>
      %dma_wait3A_206 = tpu.memref_squeeze %dma_wait3A_205 : memref<1x80xi32, #tpu.memory_space<vmem>> -> memref<80xi32, #tpu.memory_space<vmem>>
      %dma_wait3A_207 = arith.constant 0 : i32
      %dma_wait3A_208 = arith.constant 0 : i32
      %dma_wait3A_209 = tpu.memref_slice %arg2[%dma_wait3A_207, %dma_wait3A_208] : memref<10000x128xf32, #tpu.memory_space<hbm>> -> memref<10000x128xf32, #tpu.memory_space<hbm>>
      tpu.wait_indirect_dma semaphore(%arg13 : memref<!tpu.dma_semaphore, #tpu.memory_space<semaphore_mem>>) src(%dma_wait3A_209 : memref<10000x128xf32, #tpu.memory_space<hbm>>) dst(%arg9 : memref<80x128xf32, #tpu.memory_space<vmem>>)
      %dma_start3A_210 = arith.constant 0 : i32
      %dma_start3A_211 = tpu.memref_slice %arg7[%add3A_203, %dma_start3A_210] : memref<64x80xi32, #tpu.memory_space<vmem>> -> memref<1x80xi32, #tpu.memory_space<vmem>>
      %dma_start3A_212 = tpu.memref_squeeze %dma_start3A_211 : memref<1x80xi32, #tpu.memory_space<vmem>> -> memref<80xi32, #tpu.memory_space<vmem>>
      %dma_start3A_213 = arith.constant 0 : i32
      %dma_start3A_214 = arith.constant 0 : i32
      %dma_start3A_215 = tpu.memref_slice %arg11[%dma_start3A_213, %dma_start3A_214] : memref<10080x128xf32, #tpu.memory_space<vmem_shared>> -> memref<10080x128xf32, #tpu.memory_space<vmem_shared>>
      tpu.enqueue_indirect_dma source(%arg9 : memref<80x128xf32, #tpu.memory_space<vmem>>) target(%dma_start3A_215 : memref<10080x128xf32, #tpu.memory_space<vmem_shared>>) offsets(%dma_start3A_212 : memref<80xi32, #tpu.memory_space<vmem>>) semaphore(%arg16 : memref<!tpu.dma_semaphore, #tpu.memory_space<semaphore_mem>>) {add = true}
      %gt3A_216 = arith.constant 0 : i32
      %gt3A_217 = arith.cmpi sgt, %add3A_203, %gt3A_216 : i32
      %convert_element_type3A_218 = arith.extui %gt3A_217 : i1 to i32
      %cond3A_219 = arith.constant 0 : i32
      %cond3A_220 = arith.cmpi ne, %convert_element_type3A_218, %cond3A_219 : i32
      scf.if %cond3A_220 {
        %dma_wait3A_261 = arith.constant 0 : i32
        %dma_wait3A_262 = tpu.memref_slice %arg7[%add3A_203, %dma_wait3A_261] : memref<64x80xi32, #tpu.memory_space<vmem>> -> memref<1x80xi32, #tpu.memory_space<vmem>>
        %dma_wait3A_263 = tpu.memref_squeeze %dma_wait3A_262 : memref<1x80xi32, #tpu.memory_space<vmem>> -> memref<80xi32, #tpu.memory_space<vmem>>
        %dma_wait3A_264 = arith.constant 0 : i32
        %dma_wait3A_265 = arith.constant 0 : i32
        %dma_wait3A_266 = tpu.memref_slice %arg11[%dma_wait3A_264, %dma_wait3A_265] : memref<10080x128xf32, #tpu.memory_space<vmem_shared>> -> memref<10080x128xf32, #tpu.memory_space<vmem_shared>>
        tpu.wait_indirect_dma semaphore(%arg15 : memref<!tpu.dma_semaphore, #tpu.memory_space<semaphore_mem>>) src(%arg8 : memref<80x128xf32, #tpu.memory_space<vmem>>) dst(%dma_wait3A_266 : memref<10080x128xf32, #tpu.memory_space<vmem_shared>>)
      } else {
      }
      %add3A_221 = arith.constant 3 : i32
      %add3A_222 = arith.addi %add3A_203, %add3A_221 : i32
      %sub3A_223 = arith.constant 1 : i32
      %sub3A_224 = arith.subi %add3A_222, %sub3A_223 : i32
      %lt3A_225 = arith.constant 64 : i32
      %lt3A_226 = arith.cmpi slt, %sub3A_224, %lt3A_225 : i32
      %convert_element_type3A_227 = arith.extui %lt3A_226 : i1 to i32
      %cond3A_228 = arith.constant 0 : i32
      %cond3A_229 = arith.cmpi ne, %convert_element_type3A_227, %cond3A_228 : i32
      scf.if %cond3A_229 {
        %add3A_261 = arith.constant 3 : i32
        %add3A_262 = arith.addi %add3A_203, %add3A_261 : i32
        %sub3A_263 = arith.constant 1 : i32
        %sub3A_264 = arith.subi %add3A_262, %sub3A_263 : i32
        %dma_start3A_265 = arith.constant 0 : i32
        %dma_start3A_266 = tpu.memref_slice %arg6[%sub3A_264, %dma_start3A_265] : memref<64x80xi32, #tpu.memory_space<vmem>> -> memref<1x80xi32, #tpu.memory_space<vmem>>
        %dma_start3A_267 = tpu.memref_squeeze %dma_start3A_266 : memref<1x80xi32, #tpu.memory_space<vmem>> -> memref<80xi32, #tpu.memory_space<vmem>>
        %dma_start3A_268 = arith.constant 0 : i32
        %dma_start3A_269 = arith.constant 0 : i32
        %dma_start3A_270 = tpu.memref_slice %arg2[%dma_start3A_268, %dma_start3A_269] : memref<10000x128xf32, #tpu.memory_space<hbm>> -> memref<10000x128xf32, #tpu.memory_space<hbm>>
        tpu.enqueue_indirect_dma source(%dma_start3A_270 : memref<10000x128xf32, #tpu.memory_space<hbm>>) target(%arg8 : memref<80x128xf32, #tpu.memory_space<vmem>>) offsets(%dma_start3A_267 : memref<80xi32, #tpu.memory_space<vmem>>) semaphore(%arg12 : memref<!tpu.dma_semaphore, #tpu.memory_space<semaphore_mem>>)
      } else {
      }
      %mul3A_230 = arith.constant 3 : i32
      %mul3A_231 = arith.muli %scan3A_168, %mul3A_230 : i32
      %add3A_232 = arith.constant 2 : i32
      %add3A_233 = arith.addi %mul3A_231, %add3A_232 : i32
      %dma_wait3A_234 = arith.constant 0 : i32
      %dma_wait3A_235 = tpu.memref_slice %arg6[%add3A_233, %dma_wait3A_234] : memref<64x80xi32, #tpu.memory_space<vmem>> -> memref<1x80xi32, #tpu.memory_space<vmem>>
      %dma_wait3A_236 = tpu.memref_squeeze %dma_wait3A_235 : memref<1x80xi32, #tpu.memory_space<vmem>> -> memref<80xi32, #tpu.memory_space<vmem>>
      %dma_wait3A_237 = arith.constant 0 : i32
      %dma_wait3A_238 = arith.constant 0 : i32
      %dma_wait3A_239 = tpu.memref_slice %arg2[%dma_wait3A_237, %dma_wait3A_238] : memref<10000x128xf32, #tpu.memory_space<hbm>> -> memref<10000x128xf32, #tpu.memory_space<hbm>>
      tpu.wait_indirect_dma semaphore(%arg14 : memref<!tpu.dma_semaphore, #tpu.memory_space<semaphore_mem>>) src(%dma_wait3A_239 : memref<10000x128xf32, #tpu.memory_space<hbm>>) dst(%arg10 : memref<80x128xf32, #tpu.memory_space<vmem>>)
      %dma_start3A_240 = arith.constant 0 : i32
      %dma_start3A_241 = tpu.memref_slice %arg7[%add3A_233, %dma_start3A_240] : memref<64x80xi32, #tpu.memory_space<vmem>> -> memref<1x80xi32, #tpu.memory_space<vmem>>
      %dma_start3A_242 = tpu.memref_squeeze %dma_start3A_241 : memref<1x80xi32, #tpu.memory_space<vmem>> -> memref<80xi32, #tpu.memory_space<vmem>>
      %dma_start3A_243 = arith.constant 0 : i32
      %dma_start3A_244 = arith.constant 0 : i32
      %dma_start3A_245 = tpu.memref_slice %arg11[%dma_start3A_243, %dma_start3A_244] : memref<10080x128xf32, #tpu.memory_space<vmem_shared>> -> memref<10080x128xf32, #tpu.memory_space<vmem_shared>>
      tpu.enqueue_indirect_dma source(%arg10 : memref<80x128xf32, #tpu.memory_space<vmem>>) target(%dma_start3A_245 : memref<10080x128xf32, #tpu.memory_space<vmem_shared>>) offsets(%dma_start3A_242 : memref<80xi32, #tpu.memory_space<vmem>>) semaphore(%arg17 : memref<!tpu.dma_semaphore, #tpu.memory_space<semaphore_mem>>) {add = true}
      %gt3A_246 = arith.constant 0 : i32
      %gt3A_247 = arith.cmpi sgt, %add3A_233, %gt3A_246 : i32
      %convert_element_type3A_248 = arith.extui %gt3A_247 : i1 to i32
      %cond3A_249 = arith.constant 0 : i32
      %cond3A_250 = arith.cmpi ne, %convert_element_type3A_248, %cond3A_249 : i32
      scf.if %cond3A_250 {
        %dma_wait3A_261 = arith.constant 0 : i32
        %dma_wait3A_262 = tpu.memref_slice %arg7[%add3A_233, %dma_wait3A_261] : memref<64x80xi32, #tpu.memory_space<vmem>> -> memref<1x80xi32, #tpu.memory_space<vmem>>
        %dma_wait3A_263 = tpu.memref_squeeze %dma_wait3A_262 : memref<1x80xi32, #tpu.memory_space<vmem>> -> memref<80xi32, #tpu.memory_space<vmem>>
        %dma_wait3A_264 = arith.constant 0 : i32
        %dma_wait3A_265 = arith.constant 0 : i32
        %dma_wait3A_266 = tpu.memref_slice %arg11[%dma_wait3A_264, %dma_wait3A_265] : memref<10080x128xf32, #tpu.memory_space<vmem_shared>> -> memref<10080x128xf32, #tpu.memory_space<vmem_shared>>
        tpu.wait_indirect_dma semaphore(%arg16 : memref<!tpu.dma_semaphore, #tpu.memory_space<semaphore_mem>>) src(%arg9 : memref<80x128xf32, #tpu.memory_space<vmem>>) dst(%dma_wait3A_266 : memref<10080x128xf32, #tpu.memory_space<vmem_shared>>)
      } else {
      }
      %add3A_251 = arith.constant 3 : i32
      %add3A_252 = arith.addi %add3A_233, %add3A_251 : i32
      %sub3A_253 = arith.constant 1 : i32
      %sub3A_254 = arith.subi %add3A_252, %sub3A_253 : i32
      %lt3A_255 = arith.constant 64 : i32
      %lt3A_256 = arith.cmpi slt, %sub3A_254, %lt3A_255 : i32
      %convert_element_type3A_257 = arith.extui %lt3A_256 : i1 to i32
      %cond3A_258 = arith.constant 0 : i32
      %cond3A_259 = arith.cmpi ne, %convert_element_type3A_257, %cond3A_258 : i32
      scf.if %cond3A_259 {
        %add3A_261 = arith.constant 3 : i32
        %add3A_262 = arith.addi %add3A_233, %add3A_261 : i32
        %sub3A_263 = arith.constant 1 : i32
        %sub3A_264 = arith.subi %add3A_262, %sub3A_263 : i32
        %dma_start3A_265 = arith.constant 0 : i32
        %dma_start3A_266 = tpu.memref_slice %arg6[%sub3A_264, %dma_start3A_265] : memref<64x80xi32, #tpu.memory_space<vmem>> -> memref<1x80xi32, #tpu.memory_space<vmem>>
        %dma_start3A_267 = tpu.memref_squeeze %dma_start3A_266 : memref<1x80xi32, #tpu.memory_space<vmem>> -> memref<80xi32, #tpu.memory_space<vmem>>
        %dma_start3A_268 = arith.constant 0 : i32
        %dma_start3A_269 = arith.constant 0 : i32
        %dma_start3A_270 = tpu.memref_slice %arg2[%dma_start3A_268, %dma_start3A_269] : memref<10000x128xf32, #tpu.memory_space<hbm>> -> memref<10000x128xf32, #tpu.memory_space<hbm>>
        tpu.enqueue_indirect_dma source(%dma_start3A_270 : memref<10000x128xf32, #tpu.memory_space<hbm>>) target(%arg9 : memref<80x128xf32, #tpu.memory_space<vmem>>) offsets(%dma_start3A_267 : memref<80xi32, #tpu.memory_space<vmem>>) semaphore(%arg13 : memref<!tpu.dma_semaphore, #tpu.memory_space<semaphore_mem>>)
      } else {
      }
      %scan3A_260 = arith.constant 0 : i32
      scf.yield %scan3A_260 : i32
    }
    %scan3A_60 = arith.constant 21 : i32
    %dma_wait3A = arith.constant 63 : i32
    %dma_wait3A_61 = arith.constant 0 : i32
    %dma_wait3A_62 = tpu.memref_slice %arg6[%dma_wait3A, %dma_wait3A_61] : memref<64x80xi32, #tpu.memory_space<vmem>> -> memref<1x80xi32, #tpu.memory_space<vmem>>
    %dma_wait3A_63 = tpu.memref_squeeze %dma_wait3A_62 : memref<1x80xi32, #tpu.memory_space<vmem>> -> memref<80xi32, #tpu.memory_space<vmem>>
    %dma_wait3A_64 = arith.constant 0 : i32
    %dma_wait3A_65 = arith.constant 0 : i32
    %dma_wait3A_66 = tpu.memref_slice %arg2[%dma_wait3A_64, %dma_wait3A_65] : memref<10000x128xf32, #tpu.memory_space<hbm>> -> memref<10000x128xf32, #tpu.memory_space<hbm>>
    tpu.wait_indirect_dma semaphore(%arg12 : memref<!tpu.dma_semaphore, #tpu.memory_space<semaphore_mem>>) src(%dma_wait3A_66 : memref<10000x128xf32, #tpu.memory_space<hbm>>) dst(%arg8 : memref<80x128xf32, #tpu.memory_space<vmem>>)
    %dma_start3A_67 = arith.constant 63 : i32
    %dma_start3A_68 = arith.constant 0 : i32
    %dma_start3A_69 = tpu.memref_slice %arg7[%dma_start3A_67, %dma_start3A_68] : memref<64x80xi32, #tpu.memory_space<vmem>> -> memref<1x80xi32, #tpu.memory_space<vmem>>
    %dma_start3A_70 = tpu.memref_squeeze %dma_start3A_69 : memref<1x80xi32, #tpu.memory_space<vmem>> -> memref<80xi32, #tpu.memory_space<vmem>>
    %dma_start3A_71 = arith.constant 0 : i32
    %dma_start3A_72 = arith.constant 0 : i32
    %dma_start3A_73 = tpu.memref_slice %arg11[%dma_start3A_71, %dma_start3A_72] : memref<10080x128xf32, #tpu.memory_space<vmem_shared>> -> memref<10080x128xf32, #tpu.memory_space<vmem_shared>>
    tpu.enqueue_indirect_dma source(%arg8 : memref<80x128xf32, #tpu.memory_space<vmem>>) target(%dma_start3A_73 : memref<10080x128xf32, #tpu.memory_space<vmem_shared>>) offsets(%dma_start3A_70 : memref<80xi32, #tpu.memory_space<vmem>>) semaphore(%arg15 : memref<!tpu.dma_semaphore, #tpu.memory_space<semaphore_mem>>) {add = true}
    %gt3A = arith.constant 63 : i32
    %gt3A_74 = arith.constant 0 : i32
    %gt3A_75 = arith.cmpi sgt, %gt3A, %gt3A_74 : i32
    %convert_element_type3A = arith.extui %gt3A_75 : i1 to i32
    %cond3A = arith.constant 63 : i32
    %cond3A_76 = arith.constant 0 : i32
    %cond3A_77 = arith.cmpi ne, %convert_element_type3A, %cond3A_76 : i32
    scf.if %cond3A_77 {
      %dma_wait3A_168 = arith.constant 0 : i32
      %dma_wait3A_169 = tpu.memref_slice %arg7[%cond3A, %dma_wait3A_168] : memref<64x80xi32, #tpu.memory_space<vmem>> -> memref<1x80xi32, #tpu.memory_space<vmem>>
      %dma_wait3A_170 = tpu.memref_squeeze %dma_wait3A_169 : memref<1x80xi32, #tpu.memory_space<vmem>> -> memref<80xi32, #tpu.memory_space<vmem>>
      %dma_wait3A_171 = arith.constant 0 : i32
      %dma_wait3A_172 = arith.constant 0 : i32
      %dma_wait3A_173 = tpu.memref_slice %arg11[%dma_wait3A_171, %dma_wait3A_172] : memref<10080x128xf32, #tpu.memory_space<vmem_shared>> -> memref<10080x128xf32, #tpu.memory_space<vmem_shared>>
      tpu.wait_indirect_dma semaphore(%arg17 : memref<!tpu.dma_semaphore, #tpu.memory_space<semaphore_mem>>) src(%arg10 : memref<80x128xf32, #tpu.memory_space<vmem>>) dst(%dma_wait3A_173 : memref<10080x128xf32, #tpu.memory_space<vmem_shared>>)
    } else {
    }
    %add3A_78 = arith.constant 63 : i32
    %add3A_79 = arith.constant 3 : i32
    %add3A_80 = arith.addi %add3A_78, %add3A_79 : i32
    %sub3A_81 = arith.constant 1 : i32
    %sub3A_82 = arith.subi %add3A_80, %sub3A_81 : i32
    %lt3A = arith.constant 64 : i32
    %lt3A_83 = arith.cmpi slt, %sub3A_82, %lt3A : i32
    %convert_element_type3A_84 = arith.extui %lt3A_83 : i1 to i32
    %cond3A_85 = arith.constant 63 : i32
    %cond3A_86 = arith.constant 0 : i32
    %cond3A_87 = arith.cmpi ne, %convert_element_type3A_84, %cond3A_86 : i32
    scf.if %cond3A_87 {
      %add3A_168 = arith.constant 3 : i32
      %add3A_169 = arith.addi %cond3A_85, %add3A_168 : i32
      %sub3A_170 = arith.constant 1 : i32
      %sub3A_171 = arith.subi %add3A_169, %sub3A_170 : i32
      %dma_start3A_172 = arith.constant 0 : i32
      %dma_start3A_173 = tpu.memref_slice %arg6[%sub3A_171, %dma_start3A_172] : memref<64x80xi32, #tpu.memory_space<vmem>> -> memref<1x80xi32, #tpu.memory_space<vmem>>
      %dma_start3A_174 = tpu.memref_squeeze %dma_start3A_173 : memref<1x80xi32, #tpu.memory_space<vmem>> -> memref<80xi32, #tpu.memory_space<vmem>>
      %dma_start3A_175 = arith.constant 0 : i32
      %dma_start3A_176 = arith.constant 0 : i32
      %dma_start3A_177 = tpu.memref_slice %arg2[%dma_start3A_175, %dma_start3A_176] : memref<10000x128xf32, #tpu.memory_space<hbm>> -> memref<10000x128xf32, #tpu.memory_space<hbm>>
      tpu.enqueue_indirect_dma source(%dma_start3A_177 : memref<10000x128xf32, #tpu.memory_space<hbm>>) target(%arg10 : memref<80x128xf32, #tpu.memory_space<vmem>>) offsets(%dma_start3A_174 : memref<80xi32, #tpu.memory_space<vmem>>) semaphore(%arg14 : memref<!tpu.dma_semaphore, #tpu.memory_space<semaphore_mem>>)
    } else {
    }
    %dma_wait3A_88 = arith.constant 0 : i32
    %dma_wait3A_89 = arith.constant 0 : i32
    %dma_wait3A_90 = tpu.memref_slice %arg7[%dma_wait3A_88, %dma_wait3A_89] : memref<64x80xi32, #tpu.memory_space<vmem>> -> memref<1x80xi32, #tpu.memory_space<vmem>>
    %dma_wait3A_91 = tpu.memref_squeeze %dma_wait3A_90 : memref<1x80xi32, #tpu.memory_space<vmem>> -> memref<80xi32, #tpu.memory_space<vmem>>
    %dma_wait3A_92 = arith.constant 0 : i32
    %dma_wait3A_93 = arith.constant 0 : i32
    %dma_wait3A_94 = tpu.memref_slice %arg11[%dma_wait3A_92, %dma_wait3A_93] : memref<10080x128xf32, #tpu.memory_space<vmem_shared>> -> memref<10080x128xf32, #tpu.memory_space<vmem_shared>>
    tpu.wait_indirect_dma semaphore(%arg15 : memref<!tpu.dma_semaphore, #tpu.memory_space<semaphore_mem>>) src(%arg8 : memref<80x128xf32, #tpu.memory_space<vmem>>) dst(%dma_wait3A_94 : memref<10080x128xf32, #tpu.memory_space<vmem_shared>>)
    "tpu.region"() ({
      %run_scoped3A = tpu.sem_alloc : memref<!tpu.dma_semaphore, #tpu.memory_space<semaphore_mem>>
      %dma_start3A_168 = arith.constant 0 : i32
      %dma_start3A_169 = arith.constant 0 : i32
      %dma_start3A_170 = tpu.memref_slice %arg6[%dma_start3A_168, %dma_start3A_169] : memref<64x80xi32, #tpu.memory_space<vmem>> -> memref<61x80xi32, #tpu.memory_space<vmem>>
      %dma_start3A_171 = arith.constant 64 : i32
      %dma_start3A_172 = arith.constant 0 : i32
      %dma_start3A_173 = tpu.memref_slice %arg3[%add3A, %dma_start3A_171, %dma_start3A_172] : memref<32x125x80xi32, #tpu.memory_space<hbm>> -> memref<1x61x80xi32, #tpu.memory_space<hbm>>
      %dma_start3A_174 = tpu.memref_squeeze %dma_start3A_173 : memref<1x61x80xi32, #tpu.memory_space<hbm>> -> memref<61x80xi32, #tpu.memory_space<hbm>>
      %dma_start3A_175 = arith.constant 0 : i32
      %dma_start3A_176 = arith.constant 0 : i32
      %dma_start3A_177 = tpu.memref_slice %arg6[%dma_start3A_175, %dma_start3A_176] : memref<64x80xi32, #tpu.memory_space<vmem>> -> memref<61x80xi32, #tpu.memory_space<vmem>>
      %dma_start3A_178 = arith.constant 64 : i32
      %dma_start3A_179 = arith.constant 0 : i32
      %dma_start3A_180 = tpu.memref_slice %arg3[%add3A, %dma_start3A_178, %dma_start3A_179] : memref<32x125x80xi32, #tpu.memory_space<hbm>> -> memref<1x61x80xi32, #tpu.memory_space<hbm>>
      %dma_start3A_181 = tpu.memref_squeeze %dma_start3A_180 : memref<1x61x80xi32, #tpu.memory_space<hbm>> -> memref<61x80xi32, #tpu.memory_space<hbm>>
      tpu.enqueue_dma source(%dma_start3A_181 : memref<61x80xi32, #tpu.memory_space<hbm>>) target(%dma_start3A_177 : memref<61x80xi32, #tpu.memory_space<vmem>>) target_semaphore(%run_scoped3A : memref<!tpu.dma_semaphore, #tpu.memory_space<semaphore_mem>>)
      %dma_wait3A_182 = arith.constant 0 : i32
      %dma_wait3A_183 = arith.constant 0 : i32
      %dma_wait3A_184 = tpu.memref_slice %arg6[%dma_wait3A_182, %dma_wait3A_183] : memref<64x80xi32, #tpu.memory_space<vmem>> -> memref<61x80xi32, #tpu.memory_space<vmem>>
      %dma_wait3A_185 = arith.constant 64 : i32
      %dma_wait3A_186 = arith.constant 0 : i32
      %dma_wait3A_187 = tpu.memref_slice %arg3[%add3A, %dma_wait3A_185, %dma_wait3A_186] : memref<32x125x80xi32, #tpu.memory_space<hbm>> -> memref<1x61x80xi32, #tpu.memory_space<hbm>>
      %dma_wait3A_188 = tpu.memref_squeeze %dma_wait3A_187 : memref<1x61x80xi32, #tpu.memory_space<hbm>> -> memref<61x80xi32, #tpu.memory_space<hbm>>
      %dma_wait3A_189 = arith.constant 0 : i32
      %dma_wait3A_190 = arith.constant 0 : i32
      %dma_wait3A_191 = tpu.memref_slice %arg6[%dma_wait3A_189, %dma_wait3A_190] : memref<64x80xi32, #tpu.memory_space<vmem>> -> memref<61x80xi32, #tpu.memory_space<vmem>>
      %dma_wait3A_192 = arith.constant 64 : i32
      %dma_wait3A_193 = arith.constant 0 : i32
      %dma_wait3A_194 = tpu.memref_slice %arg3[%add3A, %dma_wait3A_192, %dma_wait3A_193] : memref<32x125x80xi32, #tpu.memory_space<hbm>> -> memref<1x61x80xi32, #tpu.memory_space<hbm>>
      %dma_wait3A_195 = tpu.memref_squeeze %dma_wait3A_194 : memref<1x61x80xi32, #tpu.memory_space<hbm>> -> memref<61x80xi32, #tpu.memory_space<hbm>>
      tpu.wait_dma2 semaphore(%run_scoped3A : memref<!tpu.dma_semaphore, #tpu.memory_space<semaphore_mem>>) src(%dma_wait3A_195 : memref<61x80xi32, #tpu.memory_space<hbm>>) dst(%dma_wait3A_191 : memref<61x80xi32, #tpu.memory_space<vmem>>)
      tpu.yield
    }) : () -> ()
    "tpu.region"() ({
      %run_scoped3A = tpu.sem_alloc : memref<!tpu.dma_semaphore, #tpu.memory_space<semaphore_mem>>
      %dma_start3A_168 = arith.constant 0 : i32
      %dma_start3A_169 = arith.constant 0 : i32
      %dma_start3A_170 = tpu.memref_slice %arg7[%dma_start3A_168, %dma_start3A_169] : memref<64x80xi32, #tpu.memory_space<vmem>> -> memref<61x80xi32, #tpu.memory_space<vmem>>
      %dma_start3A_171 = arith.constant 64 : i32
      %dma_start3A_172 = arith.constant 0 : i32
      %dma_start3A_173 = tpu.memref_slice %arg4[%add3A, %dma_start3A_171, %dma_start3A_172] : memref<32x125x80xi32, #tpu.memory_space<hbm>> -> memref<1x61x80xi32, #tpu.memory_space<hbm>>
      %dma_start3A_174 = tpu.memref_squeeze %dma_start3A_173 : memref<1x61x80xi32, #tpu.memory_space<hbm>> -> memref<61x80xi32, #tpu.memory_space<hbm>>
      %dma_start3A_175 = arith.constant 0 : i32
      %dma_start3A_176 = arith.constant 0 : i32
      %dma_start3A_177 = tpu.memref_slice %arg7[%dma_start3A_175, %dma_start3A_176] : memref<64x80xi32, #tpu.memory_space<vmem>> -> memref<61x80xi32, #tpu.memory_space<vmem>>
      %dma_start3A_178 = arith.constant 64 : i32
      %dma_start3A_179 = arith.constant 0 : i32
      %dma_start3A_180 = tpu.memref_slice %arg4[%add3A, %dma_start3A_178, %dma_start3A_179] : memref<32x125x80xi32, #tpu.memory_space<hbm>> -> memref<1x61x80xi32, #tpu.memory_space<hbm>>
      %dma_start3A_181 = tpu.memref_squeeze %dma_start3A_180 : memref<1x61x80xi32, #tpu.memory_space<hbm>> -> memref<61x80xi32, #tpu.memory_space<hbm>>
      tpu.enqueue_dma source(%dma_start3A_181 : memref<61x80xi32, #tpu.memory_space<hbm>>) target(%dma_start3A_177 : memref<61x80xi32, #tpu.memory_space<vmem>>) target_semaphore(%run_scoped3A : memref<!tpu.dma_semaphore, #tpu.memory_space<semaphore_mem>>)
      %dma_wait3A_182 = arith.constant 0 : i32
      %dma_wait3A_183 = arith.constant 0 : i32
      %dma_wait3A_184 = tpu.memref_slice %arg7[%dma_wait3A_182, %dma_wait3A_183] : memref<64x80xi32, #tpu.memory_space<vmem>> -> memref<61x80xi32, #tpu.memory_space<vmem>>
      %dma_wait3A_185 = arith.constant 64 : i32
      %dma_wait3A_186 = arith.constant 0 : i32
      %dma_wait3A_187 = tpu.memref_slice %arg4[%add3A, %dma_wait3A_185, %dma_wait3A_186] : memref<32x125x80xi32, #tpu.memory_space<hbm>> -> memref<1x61x80xi32, #tpu.memory_space<hbm>>
      %dma_wait3A_188 = tpu.memref_squeeze %dma_wait3A_187 : memref<1x61x80xi32, #tpu.memory_space<hbm>> -> memref<61x80xi32, #tpu.memory_space<hbm>>
      %dma_wait3A_189 = arith.constant 0 : i32
      %dma_wait3A_190 = arith.constant 0 : i32
      %dma_wait3A_191 = tpu.memref_slice %arg7[%dma_wait3A_189, %dma_wait3A_190] : memref<64x80xi32, #tpu.memory_space<vmem>> -> memref<61x80xi32, #tpu.memory_space<vmem>>
      %dma_wait3A_192 = arith.constant 64 : i32
      %dma_wait3A_193 = arith.constant 0 : i32
      %dma_wait3A_194 = tpu.memref_slice %arg4[%add3A, %dma_wait3A_192, %dma_wait3A_193] : memref<32x125x80xi32, #tpu.memory_space<hbm>> -> memref<1x61x80xi32, #tpu.memory_space<hbm>>
      %dma_wait3A_195 = tpu.memref_squeeze %dma_wait3A_194 : memref<1x61x80xi32, #tpu.memory_space<hbm>> -> memref<61x80xi32, #tpu.memory_space<hbm>>
      tpu.wait_dma2 semaphore(%run_scoped3A : memref<!tpu.dma_semaphore, #tpu.memory_space<semaphore_mem>>) src(%dma_wait3A_195 : memref<61x80xi32, #tpu.memory_space<hbm>>) dst(%dma_wait3A_191 : memref<61x80xi32, #tpu.memory_space<vmem>>)
      tpu.yield
    }) : () -> ()
    %dma_start3A_95 = arith.constant 0 : i32
    %dma_start3A_96 = arith.constant 0 : i32
    %dma_start3A_97 = tpu.memref_slice %arg6[%dma_start3A_95, %dma_start3A_96] : memref<64x80xi32, #tpu.memory_space<vmem>> -> memref<1x80xi32, #tpu.memory_space<vmem>>
    %dma_start3A_98 = tpu.memref_squeeze %dma_start3A_97 : memref<1x80xi32, #tpu.memory_space<vmem>> -> memref<80xi32, #tpu.memory_space<vmem>>
    %dma_start3A_99 = arith.constant 0 : i32
    %dma_start3A_100 = arith.constant 0 : i32
    %dma_start3A_101 = tpu.memref_slice %arg2[%dma_start3A_99, %dma_start3A_100] : memref<10000x128xf32, #tpu.memory_space<hbm>> -> memref<10000x128xf32, #tpu.memory_space<hbm>>
    tpu.enqueue_indirect_dma source(%dma_start3A_101 : memref<10000x128xf32, #tpu.memory_space<hbm>>) target(%arg8 : memref<80x128xf32, #tpu.memory_space<vmem>>) offsets(%dma_start3A_98 : memref<80xi32, #tpu.memory_space<vmem>>) semaphore(%arg12 : memref<!tpu.dma_semaphore, #tpu.memory_space<semaphore_mem>>)
    %dma_start3A_102 = arith.constant 1 : i32
    %dma_start3A_103 = arith.constant 0 : i32
    %dma_start3A_104 = tpu.memref_slice %arg6[%dma_start3A_102, %dma_start3A_103] : memref<64x80xi32, #tpu.memory_space<vmem>> -> memref<1x80xi32, #tpu.memory_space<vmem>>
    %dma_start3A_105 = tpu.memref_squeeze %dma_start3A_104 : memref<1x80xi32, #tpu.memory_space<vmem>> -> memref<80xi32, #tpu.memory_space<vmem>>
    %dma_start3A_106 = arith.constant 0 : i32
    %dma_start3A_107 = arith.constant 0 : i32
    %dma_start3A_108 = tpu.memref_slice %arg2[%dma_start3A_106, %dma_start3A_107] : memref<10000x128xf32, #tpu.memory_space<hbm>> -> memref<10000x128xf32, #tpu.memory_space<hbm>>
    tpu.enqueue_indirect_dma source(%dma_start3A_108 : memref<10000x128xf32, #tpu.memory_space<hbm>>) target(%arg9 : memref<80x128xf32, #tpu.memory_space<vmem>>) offsets(%dma_start3A_105 : memref<80xi32, #tpu.memory_space<vmem>>) semaphore(%arg13 : memref<!tpu.dma_semaphore, #tpu.memory_space<semaphore_mem>>)
    %scan3A_109 = arith.constant 0 : i32
    %scan3A_110 = arith.constant 0 : i32
    %scan3A_111 = arith.constant 20 : i32
    %scan3A_112 = arith.addi %scan3A_110, %scan3A_111 : i32
    %scan3A_113 = arith.constant 1 : i32
    %scan3A_114 = scf.for %scan3A_168 = %scan3A_110 to %scan3A_112 step %scan3A_113 iter_args(%scan3A_169 = %scan3A_109) -> (i32)  : i32 {
      %mul3A_170 = arith.constant 3 : i32
      %mul3A_171 = arith.muli %scan3A_168, %mul3A_170 : i32
      %add3A_172 = arith.constant 0 : i32
      %add3A_173 = arith.addi %mul3A_171, %add3A_172 : i32
      %dma_wait3A_174 = arith.constant 0 : i32
      %dma_wait3A_175 = tpu.memref_slice %arg6[%add3A_173, %dma_wait3A_174] : memref<64x80xi32, #tpu.memory_space<vmem>> -> memref<1x80xi32, #tpu.memory_space<vmem>>
      %dma_wait3A_176 = tpu.memref_squeeze %dma_wait3A_175 : memref<1x80xi32, #tpu.memory_space<vmem>> -> memref<80xi32, #tpu.memory_space<vmem>>
      %dma_wait3A_177 = arith.constant 0 : i32
      %dma_wait3A_178 = arith.constant 0 : i32
      %dma_wait3A_179 = tpu.memref_slice %arg2[%dma_wait3A_177, %dma_wait3A_178] : memref<10000x128xf32, #tpu.memory_space<hbm>> -> memref<10000x128xf32, #tpu.memory_space<hbm>>
      tpu.wait_indirect_dma semaphore(%arg12 : memref<!tpu.dma_semaphore, #tpu.memory_space<semaphore_mem>>) src(%dma_wait3A_179 : memref<10000x128xf32, #tpu.memory_space<hbm>>) dst(%arg8 : memref<80x128xf32, #tpu.memory_space<vmem>>)
      %dma_start3A_180 = arith.constant 0 : i32
      %dma_start3A_181 = tpu.memref_slice %arg7[%add3A_173, %dma_start3A_180] : memref<64x80xi32, #tpu.memory_space<vmem>> -> memref<1x80xi32, #tpu.memory_space<vmem>>
      %dma_start3A_182 = tpu.memref_squeeze %dma_start3A_181 : memref<1x80xi32, #tpu.memory_space<vmem>> -> memref<80xi32, #tpu.memory_space<vmem>>
      %dma_start3A_183 = arith.constant 0 : i32
      %dma_start3A_184 = arith.constant 0 : i32
      %dma_start3A_185 = tpu.memref_slice %arg11[%dma_start3A_183, %dma_start3A_184] : memref<10080x128xf32, #tpu.memory_space<vmem_shared>> -> memref<10080x128xf32, #tpu.memory_space<vmem_shared>>
      tpu.enqueue_indirect_dma source(%arg8 : memref<80x128xf32, #tpu.memory_space<vmem>>) target(%dma_start3A_185 : memref<10080x128xf32, #tpu.memory_space<vmem_shared>>) offsets(%dma_start3A_182 : memref<80xi32, #tpu.memory_space<vmem>>) semaphore(%arg15 : memref<!tpu.dma_semaphore, #tpu.memory_space<semaphore_mem>>) {add = true}
      %gt3A_186 = arith.constant 0 : i32
      %gt3A_187 = arith.cmpi sgt, %add3A_173, %gt3A_186 : i32
      %convert_element_type3A_188 = arith.extui %gt3A_187 : i1 to i32
      %cond3A_189 = arith.constant 0 : i32
      %cond3A_190 = arith.cmpi ne, %convert_element_type3A_188, %cond3A_189 : i32
      scf.if %cond3A_190 {
        %dma_wait3A_261 = arith.constant 0 : i32
        %dma_wait3A_262 = tpu.memref_slice %arg7[%add3A_173, %dma_wait3A_261] : memref<64x80xi32, #tpu.memory_space<vmem>> -> memref<1x80xi32, #tpu.memory_space<vmem>>
        %dma_wait3A_263 = tpu.memref_squeeze %dma_wait3A_262 : memref<1x80xi32, #tpu.memory_space<vmem>> -> memref<80xi32, #tpu.memory_space<vmem>>
        %dma_wait3A_264 = arith.constant 0 : i32
        %dma_wait3A_265 = arith.constant 0 : i32
        %dma_wait3A_266 = tpu.memref_slice %arg11[%dma_wait3A_264, %dma_wait3A_265] : memref<10080x128xf32, #tpu.memory_space<vmem_shared>> -> memref<10080x128xf32, #tpu.memory_space<vmem_shared>>
        tpu.wait_indirect_dma semaphore(%arg17 : memref<!tpu.dma_semaphore, #tpu.memory_space<semaphore_mem>>) src(%arg10 : memref<80x128xf32, #tpu.memory_space<vmem>>) dst(%dma_wait3A_266 : memref<10080x128xf32, #tpu.memory_space<vmem_shared>>)
      } else {
      }
      %add3A_191 = arith.constant 3 : i32
      %add3A_192 = arith.addi %add3A_173, %add3A_191 : i32
      %sub3A_193 = arith.constant 1 : i32
      %sub3A_194 = arith.subi %add3A_192, %sub3A_193 : i32
      %lt3A_195 = arith.constant 61 : i32
      %lt3A_196 = arith.cmpi slt, %sub3A_194, %lt3A_195 : i32
      %convert_element_type3A_197 = arith.extui %lt3A_196 : i1 to i32
      %cond3A_198 = arith.constant 0 : i32
      %cond3A_199 = arith.cmpi ne, %convert_element_type3A_197, %cond3A_198 : i32
      scf.if %cond3A_199 {
        %add3A_261 = arith.constant 3 : i32
        %add3A_262 = arith.addi %add3A_173, %add3A_261 : i32
        %sub3A_263 = arith.constant 1 : i32
        %sub3A_264 = arith.subi %add3A_262, %sub3A_263 : i32
        %dma_start3A_265 = arith.constant 0 : i32
        %dma_start3A_266 = tpu.memref_slice %arg6[%sub3A_264, %dma_start3A_265] : memref<64x80xi32, #tpu.memory_space<vmem>> -> memref<1x80xi32, #tpu.memory_space<vmem>>
        %dma_start3A_267 = tpu.memref_squeeze %dma_start3A_266 : memref<1x80xi32, #tpu.memory_space<vmem>> -> memref<80xi32, #tpu.memory_space<vmem>>
        %dma_start3A_268 = arith.constant 0 : i32
        %dma_start3A_269 = arith.constant 0 : i32
        %dma_start3A_270 = tpu.memref_slice %arg2[%dma_start3A_268, %dma_start3A_269] : memref<10000x128xf32, #tpu.memory_space<hbm>> -> memref<10000x128xf32, #tpu.memory_space<hbm>>
        tpu.enqueue_indirect_dma source(%dma_start3A_270 : memref<10000x128xf32, #tpu.memory_space<hbm>>) target(%arg10 : memref<80x128xf32, #tpu.memory_space<vmem>>) offsets(%dma_start3A_267 : memref<80xi32, #tpu.memory_space<vmem>>) semaphore(%arg14 : memref<!tpu.dma_semaphore, #tpu.memory_space<semaphore_mem>>)
      } else {
      }
      %mul3A_200 = arith.constant 3 : i32
      %mul3A_201 = arith.muli %scan3A_168, %mul3A_200 : i32
      %add3A_202 = arith.constant 1 : i32
      %add3A_203 = arith.addi %mul3A_201, %add3A_202 : i32
      %dma_wait3A_204 = arith.constant 0 : i32
      %dma_wait3A_205 = tpu.memref_slice %arg6[%add3A_203, %dma_wait3A_204] : memref<64x80xi32, #tpu.memory_space<vmem>> -> memref<1x80xi32, #tpu.memory_space<vmem>>
      %dma_wait3A_206 = tpu.memref_squeeze %dma_wait3A_205 : memref<1x80xi32, #tpu.memory_space<vmem>> -> memref<80xi32, #tpu.memory_space<vmem>>
      %dma_wait3A_207 = arith.constant 0 : i32
      %dma_wait3A_208 = arith.constant 0 : i32
      %dma_wait3A_209 = tpu.memref_slice %arg2[%dma_wait3A_207, %dma_wait3A_208] : memref<10000x128xf32, #tpu.memory_space<hbm>> -> memref<10000x128xf32, #tpu.memory_space<hbm>>
      tpu.wait_indirect_dma semaphore(%arg13 : memref<!tpu.dma_semaphore, #tpu.memory_space<semaphore_mem>>) src(%dma_wait3A_209 : memref<10000x128xf32, #tpu.memory_space<hbm>>) dst(%arg9 : memref<80x128xf32, #tpu.memory_space<vmem>>)
      %dma_start3A_210 = arith.constant 0 : i32
      %dma_start3A_211 = tpu.memref_slice %arg7[%add3A_203, %dma_start3A_210] : memref<64x80xi32, #tpu.memory_space<vmem>> -> memref<1x80xi32, #tpu.memory_space<vmem>>
      %dma_start3A_212 = tpu.memref_squeeze %dma_start3A_211 : memref<1x80xi32, #tpu.memory_space<vmem>> -> memref<80xi32, #tpu.memory_space<vmem>>
      %dma_start3A_213 = arith.constant 0 : i32
      %dma_start3A_214 = arith.constant 0 : i32
      %dma_start3A_215 = tpu.memref_slice %arg11[%dma_start3A_213, %dma_start3A_214] : memref<10080x128xf32, #tpu.memory_space<vmem_shared>> -> memref<10080x128xf32, #tpu.memory_space<vmem_shared>>
      tpu.enqueue_indirect_dma source(%arg9 : memref<80x128xf32, #tpu.memory_space<vmem>>) target(%dma_start3A_215 : memref<10080x128xf32, #tpu.memory_space<vmem_shared>>) offsets(%dma_start3A_212 : memref<80xi32, #tpu.memory_space<vmem>>) semaphore(%arg16 : memref<!tpu.dma_semaphore, #tpu.memory_space<semaphore_mem>>) {add = true}
      %gt3A_216 = arith.constant 0 : i32
      %gt3A_217 = arith.cmpi sgt, %add3A_203, %gt3A_216 : i32
      %convert_element_type3A_218 = arith.extui %gt3A_217 : i1 to i32
      %cond3A_219 = arith.constant 0 : i32
      %cond3A_220 = arith.cmpi ne, %convert_element_type3A_218, %cond3A_219 : i32
      scf.if %cond3A_220 {
        %dma_wait3A_261 = arith.constant 0 : i32
        %dma_wait3A_262 = tpu.memref_slice %arg7[%add3A_203, %dma_wait3A_261] : memref<64x80xi32, #tpu.memory_space<vmem>> -> memref<1x80xi32, #tpu.memory_space<vmem>>
        %dma_wait3A_263 = tpu.memref_squeeze %dma_wait3A_262 : memref<1x80xi32, #tpu.memory_space<vmem>> -> memref<80xi32, #tpu.memory_space<vmem>>
        %dma_wait3A_264 = arith.constant 0 : i32
        %dma_wait3A_265 = arith.constant 0 : i32
        %dma_wait3A_266 = tpu.memref_slice %arg11[%dma_wait3A_264, %dma_wait3A_265] : memref<10080x128xf32, #tpu.memory_space<vmem_shared>> -> memref<10080x128xf32, #tpu.memory_space<vmem_shared>>
        tpu.wait_indirect_dma semaphore(%arg15 : memref<!tpu.dma_semaphore, #tpu.memory_space<semaphore_mem>>) src(%arg8 : memref<80x128xf32, #tpu.memory_space<vmem>>) dst(%dma_wait3A_266 : memref<10080x128xf32, #tpu.memory_space<vmem_shared>>)
      } else {
      }
      %add3A_221 = arith.constant 3 : i32
      %add3A_222 = arith.addi %add3A_203, %add3A_221 : i32
      %sub3A_223 = arith.constant 1 : i32
      %sub3A_224 = arith.subi %add3A_222, %sub3A_223 : i32
      %lt3A_225 = arith.constant 61 : i32
      %lt3A_226 = arith.cmpi slt, %sub3A_224, %lt3A_225 : i32
      %convert_element_type3A_227 = arith.extui %lt3A_226 : i1 to i32
      %cond3A_228 = arith.constant 0 : i32
      %cond3A_229 = arith.cmpi ne, %convert_element_type3A_227, %cond3A_228 : i32
      scf.if %cond3A_229 {
        %add3A_261 = arith.constant 3 : i32
        %add3A_262 = arith.addi %add3A_203, %add3A_261 : i32
        %sub3A_263 = arith.constant 1 : i32
        %sub3A_264 = arith.subi %add3A_262, %sub3A_263 : i32
        %dma_start3A_265 = arith.constant 0 : i32
        %dma_start3A_266 = tpu.memref_slice %arg6[%sub3A_264, %dma_start3A_265] : memref<64x80xi32, #tpu.memory_space<vmem>> -> memref<1x80xi32, #tpu.memory_space<vmem>>
        %dma_start3A_267 = tpu.memref_squeeze %dma_start3A_266 : memref<1x80xi32, #tpu.memory_space<vmem>> -> memref<80xi32, #tpu.memory_space<vmem>>
        %dma_start3A_268 = arith.constant 0 : i32
        %dma_start3A_269 = arith.constant 0 : i32
        %dma_start3A_270 = tpu.memref_slice %arg2[%dma_start3A_268, %dma_start3A_269] : memref<10000x128xf32, #tpu.memory_space<hbm>> -> memref<10000x128xf32, #tpu.memory_space<hbm>>
        tpu.enqueue_indirect_dma source(%dma_start3A_270 : memref<10000x128xf32, #tpu.memory_space<hbm>>) target(%arg8 : memref<80x128xf32, #tpu.memory_space<vmem>>) offsets(%dma_start3A_267 : memref<80xi32, #tpu.memory_space<vmem>>) semaphore(%arg12 : memref<!tpu.dma_semaphore, #tpu.memory_space<semaphore_mem>>)
      } else {
      }
      %mul3A_230 = arith.constant 3 : i32
      %mul3A_231 = arith.muli %scan3A_168, %mul3A_230 : i32
      %add3A_232 = arith.constant 2 : i32
      %add3A_233 = arith.addi %mul3A_231, %add3A_232 : i32
      %dma_wait3A_234 = arith.constant 0 : i32
      %dma_wait3A_235 = tpu.memref_slice %arg6[%add3A_233, %dma_wait3A_234] : memref<64x80xi32, #tpu.memory_space<vmem>> -> memref<1x80xi32, #tpu.memory_space<vmem>>
      %dma_wait3A_236 = tpu.memref_squeeze %dma_wait3A_235 : memref<1x80xi32, #tpu.memory_space<vmem>> -> memref<80xi32, #tpu.memory_space<vmem>>
      %dma_wait3A_237 = arith.constant 0 : i32
      %dma_wait3A_238 = arith.constant 0 : i32
      %dma_wait3A_239 = tpu.memref_slice %arg2[%dma_wait3A_237, %dma_wait3A_238] : memref<10000x128xf32, #tpu.memory_space<hbm>> -> memref<10000x128xf32, #tpu.memory_space<hbm>>
      tpu.wait_indirect_dma semaphore(%arg14 : memref<!tpu.dma_semaphore, #tpu.memory_space<semaphore_mem>>) src(%dma_wait3A_239 : memref<10000x128xf32, #tpu.memory_space<hbm>>) dst(%arg10 : memref<80x128xf32, #tpu.memory_space<vmem>>)
      %dma_start3A_240 = arith.constant 0 : i32
      %dma_start3A_241 = tpu.memref_slice %arg7[%add3A_233, %dma_start3A_240] : memref<64x80xi32, #tpu.memory_space<vmem>> -> memref<1x80xi32, #tpu.memory_space<vmem>>
      %dma_start3A_242 = tpu.memref_squeeze %dma_start3A_241 : memref<1x80xi32, #tpu.memory_space<vmem>> -> memref<80xi32, #tpu.memory_space<vmem>>
      %dma_start3A_243 = arith.constant 0 : i32
      %dma_start3A_244 = arith.constant 0 : i32
      %dma_start3A_245 = tpu.memref_slice %arg11[%dma_start3A_243, %dma_start3A_244] : memref<10080x128xf32, #tpu.memory_space<vmem_shared>> -> memref<10080x128xf32, #tpu.memory_space<vmem_shared>>
      tpu.enqueue_indirect_dma source(%arg10 : memref<80x128xf32, #tpu.memory_space<vmem>>) target(%dma_start3A_245 : memref<10080x128xf32, #tpu.memory_space<vmem_shared>>) offsets(%dma_start3A_242 : memref<80xi32, #tpu.memory_space<vmem>>) semaphore(%arg17 : memref<!tpu.dma_semaphore, #tpu.memory_space<semaphore_mem>>) {add = true}
      %gt3A_246 = arith.constant 0 : i32
      %gt3A_247 = arith.cmpi sgt, %add3A_233, %gt3A_246 : i32
      %convert_element_type3A_248 = arith.extui %gt3A_247 : i1 to i32
      %cond3A_249 = arith.constant 0 : i32
      %cond3A_250 = arith.cmpi ne, %convert_element_type3A_248, %cond3A_249 : i32
      scf.if %cond3A_250 {
        %dma_wait3A_261 = arith.constant 0 : i32
        %dma_wait3A_262 = tpu.memref_slice %arg7[%add3A_233, %dma_wait3A_261] : memref<64x80xi32, #tpu.memory_space<vmem>> -> memref<1x80xi32, #tpu.memory_space<vmem>>
        %dma_wait3A_263 = tpu.memref_squeeze %dma_wait3A_262 : memref<1x80xi32, #tpu.memory_space<vmem>> -> memref<80xi32, #tpu.memory_space<vmem>>
        %dma_wait3A_264 = arith.constant 0 : i32
        %dma_wait3A_265 = arith.constant 0 : i32
        %dma_wait3A_266 = tpu.memref_slice %arg11[%dma_wait3A_264, %dma_wait3A_265] : memref<10080x128xf32, #tpu.memory_space<vmem_shared>> -> memref<10080x128xf32, #tpu.memory_space<vmem_shared>>
        tpu.wait_indirect_dma semaphore(%arg16 : memref<!tpu.dma_semaphore, #tpu.memory_space<semaphore_mem>>) src(%arg9 : memref<80x128xf32, #tpu.memory_space<vmem>>) dst(%dma_wait3A_266 : memref<10080x128xf32, #tpu.memory_space<vmem_shared>>)
      } else {
      }
      %add3A_251 = arith.constant 3 : i32
      %add3A_252 = arith.addi %add3A_233, %add3A_251 : i32
      %sub3A_253 = arith.constant 1 : i32
      %sub3A_254 = arith.subi %add3A_252, %sub3A_253 : i32
      %lt3A_255 = arith.constant 61 : i32
      %lt3A_256 = arith.cmpi slt, %sub3A_254, %lt3A_255 : i32
      %convert_element_type3A_257 = arith.extui %lt3A_256 : i1 to i32
      %cond3A_258 = arith.constant 0 : i32
      %cond3A_259 = arith.cmpi ne, %convert_element_type3A_257, %cond3A_258 : i32
      scf.if %cond3A_259 {
        %add3A_261 = arith.constant 3 : i32
        %add3A_262 = arith.addi %add3A_233, %add3A_261 : i32
        %sub3A_263 = arith.constant 1 : i32
        %sub3A_264 = arith.subi %add3A_262, %sub3A_263 : i32
        %dma_start3A_265 = arith.constant 0 : i32
        %dma_start3A_266 = tpu.memref_slice %arg6[%sub3A_264, %dma_start3A_265] : memref<64x80xi32, #tpu.memory_space<vmem>> -> memref<1x80xi32, #tpu.memory_space<vmem>>
        %dma_start3A_267 = tpu.memref_squeeze %dma_start3A_266 : memref<1x80xi32, #tpu.memory_space<vmem>> -> memref<80xi32, #tpu.memory_space<vmem>>
        %dma_start3A_268 = arith.constant 0 : i32
        %dma_start3A_269 = arith.constant 0 : i32
        %dma_start3A_270 = tpu.memref_slice %arg2[%dma_start3A_268, %dma_start3A_269] : memref<10000x128xf32, #tpu.memory_space<hbm>> -> memref<10000x128xf32, #tpu.memory_space<hbm>>
        tpu.enqueue_indirect_dma source(%dma_start3A_270 : memref<10000x128xf32, #tpu.memory_space<hbm>>) target(%arg9 : memref<80x128xf32, #tpu.memory_space<vmem>>) offsets(%dma_start3A_267 : memref<80xi32, #tpu.memory_space<vmem>>) semaphore(%arg13 : memref<!tpu.dma_semaphore, #tpu.memory_space<semaphore_mem>>)
      } else {
      }
      %scan3A_260 = arith.constant 0 : i32
      scf.yield %scan3A_260 : i32
    }
    %scan3A_115 = arith.constant 20 : i32
    %dma_wait3A_116 = arith.constant 60 : i32
    %dma_wait3A_117 = arith.constant 0 : i32
    %dma_wait3A_118 = tpu.memref_slice %arg6[%dma_wait3A_116, %dma_wait3A_117] : memref<64x80xi32, #tpu.memory_space<vmem>> -> memref<1x80xi32, #tpu.memory_space<vmem>>
    %dma_wait3A_119 = tpu.memref_squeeze %dma_wait3A_118 : memref<1x80xi32, #tpu.memory_space<vmem>> -> memref<80xi32, #tpu.memory_space<vmem>>
    %dma_wait3A_120 = arith.constant 0 : i32
    %dma_wait3A_121 = arith.constant 0 : i32
    %dma_wait3A_122 = tpu.memref_slice %arg2[%dma_wait3A_120, %dma_wait3A_121] : memref<10000x128xf32, #tpu.memory_space<hbm>> -> memref<10000x128xf32, #tpu.memory_space<hbm>>
    tpu.wait_indirect_dma semaphore(%arg12 : memref<!tpu.dma_semaphore, #tpu.memory_space<semaphore_mem>>) src(%dma_wait3A_122 : memref<10000x128xf32, #tpu.memory_space<hbm>>) dst(%arg8 : memref<80x128xf32, #tpu.memory_space<vmem>>)
    %dma_start3A_123 = arith.constant 60 : i32
    %dma_start3A_124 = arith.constant 0 : i32
    %dma_start3A_125 = tpu.memref_slice %arg7[%dma_start3A_123, %dma_start3A_124] : memref<64x80xi32, #tpu.memory_space<vmem>> -> memref<1x80xi32, #tpu.memory_space<vmem>>
    %dma_start3A_126 = tpu.memref_squeeze %dma_start3A_125 : memref<1x80xi32, #tpu.memory_space<vmem>> -> memref<80xi32, #tpu.memory_space<vmem>>
    %dma_start3A_127 = arith.constant 0 : i32
    %dma_start3A_128 = arith.constant 0 : i32
    %dma_start3A_129 = tpu.memref_slice %arg11[%dma_start3A_127, %dma_start3A_128] : memref<10080x128xf32, #tpu.memory_space<vmem_shared>> -> memref<10080x128xf32, #tpu.memory_space<vmem_shared>>
    tpu.enqueue_indirect_dma source(%arg8 : memref<80x128xf32, #tpu.memory_space<vmem>>) target(%dma_start3A_129 : memref<10080x128xf32, #tpu.memory_space<vmem_shared>>) offsets(%dma_start3A_126 : memref<80xi32, #tpu.memory_space<vmem>>) semaphore(%arg15 : memref<!tpu.dma_semaphore, #tpu.memory_space<semaphore_mem>>) {add = true}
    %gt3A_130 = arith.constant 60 : i32
    %gt3A_131 = arith.constant 0 : i32
    %gt3A_132 = arith.cmpi sgt, %gt3A_130, %gt3A_131 : i32
    %convert_element_type3A_133 = arith.extui %gt3A_132 : i1 to i32
    %cond3A_134 = arith.constant 60 : i32
    %cond3A_135 = arith.constant 0 : i32
    %cond3A_136 = arith.cmpi ne, %convert_element_type3A_133, %cond3A_135 : i32
    scf.if %cond3A_136 {
      %dma_wait3A_168 = arith.constant 0 : i32
      %dma_wait3A_169 = tpu.memref_slice %arg7[%cond3A_134, %dma_wait3A_168] : memref<64x80xi32, #tpu.memory_space<vmem>> -> memref<1x80xi32, #tpu.memory_space<vmem>>
      %dma_wait3A_170 = tpu.memref_squeeze %dma_wait3A_169 : memref<1x80xi32, #tpu.memory_space<vmem>> -> memref<80xi32, #tpu.memory_space<vmem>>
      %dma_wait3A_171 = arith.constant 0 : i32
      %dma_wait3A_172 = arith.constant 0 : i32
      %dma_wait3A_173 = tpu.memref_slice %arg11[%dma_wait3A_171, %dma_wait3A_172] : memref<10080x128xf32, #tpu.memory_space<vmem_shared>> -> memref<10080x128xf32, #tpu.memory_space<vmem_shared>>
      tpu.wait_indirect_dma semaphore(%arg17 : memref<!tpu.dma_semaphore, #tpu.memory_space<semaphore_mem>>) src(%arg10 : memref<80x128xf32, #tpu.memory_space<vmem>>) dst(%dma_wait3A_173 : memref<10080x128xf32, #tpu.memory_space<vmem_shared>>)
    } else {
    }
    %add3A_137 = arith.constant 60 : i32
    %add3A_138 = arith.constant 3 : i32
    %add3A_139 = arith.addi %add3A_137, %add3A_138 : i32
    %sub3A_140 = arith.constant 1 : i32
    %sub3A_141 = arith.subi %add3A_139, %sub3A_140 : i32
    %lt3A_142 = arith.constant 61 : i32
    %lt3A_143 = arith.cmpi slt, %sub3A_141, %lt3A_142 : i32
    %convert_element_type3A_144 = arith.extui %lt3A_143 : i1 to i32
    %cond3A_145 = arith.constant 60 : i32
    %cond3A_146 = arith.constant 0 : i32
    %cond3A_147 = arith.cmpi ne, %convert_element_type3A_144, %cond3A_146 : i32
    scf.if %cond3A_147 {
      %add3A_168 = arith.constant 3 : i32
      %add3A_169 = arith.addi %cond3A_145, %add3A_168 : i32
      %sub3A_170 = arith.constant 1 : i32
      %sub3A_171 = arith.subi %add3A_169, %sub3A_170 : i32
      %dma_start3A_172 = arith.constant 0 : i32
      %dma_start3A_173 = tpu.memref_slice %arg6[%sub3A_171, %dma_start3A_172] : memref<64x80xi32, #tpu.memory_space<vmem>> -> memref<1x80xi32, #tpu.memory_space<vmem>>
      %dma_start3A_174 = tpu.memref_squeeze %dma_start3A_173 : memref<1x80xi32, #tpu.memory_space<vmem>> -> memref<80xi32, #tpu.memory_space<vmem>>
      %dma_start3A_175 = arith.constant 0 : i32
      %dma_start3A_176 = arith.constant 0 : i32
      %dma_start3A_177 = tpu.memref_slice %arg2[%dma_start3A_175, %dma_start3A_176] : memref<10000x128xf32, #tpu.memory_space<hbm>> -> memref<10000x128xf32, #tpu.memory_space<hbm>>
      tpu.enqueue_indirect_dma source(%dma_start3A_177 : memref<10000x128xf32, #tpu.memory_space<hbm>>) target(%arg10 : memref<80x128xf32, #tpu.memory_space<vmem>>) offsets(%dma_start3A_174 : memref<80xi32, #tpu.memory_space<vmem>>) semaphore(%arg14 : memref<!tpu.dma_semaphore, #tpu.memory_space<semaphore_mem>>)
    } else {
    }
    %dma_wait3A_148 = arith.constant 0 : i32
    %dma_wait3A_149 = arith.constant 0 : i32
    %dma_wait3A_150 = tpu.memref_slice %arg7[%dma_wait3A_148, %dma_wait3A_149] : memref<64x80xi32, #tpu.memory_space<vmem>> -> memref<1x80xi32, #tpu.memory_space<vmem>>
    %dma_wait3A_151 = tpu.memref_squeeze %dma_wait3A_150 : memref<1x80xi32, #tpu.memory_space<vmem>> -> memref<80xi32, #tpu.memory_space<vmem>>
    %dma_wait3A_152 = arith.constant 0 : i32
    %dma_wait3A_153 = arith.constant 0 : i32
    %dma_wait3A_154 = tpu.memref_slice %arg11[%dma_wait3A_152, %dma_wait3A_153] : memref<10080x128xf32, #tpu.memory_space<vmem_shared>> -> memref<10080x128xf32, #tpu.memory_space<vmem_shared>>
    tpu.wait_indirect_dma semaphore(%arg15 : memref<!tpu.dma_semaphore, #tpu.memory_space<semaphore_mem>>) src(%arg8 : memref<80x128xf32, #tpu.memory_space<vmem>>) dst(%dma_wait3A_154 : memref<10080x128xf32, #tpu.memory_space<vmem_shared>>)
    %barrier3A_155 = arith.constant 0 : index
    tpu.barrier barrier_id(%barrier3A_155)
    %while3A_156 = arith.constant 0 : i32
    %while3A_157 = arith.constant 0 : i32
    %while3A_158 = arith.subi %select_n3A, %while3A_156 : i32
    %while3A_159 = arith.addi %while3A_156, %while3A_158 : i32
    %while3A_160 = arith.constant 1 : i32
    %while3A_161 = arith.divsi %while3A_158, %while3A_160 : i32
    %while3A_162 = arith.muli %while3A_161, %while3A_160 : i32
    %while3A_163 = arith.addi %while3A_156, %while3A_162 : i32
    %while3A_164 = arith.constant 1 : i32
    %while3A_165 = scf.for %while3A_168 = %while3A_156 to %while3A_163 step %while3A_164 iter_args(%while3A_169 = %while3A_157) -> (i32)  : i32 {
      %mul3A_170 = arith.constant 16 : i32
      %mul3A_171 = arith.muli %while3A_168, %mul3A_170 : i32
      %add3A_172 = arith.addi %arg1, %mul3A_171 : i32
      %mul3A_173 = arith.constant 80 : i32
      %mul3A_174 = arith.muli %add3A_172, %mul3A_173 : i32
      "tpu.region"() ({
        %run_scoped3A = tpu.sem_alloc : memref<!tpu.dma_semaphore, #tpu.memory_space<semaphore_mem>>
        %dma_start3A_176 = arith.constant 0 : i32
        %dma_start3A_177 = tpu.memref_slice %arg5[%arg0, %mul3A_174, %dma_start3A_176] : memref<2x10080x128xf32, #tpu.memory_space<hbm>> -> memref<1x80x128xf32, #tpu.memory_space<hbm>>
        %dma_start3A_178 = tpu.memref_squeeze %dma_start3A_177 : memref<1x80x128xf32, #tpu.memory_space<hbm>> -> memref<80x128xf32, #tpu.memory_space<hbm>>
        %dma_start3A_179 = arith.constant 0 : i32
        %dma_start3A_180 = tpu.memref_slice %arg11[%mul3A_174, %dma_start3A_179] : memref<10080x128xf32, #tpu.memory_space<vmem_shared>> -> memref<80x128xf32, #tpu.memory_space<vmem_shared>>
        tpu.enqueue_dma source(%dma_start3A_180 : memref<80x128xf32, #tpu.memory_space<vmem_shared>>) target(%dma_start3A_178 : memref<80x128xf32, #tpu.memory_space<hbm>>) target_semaphore(%run_scoped3A : memref<!tpu.dma_semaphore, #tpu.memory_space<semaphore_mem>>)
        %dma_wait3A_181 = arith.constant 0 : i32
        %dma_wait3A_182 = tpu.memref_slice %arg5[%arg0, %mul3A_174, %dma_wait3A_181] : memref<2x10080x128xf32, #tpu.memory_space<hbm>> -> memref<1x80x128xf32, #tpu.memory_space<hbm>>
        %dma_wait3A_183 = tpu.memref_squeeze %dma_wait3A_182 : memref<1x80x128xf32, #tpu.memory_space<hbm>> -> memref<80x128xf32, #tpu.memory_space<hbm>>
        %dma_wait3A_184 = arith.constant 0 : i32
        %dma_wait3A_185 = tpu.memref_slice %arg11[%mul3A_174, %dma_wait3A_184] : memref<10080x128xf32, #tpu.memory_space<vmem_shared>> -> memref<80x128xf32, #tpu.memory_space<vmem_shared>>
        tpu.wait_dma2 semaphore(%run_scoped3A : memref<!tpu.dma_semaphore, #tpu.memory_space<semaphore_mem>>) src(%dma_wait3A_185 : memref<80x128xf32, #tpu.memory_space<vmem_shared>>) dst(%dma_wait3A_183 : memref<80x128xf32, #tpu.memory_space<hbm>>)
        tpu.yield
      }) : () -> ()
      %while3A_175 = arith.constant 0 : i32
      scf.yield %while3A_175 : i32
    }
    %while3A_166 = arith.constant 1 : i32
    %while3A_167 = scf.for %while3A_168 = %while3A_163 to %while3A_159 step %while3A_166 iter_args(%while3A_169 = %while3A_165) -> (i32)  : i32 {
      %mul3A_170 = arith.constant 16 : i32
      %mul3A_171 = arith.muli %while3A_168, %mul3A_170 : i32
      %add3A_172 = arith.addi %arg1, %mul3A_171 : i32
      %mul3A_173 = arith.constant 80 : i32
      %mul3A_174 = arith.muli %add3A_172, %mul3A_173 : i32
      "tpu.region"() ({
        %run_scoped3A = tpu.sem_alloc : memref<!tpu.dma_semaphore, #tpu.memory_space<semaphore_mem>>
        %dma_start3A_176 = arith.constant 0 : i32
        %dma_start3A_177 = tpu.memref_slice %arg5[%arg0, %mul3A_174, %dma_start3A_176] : memref<2x10080x128xf32, #tpu.memory_space<hbm>> -> memref<1x80x128xf32, #tpu.memory_space<hbm>>
        %dma_start3A_178 = tpu.memref_squeeze %dma_start3A_177 : memref<1x80x128xf32, #tpu.memory_space<hbm>> -> memref<80x128xf32, #tpu.memory_space<hbm>>
        %dma_start3A_179 = arith.constant 0 : i32
        %dma_start3A_180 = tpu.memref_slice %arg11[%mul3A_174, %dma_start3A_179] : memref<10080x128xf32, #tpu.memory_space<vmem_shared>> -> memref<80x128xf32, #tpu.memory_space<vmem_shared>>
        tpu.enqueue_dma source(%dma_start3A_180 : memref<80x128xf32, #tpu.memory_space<vmem_shared>>) target(%dma_start3A_178 : memref<80x128xf32, #tpu.memory_space<hbm>>) target_semaphore(%run_scoped3A : memref<!tpu.dma_semaphore, #tpu.memory_space<semaphore_mem>>)
        %dma_wait3A_181 = arith.constant 0 : i32
        %dma_wait3A_182 = tpu.memref_slice %arg5[%arg0, %mul3A_174, %dma_wait3A_181] : memref<2x10080x128xf32, #tpu.memory_space<hbm>> -> memref<1x80x128xf32, #tpu.memory_space<hbm>>
        %dma_wait3A_183 = tpu.memref_squeeze %dma_wait3A_182 : memref<1x80x128xf32, #tpu.memory_space<hbm>> -> memref<80x128xf32, #tpu.memory_space<hbm>>
        %dma_wait3A_184 = arith.constant 0 : i32
        %dma_wait3A_185 = tpu.memref_slice %arg11[%mul3A_174, %dma_wait3A_184] : memref<10080x128xf32, #tpu.memory_space<vmem_shared>> -> memref<80x128xf32, #tpu.memory_space<vmem_shared>>
        tpu.wait_dma2 semaphore(%run_scoped3A : memref<!tpu.dma_semaphore, #tpu.memory_space<semaphore_mem>>) src(%dma_wait3A_185 : memref<80x128xf32, #tpu.memory_space<vmem_shared>>) dst(%dma_wait3A_183 : memref<80x128xf32, #tpu.memory_space<hbm>>)
        tpu.yield
      }) : () -> ()
      %while3A_175 = arith.constant 0 : i32
      scf.yield %while3A_175 : i32
    }
    return
  }
}

#map = affine_map<(d0, d1) -> (0, 0)>
#map1 = affine_map<(d0, d1) -> (0, 0, 0)>
module attributes {stable_mosaic.version = 14 : i64} {
  func.func @scat(%arg0: i32, %arg1: i32, %arg2: memref<10000x128xf32, #tpu.memory_space<hbm>>, %arg3: memref<32x125x80xi32, #tpu.memory_space<hbm>>, %arg4: memref<32x125x80xi32, #tpu.memory_space<hbm>>, %arg5: memref<2x10080x128xf32, #tpu.memory_space<hbm>>, %arg6: memref<64x80xi32, #tpu.memory_space<vmem>>, %arg7: memref<64x80xi32, #tpu.memory_space<vmem>>, %arg8: memref<80x128xf32, #tpu.memory_space<vmem>>, %arg9: memref<80x128xf32, #tpu.memory_space<vmem>>, %arg10: memref<80x128xf32, #tpu.memory_space<vmem>>, %arg11: memref<10080x128xf32, #tpu.memory_space<vmem_shared>>, %arg12: memref<!tpu.dma_semaphore, #tpu.memory_space<semaphore_mem>>, %arg13: memref<!tpu.dma_semaphore, #tpu.memory_space<semaphore_mem>>, %arg14: memref<!tpu.dma_semaphore, #tpu.memory_space<semaphore_mem>>, %arg15: memref<!tpu.dma_semaphore, #tpu.memory_space<semaphore_mem>>, %arg16: memref<!tpu.dma_semaphore, #tpu.memory_space<semaphore_mem>>, %arg17: memref<!tpu.dma_semaphore, #tpu.memory_space<semaphore_mem>>) attributes {dimension_semantics = [#tpu.dimension_semantics<core_parallel>, #tpu.dimension_semantics<subcore_parallel>], iteration_bounds = array<i64: 2, 16>, scalar_prefetch = 0 : i64, scratch_operands = 12 : i64, tpu.core_type = #tpu.core_type<sc_vector_subcore>, window_params = [{transform_indices = #map}, {transform_indices = #map1}, {transform_indices = #map1}, {transform_indices = #map1}]} {
    %mul3A = arith.constant 16 : i32
    %mul3A_0 = arith.muli %arg0, %mul3A : i32
    %add3A = arith.addi %mul3A_0, %arg1 : i32
    %broadcast_in_dim3A = arith.constant 0.000000e+00 : f32
    %broadcast_in_dim3A_1 = vector.broadcast %broadcast_in_dim3A : f32 to vector<16xf32>
    %scan3A = arith.constant 0 : i32
    %scan3A_2 = arith.constant 0 : i32
    %scan3A_3 = arith.constant 80 : i32
    %scan3A_4 = arith.addi %scan3A_2, %scan3A_3 : i32
    %scan3A_5 = arith.constant 1 : i32
    %scan3A_6 = scf.for %scan3A_168 = %scan3A_2 to %scan3A_4 step %scan3A_5 iter_args(%scan3A_169 = %scan3A) -> (i32)  : i32 {
      %swap3A = arith.index_cast %scan3A_168 : i32 to index
      %swap3A_170 = arith.constant 0 : index
      %swap3A_171 = tpu.vector_load %arg8[%swap3A, %swap3A_170] {strides = array<i32>} : memref<80x128xf32, #tpu.memory_space<vmem>>, vector<16xf32>,
      tpu.vector_store %arg8[%swap3A, %swap3A_170], %broadcast_in_dim3A_1 {strides = array<i32>} : memref<80x128xf32, #tpu.memory_space<vmem>>, vector<16xf32>,
      %swap3A_172 = arith.index_cast %scan3A_168 : i32 to index
      %swap3A_173 = arith.constant 16 : index
      %swap3A_174 = tpu.vector_load %arg8[%swap3A_172, %swap3A_173] {strides = array<i32>} : memref<80x128xf32, #tpu.memory_space<vmem>>, vector<16xf32>,
      tpu.vector_store %arg8[%swap3A_172, %swap3A_173], %broadcast_in_dim3A_1 {strides = array<i32>} : memref<80x128xf32, #tpu.memory_space<vmem>>, vector<16xf32>,
      %swap3A_175 = arith.index_cast %scan3A_168 : i32 to index
      %swap3A_176 = arith.constant 32 : index
      %swap3A_177 = tpu.vector_load %arg8[%swap3A_175, %swap3A_176] {strides = array<i32>} : memref<80x128xf32, #tpu.memory_space<vmem>>, vector<16xf32>,
      tpu.vector_store %arg8[%swap3A_175, %swap3A_176], %broadcast_in_dim3A_1 {strides = array<i32>} : memref<80x128xf32, #tpu.memory_space<vmem>>, vector<16xf32>,
      %swap3A_178 = arith.index_cast %scan3A_168 : i32 to index
      %swap3A_179 = arith.constant 48 : index
      %swap3A_180 = tpu.vector_load %arg8[%swap3A_178, %swap3A_179] {strides = array<i32>} : memref<80x128xf32, #tpu.memory_space<vmem>>, vector<16xf32>,
      tpu.vector_store %arg8[%swap3A_178, %swap3A_179], %broadcast_in_dim3A_1 {strides = array<i32>} : memref<80x128xf32, #tpu.memory_space<vmem>>, vector<16xf32>,
      %swap3A_181 = arith.index_cast %scan3A_168 : i32 to index
      %swap3A_182 = arith.constant 64 : index
      %swap3A_183 = tpu.vector_load %arg8[%swap3A_181, %swap3A_182] {strides = array<i32>} : memref<80x128xf32, #tpu.memory_space<vmem>>, vector<16xf32>,
      tpu.vector_store %arg8[%swap3A_181, %swap3A_182], %broadcast_in_dim3A_1 {strides = array<i32>} : memref<80x128xf32, #tpu.memory_space<vmem>>, vector<16xf32>,
      %swap3A_184 = arith.index_cast %scan3A_168 : i32 to index
      %swap3A_185 = arith.constant 80 : index
      %swap3A_186 = tpu.vector_load %arg8[%swap3A_184, %swap3A_185] {strides = array<i32>} : memref<80x128xf32, #tpu.memory_space<vmem>>, vector<16xf32>,
      tpu.vector_store %arg8[%swap3A_184, %swap3A_185], %broadcast_in_dim3A_1 {strides = array<i32>} : memref<80x128xf32, #tpu.memory_space<vmem>>, vector<16xf32>,
      %swap3A_187 = arith.index_cast %scan3A_168 : i32 to index
      %swap3A_188 = arith.constant 96 : index
      %swap3A_189 = tpu.vector_load %arg8[%swap3A_187, %swap3A_188] {strides = array<i32>} : memref<80x128xf32, #tpu.memory_space<vmem>>, vector<16xf32>,
      tpu.vector_store %arg8[%swap3A_187, %swap3A_188], %broadcast_in_dim3A_1 {strides = array<i32>} : memref<80x128xf32, #tpu.memory_space<vmem>>, vector<16xf32>,
      %swap3A_190 = arith.index_cast %scan3A_168 : i32 to index
      %swap3A_191 = arith.constant 112 : index
      %swap3A_192 = tpu.vector_load %arg8[%swap3A_190, %swap3A_191] {strides = array<i32>} : memref<80x128xf32, #tpu.memory_space<vmem>>, vector<16xf32>,
      tpu.vector_store %arg8[%swap3A_190, %swap3A_191], %broadcast_in_dim3A_1 {strides = array<i32>} : memref<80x128xf32, #tpu.memory_space<vmem>>, vector<16xf32>,
      %scan3A_193 = arith.constant 0 : i32
      scf.yield %scan3A_193 : i32
    }
    %scan3A_7 = arith.constant 80 : i32
    %sub3A = arith.constant 126 : i32
    %sub3A_8 = arith.subi %sub3A, %arg1 : i32
    %add3A_9 = arith.constant 16 : i32
    %add3A_10 = arith.addi %sub3A_8, %add3A_9 : i32
    %sub3A_11 = arith.constant 1 : i32
    %sub3A_12 = arith.subi %add3A_10, %sub3A_11 : i32
    %jit3A = arith.constant 16 : i32
    %div3A = arith.divsi %sub3A_12, %jit3A : i32
    %sign3A = arith.constant 0 : i32
    %sign3A_13 = arith.cmpi sgt, %sub3A_12, %sign3A : i32
    %sign3A_14 = arith.extui %sign3A_13 : i1 to i32
    %sign3A_15 = arith.constant 0 : i32
    %sign3A_16 = arith.cmpi slt, %sub3A_12, %sign3A_15 : i32
    %sign3A_17 = arith.extui %sign3A_16 : i1 to i32
    %sign3A_18 = arith.subi %sign3A_14, %sign3A_17 : i32
    %sign3A_19 = arith.constant 0 : i32
    %sign3A_20 = arith.cmpi sgt, %jit3A, %sign3A_19 : i32
    %sign3A_21 = arith.extui %sign3A_20 : i1 to i32
    %sign3A_22 = arith.constant 0 : i32
    %sign3A_23 = arith.cmpi slt, %jit3A, %sign3A_22 : i32
    %sign3A_24 = arith.extui %sign3A_23 : i1 to i32
    %sign3A_25 = arith.subi %sign3A_21, %sign3A_24 : i32
    %ne3A = arith.cmpi ne, %sign3A_18, %sign3A_25 : i32
    %rem3A = arith.remsi %sub3A_12, %jit3A : i32
    %ne3A_26 = arith.constant 0 : i32
    %ne3A_27 = arith.cmpi ne, %rem3A, %ne3A_26 : i32
    %and3A = arith.andi %ne3A, %ne3A_27 : i1
    %sub3A_28 = arith.constant 1 : i32
    %sub3A_29 = arith.subi %div3A, %sub3A_28 : i32
    %select_n3A = arith.select %and3A, %sub3A_29, %div3A : i32
    %while3A = arith.constant 0 : i32
    %while3A_30 = arith.constant 0 : i32
    %while3A_31 = arith.subi %select_n3A, %while3A : i32
    %while3A_32 = arith.addi %while3A, %while3A_31 : i32
    %while3A_33 = arith.constant 1 : i32
    %while3A_34 = arith.divsi %while3A_31, %while3A_33 : i32
    %while3A_35 = arith.muli %while3A_34, %while3A_33 : i32
    %while3A_36 = arith.addi %while3A, %while3A_35 : i32
    %while3A_37 = arith.constant 1 : i32
    %while3A_38 = scf.for %while3A_168 = %while3A to %while3A_36 step %while3A_37 iter_args(%while3A_169 = %while3A_30) -> (i32)  : i32 {
      %mul3A_170 = arith.constant 16 : i32
      %mul3A_171 = arith.muli %while3A_168, %mul3A_170 : i32
      %add3A_172 = arith.addi %arg1, %mul3A_171 : i32
      %mul3A_173 = arith.constant 80 : i32
      %mul3A_174 = arith.muli %add3A_172, %mul3A_173 : i32
      "tpu.region"() ({
        %run_scoped3A = tpu.sem_alloc : memref<!tpu.dma_semaphore, #tpu.memory_space<semaphore_mem>>
        %dma_start3A_176 = arith.constant 0 : i32
        %dma_start3A_177 = tpu.memref_slice %arg11[%mul3A_174, %dma_start3A_176] : memref<10080x128xf32, #tpu.memory_space<vmem_shared>> -> memref<80x128xf32, #tpu.memory_space<vmem_shared>>
        %dma_start3A_178 = arith.constant 0 : i32
        %dma_start3A_179 = tpu.memref_slice %arg11[%mul3A_174, %dma_start3A_178] : memref<10080x128xf32, #tpu.memory_space<vmem_shared>> -> memref<80x128xf32, #tpu.memory_space<vmem_shared>>
        tpu.enqueue_dma source(%arg8 : memref<80x128xf32, #tpu.memory_space<vmem>>) target(%dma_start3A_179 : memref<80x128xf32, #tpu.memory_space<vmem_shared>>) target_semaphore(%run_scoped3A : memref<!tpu.dma_semaphore, #tpu.memory_space<semaphore_mem>>)
        %dma_wait3A_180 = arith.constant 0 : i32
        %dma_wait3A_181 = tpu.memref_slice %arg11[%mul3A_174, %dma_wait3A_180] : memref<10080x128xf32, #tpu.memory_space<vmem_shared>> -> memref<80x128xf32, #tpu.memory_space<vmem_shared>>
        %dma_wait3A_182 = arith.constant 0 : i32
        %dma_wait3A_183 = tpu.memref_slice %arg11[%mul3A_174, %dma_wait3A_182] : memref<10080x128xf32, #tpu.memory_space<vmem_shared>> -> memref<80x128xf32, #tpu.memory_space<vmem_shared>>
        tpu.wait_dma2 semaphore(%run_scoped3A : memref<!tpu.dma_semaphore, #tpu.memory_space<semaphore_mem>>) src(%arg8 : memref<80x128xf32, #tpu.memory_space<vmem>>) dst(%dma_wait3A_183 : memref<80x128xf32, #tpu.memory_space<vmem_shared>>)
        tpu.yield
      }) : () -> ()
      %while3A_175 = arith.constant 0 : i32
      scf.yield %while3A_175 : i32
    }
    %while3A_39 = arith.constant 1 : i32
    %while3A_40 = scf.for %while3A_168 = %while3A_36 to %while3A_32 step %while3A_39 iter_args(%while3A_169 = %while3A_38) -> (i32)  : i32 {
      %mul3A_170 = arith.constant 16 : i32
      %mul3A_171 = arith.muli %while3A_168, %mul3A_170 : i32
      %add3A_172 = arith.addi %arg1, %mul3A_171 : i32
      %mul3A_173 = arith.constant 80 : i32
      %mul3A_174 = arith.muli %add3A_172, %mul3A_173 : i32
      "tpu.region"() ({
        %run_scoped3A = tpu.sem_alloc : memref<!tpu.dma_semaphore, #tpu.memory_space<semaphore_mem>>
        %dma_start3A_176 = arith.constant 0 : i32
        %dma_start3A_177 = tpu.memref_slice %arg11[%mul3A_174, %dma_start3A_176] : memref<10080x128xf32, #tpu.memory_space<vmem_shared>> -> memref<80x128xf32, #tpu.memory_space<vmem_shared>>
        %dma_start3A_178 = arith.constant 0 : i32
        %dma_start3A_179 = tpu.memref_slice %arg11[%mul3A_174, %dma_start3A_178] : memref<10080x128xf32, #tpu.memory_space<vmem_shared>> -> memref<80x128xf32, #tpu.memory_space<vmem_shared>>
        tpu.enqueue_dma source(%arg8 : memref<80x128xf32, #tpu.memory_space<vmem>>) target(%dma_start3A_179 : memref<80x128xf32, #tpu.memory_space<vmem_shared>>) target_semaphore(%run_scoped3A : memref<!tpu.dma_semaphore, #tpu.memory_space<semaphore_mem>>)
        %dma_wait3A_180 = arith.constant 0 : i32
        %dma_wait3A_181 = tpu.memref_slice %arg11[%mul3A_174, %dma_wait3A_180] : memref<10080x128xf32, #tpu.memory_space<vmem_shared>> -> memref<80x128xf32, #tpu.memory_space<vmem_shared>>
        %dma_wait3A_182 = arith.constant 0 : i32
        %dma_wait3A_183 = tpu.memref_slice %arg11[%mul3A_174, %dma_wait3A_182] : memref<10080x128xf32, #tpu.memory_space<vmem_shared>> -> memref<80x128xf32, #tpu.memory_space<vmem_shared>>
        tpu.wait_dma2 semaphore(%run_scoped3A : memref<!tpu.dma_semaphore, #tpu.memory_space<semaphore_mem>>) src(%arg8 : memref<80x128xf32, #tpu.memory_space<vmem>>) dst(%dma_wait3A_183 : memref<80x128xf32, #tpu.memory_space<vmem_shared>>)
        tpu.yield
      }) : () -> ()
      %while3A_175 = arith.constant 0 : i32
      scf.yield %while3A_175 : i32
    }
    %barrier3A = arith.constant 0 : index
    tpu.barrier barrier_id(%barrier3A)
    "tpu.region"() ({
      %run_scoped3A = tpu.sem_alloc : memref<!tpu.dma_semaphore, #tpu.memory_space<semaphore_mem>>
      %dma_start3A_168 = arith.constant 0 : i32
      %dma_start3A_169 = arith.constant 0 : i32
      %dma_start3A_170 = tpu.memref_slice %arg3[%add3A, %dma_start3A_168, %dma_start3A_169] : memref<32x125x80xi32, #tpu.memory_space<hbm>> -> memref<1x64x80xi32, #tpu.memory_space<hbm>>
      %dma_start3A_171 = tpu.memref_squeeze %dma_start3A_170 : memref<1x64x80xi32, #tpu.memory_space<hbm>> -> memref<64x80xi32, #tpu.memory_space<hbm>>
      %dma_start3A_172 = arith.constant 0 : i32
      %dma_start3A_173 = arith.constant 0 : i32
      %dma_start3A_174 = tpu.memref_slice %arg3[%add3A, %dma_start3A_172, %dma_start3A_173] : memref<32x125x80xi32, #tpu.memory_space<hbm>> -> memref<1x64x80xi32, #tpu.memory_space<hbm>>
      %dma_start3A_175 = tpu.memref_squeeze %dma_start3A_174 : memref<1x64x80xi32, #tpu.memory_space<hbm>> -> memref<64x80xi32, #tpu.memory_space<hbm>>
      tpu.enqueue_dma source(%dma_start3A_175 : memref<64x80xi32, #tpu.memory_space<hbm>>) target(%arg6 : memref<64x80xi32, #tpu.memory_space<vmem>>) target_semaphore(%run_scoped3A : memref<!tpu.dma_semaphore, #tpu.memory_space<semaphore_mem>>)
      %dma_wait3A_176 = arith.constant 0 : i32
      %dma_wait3A_177 = arith.constant 0 : i32
      %dma_wait3A_178 = tpu.memref_slice %arg3[%add3A, %dma_wait3A_176, %dma_wait3A_177] : memref<32x125x80xi32, #tpu.memory_space<hbm>> -> memref<1x64x80xi32, #tpu.memory_space<hbm>>
      %dma_wait3A_179 = tpu.memref_squeeze %dma_wait3A_178 : memref<1x64x80xi32, #tpu.memory_space<hbm>> -> memref<64x80xi32, #tpu.memory_space<hbm>>
      %dma_wait3A_180 = arith.constant 0 : i32
      %dma_wait3A_181 = arith.constant 0 : i32
      %dma_wait3A_182 = tpu.memref_slice %arg3[%add3A, %dma_wait3A_180, %dma_wait3A_181] : memref<32x125x80xi32, #tpu.memory_space<hbm>> -> memref<1x64x80xi32, #tpu.memory_space<hbm>>
      %dma_wait3A_183 = tpu.memref_squeeze %dma_wait3A_182 : memref<1x64x80xi32, #tpu.memory_space<hbm>> -> memref<64x80xi32, #tpu.memory_space<hbm>>
      tpu.wait_dma2 semaphore(%run_scoped3A : memref<!tpu.dma_semaphore, #tpu.memory_space<semaphore_mem>>) src(%dma_wait3A_183 : memref<64x80xi32, #tpu.memory_space<hbm>>) dst(%arg6 : memref<64x80xi32, #tpu.memory_space<vmem>>)
      tpu.yield
    }) : () -> ()
    "tpu.region"() ({
      %run_scoped3A = tpu.sem_alloc : memref<!tpu.dma_semaphore, #tpu.memory_space<semaphore_mem>>
      %dma_start3A_168 = arith.constant 0 : i32
      %dma_start3A_169 = arith.constant 0 : i32
      %dma_start3A_170 = tpu.memref_slice %arg4[%add3A, %dma_start3A_168, %dma_start3A_169] : memref<32x125x80xi32, #tpu.memory_space<hbm>> -> memref<1x64x80xi32, #tpu.memory_space<hbm>>
      %dma_start3A_171 = tpu.memref_squeeze %dma_start3A_170 : memref<1x64x80xi32, #tpu.memory_space<hbm>> -> memref<64x80xi32, #tpu.memory_space<hbm>>
      %dma_start3A_172 = arith.constant 0 : i32
      %dma_start3A_173 = arith.constant 0 : i32
      %dma_start3A_174 = tpu.memref_slice %arg4[%add3A, %dma_start3A_172, %dma_start3A_173] : memref<32x125x80xi32, #tpu.memory_space<hbm>> -> memref<1x64x80xi32, #tpu.memory_space<hbm>>
      %dma_start3A_175 = tpu.memref_squeeze %dma_start3A_174 : memref<1x64x80xi32, #tpu.memory_space<hbm>> -> memref<64x80xi32, #tpu.memory_space<hbm>>
      tpu.enqueue_dma source(%dma_start3A_175 : memref<64x80xi32, #tpu.memory_space<hbm>>) target(%arg7 : memref<64x80xi32, #tpu.memory_space<vmem>>) target_semaphore(%run_scoped3A : memref<!tpu.dma_semaphore, #tpu.memory_space<semaphore_mem>>)
      %dma_wait3A_176 = arith.constant 0 : i32
      %dma_wait3A_177 = arith.constant 0 : i32
      %dma_wait3A_178 = tpu.memref_slice %arg4[%add3A, %dma_wait3A_176, %dma_wait3A_177] : memref<32x125x80xi32, #tpu.memory_space<hbm>> -> memref<1x64x80xi32, #tpu.memory_space<hbm>>
      %dma_wait3A_179 = tpu.memref_squeeze %dma_wait3A_178 : memref<1x64x80xi32, #tpu.memory_space<hbm>> -> memref<64x80xi32, #tpu.memory_space<hbm>>
      %dma_wait3A_180 = arith.constant 0 : i32
      %dma_wait3A_181 = arith.constant 0 : i32
      %dma_wait3A_182 = tpu.memref_slice %arg4[%add3A, %dma_wait3A_180, %dma_wait3A_181] : memref<32x125x80xi32, #tpu.memory_space<hbm>> -> memref<1x64x80xi32, #tpu.memory_space<hbm>>
      %dma_wait3A_183 = tpu.memref_squeeze %dma_wait3A_182 : memref<1x64x80xi32, #tpu.memory_space<hbm>> -> memref<64x80xi32, #tpu.memory_space<hbm>>
      tpu.wait_dma2 semaphore(%run_scoped3A : memref<!tpu.dma_semaphore, #tpu.memory_space<semaphore_mem>>) src(%dma_wait3A_183 : memref<64x80xi32, #tpu.memory_space<hbm>>) dst(%arg7 : memref<64x80xi32, #tpu.memory_space<vmem>>)
      tpu.yield
    }) : () -> ()
    %dma_start3A = arith.constant 0 : i32
    %dma_start3A_41 = arith.constant 0 : i32
    %dma_start3A_42 = tpu.memref_slice %arg6[%dma_start3A, %dma_start3A_41] : memref<64x80xi32, #tpu.memory_space<vmem>> -> memref<1x80xi32, #tpu.memory_space<vmem>>
    %dma_start3A_43 = tpu.memref_squeeze %dma_start3A_42 : memref<1x80xi32, #tpu.memory_space<vmem>> -> memref<80xi32, #tpu.memory_space<vmem>>
    %dma_start3A_44 = arith.constant 0 : i32
    %dma_start3A_45 = arith.constant 0 : i32
    %dma_start3A_46 = tpu.memref_slice %arg2[%dma_start3A_44, %dma_start3A_45] : memref<10000x128xf32, #tpu.memory_space<hbm>> -> memref<10000x128xf32, #tpu.memory_space<hbm>>
    tpu.enqueue_indirect_dma source(%dma_start3A_46 : memref<10000x128xf32, #tpu.memory_space<hbm>>) target(%arg8 : memref<80x128xf32, #tpu.memory_space<vmem>>) offsets(%dma_start3A_43 : memref<80xi32, #tpu.memory_space<vmem>>) semaphore(%arg12 : memref<!tpu.dma_semaphore, #tpu.memory_space<semaphore_mem>>)
    %dma_start3A_47 = arith.constant 1 : i32
    %dma_start3A_48 = arith.constant 0 : i32
    %dma_start3A_49 = tpu.memref_slice %arg6[%dma_start3A_47, %dma_start3A_48] : memref<64x80xi32, #tpu.memory_space<vmem>> -> memref<1x80xi32, #tpu.memory_space<vmem>>
    %dma_start3A_50 = tpu.memref_squeeze %dma_start3A_49 : memref<1x80xi32, #tpu.memory_space<vmem>> -> memref<80xi32, #tpu.memory_space<vmem>>
    %dma_start3A_51 = arith.constant 0 : i32
    %dma_start3A_52 = arith.constant 0 : i32
    %dma_start3A_53 = tpu.memref_slice %arg2[%dma_start3A_51, %dma_start3A_52] : memref<10000x128xf32, #tpu.memory_space<hbm>> -> memref<10000x128xf32, #tpu.memory_space<hbm>>
    tpu.enqueue_indirect_dma source(%dma_start3A_53 : memref<10000x128xf32, #tpu.memory_space<hbm>>) target(%arg9 : memref<80x128xf32, #tpu.memory_space<vmem>>) offsets(%dma_start3A_50 : memref<80xi32, #tpu.memory_space<vmem>>) semaphore(%arg13 : memref<!tpu.dma_semaphore, #tpu.memory_space<semaphore_mem>>)
    %scan3A_54 = arith.constant 0 : i32
    %scan3A_55 = arith.constant 0 : i32
    %scan3A_56 = arith.constant 21 : i32
    %scan3A_57 = arith.addi %scan3A_55, %scan3A_56 : i32
    %scan3A_58 = arith.constant 1 : i32
    %scan3A_59 = scf.for %scan3A_168 = %scan3A_55 to %scan3A_57 step %scan3A_58 iter_args(%scan3A_169 = %scan3A_54) -> (i32)  : i32 {
      %mul3A_170 = arith.constant 3 : i32
      %mul3A_171 = arith.muli %scan3A_168, %mul3A_170 : i32
      %add3A_172 = arith.constant 0 : i32
      %add3A_173 = arith.addi %mul3A_171, %add3A_172 : i32
      %dma_wait3A_174 = arith.constant 0 : i32
      %dma_wait3A_175 = tpu.memref_slice %arg6[%add3A_173, %dma_wait3A_174] : memref<64x80xi32, #tpu.memory_space<vmem>> -> memref<1x80xi32, #tpu.memory_space<vmem>>
      %dma_wait3A_176 = tpu.memref_squeeze %dma_wait3A_175 : memref<1x80xi32, #tpu.memory_space<vmem>> -> memref<80xi32, #tpu.memory_space<vmem>>
      %dma_wait3A_177 = arith.constant 0 : i32
      %dma_wait3A_178 = arith.constant 0 : i32
      %dma_wait3A_179 = tpu.memref_slice %arg2[%dma_wait3A_177, %dma_wait3A_178] : memref<10000x128xf32, #tpu.memory_space<hbm>> -> memref<10000x128xf32, #tpu.memory_space<hbm>>
      tpu.wait_indirect_dma semaphore(%arg12 : memref<!tpu.dma_semaphore, #tpu.memory_space<semaphore_mem>>) src(%dma_wait3A_179 : memref<10000x128xf32, #tpu.memory_space<hbm>>) dst(%arg8 : memref<80x128xf32, #tpu.memory_space<vmem>>)
      %dma_start3A_180 = arith.constant 0 : i32
      %dma_start3A_181 = tpu.memref_slice %arg7[%add3A_173, %dma_start3A_180] : memref<64x80xi32, #tpu.memory_space<vmem>> -> memref<1x80xi32, #tpu.memory_space<vmem>>
      %dma_start3A_182 = tpu.memref_squeeze %dma_start3A_181 : memref<1x80xi32, #tpu.memory_space<vmem>> -> memref<80xi32, #tpu.memory_space<vmem>>
      %dma_start3A_183 = arith.constant 0 : i32
      %dma_start3A_184 = arith.constant 0 : i32
      %dma_start3A_185 = tpu.memref_slice %arg11[%dma_start3A_183, %dma_start3A_184] : memref<10080x128xf32, #tpu.memory_space<vmem_shared>> -> memref<10080x128xf32, #tpu.memory_space<vmem_shared>>
      tpu.enqueue_indirect_dma source(%arg8 : memref<80x128xf32, #tpu.memory_space<vmem>>) target(%dma_start3A_185 : memref<10080x128xf32, #tpu.memory_space<vmem_shared>>) offsets(%dma_start3A_182 : memref<80xi32, #tpu.memory_space<vmem>>) semaphore(%arg15 : memref<!tpu.dma_semaphore, #tpu.memory_space<semaphore_mem>>) {add = true}
      %gt3A_186 = arith.constant 0 : i32
      %gt3A_187 = arith.cmpi sgt, %add3A_173, %gt3A_186 : i32
      %convert_element_type3A_188 = arith.extui %gt3A_187 : i1 to i32
      %cond3A_189 = arith.constant 0 : i32
      %cond3A_190 = arith.cmpi ne, %convert_element_type3A_188, %cond3A_189 : i32
      scf.if %cond3A_190 {
        %dma_wait3A_261 = arith.constant 0 : i32
        %dma_wait3A_262 = tpu.memref_slice %arg7[%add3A_173, %dma_wait3A_261] : memref<64x80xi32, #tpu.memory_space<vmem>> -> memref<1x80xi32, #tpu.memory_space<vmem>>
        %dma_wait3A_263 = tpu.memref_squeeze %dma_wait3A_262 : memref<1x80xi32, #tpu.memory_space<vmem>> -> memref<80xi32, #tpu.memory_space<vmem>>
        %dma_wait3A_264 = arith.constant 0 : i32
        %dma_wait3A_265 = arith.constant 0 : i32
        %dma_wait3A_266 = tpu.memref_slice %arg11[%dma_wait3A_264, %dma_wait3A_265] : memref<10080x128xf32, #tpu.memory_space<vmem_shared>> -> memref<10080x128xf32, #tpu.memory_space<vmem_shared>>
        tpu.wait_indirect_dma semaphore(%arg17 : memref<!tpu.dma_semaphore, #tpu.memory_space<semaphore_mem>>) src(%arg10 : memref<80x128xf32, #tpu.memory_space<vmem>>) dst(%dma_wait3A_266 : memref<10080x128xf32, #tpu.memory_space<vmem_shared>>)
      } else {
      }
      %add3A_191 = arith.constant 3 : i32
      %add3A_192 = arith.addi %add3A_173, %add3A_191 : i32
      %sub3A_193 = arith.constant 1 : i32
      %sub3A_194 = arith.subi %add3A_192, %sub3A_193 : i32
      %lt3A_195 = arith.constant 64 : i32
      %lt3A_196 = arith.cmpi slt, %sub3A_194, %lt3A_195 : i32
      %convert_element_type3A_197 = arith.extui %lt3A_196 : i1 to i32
      %cond3A_198 = arith.constant 0 : i32
      %cond3A_199 = arith.cmpi ne, %convert_element_type3A_197, %cond3A_198 : i32
      scf.if %cond3A_199 {
        %add3A_261 = arith.constant 3 : i32
        %add3A_262 = arith.addi %add3A_173, %add3A_261 : i32
        %sub3A_263 = arith.constant 1 : i32
        %sub3A_264 = arith.subi %add3A_262, %sub3A_263 : i32
        %dma_start3A_265 = arith.constant 0 : i32
        %dma_start3A_266 = tpu.memref_slice %arg6[%sub3A_264, %dma_start3A_265] : memref<64x80xi32, #tpu.memory_space<vmem>> -> memref<1x80xi32, #tpu.memory_space<vmem>>
        %dma_start3A_267 = tpu.memref_squeeze %dma_start3A_266 : memref<1x80xi32, #tpu.memory_space<vmem>> -> memref<80xi32, #tpu.memory_space<vmem>>
        %dma_start3A_268 = arith.constant 0 : i32
        %dma_start3A_269 = arith.constant 0 : i32
        %dma_start3A_270 = tpu.memref_slice %arg2[%dma_start3A_268, %dma_start3A_269] : memref<10000x128xf32, #tpu.memory_space<hbm>> -> memref<10000x128xf32, #tpu.memory_space<hbm>>
        tpu.enqueue_indirect_dma source(%dma_start3A_270 : memref<10000x128xf32, #tpu.memory_space<hbm>>) target(%arg10 : memref<80x128xf32, #tpu.memory_space<vmem>>) offsets(%dma_start3A_267 : memref<80xi32, #tpu.memory_space<vmem>>) semaphore(%arg14 : memref<!tpu.dma_semaphore, #tpu.memory_space<semaphore_mem>>)
      } else {
      }
      %mul3A_200 = arith.constant 3 : i32
      %mul3A_201 = arith.muli %scan3A_168, %mul3A_200 : i32
      %add3A_202 = arith.constant 1 : i32
      %add3A_203 = arith.addi %mul3A_201, %add3A_202 : i32
      %dma_wait3A_204 = arith.constant 0 : i32
      %dma_wait3A_205 = tpu.memref_slice %arg6[%add3A_203, %dma_wait3A_204] : memref<64x80xi32, #tpu.memory_space<vmem>> -> memref<1x80xi32, #tpu.memory_space<vmem>>
      %dma_wait3A_206 = tpu.memref_squeeze %dma_wait3A_205 : memref<1x80xi32, #tpu.memory_space<vmem>> -> memref<80xi32, #tpu.memory_space<vmem>>
      %dma_wait3A_207 = arith.constant 0 : i32
      %dma_wait3A_208 = arith.constant 0 : i32
      %dma_wait3A_209 = tpu.memref_slice %arg2[%dma_wait3A_207, %dma_wait3A_208] : memref<10000x128xf32, #tpu.memory_space<hbm>> -> memref<10000x128xf32, #tpu.memory_space<hbm>>
      tpu.wait_indirect_dma semaphore(%arg13 : memref<!tpu.dma_semaphore, #tpu.memory_space<semaphore_mem>>) src(%dma_wait3A_209 : memref<10000x128xf32, #tpu.memory_space<hbm>>) dst(%arg9 : memref<80x128xf32, #tpu.memory_space<vmem>>)
      %dma_start3A_210 = arith.constant 0 : i32
      %dma_start3A_211 = tpu.memref_slice %arg7[%add3A_203, %dma_start3A_210] : memref<64x80xi32, #tpu.memory_space<vmem>> -> memref<1x80xi32, #tpu.memory_space<vmem>>
      %dma_start3A_212 = tpu.memref_squeeze %dma_start3A_211 : memref<1x80xi32, #tpu.memory_space<vmem>> -> memref<80xi32, #tpu.memory_space<vmem>>
      %dma_start3A_213 = arith.constant 0 : i32
      %dma_start3A_214 = arith.constant 0 : i32
      %dma_start3A_215 = tpu.memref_slice %arg11[%dma_start3A_213, %dma_start3A_214] : memref<10080x128xf32, #tpu.memory_space<vmem_shared>> -> memref<10080x128xf32, #tpu.memory_space<vmem_shared>>
      tpu.enqueue_indirect_dma source(%arg9 : memref<80x128xf32, #tpu.memory_space<vmem>>) target(%dma_start3A_215 : memref<10080x128xf32, #tpu.memory_space<vmem_shared>>) offsets(%dma_start3A_212 : memref<80xi32, #tpu.memory_space<vmem>>) semaphore(%arg16 : memref<!tpu.dma_semaphore, #tpu.memory_space<semaphore_mem>>) {add = true}
      %gt3A_216 = arith.constant 0 : i32
      %gt3A_217 = arith.cmpi sgt, %add3A_203, %gt3A_216 : i32
      %convert_element_type3A_218 = arith.extui %gt3A_217 : i1 to i32
      %cond3A_219 = arith.constant 0 : i32
      %cond3A_220 = arith.cmpi ne, %convert_element_type3A_218, %cond3A_219 : i32
      scf.if %cond3A_220 {
        %dma_wait3A_261 = arith.constant 0 : i32
        %dma_wait3A_262 = tpu.memref_slice %arg7[%add3A_203, %dma_wait3A_261] : memref<64x80xi32, #tpu.memory_space<vmem>> -> memref<1x80xi32, #tpu.memory_space<vmem>>
        %dma_wait3A_263 = tpu.memref_squeeze %dma_wait3A_262 : memref<1x80xi32, #tpu.memory_space<vmem>> -> memref<80xi32, #tpu.memory_space<vmem>>
        %dma_wait3A_264 = arith.constant 0 : i32
        %dma_wait3A_265 = arith.constant 0 : i32
        %dma_wait3A_266 = tpu.memref_slice %arg11[%dma_wait3A_264, %dma_wait3A_265] : memref<10080x128xf32, #tpu.memory_space<vmem_shared>> -> memref<10080x128xf32, #tpu.memory_space<vmem_shared>>
        tpu.wait_indirect_dma semaphore(%arg15 : memref<!tpu.dma_semaphore, #tpu.memory_space<semaphore_mem>>) src(%arg8 : memref<80x128xf32, #tpu.memory_space<vmem>>) dst(%dma_wait3A_266 : memref<10080x128xf32, #tpu.memory_space<vmem_shared>>)
      } else {
      }
      %add3A_221 = arith.constant 3 : i32
      %add3A_222 = arith.addi %add3A_203, %add3A_221 : i32
      %sub3A_223 = arith.constant 1 : i32
      %sub3A_224 = arith.subi %add3A_222, %sub3A_223 : i32
      %lt3A_225 = arith.constant 64 : i32
      %lt3A_226 = arith.cmpi slt, %sub3A_224, %lt3A_225 : i32
      %convert_element_type3A_227 = arith.extui %lt3A_226 : i1 to i32
      %cond3A_228 = arith.constant 0 : i32
      %cond3A_229 = arith.cmpi ne, %convert_element_type3A_227, %cond3A_228 : i32
      scf.if %cond3A_229 {
        %add3A_261 = arith.constant 3 : i32
        %add3A_262 = arith.addi %add3A_203, %add3A_261 : i32
        %sub3A_263 = arith.constant 1 : i32
        %sub3A_264 = arith.subi %add3A_262, %sub3A_263 : i32
        %dma_start3A_265 = arith.constant 0 : i32
        %dma_start3A_266 = tpu.memref_slice %arg6[%sub3A_264, %dma_start3A_265] : memref<64x80xi32, #tpu.memory_space<vmem>> -> memref<1x80xi32, #tpu.memory_space<vmem>>
        %dma_start3A_267 = tpu.memref_squeeze %dma_start3A_266 : memref<1x80xi32, #tpu.memory_space<vmem>> -> memref<80xi32, #tpu.memory_space<vmem>>
        %dma_start3A_268 = arith.constant 0 : i32
        %dma_start3A_269 = arith.constant 0 : i32
        %dma_start3A_270 = tpu.memref_slice %arg2[%dma_start3A_268, %dma_start3A_269] : memref<10000x128xf32, #tpu.memory_space<hbm>> -> memref<10000x128xf32, #tpu.memory_space<hbm>>
        tpu.enqueue_indirect_dma source(%dma_start3A_270 : memref<10000x128xf32, #tpu.memory_space<hbm>>) target(%arg8 : memref<80x128xf32, #tpu.memory_space<vmem>>) offsets(%dma_start3A_267 : memref<80xi32, #tpu.memory_space<vmem>>) semaphore(%arg12 : memref<!tpu.dma_semaphore, #tpu.memory_space<semaphore_mem>>)
      } else {
      }
      %mul3A_230 = arith.constant 3 : i32
      %mul3A_231 = arith.muli %scan3A_168, %mul3A_230 : i32
      %add3A_232 = arith.constant 2 : i32
      %add3A_233 = arith.addi %mul3A_231, %add3A_232 : i32
      %dma_wait3A_234 = arith.constant 0 : i32
      %dma_wait3A_235 = tpu.memref_slice %arg6[%add3A_233, %dma_wait3A_234] : memref<64x80xi32, #tpu.memory_space<vmem>> -> memref<1x80xi32, #tpu.memory_space<vmem>>
      %dma_wait3A_236 = tpu.memref_squeeze %dma_wait3A_235 : memref<1x80xi32, #tpu.memory_space<vmem>> -> memref<80xi32, #tpu.memory_space<vmem>>
      %dma_wait3A_237 = arith.constant 0 : i32
      %dma_wait3A_238 = arith.constant 0 : i32
      %dma_wait3A_239 = tpu.memref_slice %arg2[%dma_wait3A_237, %dma_wait3A_238] : memref<10000x128xf32, #tpu.memory_space<hbm>> -> memref<10000x128xf32, #tpu.memory_space<hbm>>
      tpu.wait_indirect_dma semaphore(%arg14 : memref<!tpu.dma_semaphore, #tpu.memory_space<semaphore_mem>>) src(%dma_wait3A_239 : memref<10000x128xf32, #tpu.memory_space<hbm>>) dst(%arg10 : memref<80x128xf32, #tpu.memory_space<vmem>>)
      %dma_start3A_240 = arith.constant 0 : i32
      %dma_start3A_241 = tpu.memref_slice %arg7[%add3A_233, %dma_start3A_240] : memref<64x80xi32, #tpu.memory_space<vmem>> -> memref<1x80xi32, #tpu.memory_space<vmem>>
      %dma_start3A_242 = tpu.memref_squeeze %dma_start3A_241 : memref<1x80xi32, #tpu.memory_space<vmem>> -> memref<80xi32, #tpu.memory_space<vmem>>
      %dma_start3A_243 = arith.constant 0 : i32
      %dma_start3A_244 = arith.constant 0 : i32
      %dma_start3A_245 = tpu.memref_slice %arg11[%dma_start3A_243, %dma_start3A_244] : memref<10080x128xf32, #tpu.memory_space<vmem_shared>> -> memref<10080x128xf32, #tpu.memory_space<vmem_shared>>
      tpu.enqueue_indirect_dma source(%arg10 : memref<80x128xf32, #tpu.memory_space<vmem>>) target(%dma_start3A_245 : memref<10080x128xf32, #tpu.memory_space<vmem_shared>>) offsets(%dma_start3A_242 : memref<80xi32, #tpu.memory_space<vmem>>) semaphore(%arg17 : memref<!tpu.dma_semaphore, #tpu.memory_space<semaphore_mem>>) {add = true}
      %gt3A_246 = arith.constant 0 : i32
      %gt3A_247 = arith.cmpi sgt, %add3A_233, %gt3A_246 : i32
      %convert_element_type3A_248 = arith.extui %gt3A_247 : i1 to i32
      %cond3A_249 = arith.constant 0 : i32
      %cond3A_250 = arith.cmpi ne, %convert_element_type3A_248, %cond3A_249 : i32
      scf.if %cond3A_250 {
        %dma_wait3A_261 = arith.constant 0 : i32
        %dma_wait3A_262 = tpu.memref_slice %arg7[%add3A_233, %dma_wait3A_261] : memref<64x80xi32, #tpu.memory_space<vmem>> -> memref<1x80xi32, #tpu.memory_space<vmem>>
        %dma_wait3A_263 = tpu.memref_squeeze %dma_wait3A_262 : memref<1x80xi32, #tpu.memory_space<vmem>> -> memref<80xi32, #tpu.memory_space<vmem>>
        %dma_wait3A_264 = arith.constant 0 : i32
        %dma_wait3A_265 = arith.constant 0 : i32
        %dma_wait3A_266 = tpu.memref_slice %arg11[%dma_wait3A_264, %dma_wait3A_265] : memref<10080x128xf32, #tpu.memory_space<vmem_shared>> -> memref<10080x128xf32, #tpu.memory_space<vmem_shared>>
        tpu.wait_indirect_dma semaphore(%arg16 : memref<!tpu.dma_semaphore, #tpu.memory_space<semaphore_mem>>) src(%arg9 : memref<80x128xf32, #tpu.memory_space<vmem>>) dst(%dma_wait3A_266 : memref<10080x128xf32, #tpu.memory_space<vmem_shared>>)
      } else {
      }
      %add3A_251 = arith.constant 3 : i32
      %add3A_252 = arith.addi %add3A_233, %add3A_251 : i32
      %sub3A_253 = arith.constant 1 : i32
      %sub3A_254 = arith.subi %add3A_252, %sub3A_253 : i32
      %lt3A_255 = arith.constant 64 : i32
      %lt3A_256 = arith.cmpi slt, %sub3A_254, %lt3A_255 : i32
      %convert_element_type3A_257 = arith.extui %lt3A_256 : i1 to i32
      %cond3A_258 = arith.constant 0 : i32
      %cond3A_259 = arith.cmpi ne, %convert_element_type3A_257, %cond3A_258 : i32
      scf.if %cond3A_259 {
        %add3A_261 = arith.constant 3 : i32
        %add3A_262 = arith.addi %add3A_233, %add3A_261 : i32
        %sub3A_263 = arith.constant 1 : i32
        %sub3A_264 = arith.subi %add3A_262, %sub3A_263 : i32
        %dma_start3A_265 = arith.constant 0 : i32
        %dma_start3A_266 = tpu.memref_slice %arg6[%sub3A_264, %dma_start3A_265] : memref<64x80xi32, #tpu.memory_space<vmem>> -> memref<1x80xi32, #tpu.memory_space<vmem>>
        %dma_start3A_267 = tpu.memref_squeeze %dma_start3A_266 : memref<1x80xi32, #tpu.memory_space<vmem>> -> memref<80xi32, #tpu.memory_space<vmem>>
        %dma_start3A_268 = arith.constant 0 : i32
        %dma_start3A_269 = arith.constant 0 : i32
        %dma_start3A_270 = tpu.memref_slice %arg2[%dma_start3A_268, %dma_start3A_269] : memref<10000x128xf32, #tpu.memory_space<hbm>> -> memref<10000x128xf32, #tpu.memory_space<hbm>>
        tpu.enqueue_indirect_dma source(%dma_start3A_270 : memref<10000x128xf32, #tpu.memory_space<hbm>>) target(%arg9 : memref<80x128xf32, #tpu.memory_space<vmem>>) offsets(%dma_start3A_267 : memref<80xi32, #tpu.memory_space<vmem>>) semaphore(%arg13 : memref<!tpu.dma_semaphore, #tpu.memory_space<semaphore_mem>>)
      } else {
      }
      %scan3A_260 = arith.constant 0 : i32
      scf.yield %scan3A_260 : i32
    }
    %scan3A_60 = arith.constant 21 : i32
    %dma_wait3A = arith.constant 63 : i32
    %dma_wait3A_61 = arith.constant 0 : i32
    %dma_wait3A_62 = tpu.memref_slice %arg6[%dma_wait3A, %dma_wait3A_61] : memref<64x80xi32, #tpu.memory_space<vmem>> -> memref<1x80xi32, #tpu.memory_space<vmem>>
    %dma_wait3A_63 = tpu.memref_squeeze %dma_wait3A_62 : memref<1x80xi32, #tpu.memory_space<vmem>> -> memref<80xi32, #tpu.memory_space<vmem>>
    %dma_wait3A_64 = arith.constant 0 : i32
    %dma_wait3A_65 = arith.constant 0 : i32
    %dma_wait3A_66 = tpu.memref_slice %arg2[%dma_wait3A_64, %dma_wait3A_65] : memref<10000x128xf32, #tpu.memory_space<hbm>> -> memref<10000x128xf32, #tpu.memory_space<hbm>>
    tpu.wait_indirect_dma semaphore(%arg12 : memref<!tpu.dma_semaphore, #tpu.memory_space<semaphore_mem>>) src(%dma_wait3A_66 : memref<10000x128xf32, #tpu.memory_space<hbm>>) dst(%arg8 : memref<80x128xf32, #tpu.memory_space<vmem>>)
    %dma_start3A_67 = arith.constant 63 : i32
    %dma_start3A_68 = arith.constant 0 : i32
    %dma_start3A_69 = tpu.memref_slice %arg7[%dma_start3A_67, %dma_start3A_68] : memref<64x80xi32, #tpu.memory_space<vmem>> -> memref<1x80xi32, #tpu.memory_space<vmem>>
    %dma_start3A_70 = tpu.memref_squeeze %dma_start3A_69 : memref<1x80xi32, #tpu.memory_space<vmem>> -> memref<80xi32, #tpu.memory_space<vmem>>
    %dma_start3A_71 = arith.constant 0 : i32
    %dma_start3A_72 = arith.constant 0 : i32
    %dma_start3A_73 = tpu.memref_slice %arg11[%dma_start3A_71, %dma_start3A_72] : memref<10080x128xf32, #tpu.memory_space<vmem_shared>> -> memref<10080x128xf32, #tpu.memory_space<vmem_shared>>
    tpu.enqueue_indirect_dma source(%arg8 : memref<80x128xf32, #tpu.memory_space<vmem>>) target(%dma_start3A_73 : memref<10080x128xf32, #tpu.memory_space<vmem_shared>>) offsets(%dma_start3A_70 : memref<80xi32, #tpu.memory_space<vmem>>) semaphore(%arg15 : memref<!tpu.dma_semaphore, #tpu.memory_space<semaphore_mem>>) {add = true}
    %gt3A = arith.constant 63 : i32
    %gt3A_74 = arith.constant 0 : i32
    %gt3A_75 = arith.cmpi sgt, %gt3A, %gt3A_74 : i32
    %convert_element_type3A = arith.extui %gt3A_75 : i1 to i32
    %cond3A = arith.constant 63 : i32
    %cond3A_76 = arith.constant 0 : i32
    %cond3A_77 = arith.cmpi ne, %convert_element_type3A, %cond3A_76 : i32
    scf.if %cond3A_77 {
      %dma_wait3A_168 = arith.constant 0 : i32
      %dma_wait3A_169 = tpu.memref_slice %arg7[%cond3A, %dma_wait3A_168] : memref<64x80xi32, #tpu.memory_space<vmem>> -> memref<1x80xi32, #tpu.memory_space<vmem>>
      %dma_wait3A_170 = tpu.memref_squeeze %dma_wait3A_169 : memref<1x80xi32, #tpu.memory_space<vmem>> -> memref<80xi32, #tpu.memory_space<vmem>>
      %dma_wait3A_171 = arith.constant 0 : i32
      %dma_wait3A_172 = arith.constant 0 : i32
      %dma_wait3A_173 = tpu.memref_slice %arg11[%dma_wait3A_171, %dma_wait3A_172] : memref<10080x128xf32, #tpu.memory_space<vmem_shared>> -> memref<10080x128xf32, #tpu.memory_space<vmem_shared>>
      tpu.wait_indirect_dma semaphore(%arg17 : memref<!tpu.dma_semaphore, #tpu.memory_space<semaphore_mem>>) src(%arg10 : memref<80x128xf32, #tpu.memory_space<vmem>>) dst(%dma_wait3A_173 : memref<10080x128xf32, #tpu.memory_space<vmem_shared>>)
    } else {
    }
    %add3A_78 = arith.constant 63 : i32
    %add3A_79 = arith.constant 3 : i32
    %add3A_80 = arith.addi %add3A_78, %add3A_79 : i32
    %sub3A_81 = arith.constant 1 : i32
    %sub3A_82 = arith.subi %add3A_80, %sub3A_81 : i32
    %lt3A = arith.constant 64 : i32
    %lt3A_83 = arith.cmpi slt, %sub3A_82, %lt3A : i32
    %convert_element_type3A_84 = arith.extui %lt3A_83 : i1 to i32
    %cond3A_85 = arith.constant 63 : i32
    %cond3A_86 = arith.constant 0 : i32
    %cond3A_87 = arith.cmpi ne, %convert_element_type3A_84, %cond3A_86 : i32
    scf.if %cond3A_87 {
      %add3A_168 = arith.constant 3 : i32
      %add3A_169 = arith.addi %cond3A_85, %add3A_168 : i32
      %sub3A_170 = arith.constant 1 : i32
      %sub3A_171 = arith.subi %add3A_169, %sub3A_170 : i32
      %dma_start3A_172 = arith.constant 0 : i32
      %dma_start3A_173 = tpu.memref_slice %arg6[%sub3A_171, %dma_start3A_172] : memref<64x80xi32, #tpu.memory_space<vmem>> -> memref<1x80xi32, #tpu.memory_space<vmem>>
      %dma_start3A_174 = tpu.memref_squeeze %dma_start3A_173 : memref<1x80xi32, #tpu.memory_space<vmem>> -> memref<80xi32, #tpu.memory_space<vmem>>
      %dma_start3A_175 = arith.constant 0 : i32
      %dma_start3A_176 = arith.constant 0 : i32
      %dma_start3A_177 = tpu.memref_slice %arg2[%dma_start3A_175, %dma_start3A_176] : memref<10000x128xf32, #tpu.memory_space<hbm>> -> memref<10000x128xf32, #tpu.memory_space<hbm>>
      tpu.enqueue_indirect_dma source(%dma_start3A_177 : memref<10000x128xf32, #tpu.memory_space<hbm>>) target(%arg10 : memref<80x128xf32, #tpu.memory_space<vmem>>) offsets(%dma_start3A_174 : memref<80xi32, #tpu.memory_space<vmem>>) semaphore(%arg14 : memref<!tpu.dma_semaphore, #tpu.memory_space<semaphore_mem>>)
    } else {
    }
    %dma_wait3A_88 = arith.constant 0 : i32
    %dma_wait3A_89 = arith.constant 0 : i32
    %dma_wait3A_90 = tpu.memref_slice %arg7[%dma_wait3A_88, %dma_wait3A_89] : memref<64x80xi32, #tpu.memory_space<vmem>> -> memref<1x80xi32, #tpu.memory_space<vmem>>
    %dma_wait3A_91 = tpu.memref_squeeze %dma_wait3A_90 : memref<1x80xi32, #tpu.memory_space<vmem>> -> memref<80xi32, #tpu.memory_space<vmem>>
    %dma_wait3A_92 = arith.constant 0 : i32
    %dma_wait3A_93 = arith.constant 0 : i32
    %dma_wait3A_94 = tpu.memref_slice %arg11[%dma_wait3A_92, %dma_wait3A_93] : memref<10080x128xf32, #tpu.memory_space<vmem_shared>> -> memref<10080x128xf32, #tpu.memory_space<vmem_shared>>
    tpu.wait_indirect_dma semaphore(%arg15 : memref<!tpu.dma_semaphore, #tpu.memory_space<semaphore_mem>>) src(%arg8 : memref<80x128xf32, #tpu.memory_space<vmem>>) dst(%dma_wait3A_94 : memref<10080x128xf32, #tpu.memory_space<vmem_shared>>)
    "tpu.region"() ({
      %run_scoped3A = tpu.sem_alloc : memref<!tpu.dma_semaphore, #tpu.memory_space<semaphore_mem>>
      %dma_start3A_168 = arith.constant 0 : i32
      %dma_start3A_169 = arith.constant 0 : i32
      %dma_start3A_170 = tpu.memref_slice %arg6[%dma_start3A_168, %dma_start3A_169] : memref<64x80xi32, #tpu.memory_space<vmem>> -> memref<61x80xi32, #tpu.memory_space<vmem>>
      %dma_start3A_171 = arith.constant 64 : i32
      %dma_start3A_172 = arith.constant 0 : i32
      %dma_start3A_173 = tpu.memref_slice %arg3[%add3A, %dma_start3A_171, %dma_start3A_172] : memref<32x125x80xi32, #tpu.memory_space<hbm>> -> memref<1x61x80xi32, #tpu.memory_space<hbm>>
      %dma_start3A_174 = tpu.memref_squeeze %dma_start3A_173 : memref<1x61x80xi32, #tpu.memory_space<hbm>> -> memref<61x80xi32, #tpu.memory_space<hbm>>
      %dma_start3A_175 = arith.constant 0 : i32
      %dma_start3A_176 = arith.constant 0 : i32
      %dma_start3A_177 = tpu.memref_slice %arg6[%dma_start3A_175, %dma_start3A_176] : memref<64x80xi32, #tpu.memory_space<vmem>> -> memref<61x80xi32, #tpu.memory_space<vmem>>
      %dma_start3A_178 = arith.constant 64 : i32
      %dma_start3A_179 = arith.constant 0 : i32
      %dma_start3A_180 = tpu.memref_slice %arg3[%add3A, %dma_start3A_178, %dma_start3A_179] : memref<32x125x80xi32, #tpu.memory_space<hbm>> -> memref<1x61x80xi32, #tpu.memory_space<hbm>>
      %dma_start3A_181 = tpu.memref_squeeze %dma_start3A_180 : memref<1x61x80xi32, #tpu.memory_space<hbm>> -> memref<61x80xi32, #tpu.memory_space<hbm>>
      tpu.enqueue_dma source(%dma_start3A_181 : memref<61x80xi32, #tpu.memory_space<hbm>>) target(%dma_start3A_177 : memref<61x80xi32, #tpu.memory_space<vmem>>) target_semaphore(%run_scoped3A : memref<!tpu.dma_semaphore, #tpu.memory_space<semaphore_mem>>)
      %dma_wait3A_182 = arith.constant 0 : i32
      %dma_wait3A_183 = arith.constant 0 : i32
      %dma_wait3A_184 = tpu.memref_slice %arg6[%dma_wait3A_182, %dma_wait3A_183] : memref<64x80xi32, #tpu.memory_space<vmem>> -> memref<61x80xi32, #tpu.memory_space<vmem>>
      %dma_wait3A_185 = arith.constant 64 : i32
      %dma_wait3A_186 = arith.constant 0 : i32
      %dma_wait3A_187 = tpu.memref_slice %arg3[%add3A, %dma_wait3A_185, %dma_wait3A_186] : memref<32x125x80xi32, #tpu.memory_space<hbm>> -> memref<1x61x80xi32, #tpu.memory_space<hbm>>
      %dma_wait3A_188 = tpu.memref_squeeze %dma_wait3A_187 : memref<1x61x80xi32, #tpu.memory_space<hbm>> -> memref<61x80xi32, #tpu.memory_space<hbm>>
      %dma_wait3A_189 = arith.constant 0 : i32
      %dma_wait3A_190 = arith.constant 0 : i32
      %dma_wait3A_191 = tpu.memref_slice %arg6[%dma_wait3A_189, %dma_wait3A_190] : memref<64x80xi32, #tpu.memory_space<vmem>> -> memref<61x80xi32, #tpu.memory_space<vmem>>
      %dma_wait3A_192 = arith.constant 64 : i32
      %dma_wait3A_193 = arith.constant 0 : i32
      %dma_wait3A_194 = tpu.memref_slice %arg3[%add3A, %dma_wait3A_192, %dma_wait3A_193] : memref<32x125x80xi32, #tpu.memory_space<hbm>> -> memref<1x61x80xi32, #tpu.memory_space<hbm>>
      %dma_wait3A_195 = tpu.memref_squeeze %dma_wait3A_194 : memref<1x61x80xi32, #tpu.memory_space<hbm>> -> memref<61x80xi32, #tpu.memory_space<hbm>>
      tpu.wait_dma2 semaphore(%run_scoped3A : memref<!tpu.dma_semaphore, #tpu.memory_space<semaphore_mem>>) src(%dma_wait3A_195 : memref<61x80xi32, #tpu.memory_space<hbm>>) dst(%dma_wait3A_191 : memref<61x80xi32, #tpu.memory_space<vmem>>)
      tpu.yield
    }) : () -> ()
    "tpu.region"() ({
      %run_scoped3A = tpu.sem_alloc : memref<!tpu.dma_semaphore, #tpu.memory_space<semaphore_mem>>
      %dma_start3A_168 = arith.constant 0 : i32
      %dma_start3A_169 = arith.constant 0 : i32
      %dma_start3A_170 = tpu.memref_slice %arg7[%dma_start3A_168, %dma_start3A_169] : memref<64x80xi32, #tpu.memory_space<vmem>> -> memref<61x80xi32, #tpu.memory_space<vmem>>
      %dma_start3A_171 = arith.constant 64 : i32
      %dma_start3A_172 = arith.constant 0 : i32
      %dma_start3A_173 = tpu.memref_slice %arg4[%add3A, %dma_start3A_171, %dma_start3A_172] : memref<32x125x80xi32, #tpu.memory_space<hbm>> -> memref<1x61x80xi32, #tpu.memory_space<hbm>>
      %dma_start3A_174 = tpu.memref_squeeze %dma_start3A_173 : memref<1x61x80xi32, #tpu.memory_space<hbm>> -> memref<61x80xi32, #tpu.memory_space<hbm>>
      %dma_start3A_175 = arith.constant 0 : i32
      %dma_start3A_176 = arith.constant 0 : i32
      %dma_start3A_177 = tpu.memref_slice %arg7[%dma_start3A_175, %dma_start3A_176] : memref<64x80xi32, #tpu.memory_space<vmem>> -> memref<61x80xi32, #tpu.memory_space<vmem>>
      %dma_start3A_178 = arith.constant 64 : i32
      %dma_start3A_179 = arith.constant 0 : i32
      %dma_start3A_180 = tpu.memref_slice %arg4[%add3A, %dma_start3A_178, %dma_start3A_179] : memref<32x125x80xi32, #tpu.memory_space<hbm>> -> memref<1x61x80xi32, #tpu.memory_space<hbm>>
      %dma_start3A_181 = tpu.memref_squeeze %dma_start3A_180 : memref<1x61x80xi32, #tpu.memory_space<hbm>> -> memref<61x80xi32, #tpu.memory_space<hbm>>
      tpu.enqueue_dma source(%dma_start3A_181 : memref<61x80xi32, #tpu.memory_space<hbm>>) target(%dma_start3A_177 : memref<61x80xi32, #tpu.memory_space<vmem>>) target_semaphore(%run_scoped3A : memref<!tpu.dma_semaphore, #tpu.memory_space<semaphore_mem>>)
      %dma_wait3A_182 = arith.constant 0 : i32
      %dma_wait3A_183 = arith.constant 0 : i32
      %dma_wait3A_184 = tpu.memref_slice %arg7[%dma_wait3A_182, %dma_wait3A_183] : memref<64x80xi32, #tpu.memory_space<vmem>> -> memref<61x80xi32, #tpu.memory_space<vmem>>
      %dma_wait3A_185 = arith.constant 64 : i32
      %dma_wait3A_186 = arith.constant 0 : i32
      %dma_wait3A_187 = tpu.memref_slice %arg4[%add3A, %dma_wait3A_185, %dma_wait3A_186] : memref<32x125x80xi32, #tpu.memory_space<hbm>> -> memref<1x61x80xi32, #tpu.memory_space<hbm>>
      %dma_wait3A_188 = tpu.memref_squeeze %dma_wait3A_187 : memref<1x61x80xi32, #tpu.memory_space<hbm>> -> memref<61x80xi32, #tpu.memory_space<hbm>>
      %dma_wait3A_189 = arith.constant 0 : i32
      %dma_wait3A_190 = arith.constant 0 : i32
      %dma_wait3A_191 = tpu.memref_slice %arg7[%dma_wait3A_189, %dma_wait3A_190] : memref<64x80xi32, #tpu.memory_space<vmem>> -> memref<61x80xi32, #tpu.memory_space<vmem>>
      %dma_wait3A_192 = arith.constant 64 : i32
      %dma_wait3A_193 = arith.constant 0 : i32
      %dma_wait3A_194 = tpu.memref_slice %arg4[%add3A, %dma_wait3A_192, %dma_wait3A_193] : memref<32x125x80xi32, #tpu.memory_space<hbm>> -> memref<1x61x80xi32, #tpu.memory_space<hbm>>
      %dma_wait3A_195 = tpu.memref_squeeze %dma_wait3A_194 : memref<1x61x80xi32, #tpu.memory_space<hbm>> -> memref<61x80xi32, #tpu.memory_space<hbm>>
      tpu.wait_dma2 semaphore(%run_scoped3A : memref<!tpu.dma_semaphore, #tpu.memory_space<semaphore_mem>>) src(%dma_wait3A_195 : memref<61x80xi32, #tpu.memory_space<hbm>>) dst(%dma_wait3A_191 : memref<61x80xi32, #tpu.memory_space<vmem>>)
      tpu.yield
    }) : () -> ()
    %dma_start3A_95 = arith.constant 0 : i32
    %dma_start3A_96 = arith.constant 0 : i32
    %dma_start3A_97 = tpu.memref_slice %arg6[%dma_start3A_95, %dma_start3A_96] : memref<64x80xi32, #tpu.memory_space<vmem>> -> memref<1x80xi32, #tpu.memory_space<vmem>>
    %dma_start3A_98 = tpu.memref_squeeze %dma_start3A_97 : memref<1x80xi32, #tpu.memory_space<vmem>> -> memref<80xi32, #tpu.memory_space<vmem>>
    %dma_start3A_99 = arith.constant 0 : i32
    %dma_start3A_100 = arith.constant 0 : i32
    %dma_start3A_101 = tpu.memref_slice %arg2[%dma_start3A_99, %dma_start3A_100] : memref<10000x128xf32, #tpu.memory_space<hbm>> -> memref<10000x128xf32, #tpu.memory_space<hbm>>
    tpu.enqueue_indirect_dma source(%dma_start3A_101 : memref<10000x128xf32, #tpu.memory_space<hbm>>) target(%arg8 : memref<80x128xf32, #tpu.memory_space<vmem>>) offsets(%dma_start3A_98 : memref<80xi32, #tpu.memory_space<vmem>>) semaphore(%arg12 : memref<!tpu.dma_semaphore, #tpu.memory_space<semaphore_mem>>)
    %dma_start3A_102 = arith.constant 1 : i32
    %dma_start3A_103 = arith.constant 0 : i32
    %dma_start3A_104 = tpu.memref_slice %arg6[%dma_start3A_102, %dma_start3A_103] : memref<64x80xi32, #tpu.memory_space<vmem>> -> memref<1x80xi32, #tpu.memory_space<vmem>>
    %dma_start3A_105 = tpu.memref_squeeze %dma_start3A_104 : memref<1x80xi32, #tpu.memory_space<vmem>> -> memref<80xi32, #tpu.memory_space<vmem>>
    %dma_start3A_106 = arith.constant 0 : i32
    %dma_start3A_107 = arith.constant 0 : i32
    %dma_start3A_108 = tpu.memref_slice %arg2[%dma_start3A_106, %dma_start3A_107] : memref<10000x128xf32, #tpu.memory_space<hbm>> -> memref<10000x128xf32, #tpu.memory_space<hbm>>
    tpu.enqueue_indirect_dma source(%dma_start3A_108 : memref<10000x128xf32, #tpu.memory_space<hbm>>) target(%arg9 : memref<80x128xf32, #tpu.memory_space<vmem>>) offsets(%dma_start3A_105 : memref<80xi32, #tpu.memory_space<vmem>>) semaphore(%arg13 : memref<!tpu.dma_semaphore, #tpu.memory_space<semaphore_mem>>)
    %scan3A_109 = arith.constant 0 : i32
    %scan3A_110 = arith.constant 0 : i32
    %scan3A_111 = arith.constant 20 : i32
    %scan3A_112 = arith.addi %scan3A_110, %scan3A_111 : i32
    %scan3A_113 = arith.constant 1 : i32
    %scan3A_114 = scf.for %scan3A_168 = %scan3A_110 to %scan3A_112 step %scan3A_113 iter_args(%scan3A_169 = %scan3A_109) -> (i32)  : i32 {
      %mul3A_170 = arith.constant 3 : i32
      %mul3A_171 = arith.muli %scan3A_168, %mul3A_170 : i32
      %add3A_172 = arith.constant 0 : i32
      %add3A_173 = arith.addi %mul3A_171, %add3A_172 : i32
      %dma_wait3A_174 = arith.constant 0 : i32
      %dma_wait3A_175 = tpu.memref_slice %arg6[%add3A_173, %dma_wait3A_174] : memref<64x80xi32, #tpu.memory_space<vmem>> -> memref<1x80xi32, #tpu.memory_space<vmem>>
      %dma_wait3A_176 = tpu.memref_squeeze %dma_wait3A_175 : memref<1x80xi32, #tpu.memory_space<vmem>> -> memref<80xi32, #tpu.memory_space<vmem>>
      %dma_wait3A_177 = arith.constant 0 : i32
      %dma_wait3A_178 = arith.constant 0 : i32
      %dma_wait3A_179 = tpu.memref_slice %arg2[%dma_wait3A_177, %dma_wait3A_178] : memref<10000x128xf32, #tpu.memory_space<hbm>> -> memref<10000x128xf32, #tpu.memory_space<hbm>>
      tpu.wait_indirect_dma semaphore(%arg12 : memref<!tpu.dma_semaphore, #tpu.memory_space<semaphore_mem>>) src(%dma_wait3A_179 : memref<10000x128xf32, #tpu.memory_space<hbm>>) dst(%arg8 : memref<80x128xf32, #tpu.memory_space<vmem>>)
      %dma_start3A_180 = arith.constant 0 : i32
      %dma_start3A_181 = tpu.memref_slice %arg7[%add3A_173, %dma_start3A_180] : memref<64x80xi32, #tpu.memory_space<vmem>> -> memref<1x80xi32, #tpu.memory_space<vmem>>
      %dma_start3A_182 = tpu.memref_squeeze %dma_start3A_181 : memref<1x80xi32, #tpu.memory_space<vmem>> -> memref<80xi32, #tpu.memory_space<vmem>>
      %dma_start3A_183 = arith.constant 0 : i32
      %dma_start3A_184 = arith.constant 0 : i32
      %dma_start3A_185 = tpu.memref_slice %arg11[%dma_start3A_183, %dma_start3A_184] : memref<10080x128xf32, #tpu.memory_space<vmem_shared>> -> memref<10080x128xf32, #tpu.memory_space<vmem_shared>>
      tpu.enqueue_indirect_dma source(%arg8 : memref<80x128xf32, #tpu.memory_space<vmem>>) target(%dma_start3A_185 : memref<10080x128xf32, #tpu.memory_space<vmem_shared>>) offsets(%dma_start3A_182 : memref<80xi32, #tpu.memory_space<vmem>>) semaphore(%arg15 : memref<!tpu.dma_semaphore, #tpu.memory_space<semaphore_mem>>) {add = true}
      %gt3A_186 = arith.constant 0 : i32
      %gt3A_187 = arith.cmpi sgt, %add3A_173, %gt3A_186 : i32
      %convert_element_type3A_188 = arith.extui %gt3A_187 : i1 to i32
      %cond3A_189 = arith.constant 0 : i32
      %cond3A_190 = arith.cmpi ne, %convert_element_type3A_188, %cond3A_189 : i32
      scf.if %cond3A_190 {
        %dma_wait3A_261 = arith.constant 0 : i32
        %dma_wait3A_262 = tpu.memref_slice %arg7[%add3A_173, %dma_wait3A_261] : memref<64x80xi32, #tpu.memory_space<vmem>> -> memref<1x80xi32, #tpu.memory_space<vmem>>
        %dma_wait3A_263 = tpu.memref_squeeze %dma_wait3A_262 : memref<1x80xi32, #tpu.memory_space<vmem>> -> memref<80xi32, #tpu.memory_space<vmem>>
        %dma_wait3A_264 = arith.constant 0 : i32
        %dma_wait3A_265 = arith.constant 0 : i32
        %dma_wait3A_266 = tpu.memref_slice %arg11[%dma_wait3A_264, %dma_wait3A_265] : memref<10080x128xf32, #tpu.memory_space<vmem_shared>> -> memref<10080x128xf32, #tpu.memory_space<vmem_shared>>
        tpu.wait_indirect_dma semaphore(%arg17 : memref<!tpu.dma_semaphore, #tpu.memory_space<semaphore_mem>>) src(%arg10 : memref<80x128xf32, #tpu.memory_space<vmem>>) dst(%dma_wait3A_266 : memref<10080x128xf32, #tpu.memory_space<vmem_shared>>)
      } else {
      }
      %add3A_191 = arith.constant 3 : i32
      %add3A_192 = arith.addi %add3A_173, %add3A_191 : i32
      %sub3A_193 = arith.constant 1 : i32
      %sub3A_194 = arith.subi %add3A_192, %sub3A_193 : i32
      %lt3A_195 = arith.constant 61 : i32
      %lt3A_196 = arith.cmpi slt, %sub3A_194, %lt3A_195 : i32
      %convert_element_type3A_197 = arith.extui %lt3A_196 : i1 to i32
      %cond3A_198 = arith.constant 0 : i32
      %cond3A_199 = arith.cmpi ne, %convert_element_type3A_197, %cond3A_198 : i32
      scf.if %cond3A_199 {
        %add3A_261 = arith.constant 3 : i32
        %add3A_262 = arith.addi %add3A_173, %add3A_261 : i32
        %sub3A_263 = arith.constant 1 : i32
        %sub3A_264 = arith.subi %add3A_262, %sub3A_263 : i32
        %dma_start3A_265 = arith.constant 0 : i32
        %dma_start3A_266 = tpu.memref_slice %arg6[%sub3A_264, %dma_start3A_265] : memref<64x80xi32, #tpu.memory_space<vmem>> -> memref<1x80xi32, #tpu.memory_space<vmem>>
        %dma_start3A_267 = tpu.memref_squeeze %dma_start3A_266 : memref<1x80xi32, #tpu.memory_space<vmem>> -> memref<80xi32, #tpu.memory_space<vmem>>
        %dma_start3A_268 = arith.constant 0 : i32
        %dma_start3A_269 = arith.constant 0 : i32
        %dma_start3A_270 = tpu.memref_slice %arg2[%dma_start3A_268, %dma_start3A_269] : memref<10000x128xf32, #tpu.memory_space<hbm>> -> memref<10000x128xf32, #tpu.memory_space<hbm>>
        tpu.enqueue_indirect_dma source(%dma_start3A_270 : memref<10000x128xf32, #tpu.memory_space<hbm>>) target(%arg10 : memref<80x128xf32, #tpu.memory_space<vmem>>) offsets(%dma_start3A_267 : memref<80xi32, #tpu.memory_space<vmem>>) semaphore(%arg14 : memref<!tpu.dma_semaphore, #tpu.memory_space<semaphore_mem>>)
      } else {
      }
      %mul3A_200 = arith.constant 3 : i32
      %mul3A_201 = arith.muli %scan3A_168, %mul3A_200 : i32
      %add3A_202 = arith.constant 1 : i32
      %add3A_203 = arith.addi %mul3A_201, %add3A_202 : i32
      %dma_wait3A_204 = arith.constant 0 : i32
      %dma_wait3A_205 = tpu.memref_slice %arg6[%add3A_203, %dma_wait3A_204] : memref<64x80xi32, #tpu.memory_space<vmem>> -> memref<1x80xi32, #tpu.memory_space<vmem>>
      %dma_wait3A_206 = tpu.memref_squeeze %dma_wait3A_205 : memref<1x80xi32, #tpu.memory_space<vmem>> -> memref<80xi32, #tpu.memory_space<vmem>>
      %dma_wait3A_207 = arith.constant 0 : i32
      %dma_wait3A_208 = arith.constant 0 : i32
      %dma_wait3A_209 = tpu.memref_slice %arg2[%dma_wait3A_207, %dma_wait3A_208] : memref<10000x128xf32, #tpu.memory_space<hbm>> -> memref<10000x128xf32, #tpu.memory_space<hbm>>
      tpu.wait_indirect_dma semaphore(%arg13 : memref<!tpu.dma_semaphore, #tpu.memory_space<semaphore_mem>>) src(%dma_wait3A_209 : memref<10000x128xf32, #tpu.memory_space<hbm>>) dst(%arg9 : memref<80x128xf32, #tpu.memory_space<vmem>>)
      %dma_start3A_210 = arith.constant 0 : i32
      %dma_start3A_211 = tpu.memref_slice %arg7[%add3A_203, %dma_start3A_210] : memref<64x80xi32, #tpu.memory_space<vmem>> -> memref<1x80xi32, #tpu.memory_space<vmem>>
      %dma_start3A_212 = tpu.memref_squeeze %dma_start3A_211 : memref<1x80xi32, #tpu.memory_space<vmem>> -> memref<80xi32, #tpu.memory_space<vmem>>
      %dma_start3A_213 = arith.constant 0 : i32
      %dma_start3A_214 = arith.constant 0 : i32
      %dma_start3A_215 = tpu.memref_slice %arg11[%dma_start3A_213, %dma_start3A_214] : memref<10080x128xf32, #tpu.memory_space<vmem_shared>> -> memref<10080x128xf32, #tpu.memory_space<vmem_shared>>
      tpu.enqueue_indirect_dma source(%arg9 : memref<80x128xf32, #tpu.memory_space<vmem>>) target(%dma_start3A_215 : memref<10080x128xf32, #tpu.memory_space<vmem_shared>>) offsets(%dma_start3A_212 : memref<80xi32, #tpu.memory_space<vmem>>) semaphore(%arg16 : memref<!tpu.dma_semaphore, #tpu.memory_space<semaphore_mem>>) {add = true}
      %gt3A_216 = arith.constant 0 : i32
      %gt3A_217 = arith.cmpi sgt, %add3A_203, %gt3A_216 : i32
      %convert_element_type3A_218 = arith.extui %gt3A_217 : i1 to i32
      %cond3A_219 = arith.constant 0 : i32
      %cond3A_220 = arith.cmpi ne, %convert_element_type3A_218, %cond3A_219 : i32
      scf.if %cond3A_220 {
        %dma_wait3A_261 = arith.constant 0 : i32
        %dma_wait3A_262 = tpu.memref_slice %arg7[%add3A_203, %dma_wait3A_261] : memref<64x80xi32, #tpu.memory_space<vmem>> -> memref<1x80xi32, #tpu.memory_space<vmem>>
        %dma_wait3A_263 = tpu.memref_squeeze %dma_wait3A_262 : memref<1x80xi32, #tpu.memory_space<vmem>> -> memref<80xi32, #tpu.memory_space<vmem>>
        %dma_wait3A_264 = arith.constant 0 : i32
        %dma_wait3A_265 = arith.constant 0 : i32
        %dma_wait3A_266 = tpu.memref_slice %arg11[%dma_wait3A_264, %dma_wait3A_265] : memref<10080x128xf32, #tpu.memory_space<vmem_shared>> -> memref<10080x128xf32, #tpu.memory_space<vmem_shared>>
        tpu.wait_indirect_dma semaphore(%arg15 : memref<!tpu.dma_semaphore, #tpu.memory_space<semaphore_mem>>) src(%arg8 : memref<80x128xf32, #tpu.memory_space<vmem>>) dst(%dma_wait3A_266 : memref<10080x128xf32, #tpu.memory_space<vmem_shared>>)
      } else {
      }
      %add3A_221 = arith.constant 3 : i32
      %add3A_222 = arith.addi %add3A_203, %add3A_221 : i32
      %sub3A_223 = arith.constant 1 : i32
      %sub3A_224 = arith.subi %add3A_222, %sub3A_223 : i32
      %lt3A_225 = arith.constant 61 : i32
      %lt3A_226 = arith.cmpi slt, %sub3A_224, %lt3A_225 : i32
      %convert_element_type3A_227 = arith.extui %lt3A_226 : i1 to i32
      %cond3A_228 = arith.constant 0 : i32
      %cond3A_229 = arith.cmpi ne, %convert_element_type3A_227, %cond3A_228 : i32
      scf.if %cond3A_229 {
        %add3A_261 = arith.constant 3 : i32
        %add3A_262 = arith.addi %add3A_203, %add3A_261 : i32
        %sub3A_263 = arith.constant 1 : i32
        %sub3A_264 = arith.subi %add3A_262, %sub3A_263 : i32
        %dma_start3A_265 = arith.constant 0 : i32
        %dma_start3A_266 = tpu.memref_slice %arg6[%sub3A_264, %dma_start3A_265] : memref<64x80xi32, #tpu.memory_space<vmem>> -> memref<1x80xi32, #tpu.memory_space<vmem>>
        %dma_start3A_267 = tpu.memref_squeeze %dma_start3A_266 : memref<1x80xi32, #tpu.memory_space<vmem>> -> memref<80xi32, #tpu.memory_space<vmem>>
        %dma_start3A_268 = arith.constant 0 : i32
        %dma_start3A_269 = arith.constant 0 : i32
        %dma_start3A_270 = tpu.memref_slice %arg2[%dma_start3A_268, %dma_start3A_269] : memref<10000x128xf32, #tpu.memory_space<hbm>> -> memref<10000x128xf32, #tpu.memory_space<hbm>>
        tpu.enqueue_indirect_dma source(%dma_start3A_270 : memref<10000x128xf32, #tpu.memory_space<hbm>>) target(%arg8 : memref<80x128xf32, #tpu.memory_space<vmem>>) offsets(%dma_start3A_267 : memref<80xi32, #tpu.memory_space<vmem>>) semaphore(%arg12 : memref<!tpu.dma_semaphore, #tpu.memory_space<semaphore_mem>>)
      } else {
      }
      %mul3A_230 = arith.constant 3 : i32
      %mul3A_231 = arith.muli %scan3A_168, %mul3A_230 : i32
      %add3A_232 = arith.constant 2 : i32
      %add3A_233 = arith.addi %mul3A_231, %add3A_232 : i32
      %dma_wait3A_234 = arith.constant 0 : i32
      %dma_wait3A_235 = tpu.memref_slice %arg6[%add3A_233, %dma_wait3A_234] : memref<64x80xi32, #tpu.memory_space<vmem>> -> memref<1x80xi32, #tpu.memory_space<vmem>>
      %dma_wait3A_236 = tpu.memref_squeeze %dma_wait3A_235 : memref<1x80xi32, #tpu.memory_space<vmem>> -> memref<80xi32, #tpu.memory_space<vmem>>
      %dma_wait3A_237 = arith.constant 0 : i32
      %dma_wait3A_238 = arith.constant 0 : i32
      %dma_wait3A_239 = tpu.memref_slice %arg2[%dma_wait3A_237, %dma_wait3A_238] : memref<10000x128xf32, #tpu.memory_space<hbm>> -> memref<10000x128xf32, #tpu.memory_space<hbm>>
      tpu.wait_indirect_dma semaphore(%arg14 : memref<!tpu.dma_semaphore, #tpu.memory_space<semaphore_mem>>) src(%dma_wait3A_239 : memref<10000x128xf32, #tpu.memory_space<hbm>>) dst(%arg10 : memref<80x128xf32, #tpu.memory_space<vmem>>)
      %dma_start3A_240 = arith.constant 0 : i32
      %dma_start3A_241 = tpu.memref_slice %arg7[%add3A_233, %dma_start3A_240] : memref<64x80xi32, #tpu.memory_space<vmem>> -> memref<1x80xi32, #tpu.memory_space<vmem>>
      %dma_start3A_242 = tpu.memref_squeeze %dma_start3A_241 : memref<1x80xi32, #tpu.memory_space<vmem>> -> memref<80xi32, #tpu.memory_space<vmem>>
      %dma_start3A_243 = arith.constant 0 : i32
      %dma_start3A_244 = arith.constant 0 : i32
      %dma_start3A_245 = tpu.memref_slice %arg11[%dma_start3A_243, %dma_start3A_244] : memref<10080x128xf32, #tpu.memory_space<vmem_shared>> -> memref<10080x128xf32, #tpu.memory_space<vmem_shared>>
      tpu.enqueue_indirect_dma source(%arg10 : memref<80x128xf32, #tpu.memory_space<vmem>>) target(%dma_start3A_245 : memref<10080x128xf32, #tpu.memory_space<vmem_shared>>) offsets(%dma_start3A_242 : memref<80xi32, #tpu.memory_space<vmem>>) semaphore(%arg17 : memref<!tpu.dma_semaphore, #tpu.memory_space<semaphore_mem>>) {add = true}
      %gt3A_246 = arith.constant 0 : i32
      %gt3A_247 = arith.cmpi sgt, %add3A_233, %gt3A_246 : i32
      %convert_element_type3A_248 = arith.extui %gt3A_247 : i1 to i32
      %cond3A_249 = arith.constant 0 : i32
      %cond3A_250 = arith.cmpi ne, %convert_element_type3A_248, %cond3A_249 : i32
      scf.if %cond3A_250 {
        %dma_wait3A_261 = arith.constant 0 : i32
        %dma_wait3A_262 = tpu.memref_slice %arg7[%add3A_233, %dma_wait3A_261] : memref<64x80xi32, #tpu.memory_space<vmem>> -> memref<1x80xi32, #tpu.memory_space<vmem>>
        %dma_wait3A_263 = tpu.memref_squeeze %dma_wait3A_262 : memref<1x80xi32, #tpu.memory_space<vmem>> -> memref<80xi32, #tpu.memory_space<vmem>>
        %dma_wait3A_264 = arith.constant 0 : i32
        %dma_wait3A_265 = arith.constant 0 : i32
        %dma_wait3A_266 = tpu.memref_slice %arg11[%dma_wait3A_264, %dma_wait3A_265] : memref<10080x128xf32, #tpu.memory_space<vmem_shared>> -> memref<10080x128xf32, #tpu.memory_space<vmem_shared>>
        tpu.wait_indirect_dma semaphore(%arg16 : memref<!tpu.dma_semaphore, #tpu.memory_space<semaphore_mem>>) src(%arg9 : memref<80x128xf32, #tpu.memory_space<vmem>>) dst(%dma_wait3A_266 : memref<10080x128xf32, #tpu.memory_space<vmem_shared>>)
      } else {
      }
      %add3A_251 = arith.constant 3 : i32
      %add3A_252 = arith.addi %add3A_233, %add3A_251 : i32
      %sub3A_253 = arith.constant 1 : i32
      %sub3A_254 = arith.subi %add3A_252, %sub3A_253 : i32
      %lt3A_255 = arith.constant 61 : i32
      %lt3A_256 = arith.cmpi slt, %sub3A_254, %lt3A_255 : i32
      %convert_element_type3A_257 = arith.extui %lt3A_256 : i1 to i32
      %cond3A_258 = arith.constant 0 : i32
      %cond3A_259 = arith.cmpi ne, %convert_element_type3A_257, %cond3A_258 : i32
      scf.if %cond3A_259 {
        %add3A_261 = arith.constant 3 : i32
        %add3A_262 = arith.addi %add3A_233, %add3A_261 : i32
        %sub3A_263 = arith.constant 1 : i32
        %sub3A_264 = arith.subi %add3A_262, %sub3A_263 : i32
        %dma_start3A_265 = arith.constant 0 : i32
        %dma_start3A_266 = tpu.memref_slice %arg6[%sub3A_264, %dma_start3A_265] : memref<64x80xi32, #tpu.memory_space<vmem>> -> memref<1x80xi32, #tpu.memory_space<vmem>>
        %dma_start3A_267 = tpu.memref_squeeze %dma_start3A_266 : memref<1x80xi32, #tpu.memory_space<vmem>> -> memref<80xi32, #tpu.memory_space<vmem>>
        %dma_start3A_268 = arith.constant 0 : i32
        %dma_start3A_269 = arith.constant 0 : i32
        %dma_start3A_270 = tpu.memref_slice %arg2[%dma_start3A_268, %dma_start3A_269] : memref<10000x128xf32, #tpu.memory_space<hbm>> -> memref<10000x128xf32, #tpu.memory_space<hbm>>
        tpu.enqueue_indirect_dma source(%dma_start3A_270 : memref<10000x128xf32, #tpu.memory_space<hbm>>) target(%arg9 : memref<80x128xf32, #tpu.memory_space<vmem>>) offsets(%dma_start3A_267 : memref<80xi32, #tpu.memory_space<vmem>>) semaphore(%arg13 : memref<!tpu.dma_semaphore, #tpu.memory_space<semaphore_mem>>)
      } else {
      }
      %scan3A_260 = arith.constant 0 : i32
      scf.yield %scan3A_260 : i32
    }
    %scan3A_115 = arith.constant 20 : i32
    %dma_wait3A_116 = arith.constant 60 : i32
    %dma_wait3A_117 = arith.constant 0 : i32
    %dma_wait3A_118 = tpu.memref_slice %arg6[%dma_wait3A_116, %dma_wait3A_117] : memref<64x80xi32, #tpu.memory_space<vmem>> -> memref<1x80xi32, #tpu.memory_space<vmem>>
    %dma_wait3A_119 = tpu.memref_squeeze %dma_wait3A_118 : memref<1x80xi32, #tpu.memory_space<vmem>> -> memref<80xi32, #tpu.memory_space<vmem>>
    %dma_wait3A_120 = arith.constant 0 : i32
    %dma_wait3A_121 = arith.constant 0 : i32
    %dma_wait3A_122 = tpu.memref_slice %arg2[%dma_wait3A_120, %dma_wait3A_121] : memref<10000x128xf32, #tpu.memory_space<hbm>> -> memref<10000x128xf32, #tpu.memory_space<hbm>>
    tpu.wait_indirect_dma semaphore(%arg12 : memref<!tpu.dma_semaphore, #tpu.memory_space<semaphore_mem>>) src(%dma_wait3A_122 : memref<10000x128xf32, #tpu.memory_space<hbm>>) dst(%arg8 : memref<80x128xf32, #tpu.memory_space<vmem>>)
    %dma_start3A_123 = arith.constant 60 : i32
    %dma_start3A_124 = arith.constant 0 : i32
    %dma_start3A_125 = tpu.memref_slice %arg7[%dma_start3A_123, %dma_start3A_124] : memref<64x80xi32, #tpu.memory_space<vmem>> -> memref<1x80xi32, #tpu.memory_space<vmem>>
    %dma_start3A_126 = tpu.memref_squeeze %dma_start3A_125 : memref<1x80xi32, #tpu.memory_space<vmem>> -> memref<80xi32, #tpu.memory_space<vmem>>
    %dma_start3A_127 = arith.constant 0 : i32
    %dma_start3A_128 = arith.constant 0 : i32
    %dma_start3A_129 = tpu.memref_slice %arg11[%dma_start3A_127, %dma_start3A_128] : memref<10080x128xf32, #tpu.memory_space<vmem_shared>> -> memref<10080x128xf32, #tpu.memory_space<vmem_shared>>
    tpu.enqueue_indirect_dma source(%arg8 : memref<80x128xf32, #tpu.memory_space<vmem>>) target(%dma_start3A_129 : memref<10080x128xf32, #tpu.memory_space<vmem_shared>>) offsets(%dma_start3A_126 : memref<80xi32, #tpu.memory_space<vmem>>) semaphore(%arg15 : memref<!tpu.dma_semaphore, #tpu.memory_space<semaphore_mem>>) {add = true}
    %gt3A_130 = arith.constant 60 : i32
    %gt3A_131 = arith.constant 0 : i32
    %gt3A_132 = arith.cmpi sgt, %gt3A_130, %gt3A_131 : i32
    %convert_element_type3A_133 = arith.extui %gt3A_132 : i1 to i32
    %cond3A_134 = arith.constant 60 : i32
    %cond3A_135 = arith.constant 0 : i32
    %cond3A_136 = arith.cmpi ne, %convert_element_type3A_133, %cond3A_135 : i32
    scf.if %cond3A_136 {
      %dma_wait3A_168 = arith.constant 0 : i32
      %dma_wait3A_169 = tpu.memref_slice %arg7[%cond3A_134, %dma_wait3A_168] : memref<64x80xi32, #tpu.memory_space<vmem>> -> memref<1x80xi32, #tpu.memory_space<vmem>>
      %dma_wait3A_170 = tpu.memref_squeeze %dma_wait3A_169 : memref<1x80xi32, #tpu.memory_space<vmem>> -> memref<80xi32, #tpu.memory_space<vmem>>
      %dma_wait3A_171 = arith.constant 0 : i32
      %dma_wait3A_172 = arith.constant 0 : i32
      %dma_wait3A_173 = tpu.memref_slice %arg11[%dma_wait3A_171, %dma_wait3A_172] : memref<10080x128xf32, #tpu.memory_space<vmem_shared>> -> memref<10080x128xf32, #tpu.memory_space<vmem_shared>>
      tpu.wait_indirect_dma semaphore(%arg17 : memref<!tpu.dma_semaphore, #tpu.memory_space<semaphore_mem>>) src(%arg10 : memref<80x128xf32, #tpu.memory_space<vmem>>) dst(%dma_wait3A_173 : memref<10080x128xf32, #tpu.memory_space<vmem_shared>>)
    } else {
    }
    %add3A_137 = arith.constant 60 : i32
    %add3A_138 = arith.constant 3 : i32
    %add3A_139 = arith.addi %add3A_137, %add3A_138 : i32
    %sub3A_140 = arith.constant 1 : i32
    %sub3A_141 = arith.subi %add3A_139, %sub3A_140 : i32
    %lt3A_142 = arith.constant 61 : i32
    %lt3A_143 = arith.cmpi slt, %sub3A_141, %lt3A_142 : i32
    %convert_element_type3A_144 = arith.extui %lt3A_143 : i1 to i32
    %cond3A_145 = arith.constant 60 : i32
    %cond3A_146 = arith.constant 0 : i32
    %cond3A_147 = arith.cmpi ne, %convert_element_type3A_144, %cond3A_146 : i32
    scf.if %cond3A_147 {
      %add3A_168 = arith.constant 3 : i32
      %add3A_169 = arith.addi %cond3A_145, %add3A_168 : i32
      %sub3A_170 = arith.constant 1 : i32
      %sub3A_171 = arith.subi %add3A_169, %sub3A_170 : i32
      %dma_start3A_172 = arith.constant 0 : i32
      %dma_start3A_173 = tpu.memref_slice %arg6[%sub3A_171, %dma_start3A_172] : memref<64x80xi32, #tpu.memory_space<vmem>> -> memref<1x80xi32, #tpu.memory_space<vmem>>
      %dma_start3A_174 = tpu.memref_squeeze %dma_start3A_173 : memref<1x80xi32, #tpu.memory_space<vmem>> -> memref<80xi32, #tpu.memory_space<vmem>>
      %dma_start3A_175 = arith.constant 0 : i32
      %dma_start3A_176 = arith.constant 0 : i32
      %dma_start3A_177 = tpu.memref_slice %arg2[%dma_start3A_175, %dma_start3A_176] : memref<10000x128xf32, #tpu.memory_space<hbm>> -> memref<10000x128xf32, #tpu.memory_space<hbm>>
      tpu.enqueue_indirect_dma source(%dma_start3A_177 : memref<10000x128xf32, #tpu.memory_space<hbm>>) target(%arg10 : memref<80x128xf32, #tpu.memory_space<vmem>>) offsets(%dma_start3A_174 : memref<80xi32, #tpu.memory_space<vmem>>) semaphore(%arg14 : memref<!tpu.dma_semaphore, #tpu.memory_space<semaphore_mem>>)
    } else {
    }
    %dma_wait3A_148 = arith.constant 0 : i32
    %dma_wait3A_149 = arith.constant 0 : i32
    %dma_wait3A_150 = tpu.memref_slice %arg7[%dma_wait3A_148, %dma_wait3A_149] : memref<64x80xi32, #tpu.memory_space<vmem>> -> memref<1x80xi32, #tpu.memory_space<vmem>>
    %dma_wait3A_151 = tpu.memref_squeeze %dma_wait3A_150 : memref<1x80xi32, #tpu.memory_space<vmem>> -> memref<80xi32, #tpu.memory_space<vmem>>
    %dma_wait3A_152 = arith.constant 0 : i32
    %dma_wait3A_153 = arith.constant 0 : i32
    %dma_wait3A_154 = tpu.memref_slice %arg11[%dma_wait3A_152, %dma_wait3A_153] : memref<10080x128xf32, #tpu.memory_space<vmem_shared>> -> memref<10080x128xf32, #tpu.memory_space<vmem_shared>>
    tpu.wait_indirect_dma semaphore(%arg15 : memref<!tpu.dma_semaphore, #tpu.memory_space<semaphore_mem>>) src(%arg8 : memref<80x128xf32, #tpu.memory_space<vmem>>) dst(%dma_wait3A_154 : memref<10080x128xf32, #tpu.memory_space<vmem_shared>>)
    %barrier3A_155 = arith.constant 0 : index
    tpu.barrier barrier_id(%barrier3A_155)
    %while3A_156 = arith.constant 0 : i32
    %while3A_157 = arith.constant 0 : i32
    %while3A_158 = arith.subi %select_n3A, %while3A_156 : i32
    %while3A_159 = arith.addi %while3A_156, %while3A_158 : i32
    %while3A_160 = arith.constant 1 : i32
    %while3A_161 = arith.divsi %while3A_158, %while3A_160 : i32
    %while3A_162 = arith.muli %while3A_161, %while3A_160 : i32
    %while3A_163 = arith.addi %while3A_156, %while3A_162 : i32
    %while3A_164 = arith.constant 1 : i32
    %while3A_165 = scf.for %while3A_168 = %while3A_156 to %while3A_163 step %while3A_164 iter_args(%while3A_169 = %while3A_157) -> (i32)  : i32 {
      %mul3A_170 = arith.constant 16 : i32
      %mul3A_171 = arith.muli %while3A_168, %mul3A_170 : i32
      %add3A_172 = arith.addi %arg1, %mul3A_171 : i32
      %mul3A_173 = arith.constant 80 : i32
      %mul3A_174 = arith.muli %add3A_172, %mul3A_173 : i32
      "tpu.region"() ({
        %run_scoped3A = tpu.sem_alloc : memref<!tpu.dma_semaphore, #tpu.memory_space<semaphore_mem>>
        %dma_start3A_176 = arith.constant 0 : i32
        %dma_start3A_177 = tpu.memref_slice %arg5[%arg0, %mul3A_174, %dma_start3A_176] : memref<2x10080x128xf32, #tpu.memory_space<hbm>> -> memref<1x80x128xf32, #tpu.memory_space<hbm>>
        %dma_start3A_178 = tpu.memref_squeeze %dma_start3A_177 : memref<1x80x128xf32, #tpu.memory_space<hbm>> -> memref<80x128xf32, #tpu.memory_space<hbm>>
        %dma_start3A_179 = arith.constant 0 : i32
        %dma_start3A_180 = tpu.memref_slice %arg11[%mul3A_174, %dma_start3A_179] : memref<10080x128xf32, #tpu.memory_space<vmem_shared>> -> memref<80x128xf32, #tpu.memory_space<vmem_shared>>
        tpu.enqueue_dma source(%dma_start3A_180 : memref<80x128xf32, #tpu.memory_space<vmem_shared>>) target(%dma_start3A_178 : memref<80x128xf32, #tpu.memory_space<hbm>>) target_semaphore(%run_scoped3A : memref<!tpu.dma_semaphore, #tpu.memory_space<semaphore_mem>>)
        %dma_wait3A_181 = arith.constant 0 : i32
        %dma_wait3A_182 = tpu.memref_slice %arg5[%arg0, %mul3A_174, %dma_wait3A_181] : memref<2x10080x128xf32, #tpu.memory_space<hbm>> -> memref<1x80x128xf32, #tpu.memory_space<hbm>>
        %dma_wait3A_183 = tpu.memref_squeeze %dma_wait3A_182 : memref<1x80x128xf32, #tpu.memory_space<hbm>> -> memref<80x128xf32, #tpu.memory_space<hbm>>
        %dma_wait3A_184 = arith.constant 0 : i32
        %dma_wait3A_185 = tpu.memref_slice %arg11[%mul3A_174, %dma_wait3A_184] : memref<10080x128xf32, #tpu.memory_space<vmem_shared>> -> memref<80x128xf32, #tpu.memory_space<vmem_shared>>
        tpu.wait_dma2 semaphore(%run_scoped3A : memref<!tpu.dma_semaphore, #tpu.memory_space<semaphore_mem>>) src(%dma_wait3A_185 : memref<80x128xf32, #tpu.memory_space<vmem_shared>>) dst(%dma_wait3A_183 : memref<80x128xf32, #tpu.memory_space<hbm>>)
        tpu.yield
      }) : () -> ()
      %while3A_175 = arith.constant 0 : i32
      scf.yield %while3A_175 : i32
    }
    %while3A_166 = arith.constant 1 : i32
    %while3A_167 = scf.for %while3A_168 = %while3A_163 to %while3A_159 step %while3A_166 iter_args(%while3A_169 = %while3A_165) -> (i32)  : i32 {
      %mul3A_170 = arith.constant 16 : i32
      %mul3A_171 = arith.muli %while3A_168, %mul3A_170 : i32
      %add3A_172 = arith.addi %arg1, %mul3A_171 : i32
      %mul3A_173 = arith.constant 80 : i32
      %mul3A_174 = arith.muli %add3A_172, %mul3A_173 : i32
      "tpu.region"() ({
        %run_scoped3A = tpu.sem_alloc : memref<!tpu.dma_semaphore, #tpu.memory_space<semaphore_mem>>
        %dma_start3A_176 = arith.constant 0 : i32
        %dma_start3A_177 = tpu.memref_slice %arg5[%arg0, %mul3A_174, %dma_start3A_176] : memref<2x10080x128xf32, #tpu.memory_space<hbm>> -> memref<1x80x128xf32, #tpu.memory_space<hbm>>
        %dma_start3A_178 = tpu.memref_squeeze %dma_start3A_177 : memref<1x80x128xf32, #tpu.memory_space<hbm>> -> memref<80x128xf32, #tpu.memory_space<hbm>>
        %dma_start3A_179 = arith.constant 0 : i32
        %dma_start3A_180 = tpu.memref_slice %arg11[%mul3A_174, %dma_start3A_179] : memref<10080x128xf32, #tpu.memory_space<vmem_shared>> -> memref<80x128xf32, #tpu.memory_space<vmem_shared>>
        tpu.enqueue_dma source(%dma_start3A_180 : memref<80x128xf32, #tpu.memory_space<vmem_shared>>) target(%dma_start3A_178 : memref<80x128xf32, #tpu.memory_space<hbm>>) target_semaphore(%run_scoped3A : memref<!tpu.dma_semaphore, #tpu.memory_space<semaphore_mem>>)
        %dma_wait3A_181 = arith.constant 0 : i32
        %dma_wait3A_182 = tpu.memref_slice %arg5[%arg0, %mul3A_174, %dma_wait3A_181] : memref<2x10080x128xf32, #tpu.memory_space<hbm>> -> memref<1x80x128xf32, #tpu.memory_space<hbm>>
        %dma_wait3A_183 = tpu.memref_squeeze %dma_wait3A_182 : memref<1x80x128xf32, #tpu.memory_space<hbm>> -> memref<80x128xf32, #tpu.memory_space<hbm>>
        %dma_wait3A_184 = arith.constant 0 : i32
        %dma_wait3A_185 = tpu.memref_slice %arg11[%mul3A_174, %dma_wait3A_184] : memref<10080x128xf32, #tpu.memory_space<vmem_shared>> -> memref<80x128xf32, #tpu.memory_space<vmem_shared>>
        tpu.wait_dma2 semaphore(%run_scoped3A : memref<!tpu.dma_semaphore, #tpu.memory_space<semaphore_mem>>) src(%dma_wait3A_185 : memref<80x128xf32, #tpu.memory_space<vmem_shared>>) dst(%dma_wait3A_183 : memref<80x128xf32, #tpu.memory_space<hbm>>)
        tpu.yield
      }) : () -> ()
      %while3A_175 = arith.constant 0 : i32
      scf.yield %while3A_175 : i32
    }
    return
  }
}

#map = affine_map<(d0, d1) -> (0, 0, 0)>
module attributes {stable_mosaic.version = 14 : i64} {
  func.func @degk(%arg0: i32, %arg1: i32, %arg2: memref<32x125x80xi32, #tpu.memory_space<hbm>>, %arg3: memref<2x80x128xf32, #tpu.memory_space<hbm>>, %arg4: memref<125x80xi32, #tpu.memory_space<vmem>>, %arg5: memref<80x128xf32, #tpu.memory_space<vmem>>, %arg6: memref<80xi32, #tpu.memory_space<vmem>>, %arg7: memref<80x128xf32, #tpu.memory_space<vmem_shared>>) attributes {dimension_semantics = [#tpu.dimension_semantics<core_parallel>, #tpu.dimension_semantics<subcore_parallel>], iteration_bounds = array<i64: 2, 16>, scalar_prefetch = 0 : i64, scratch_operands = 4 : i64, tpu.core_type = #tpu.core_type<sc_vector_subcore>, window_params = [{transform_indices = #map}, {transform_indices = #map}]} {
    %mul3A = arith.constant 16 : i32
    %mul3A_0 = arith.muli %arg0, %mul3A : i32
    %add3A = arith.addi %mul3A_0, %arg1 : i32
    %broadcast_in_dim3A = arith.constant 0.000000e+00 : f32
    %broadcast_in_dim3A_1 = vector.broadcast %broadcast_in_dim3A : f32 to vector<16xf32>
    %iota3A = tpu.iota {dimensions = array<i32: 0>} : vector<16xi32>
    %scan3A = arith.constant 0 : i32
    %scan3A_2 = arith.constant 0 : i32
    %scan3A_3 = arith.constant 80 : i32
    %scan3A_4 = arith.addi %scan3A_2, %scan3A_3 : i32
    %scan3A_5 = arith.constant 1 : i32
    %scan3A_6 = scf.for %scan3A_49 = %scan3A_2 to %scan3A_4 step %scan3A_5 iter_args(%scan3A_50 = %scan3A) -> (i32)  : i32 {
      %swap3A_51 = arith.index_cast %scan3A_49 : i32 to index
      %swap3A_52 = arith.constant 0 : index
      %swap3A_53 = tpu.vector_load %arg5[%swap3A_51, %swap3A_52] {strides = array<i32>} : memref<80x128xf32, #tpu.memory_space<vmem>>, vector<16xf32>,
      tpu.vector_store %arg5[%swap3A_51, %swap3A_52], %broadcast_in_dim3A_1 {strides = array<i32>} : memref<80x128xf32, #tpu.memory_space<vmem>>, vector<16xf32>,
      %swap3A_54 = arith.index_cast %scan3A_49 : i32 to index
      %swap3A_55 = arith.constant 16 : index
      %swap3A_56 = tpu.vector_load %arg5[%swap3A_54, %swap3A_55] {strides = array<i32>} : memref<80x128xf32, #tpu.memory_space<vmem>>, vector<16xf32>,
      tpu.vector_store %arg5[%swap3A_54, %swap3A_55], %broadcast_in_dim3A_1 {strides = array<i32>} : memref<80x128xf32, #tpu.memory_space<vmem>>, vector<16xf32>,
      %swap3A_57 = arith.index_cast %scan3A_49 : i32 to index
      %swap3A_58 = arith.constant 32 : index
      %swap3A_59 = tpu.vector_load %arg5[%swap3A_57, %swap3A_58] {strides = array<i32>} : memref<80x128xf32, #tpu.memory_space<vmem>>, vector<16xf32>,
      tpu.vector_store %arg5[%swap3A_57, %swap3A_58], %broadcast_in_dim3A_1 {strides = array<i32>} : memref<80x128xf32, #tpu.memory_space<vmem>>, vector<16xf32>,
      %swap3A_60 = arith.index_cast %scan3A_49 : i32 to index
      %swap3A_61 = arith.constant 48 : index
      %swap3A_62 = tpu.vector_load %arg5[%swap3A_60, %swap3A_61] {strides = array<i32>} : memref<80x128xf32, #tpu.memory_space<vmem>>, vector<16xf32>,
      tpu.vector_store %arg5[%swap3A_60, %swap3A_61], %broadcast_in_dim3A_1 {strides = array<i32>} : memref<80x128xf32, #tpu.memory_space<vmem>>, vector<16xf32>,
      %swap3A_63 = arith.index_cast %scan3A_49 : i32 to index
      %swap3A_64 = arith.constant 64 : index
      %swap3A_65 = tpu.vector_load %arg5[%swap3A_63, %swap3A_64] {strides = array<i32>} : memref<80x128xf32, #tpu.memory_space<vmem>>, vector<16xf32>,
      tpu.vector_store %arg5[%swap3A_63, %swap3A_64], %broadcast_in_dim3A_1 {strides = array<i32>} : memref<80x128xf32, #tpu.memory_space<vmem>>, vector<16xf32>,
      %swap3A_66 = arith.index_cast %scan3A_49 : i32 to index
      %swap3A_67 = arith.constant 80 : index
      %swap3A_68 = tpu.vector_load %arg5[%swap3A_66, %swap3A_67] {strides = array<i32>} : memref<80x128xf32, #tpu.memory_space<vmem>>, vector<16xf32>,
      tpu.vector_store %arg5[%swap3A_66, %swap3A_67], %broadcast_in_dim3A_1 {strides = array<i32>} : memref<80x128xf32, #tpu.memory_space<vmem>>, vector<16xf32>,
      %swap3A_69 = arith.index_cast %scan3A_49 : i32 to index
      %swap3A_70 = arith.constant 96 : index
      %swap3A_71 = tpu.vector_load %arg5[%swap3A_69, %swap3A_70] {strides = array<i32>} : memref<80x128xf32, #tpu.memory_space<vmem>>, vector<16xf32>,
      tpu.vector_store %arg5[%swap3A_69, %swap3A_70], %broadcast_in_dim3A_1 {strides = array<i32>} : memref<80x128xf32, #tpu.memory_space<vmem>>, vector<16xf32>,
      %swap3A_72 = arith.index_cast %scan3A_49 : i32 to index
      %swap3A_73 = arith.constant 112 : index
      %swap3A_74 = tpu.vector_load %arg5[%swap3A_72, %swap3A_73] {strides = array<i32>} : memref<80x128xf32, #tpu.memory_space<vmem>>, vector<16xf32>,
      tpu.vector_store %arg5[%swap3A_72, %swap3A_73], %broadcast_in_dim3A_1 {strides = array<i32>} : memref<80x128xf32, #tpu.memory_space<vmem>>, vector<16xf32>,
      %scan3A_75 = arith.constant 0 : i32
      scf.yield %scan3A_75 : i32
    }
    %scan3A_7 = arith.constant 80 : i32
    %add3A_8 = arith.constant 0 : i32
    %add3A_9 = vector.broadcast %add3A_8 : i32 to vector<16xi32>
    %add3A_10 = arith.addi %iota3A, %add3A_9 : vector<16xi32>
    %swap3A = arith.constant 0 : index
    %swap3A_11 = tpu.vector_load %arg6[%swap3A] {strides = array<i32>} : memref<80xi32, #tpu.memory_space<vmem>>, vector<16xi32>,
    tpu.vector_store %arg6[%swap3A], %add3A_10 {strides = array<i32>} : memref<80xi32, #tpu.memory_space<vmem>>, vector<16xi32>,
    %add3A_12 = arith.constant 16 : i32
    %add3A_13 = vector.broadcast %add3A_12 : i32 to vector<16xi32>
    %add3A_14 = arith.addi %iota3A, %add3A_13 : vector<16xi32>
    %swap3A_15 = arith.constant 16 : index
    %swap3A_16 = tpu.vector_load %arg6[%swap3A_15] {strides = array<i32>} : memref<80xi32, #tpu.memory_space<vmem>>, vector<16xi32>,
    tpu.vector_store %arg6[%swap3A_15], %add3A_14 {strides = array<i32>} : memref<80xi32, #tpu.memory_space<vmem>>, vector<16xi32>,
    %add3A_17 = arith.constant 32 : i32
    %add3A_18 = vector.broadcast %add3A_17 : i32 to vector<16xi32>
    %add3A_19 = arith.addi %iota3A, %add3A_18 : vector<16xi32>
    %swap3A_20 = arith.constant 32 : index
    %swap3A_21 = tpu.vector_load %arg6[%swap3A_20] {strides = array<i32>} : memref<80xi32, #tpu.memory_space<vmem>>, vector<16xi32>,
    tpu.vector_store %arg6[%swap3A_20], %add3A_19 {strides = array<i32>} : memref<80xi32, #tpu.memory_space<vmem>>, vector<16xi32>,
    %add3A_22 = arith.constant 48 : i32
    %add3A_23 = vector.broadcast %add3A_22 : i32 to vector<16xi32>
    %add3A_24 = arith.addi %iota3A, %add3A_23 : vector<16xi32>
    %swap3A_25 = arith.constant 48 : index
    %swap3A_26 = tpu.vector_load %arg6[%swap3A_25] {strides = array<i32>} : memref<80xi32, #tpu.memory_space<vmem>>, vector<16xi32>,
    tpu.vector_store %arg6[%swap3A_25], %add3A_24 {strides = array<i32>} : memref<80xi32, #tpu.memory_space<vmem>>, vector<16xi32>,
    %add3A_27 = arith.constant 64 : i32
    %add3A_28 = vector.broadcast %add3A_27 : i32 to vector<16xi32>
    %add3A_29 = arith.addi %iota3A, %add3A_28 : vector<16xi32>
    %swap3A_30 = arith.constant 64 : index
    %swap3A_31 = tpu.vector_load %arg6[%swap3A_30] {strides = array<i32>} : memref<80xi32, #tpu.memory_space<vmem>>, vector<16xi32>,
    tpu.vector_store %arg6[%swap3A_30], %add3A_29 {strides = array<i32>} : memref<80xi32, #tpu.memory_space<vmem>>, vector<16xi32>,
    %eq3A = arith.constant 0 : i32
    %eq3A_32 = arith.cmpi eq, %arg1, %eq3A : i32
    %convert_element_type3A = arith.extui %eq3A_32 : i1 to i32
    %cond3A = arith.constant 0 : i32
    %cond3A_33 = arith.cmpi ne, %convert_element_type3A, %cond3A : i32
    scf.if %cond3A_33 {
      "tpu.region"() ({
        %run_scoped3A = tpu.sem_alloc : memref<!tpu.dma_semaphore, #tpu.memory_space<semaphore_mem>>
        tpu.enqueue_dma source(%arg5 : memref<80x128xf32, #tpu.memory_space<vmem>>) target(%arg7 : memref<80x128xf32, #tpu.memory_space<vmem_shared>>) target_semaphore(%run_scoped3A : memref<!tpu.dma_semaphore, #tpu.memory_space<semaphore_mem>>)
        tpu.wait_dma2 semaphore(%run_scoped3A : memref<!tpu.dma_semaphore, #tpu.memory_space<semaphore_mem>>) src(%arg5 : memref<80x128xf32, #tpu.memory_space<vmem>>) dst(%arg7 : memref<80x128xf32, #tpu.memory_space<vmem_shared>>)
        tpu.yield
      }) : () -> ()
    } else {
    }
    %broadcast_in_dim3A_34 = arith.constant 1.000000e+00 : f32
    %broadcast_in_dim3A_35 = vector.broadcast %broadcast_in_dim3A_34 : f32 to vector<16xf32>
    "tpu.region"() ({
      %run_scoped3A = tpu.sem_alloc : memref<!tpu.dma_semaphore, #tpu.memory_space<semaphore_mem>>
      %dma_start3A = arith.constant 0 : i32
      %dma_start3A_49 = arith.constant 0 : i32
      %dma_start3A_50 = tpu.memref_slice %arg2[%add3A, %dma_start3A, %dma_start3A_49] : memref<32x125x80xi32, #tpu.memory_space<hbm>> -> memref<1x125x80xi32, #tpu.memory_space<hbm>>
      %dma_start3A_51 = tpu.memref_squeeze %dma_start3A_50 : memref<1x125x80xi32, #tpu.memory_space<hbm>> -> memref<125x80xi32, #tpu.memory_space<hbm>>
      %dma_start3A_52 = arith.constant 0 : i32
      %dma_start3A_53 = arith.constant 0 : i32
      %dma_start3A_54 = tpu.memref_slice %arg2[%add3A, %dma_start3A_52, %dma_start3A_53] : memref<32x125x80xi32, #tpu.memory_space<hbm>> -> memref<1x125x80xi32, #tpu.memory_space<hbm>>
      %dma_start3A_55 = tpu.memref_squeeze %dma_start3A_54 : memref<1x125x80xi32, #tpu.memory_space<hbm>> -> memref<125x80xi32, #tpu.memory_space<hbm>>
      tpu.enqueue_dma source(%dma_start3A_55 : memref<125x80xi32, #tpu.memory_space<hbm>>) target(%arg4 : memref<125x80xi32, #tpu.memory_space<vmem>>) target_semaphore(%run_scoped3A : memref<!tpu.dma_semaphore, #tpu.memory_space<semaphore_mem>>)
      %dma_wait3A = arith.constant 0 : i32
      %dma_wait3A_56 = arith.constant 0 : i32
      %dma_wait3A_57 = tpu.memref_slice %arg2[%add3A, %dma_wait3A, %dma_wait3A_56] : memref<32x125x80xi32, #tpu.memory_space<hbm>> -> memref<1x125x80xi32, #tpu.memory_space<hbm>>
      %dma_wait3A_58 = tpu.memref_squeeze %dma_wait3A_57 : memref<1x125x80xi32, #tpu.memory_space<hbm>> -> memref<125x80xi32, #tpu.memory_space<hbm>>
      %dma_wait3A_59 = arith.constant 0 : i32
      %dma_wait3A_60 = arith.constant 0 : i32
      %dma_wait3A_61 = tpu.memref_slice %arg2[%add3A, %dma_wait3A_59, %dma_wait3A_60] : memref<32x125x80xi32, #tpu.memory_space<hbm>> -> memref<1x125x80xi32, #tpu.memory_space<hbm>>
      %dma_wait3A_62 = tpu.memref_squeeze %dma_wait3A_61 : memref<1x125x80xi32, #tpu.memory_space<hbm>> -> memref<125x80xi32, #tpu.memory_space<hbm>>
      tpu.wait_dma2 semaphore(%run_scoped3A : memref<!tpu.dma_semaphore, #tpu.memory_space<semaphore_mem>>) src(%dma_wait3A_62 : memref<125x80xi32, #tpu.memory_space<hbm>>) dst(%arg4 : memref<125x80xi32, #tpu.memory_space<vmem>>)
      tpu.yield
    }) : () -> ()
    %scan3A_36 = arith.constant 0 : i32
    %scan3A_37 = arith.constant 0 : i32
    %scan3A_38 = arith.constant 125 : i32
    %scan3A_39 = arith.addi %scan3A_37, %scan3A_38 : i32
    %scan3A_40 = arith.constant 1 : i32
    %scan3A_41 = scf.for %scan3A_49 = %scan3A_37 to %scan3A_39 step %scan3A_40 iter_args(%scan3A_50 = %scan3A_36) -> (i32)  : i32 {
      %get3A = arith.index_cast %scan3A_49 : i32 to index
      %get3A_51 = arith.constant 0 : index
      %get3A_52 = tpu.vector_load %arg4[%get3A, %get3A_51] {strides = array<i32>} : memref<125x80xi32, #tpu.memory_space<vmem>>, vector<16xi32>,
      %shift_right_arithmetic3A = arith.constant 7 : i32
      %shift_right_arithmetic3A_53 = vector.broadcast %shift_right_arithmetic3A : i32 to vector<16xi32>
      %shift_right_arithmetic3A_54 = arith.shrsi %get3A_52, %shift_right_arithmetic3A_53 : vector<16xi32>
      %and3A = arith.constant 127 : i32
      %and3A_55 = vector.broadcast %and3A : i32 to vector<16xi32>
      %and3A_56 = arith.andi %get3A_52, %and3A_55 : vector<16xi32>
      tpu.vector_store_idx %arg5[%shift_right_arithmetic3A_54, %and3A_56], %broadcast_in_dim3A_35 {add = true} : memref<80x128xf32, #tpu.memory_space<vmem>>[vector<16xi32>, vector<16xi32>], vector<16xf32>,
      %get3A_57 = arith.index_cast %scan3A_49 : i32 to index
      %get3A_58 = arith.constant 16 : index
      %get3A_59 = tpu.vector_load %arg4[%get3A_57, %get3A_58] {strides = array<i32>} : memref<125x80xi32, #tpu.memory_space<vmem>>, vector<16xi32>,
      %shift_right_arithmetic3A_60 = arith.constant 7 : i32
      %shift_right_arithmetic3A_61 = vector.broadcast %shift_right_arithmetic3A_60 : i32 to vector<16xi32>
      %shift_right_arithmetic3A_62 = arith.shrsi %get3A_59, %shift_right_arithmetic3A_61 : vector<16xi32>
      %and3A_63 = arith.constant 127 : i32
      %and3A_64 = vector.broadcast %and3A_63 : i32 to vector<16xi32>
      %and3A_65 = arith.andi %get3A_59, %and3A_64 : vector<16xi32>
      tpu.vector_store_idx %arg5[%shift_right_arithmetic3A_62, %and3A_65], %broadcast_in_dim3A_35 {add = true} : memref<80x128xf32, #tpu.memory_space<vmem>>[vector<16xi32>, vector<16xi32>], vector<16xf32>,
      %get3A_66 = arith.index_cast %scan3A_49 : i32 to index
      %get3A_67 = arith.constant 32 : index
      %get3A_68 = tpu.vector_load %arg4[%get3A_66, %get3A_67] {strides = array<i32>} : memref<125x80xi32, #tpu.memory_space<vmem>>, vector<16xi32>,
      %shift_right_arithmetic3A_69 = arith.constant 7 : i32
      %shift_right_arithmetic3A_70 = vector.broadcast %shift_right_arithmetic3A_69 : i32 to vector<16xi32>
      %shift_right_arithmetic3A_71 = arith.shrsi %get3A_68, %shift_right_arithmetic3A_70 : vector<16xi32>
      %and3A_72 = arith.constant 127 : i32
      %and3A_73 = vector.broadcast %and3A_72 : i32 to vector<16xi32>
      %and3A_74 = arith.andi %get3A_68, %and3A_73 : vector<16xi32>
      tpu.vector_store_idx %arg5[%shift_right_arithmetic3A_71, %and3A_74], %broadcast_in_dim3A_35 {add = true} : memref<80x128xf32, #tpu.memory_space<vmem>>[vector<16xi32>, vector<16xi32>], vector<16xf32>,
      %get3A_75 = arith.index_cast %scan3A_49 : i32 to index
      %get3A_76 = arith.constant 48 : index
      %get3A_77 = tpu.vector_load %arg4[%get3A_75, %get3A_76] {strides = array<i32>} : memref<125x80xi32, #tpu.memory_space<vmem>>, vector<16xi32>,
      %shift_right_arithmetic3A_78 = arith.constant 7 : i32
      %shift_right_arithmetic3A_79 = vector.broadcast %shift_right_arithmetic3A_78 : i32 to vector<16xi32>
      %shift_right_arithmetic3A_80 = arith.shrsi %get3A_77, %shift_right_arithmetic3A_79 : vector<16xi32>
      %and3A_81 = arith.constant 127 : i32
      %and3A_82 = vector.broadcast %and3A_81 : i32 to vector<16xi32>
      %and3A_83 = arith.andi %get3A_77, %and3A_82 : vector<16xi32>
      tpu.vector_store_idx %arg5[%shift_right_arithmetic3A_80, %and3A_83], %broadcast_in_dim3A_35 {add = true} : memref<80x128xf32, #tpu.memory_space<vmem>>[vector<16xi32>, vector<16xi32>], vector<16xf32>,
      %get3A_84 = arith.index_cast %scan3A_49 : i32 to index
      %get3A_85 = arith.constant 64 : index
      %get3A_86 = tpu.vector_load %arg4[%get3A_84, %get3A_85] {strides = array<i32>} : memref<125x80xi32, #tpu.memory_space<vmem>>, vector<16xi32>,
      %shift_right_arithmetic3A_87 = arith.constant 7 : i32
      %shift_right_arithmetic3A_88 = vector.broadcast %shift_right_arithmetic3A_87 : i32 to vector<16xi32>
      %shift_right_arithmetic3A_89 = arith.shrsi %get3A_86, %shift_right_arithmetic3A_88 : vector<16xi32>
      %and3A_90 = arith.constant 127 : i32
      %and3A_91 = vector.broadcast %and3A_90 : i32 to vector<16xi32>
      %and3A_92 = arith.andi %get3A_86, %and3A_91 : vector<16xi32>
      tpu.vector_store_idx %arg5[%shift_right_arithmetic3A_89, %and3A_92], %broadcast_in_dim3A_35 {add = true} : memref<80x128xf32, #tpu.memory_space<vmem>>[vector<16xi32>, vector<16xi32>], vector<16xf32>,
      %scan3A_93 = arith.constant 0 : i32
      scf.yield %scan3A_93 : i32
    }
    %scan3A_42 = arith.constant 125 : i32
    %barrier3A = arith.constant 0 : index
    tpu.barrier barrier_id(%barrier3A)
    "tpu.region"() ({
      %run_scoped3A = tpu.sem_alloc : memref<!tpu.dma_semaphore, #tpu.memory_space<semaphore_mem>>
      %dma_start3A = arith.constant 0 : i32
      %dma_start3A_49 = arith.constant 0 : i32
      %dma_start3A_50 = tpu.memref_slice %arg7[%dma_start3A, %dma_start3A_49] : memref<80x128xf32, #tpu.memory_space<vmem_shared>> -> memref<80x128xf32, #tpu.memory_space<vmem_shared>>
      tpu.enqueue_indirect_dma source(%arg5 : memref<80x128xf32, #tpu.memory_space<vmem>>) target(%dma_start3A_50 : memref<80x128xf32, #tpu.memory_space<vmem_shared>>) offsets(%arg6 : memref<80xi32, #tpu.memory_space<vmem>>) semaphore(%run_scoped3A : memref<!tpu.dma_semaphore, #tpu.memory_space<semaphore_mem>>) {add = true}
      %dma_wait3A = arith.constant 0 : i32
      %dma_wait3A_51 = arith.constant 0 : i32
      %dma_wait3A_52 = tpu.memref_slice %arg7[%dma_wait3A, %dma_wait3A_51] : memref<80x128xf32, #tpu.memory_space<vmem_shared>> -> memref<80x128xf32, #tpu.memory_space<vmem_shared>>
      tpu.wait_indirect_dma semaphore(%run_scoped3A : memref<!tpu.dma_semaphore, #tpu.memory_space<semaphore_mem>>) src(%arg5 : memref<80x128xf32, #tpu.memory_space<vmem>>) dst(%dma_wait3A_52 : memref<80x128xf32, #tpu.memory_space<vmem_shared>>)
      tpu.yield
    }) : () -> ()
    %barrier3A_43 = arith.constant 0 : index
    tpu.barrier barrier_id(%barrier3A_43)
    %eq3A_44 = arith.constant 0 : i32
    %eq3A_45 = arith.cmpi eq, %arg1, %eq3A_44 : i32
    %convert_element_type3A_46 = arith.extui %eq3A_45 : i1 to i32
    %cond3A_47 = arith.constant 0 : i32
    %cond3A_48 = arith.cmpi ne, %convert_element_type3A_46, %cond3A_47 : i32
    scf.if %cond3A_48 {
      "tpu.region"() ({
        %run_scoped3A = tpu.sem_alloc : memref<!tpu.dma_semaphore, #tpu.memory_space<semaphore_mem>>
        tpu.enqueue_dma source(%arg7 : memref<80x128xf32, #tpu.memory_space<vmem_shared>>) target(%arg5 : memref<80x128xf32, #tpu.memory_space<vmem>>) target_semaphore(%run_scoped3A : memref<!tpu.dma_semaphore, #tpu.memory_space<semaphore_mem>>)
        tpu.wait_dma2 semaphore(%run_scoped3A : memref<!tpu.dma_semaphore, #tpu.memory_space<semaphore_mem>>) src(%arg7 : memref<80x128xf32, #tpu.memory_space<vmem_shared>>) dst(%arg5 : memref<80x128xf32, #tpu.memory_space<vmem>>)
        tpu.yield
      }) : () -> ()
      "tpu.region"() ({
        %run_scoped3A = tpu.sem_alloc : memref<!tpu.dma_semaphore, #tpu.memory_space<semaphore_mem>>
        %dma_start3A = arith.constant 0 : i32
        %dma_start3A_49 = arith.constant 0 : i32
        %dma_start3A_50 = tpu.memref_slice %arg3[%arg0, %dma_start3A, %dma_start3A_49] : memref<2x80x128xf32, #tpu.memory_space<hbm>> -> memref<1x80x128xf32, #tpu.memory_space<hbm>>
        %dma_start3A_51 = tpu.memref_squeeze %dma_start3A_50 : memref<1x80x128xf32, #tpu.memory_space<hbm>> -> memref<80x128xf32, #tpu.memory_space<hbm>>
        %dma_start3A_52 = arith.constant 0 : i32
        %dma_start3A_53 = arith.constant 0 : i32
        %dma_start3A_54 = tpu.memref_slice %arg3[%arg0, %dma_start3A_52, %dma_start3A_53] : memref<2x80x128xf32, #tpu.memory_space<hbm>> -> memref<1x80x128xf32, #tpu.memory_space<hbm>>
        %dma_start3A_55 = tpu.memref_squeeze %dma_start3A_54 : memref<1x80x128xf32, #tpu.memory_space<hbm>> -> memref<80x128xf32, #tpu.memory_space<hbm>>
        tpu.enqueue_dma source(%arg5 : memref<80x128xf32, #tpu.memory_space<vmem>>) target(%dma_start3A_55 : memref<80x128xf32, #tpu.memory_space<hbm>>) target_semaphore(%run_scoped3A : memref<!tpu.dma_semaphore, #tpu.memory_space<semaphore_mem>>)
        %dma_wait3A = arith.constant 0 : i32
        %dma_wait3A_56 = arith.constant 0 : i32
        %dma_wait3A_57 = tpu.memref_slice %arg3[%arg0, %dma_wait3A, %dma_wait3A_56] : memref<2x80x128xf32, #tpu.memory_space<hbm>> -> memref<1x80x128xf32, #tpu.memory_space<hbm>>
        %dma_wait3A_58 = tpu.memref_squeeze %dma_wait3A_57 : memref<1x80x128xf32, #tpu.memory_space<hbm>> -> memref<80x128xf32, #tpu.memory_space<hbm>>
        %dma_wait3A_59 = arith.constant 0 : i32
        %dma_wait3A_60 = arith.constant 0 : i32
        %dma_wait3A_61 = tpu.memref_slice %arg3[%arg0, %dma_wait3A_59, %dma_wait3A_60] : memref<2x80x128xf32, #tpu.memory_space<hbm>> -> memref<1x80x128xf32, #tpu.memory_space<hbm>>
        %dma_wait3A_62 = tpu.memref_squeeze %dma_wait3A_61 : memref<1x80x128xf32, #tpu.memory_space<hbm>> -> memref<80x128xf32, #tpu.memory_space<hbm>>
        tpu.wait_dma2 semaphore(%run_scoped3A : memref<!tpu.dma_semaphore, #tpu.memory_space<semaphore_mem>>) src(%arg5 : memref<80x128xf32, #tpu.memory_space<vmem>>) dst(%dma_wait3A_62 : memref<80x128xf32, #tpu.memory_space<hbm>>)
        tpu.yield
      }) : () -> ()
    } else {
    }
    return
  }
}

#map = affine_map<(d0, d1) -> (0, 0)>
#map1 = affine_map<(d0, d1) -> (0, 0, 0)>
module attributes {stable_mosaic.version = 14 : i64} {
  func.func @scat(%arg0: i32, %arg1: i32, %arg2: memref<10000x128xf32, #tpu.memory_space<hbm>>, %arg3: memref<32x125x80xi32, #tpu.memory_space<hbm>>, %arg4: memref<32x125x80xi32, #tpu.memory_space<hbm>>, %arg5: memref<2x10080x128xf32, #tpu.memory_space<hbm>>, %arg6: memref<64x80xi32, #tpu.memory_space<vmem>>, %arg7: memref<64x80xi32, #tpu.memory_space<vmem>>, %arg8: memref<80x128xf32, #tpu.memory_space<vmem>>, %arg9: memref<80x128xf32, #tpu.memory_space<vmem>>, %arg10: memref<80x128xf32, #tpu.memory_space<vmem>>, %arg11: memref<10080x128xf32, #tpu.memory_space<vmem_shared>>, %arg12: memref<!tpu.dma_semaphore, #tpu.memory_space<semaphore_mem>>, %arg13: memref<!tpu.dma_semaphore, #tpu.memory_space<semaphore_mem>>, %arg14: memref<!tpu.dma_semaphore, #tpu.memory_space<semaphore_mem>>, %arg15: memref<!tpu.dma_semaphore, #tpu.memory_space<semaphore_mem>>, %arg16: memref<!tpu.dma_semaphore, #tpu.memory_space<semaphore_mem>>, %arg17: memref<!tpu.dma_semaphore, #tpu.memory_space<semaphore_mem>>) attributes {dimension_semantics = [#tpu.dimension_semantics<core_parallel>, #tpu.dimension_semantics<subcore_parallel>], iteration_bounds = array<i64: 2, 16>, scalar_prefetch = 0 : i64, scratch_operands = 12 : i64, tpu.core_type = #tpu.core_type<sc_vector_subcore>, window_params = [{transform_indices = #map}, {transform_indices = #map1}, {transform_indices = #map1}, {transform_indices = #map1}]} {
    %mul3A = arith.constant 16 : i32
    %mul3A_0 = arith.muli %arg0, %mul3A : i32
    %add3A = arith.addi %mul3A_0, %arg1 : i32
    %broadcast_in_dim3A = arith.constant 0.000000e+00 : f32
    %broadcast_in_dim3A_1 = vector.broadcast %broadcast_in_dim3A : f32 to vector<16xf32>
    %scan3A = arith.constant 0 : i32
    %scan3A_2 = arith.constant 0 : i32
    %scan3A_3 = arith.constant 80 : i32
    %scan3A_4 = arith.addi %scan3A_2, %scan3A_3 : i32
    %scan3A_5 = arith.constant 1 : i32
    %scan3A_6 = scf.for %scan3A_168 = %scan3A_2 to %scan3A_4 step %scan3A_5 iter_args(%scan3A_169 = %scan3A) -> (i32)  : i32 {
      %swap3A = arith.index_cast %scan3A_168 : i32 to index
      %swap3A_170 = arith.constant 0 : index
      %swap3A_171 = tpu.vector_load %arg8[%swap3A, %swap3A_170] {strides = array<i32>} : memref<80x128xf32, #tpu.memory_space<vmem>>, vector<16xf32>,
      tpu.vector_store %arg8[%swap3A, %swap3A_170], %broadcast_in_dim3A_1 {strides = array<i32>} : memref<80x128xf32, #tpu.memory_space<vmem>>, vector<16xf32>,
      %swap3A_172 = arith.index_cast %scan3A_168 : i32 to index
      %swap3A_173 = arith.constant 16 : index
      %swap3A_174 = tpu.vector_load %arg8[%swap3A_172, %swap3A_173] {strides = array<i32>} : memref<80x128xf32, #tpu.memory_space<vmem>>, vector<16xf32>,
      tpu.vector_store %arg8[%swap3A_172, %swap3A_173], %broadcast_in_dim3A_1 {strides = array<i32>} : memref<80x128xf32, #tpu.memory_space<vmem>>, vector<16xf32>,
      %swap3A_175 = arith.index_cast %scan3A_168 : i32 to index
      %swap3A_176 = arith.constant 32 : index
      %swap3A_177 = tpu.vector_load %arg8[%swap3A_175, %swap3A_176] {strides = array<i32>} : memref<80x128xf32, #tpu.memory_space<vmem>>, vector<16xf32>,
      tpu.vector_store %arg8[%swap3A_175, %swap3A_176], %broadcast_in_dim3A_1 {strides = array<i32>} : memref<80x128xf32, #tpu.memory_space<vmem>>, vector<16xf32>,
      %swap3A_178 = arith.index_cast %scan3A_168 : i32 to index
      %swap3A_179 = arith.constant 48 : index
      %swap3A_180 = tpu.vector_load %arg8[%swap3A_178, %swap3A_179] {strides = array<i32>} : memref<80x128xf32, #tpu.memory_space<vmem>>, vector<16xf32>,
      tpu.vector_store %arg8[%swap3A_178, %swap3A_179], %broadcast_in_dim3A_1 {strides = array<i32>} : memref<80x128xf32, #tpu.memory_space<vmem>>, vector<16xf32>,
      %swap3A_181 = arith.index_cast %scan3A_168 : i32 to index
      %swap3A_182 = arith.constant 64 : index
      %swap3A_183 = tpu.vector_load %arg8[%swap3A_181, %swap3A_182] {strides = array<i32>} : memref<80x128xf32, #tpu.memory_space<vmem>>, vector<16xf32>,
      tpu.vector_store %arg8[%swap3A_181, %swap3A_182], %broadcast_in_dim3A_1 {strides = array<i32>} : memref<80x128xf32, #tpu.memory_space<vmem>>, vector<16xf32>,
      %swap3A_184 = arith.index_cast %scan3A_168 : i32 to index
      %swap3A_185 = arith.constant 80 : index
      %swap3A_186 = tpu.vector_load %arg8[%swap3A_184, %swap3A_185] {strides = array<i32>} : memref<80x128xf32, #tpu.memory_space<vmem>>, vector<16xf32>,
      tpu.vector_store %arg8[%swap3A_184, %swap3A_185], %broadcast_in_dim3A_1 {strides = array<i32>} : memref<80x128xf32, #tpu.memory_space<vmem>>, vector<16xf32>,
      %swap3A_187 = arith.index_cast %scan3A_168 : i32 to index
      %swap3A_188 = arith.constant 96 : index
      %swap3A_189 = tpu.vector_load %arg8[%swap3A_187, %swap3A_188] {strides = array<i32>} : memref<80x128xf32, #tpu.memory_space<vmem>>, vector<16xf32>,
      tpu.vector_store %arg8[%swap3A_187, %swap3A_188], %broadcast_in_dim3A_1 {strides = array<i32>} : memref<80x128xf32, #tpu.memory_space<vmem>>, vector<16xf32>,
      %swap3A_190 = arith.index_cast %scan3A_168 : i32 to index
      %swap3A_191 = arith.constant 112 : index
      %swap3A_192 = tpu.vector_load %arg8[%swap3A_190, %swap3A_191] {strides = array<i32>} : memref<80x128xf32, #tpu.memory_space<vmem>>, vector<16xf32>,
      tpu.vector_store %arg8[%swap3A_190, %swap3A_191], %broadcast_in_dim3A_1 {strides = array<i32>} : memref<80x128xf32, #tpu.memory_space<vmem>>, vector<16xf32>,
      %scan3A_193 = arith.constant 0 : i32
      scf.yield %scan3A_193 : i32
    }
    %scan3A_7 = arith.constant 80 : i32
    %sub3A = arith.constant 126 : i32
    %sub3A_8 = arith.subi %sub3A, %arg1 : i32
    %add3A_9 = arith.constant 16 : i32
    %add3A_10 = arith.addi %sub3A_8, %add3A_9 : i32
    %sub3A_11 = arith.constant 1 : i32
    %sub3A_12 = arith.subi %add3A_10, %sub3A_11 : i32
    %jit3A = arith.constant 16 : i32
    %div3A = arith.divsi %sub3A_12, %jit3A : i32
    %sign3A = arith.constant 0 : i32
    %sign3A_13 = arith.cmpi sgt, %sub3A_12, %sign3A : i32
    %sign3A_14 = arith.extui %sign3A_13 : i1 to i32
    %sign3A_15 = arith.constant 0 : i32
    %sign3A_16 = arith.cmpi slt, %sub3A_12, %sign3A_15 : i32
    %sign3A_17 = arith.extui %sign3A_16 : i1 to i32
    %sign3A_18 = arith.subi %sign3A_14, %sign3A_17 : i32
    %sign3A_19 = arith.constant 0 : i32
    %sign3A_20 = arith.cmpi sgt, %jit3A, %sign3A_19 : i32
    %sign3A_21 = arith.extui %sign3A_20 : i1 to i32
    %sign3A_22 = arith.constant 0 : i32
    %sign3A_23 = arith.cmpi slt, %jit3A, %sign3A_22 : i32
    %sign3A_24 = arith.extui %sign3A_23 : i1 to i32
    %sign3A_25 = arith.subi %sign3A_21, %sign3A_24 : i32
    %ne3A = arith.cmpi ne, %sign3A_18, %sign3A_25 : i32
    %rem3A = arith.remsi %sub3A_12, %jit3A : i32
    %ne3A_26 = arith.constant 0 : i32
    %ne3A_27 = arith.cmpi ne, %rem3A, %ne3A_26 : i32
    %and3A = arith.andi %ne3A, %ne3A_27 : i1
    %sub3A_28 = arith.constant 1 : i32
    %sub3A_29 = arith.subi %div3A, %sub3A_28 : i32
    %select_n3A = arith.select %and3A, %sub3A_29, %div3A : i32
    %while3A = arith.constant 0 : i32
    %while3A_30 = arith.constant 0 : i32
    %while3A_31 = arith.subi %select_n3A, %while3A : i32
    %while3A_32 = arith.addi %while3A, %while3A_31 : i32
    %while3A_33 = arith.constant 1 : i32
    %while3A_34 = arith.divsi %while3A_31, %while3A_33 : i32
    %while3A_35 = arith.muli %while3A_34, %while3A_33 : i32
    %while3A_36 = arith.addi %while3A, %while3A_35 : i32
    %while3A_37 = arith.constant 1 : i32
    %while3A_38 = scf.for %while3A_168 = %while3A to %while3A_36 step %while3A_37 iter_args(%while3A_169 = %while3A_30) -> (i32)  : i32 {
      %mul3A_170 = arith.constant 16 : i32
      %mul3A_171 = arith.muli %while3A_168, %mul3A_170 : i32
      %add3A_172 = arith.addi %arg1, %mul3A_171 : i32
      %mul3A_173 = arith.constant 80 : i32
      %mul3A_174 = arith.muli %add3A_172, %mul3A_173 : i32
      "tpu.region"() ({
        %run_scoped3A = tpu.sem_alloc : memref<!tpu.dma_semaphore, #tpu.memory_space<semaphore_mem>>
        %dma_start3A_176 = arith.constant 0 : i32
        %dma_start3A_177 = tpu.memref_slice %arg11[%mul3A_174, %dma_start3A_176] : memref<10080x128xf32, #tpu.memory_space<vmem_shared>> -> memref<80x128xf32, #tpu.memory_space<vmem_shared>>
        %dma_start3A_178 = arith.constant 0 : i32
        %dma_start3A_179 = tpu.memref_slice %arg11[%mul3A_174, %dma_start3A_178] : memref<10080x128xf32, #tpu.memory_space<vmem_shared>> -> memref<80x128xf32, #tpu.memory_space<vmem_shared>>
        tpu.enqueue_dma source(%arg8 : memref<80x128xf32, #tpu.memory_space<vmem>>) target(%dma_start3A_179 : memref<80x128xf32, #tpu.memory_space<vmem_shared>>) target_semaphore(%run_scoped3A : memref<!tpu.dma_semaphore, #tpu.memory_space<semaphore_mem>>)
        %dma_wait3A_180 = arith.constant 0 : i32
        %dma_wait3A_181 = tpu.memref_slice %arg11[%mul3A_174, %dma_wait3A_180] : memref<10080x128xf32, #tpu.memory_space<vmem_shared>> -> memref<80x128xf32, #tpu.memory_space<vmem_shared>>
        %dma_wait3A_182 = arith.constant 0 : i32
        %dma_wait3A_183 = tpu.memref_slice %arg11[%mul3A_174, %dma_wait3A_182] : memref<10080x128xf32, #tpu.memory_space<vmem_shared>> -> memref<80x128xf32, #tpu.memory_space<vmem_shared>>
        tpu.wait_dma2 semaphore(%run_scoped3A : memref<!tpu.dma_semaphore, #tpu.memory_space<semaphore_mem>>) src(%arg8 : memref<80x128xf32, #tpu.memory_space<vmem>>) dst(%dma_wait3A_183 : memref<80x128xf32, #tpu.memory_space<vmem_shared>>)
        tpu.yield
      }) : () -> ()
      %while3A_175 = arith.constant 0 : i32
      scf.yield %while3A_175 : i32
    }
    %while3A_39 = arith.constant 1 : i32
    %while3A_40 = scf.for %while3A_168 = %while3A_36 to %while3A_32 step %while3A_39 iter_args(%while3A_169 = %while3A_38) -> (i32)  : i32 {
      %mul3A_170 = arith.constant 16 : i32
      %mul3A_171 = arith.muli %while3A_168, %mul3A_170 : i32
      %add3A_172 = arith.addi %arg1, %mul3A_171 : i32
      %mul3A_173 = arith.constant 80 : i32
      %mul3A_174 = arith.muli %add3A_172, %mul3A_173 : i32
      "tpu.region"() ({
        %run_scoped3A = tpu.sem_alloc : memref<!tpu.dma_semaphore, #tpu.memory_space<semaphore_mem>>
        %dma_start3A_176 = arith.constant 0 : i32
        %dma_start3A_177 = tpu.memref_slice %arg11[%mul3A_174, %dma_start3A_176] : memref<10080x128xf32, #tpu.memory_space<vmem_shared>> -> memref<80x128xf32, #tpu.memory_space<vmem_shared>>
        %dma_start3A_178 = arith.constant 0 : i32
        %dma_start3A_179 = tpu.memref_slice %arg11[%mul3A_174, %dma_start3A_178] : memref<10080x128xf32, #tpu.memory_space<vmem_shared>> -> memref<80x128xf32, #tpu.memory_space<vmem_shared>>
        tpu.enqueue_dma source(%arg8 : memref<80x128xf32, #tpu.memory_space<vmem>>) target(%dma_start3A_179 : memref<80x128xf32, #tpu.memory_space<vmem_shared>>) target_semaphore(%run_scoped3A : memref<!tpu.dma_semaphore, #tpu.memory_space<semaphore_mem>>)
        %dma_wait3A_180 = arith.constant 0 : i32
        %dma_wait3A_181 = tpu.memref_slice %arg11[%mul3A_174, %dma_wait3A_180] : memref<10080x128xf32, #tpu.memory_space<vmem_shared>> -> memref<80x128xf32, #tpu.memory_space<vmem_shared>>
        %dma_wait3A_182 = arith.constant 0 : i32
        %dma_wait3A_183 = tpu.memref_slice %arg11[%mul3A_174, %dma_wait3A_182] : memref<10080x128xf32, #tpu.memory_space<vmem_shared>> -> memref<80x128xf32, #tpu.memory_space<vmem_shared>>
        tpu.wait_dma2 semaphore(%run_scoped3A : memref<!tpu.dma_semaphore, #tpu.memory_space<semaphore_mem>>) src(%arg8 : memref<80x128xf32, #tpu.memory_space<vmem>>) dst(%dma_wait3A_183 : memref<80x128xf32, #tpu.memory_space<vmem_shared>>)
        tpu.yield
      }) : () -> ()
      %while3A_175 = arith.constant 0 : i32
      scf.yield %while3A_175 : i32
    }
    %barrier3A = arith.constant 0 : index
    tpu.barrier barrier_id(%barrier3A)
    "tpu.region"() ({
      %run_scoped3A = tpu.sem_alloc : memref<!tpu.dma_semaphore, #tpu.memory_space<semaphore_mem>>
      %dma_start3A_168 = arith.constant 0 : i32
      %dma_start3A_169 = arith.constant 0 : i32
      %dma_start3A_170 = tpu.memref_slice %arg3[%add3A, %dma_start3A_168, %dma_start3A_169] : memref<32x125x80xi32, #tpu.memory_space<hbm>> -> memref<1x64x80xi32, #tpu.memory_space<hbm>>
      %dma_start3A_171 = tpu.memref_squeeze %dma_start3A_170 : memref<1x64x80xi32, #tpu.memory_space<hbm>> -> memref<64x80xi32, #tpu.memory_space<hbm>>
      %dma_start3A_172 = arith.constant 0 : i32
      %dma_start3A_173 = arith.constant 0 : i32
      %dma_start3A_174 = tpu.memref_slice %arg3[%add3A, %dma_start3A_172, %dma_start3A_173] : memref<32x125x80xi32, #tpu.memory_space<hbm>> -> memref<1x64x80xi32, #tpu.memory_space<hbm>>
      %dma_start3A_175 = tpu.memref_squeeze %dma_start3A_174 : memref<1x64x80xi32, #tpu.memory_space<hbm>> -> memref<64x80xi32, #tpu.memory_space<hbm>>
      tpu.enqueue_dma source(%dma_start3A_175 : memref<64x80xi32, #tpu.memory_space<hbm>>) target(%arg6 : memref<64x80xi32, #tpu.memory_space<vmem>>) target_semaphore(%run_scoped3A : memref<!tpu.dma_semaphore, #tpu.memory_space<semaphore_mem>>)
      %dma_wait3A_176 = arith.constant 0 : i32
      %dma_wait3A_177 = arith.constant 0 : i32
      %dma_wait3A_178 = tpu.memref_slice %arg3[%add3A, %dma_wait3A_176, %dma_wait3A_177] : memref<32x125x80xi32, #tpu.memory_space<hbm>> -> memref<1x64x80xi32, #tpu.memory_space<hbm>>
      %dma_wait3A_179 = tpu.memref_squeeze %dma_wait3A_178 : memref<1x64x80xi32, #tpu.memory_space<hbm>> -> memref<64x80xi32, #tpu.memory_space<hbm>>
      %dma_wait3A_180 = arith.constant 0 : i32
      %dma_wait3A_181 = arith.constant 0 : i32
      %dma_wait3A_182 = tpu.memref_slice %arg3[%add3A, %dma_wait3A_180, %dma_wait3A_181] : memref<32x125x80xi32, #tpu.memory_space<hbm>> -> memref<1x64x80xi32, #tpu.memory_space<hbm>>
      %dma_wait3A_183 = tpu.memref_squeeze %dma_wait3A_182 : memref<1x64x80xi32, #tpu.memory_space<hbm>> -> memref<64x80xi32, #tpu.memory_space<hbm>>
      tpu.wait_dma2 semaphore(%run_scoped3A : memref<!tpu.dma_semaphore, #tpu.memory_space<semaphore_mem>>) src(%dma_wait3A_183 : memref<64x80xi32, #tpu.memory_space<hbm>>) dst(%arg6 : memref<64x80xi32, #tpu.memory_space<vmem>>)
      tpu.yield
    }) : () -> ()
    "tpu.region"() ({
      %run_scoped3A = tpu.sem_alloc : memref<!tpu.dma_semaphore, #tpu.memory_space<semaphore_mem>>
      %dma_start3A_168 = arith.constant 0 : i32
      %dma_start3A_169 = arith.constant 0 : i32
      %dma_start3A_170 = tpu.memref_slice %arg4[%add3A, %dma_start3A_168, %dma_start3A_169] : memref<32x125x80xi32, #tpu.memory_space<hbm>> -> memref<1x64x80xi32, #tpu.memory_space<hbm>>
      %dma_start3A_171 = tpu.memref_squeeze %dma_start3A_170 : memref<1x64x80xi32, #tpu.memory_space<hbm>> -> memref<64x80xi32, #tpu.memory_space<hbm>>
      %dma_start3A_172 = arith.constant 0 : i32
      %dma_start3A_173 = arith.constant 0 : i32
      %dma_start3A_174 = tpu.memref_slice %arg4[%add3A, %dma_start3A_172, %dma_start3A_173] : memref<32x125x80xi32, #tpu.memory_space<hbm>> -> memref<1x64x80xi32, #tpu.memory_space<hbm>>
      %dma_start3A_175 = tpu.memref_squeeze %dma_start3A_174 : memref<1x64x80xi32, #tpu.memory_space<hbm>> -> memref<64x80xi32, #tpu.memory_space<hbm>>
      tpu.enqueue_dma source(%dma_start3A_175 : memref<64x80xi32, #tpu.memory_space<hbm>>) target(%arg7 : memref<64x80xi32, #tpu.memory_space<vmem>>) target_semaphore(%run_scoped3A : memref<!tpu.dma_semaphore, #tpu.memory_space<semaphore_mem>>)
      %dma_wait3A_176 = arith.constant 0 : i32
      %dma_wait3A_177 = arith.constant 0 : i32
      %dma_wait3A_178 = tpu.memref_slice %arg4[%add3A, %dma_wait3A_176, %dma_wait3A_177] : memref<32x125x80xi32, #tpu.memory_space<hbm>> -> memref<1x64x80xi32, #tpu.memory_space<hbm>>
      %dma_wait3A_179 = tpu.memref_squeeze %dma_wait3A_178 : memref<1x64x80xi32, #tpu.memory_space<hbm>> -> memref<64x80xi32, #tpu.memory_space<hbm>>
      %dma_wait3A_180 = arith.constant 0 : i32
      %dma_wait3A_181 = arith.constant 0 : i32
      %dma_wait3A_182 = tpu.memref_slice %arg4[%add3A, %dma_wait3A_180, %dma_wait3A_181] : memref<32x125x80xi32, #tpu.memory_space<hbm>> -> memref<1x64x80xi32, #tpu.memory_space<hbm>>
      %dma_wait3A_183 = tpu.memref_squeeze %dma_wait3A_182 : memref<1x64x80xi32, #tpu.memory_space<hbm>> -> memref<64x80xi32, #tpu.memory_space<hbm>>
      tpu.wait_dma2 semaphore(%run_scoped3A : memref<!tpu.dma_semaphore, #tpu.memory_space<semaphore_mem>>) src(%dma_wait3A_183 : memref<64x80xi32, #tpu.memory_space<hbm>>) dst(%arg7 : memref<64x80xi32, #tpu.memory_space<vmem>>)
      tpu.yield
    }) : () -> ()
    %dma_start3A = arith.constant 0 : i32
    %dma_start3A_41 = arith.constant 0 : i32
    %dma_start3A_42 = tpu.memref_slice %arg6[%dma_start3A, %dma_start3A_41] : memref<64x80xi32, #tpu.memory_space<vmem>> -> memref<1x80xi32, #tpu.memory_space<vmem>>
    %dma_start3A_43 = tpu.memref_squeeze %dma_start3A_42 : memref<1x80xi32, #tpu.memory_space<vmem>> -> memref<80xi32, #tpu.memory_space<vmem>>
    %dma_start3A_44 = arith.constant 0 : i32
    %dma_start3A_45 = arith.constant 0 : i32
    %dma_start3A_46 = tpu.memref_slice %arg2[%dma_start3A_44, %dma_start3A_45] : memref<10000x128xf32, #tpu.memory_space<hbm>> -> memref<10000x128xf32, #tpu.memory_space<hbm>>
    tpu.enqueue_indirect_dma source(%dma_start3A_46 : memref<10000x128xf32, #tpu.memory_space<hbm>>) target(%arg8 : memref<80x128xf32, #tpu.memory_space<vmem>>) offsets(%dma_start3A_43 : memref<80xi32, #tpu.memory_space<vmem>>) semaphore(%arg12 : memref<!tpu.dma_semaphore, #tpu.memory_space<semaphore_mem>>)
    %dma_start3A_47 = arith.constant 1 : i32
    %dma_start3A_48 = arith.constant 0 : i32
    %dma_start3A_49 = tpu.memref_slice %arg6[%dma_start3A_47, %dma_start3A_48] : memref<64x80xi32, #tpu.memory_space<vmem>> -> memref<1x80xi32, #tpu.memory_space<vmem>>
    %dma_start3A_50 = tpu.memref_squeeze %dma_start3A_49 : memref<1x80xi32, #tpu.memory_space<vmem>> -> memref<80xi32, #tpu.memory_space<vmem>>
    %dma_start3A_51 = arith.constant 0 : i32
    %dma_start3A_52 = arith.constant 0 : i32
    %dma_start3A_53 = tpu.memref_slice %arg2[%dma_start3A_51, %dma_start3A_52] : memref<10000x128xf32, #tpu.memory_space<hbm>> -> memref<10000x128xf32, #tpu.memory_space<hbm>>
    tpu.enqueue_indirect_dma source(%dma_start3A_53 : memref<10000x128xf32, #tpu.memory_space<hbm>>) target(%arg9 : memref<80x128xf32, #tpu.memory_space<vmem>>) offsets(%dma_start3A_50 : memref<80xi32, #tpu.memory_space<vmem>>) semaphore(%arg13 : memref<!tpu.dma_semaphore, #tpu.memory_space<semaphore_mem>>)
    %scan3A_54 = arith.constant 0 : i32
    %scan3A_55 = arith.constant 0 : i32
    %scan3A_56 = arith.constant 21 : i32
    %scan3A_57 = arith.addi %scan3A_55, %scan3A_56 : i32
    %scan3A_58 = arith.constant 1 : i32
    %scan3A_59 = scf.for %scan3A_168 = %scan3A_55 to %scan3A_57 step %scan3A_58 iter_args(%scan3A_169 = %scan3A_54) -> (i32)  : i32 {
      %mul3A_170 = arith.constant 3 : i32
      %mul3A_171 = arith.muli %scan3A_168, %mul3A_170 : i32
      %add3A_172 = arith.constant 0 : i32
      %add3A_173 = arith.addi %mul3A_171, %add3A_172 : i32
      %dma_wait3A_174 = arith.constant 0 : i32
      %dma_wait3A_175 = tpu.memref_slice %arg6[%add3A_173, %dma_wait3A_174] : memref<64x80xi32, #tpu.memory_space<vmem>> -> memref<1x80xi32, #tpu.memory_space<vmem>>
      %dma_wait3A_176 = tpu.memref_squeeze %dma_wait3A_175 : memref<1x80xi32, #tpu.memory_space<vmem>> -> memref<80xi32, #tpu.memory_space<vmem>>
      %dma_wait3A_177 = arith.constant 0 : i32
      %dma_wait3A_178 = arith.constant 0 : i32
      %dma_wait3A_179 = tpu.memref_slice %arg2[%dma_wait3A_177, %dma_wait3A_178] : memref<10000x128xf32, #tpu.memory_space<hbm>> -> memref<10000x128xf32, #tpu.memory_space<hbm>>
      tpu.wait_indirect_dma semaphore(%arg12 : memref<!tpu.dma_semaphore, #tpu.memory_space<semaphore_mem>>) src(%dma_wait3A_179 : memref<10000x128xf32, #tpu.memory_space<hbm>>) dst(%arg8 : memref<80x128xf32, #tpu.memory_space<vmem>>)
      %dma_start3A_180 = arith.constant 0 : i32
      %dma_start3A_181 = tpu.memref_slice %arg7[%add3A_173, %dma_start3A_180] : memref<64x80xi32, #tpu.memory_space<vmem>> -> memref<1x80xi32, #tpu.memory_space<vmem>>
      %dma_start3A_182 = tpu.memref_squeeze %dma_start3A_181 : memref<1x80xi32, #tpu.memory_space<vmem>> -> memref<80xi32, #tpu.memory_space<vmem>>
      %dma_start3A_183 = arith.constant 0 : i32
      %dma_start3A_184 = arith.constant 0 : i32
      %dma_start3A_185 = tpu.memref_slice %arg11[%dma_start3A_183, %dma_start3A_184] : memref<10080x128xf32, #tpu.memory_space<vmem_shared>> -> memref<10080x128xf32, #tpu.memory_space<vmem_shared>>
      tpu.enqueue_indirect_dma source(%arg8 : memref<80x128xf32, #tpu.memory_space<vmem>>) target(%dma_start3A_185 : memref<10080x128xf32, #tpu.memory_space<vmem_shared>>) offsets(%dma_start3A_182 : memref<80xi32, #tpu.memory_space<vmem>>) semaphore(%arg15 : memref<!tpu.dma_semaphore, #tpu.memory_space<semaphore_mem>>) {add = true}
      %gt3A_186 = arith.constant 0 : i32
      %gt3A_187 = arith.cmpi sgt, %add3A_173, %gt3A_186 : i32
      %convert_element_type3A_188 = arith.extui %gt3A_187 : i1 to i32
      %cond3A_189 = arith.constant 0 : i32
      %cond3A_190 = arith.cmpi ne, %convert_element_type3A_188, %cond3A_189 : i32
      scf.if %cond3A_190 {
        %dma_wait3A_261 = arith.constant 0 : i32
        %dma_wait3A_262 = tpu.memref_slice %arg7[%add3A_173, %dma_wait3A_261] : memref<64x80xi32, #tpu.memory_space<vmem>> -> memref<1x80xi32, #tpu.memory_space<vmem>>
        %dma_wait3A_263 = tpu.memref_squeeze %dma_wait3A_262 : memref<1x80xi32, #tpu.memory_space<vmem>> -> memref<80xi32, #tpu.memory_space<vmem>>
        %dma_wait3A_264 = arith.constant 0 : i32
        %dma_wait3A_265 = arith.constant 0 : i32
        %dma_wait3A_266 = tpu.memref_slice %arg11[%dma_wait3A_264, %dma_wait3A_265] : memref<10080x128xf32, #tpu.memory_space<vmem_shared>> -> memref<10080x128xf32, #tpu.memory_space<vmem_shared>>
        tpu.wait_indirect_dma semaphore(%arg17 : memref<!tpu.dma_semaphore, #tpu.memory_space<semaphore_mem>>) src(%arg10 : memref<80x128xf32, #tpu.memory_space<vmem>>) dst(%dma_wait3A_266 : memref<10080x128xf32, #tpu.memory_space<vmem_shared>>)
      } else {
      }
      %add3A_191 = arith.constant 3 : i32
      %add3A_192 = arith.addi %add3A_173, %add3A_191 : i32
      %sub3A_193 = arith.constant 1 : i32
      %sub3A_194 = arith.subi %add3A_192, %sub3A_193 : i32
      %lt3A_195 = arith.constant 64 : i32
      %lt3A_196 = arith.cmpi slt, %sub3A_194, %lt3A_195 : i32
      %convert_element_type3A_197 = arith.extui %lt3A_196 : i1 to i32
      %cond3A_198 = arith.constant 0 : i32
      %cond3A_199 = arith.cmpi ne, %convert_element_type3A_197, %cond3A_198 : i32
      scf.if %cond3A_199 {
        %add3A_261 = arith.constant 3 : i32
        %add3A_262 = arith.addi %add3A_173, %add3A_261 : i32
        %sub3A_263 = arith.constant 1 : i32
        %sub3A_264 = arith.subi %add3A_262, %sub3A_263 : i32
        %dma_start3A_265 = arith.constant 0 : i32
        %dma_start3A_266 = tpu.memref_slice %arg6[%sub3A_264, %dma_start3A_265] : memref<64x80xi32, #tpu.memory_space<vmem>> -> memref<1x80xi32, #tpu.memory_space<vmem>>
        %dma_start3A_267 = tpu.memref_squeeze %dma_start3A_266 : memref<1x80xi32, #tpu.memory_space<vmem>> -> memref<80xi32, #tpu.memory_space<vmem>>
        %dma_start3A_268 = arith.constant 0 : i32
        %dma_start3A_269 = arith.constant 0 : i32
        %dma_start3A_270 = tpu.memref_slice %arg2[%dma_start3A_268, %dma_start3A_269] : memref<10000x128xf32, #tpu.memory_space<hbm>> -> memref<10000x128xf32, #tpu.memory_space<hbm>>
        tpu.enqueue_indirect_dma source(%dma_start3A_270 : memref<10000x128xf32, #tpu.memory_space<hbm>>) target(%arg10 : memref<80x128xf32, #tpu.memory_space<vmem>>) offsets(%dma_start3A_267 : memref<80xi32, #tpu.memory_space<vmem>>) semaphore(%arg14 : memref<!tpu.dma_semaphore, #tpu.memory_space<semaphore_mem>>)
      } else {
      }
      %mul3A_200 = arith.constant 3 : i32
      %mul3A_201 = arith.muli %scan3A_168, %mul3A_200 : i32
      %add3A_202 = arith.constant 1 : i32
      %add3A_203 = arith.addi %mul3A_201, %add3A_202 : i32
      %dma_wait3A_204 = arith.constant 0 : i32
      %dma_wait3A_205 = tpu.memref_slice %arg6[%add3A_203, %dma_wait3A_204] : memref<64x80xi32, #tpu.memory_space<vmem>> -> memref<1x80xi32, #tpu.memory_space<vmem>>
      %dma_wait3A_206 = tpu.memref_squeeze %dma_wait3A_205 : memref<1x80xi32, #tpu.memory_space<vmem>> -> memref<80xi32, #tpu.memory_space<vmem>>
      %dma_wait3A_207 = arith.constant 0 : i32
      %dma_wait3A_208 = arith.constant 0 : i32
      %dma_wait3A_209 = tpu.memref_slice %arg2[%dma_wait3A_207, %dma_wait3A_208] : memref<10000x128xf32, #tpu.memory_space<hbm>> -> memref<10000x128xf32, #tpu.memory_space<hbm>>
      tpu.wait_indirect_dma semaphore(%arg13 : memref<!tpu.dma_semaphore, #tpu.memory_space<semaphore_mem>>) src(%dma_wait3A_209 : memref<10000x128xf32, #tpu.memory_space<hbm>>) dst(%arg9 : memref<80x128xf32, #tpu.memory_space<vmem>>)
      %dma_start3A_210 = arith.constant 0 : i32
      %dma_start3A_211 = tpu.memref_slice %arg7[%add3A_203, %dma_start3A_210] : memref<64x80xi32, #tpu.memory_space<vmem>> -> memref<1x80xi32, #tpu.memory_space<vmem>>
      %dma_start3A_212 = tpu.memref_squeeze %dma_start3A_211 : memref<1x80xi32, #tpu.memory_space<vmem>> -> memref<80xi32, #tpu.memory_space<vmem>>
      %dma_start3A_213 = arith.constant 0 : i32
      %dma_start3A_214 = arith.constant 0 : i32
      %dma_start3A_215 = tpu.memref_slice %arg11[%dma_start3A_213, %dma_start3A_214] : memref<10080x128xf32, #tpu.memory_space<vmem_shared>> -> memref<10080x128xf32, #tpu.memory_space<vmem_shared>>
      tpu.enqueue_indirect_dma source(%arg9 : memref<80x128xf32, #tpu.memory_space<vmem>>) target(%dma_start3A_215 : memref<10080x128xf32, #tpu.memory_space<vmem_shared>>) offsets(%dma_start3A_212 : memref<80xi32, #tpu.memory_space<vmem>>) semaphore(%arg16 : memref<!tpu.dma_semaphore, #tpu.memory_space<semaphore_mem>>) {add = true}
      %gt3A_216 = arith.constant 0 : i32
      %gt3A_217 = arith.cmpi sgt, %add3A_203, %gt3A_216 : i32
      %convert_element_type3A_218 = arith.extui %gt3A_217 : i1 to i32
      %cond3A_219 = arith.constant 0 : i32
      %cond3A_220 = arith.cmpi ne, %convert_element_type3A_218, %cond3A_219 : i32
      scf.if %cond3A_220 {
        %dma_wait3A_261 = arith.constant 0 : i32
        %dma_wait3A_262 = tpu.memref_slice %arg7[%add3A_203, %dma_wait3A_261] : memref<64x80xi32, #tpu.memory_space<vmem>> -> memref<1x80xi32, #tpu.memory_space<vmem>>
        %dma_wait3A_263 = tpu.memref_squeeze %dma_wait3A_262 : memref<1x80xi32, #tpu.memory_space<vmem>> -> memref<80xi32, #tpu.memory_space<vmem>>
        %dma_wait3A_264 = arith.constant 0 : i32
        %dma_wait3A_265 = arith.constant 0 : i32
        %dma_wait3A_266 = tpu.memref_slice %arg11[%dma_wait3A_264, %dma_wait3A_265] : memref<10080x128xf32, #tpu.memory_space<vmem_shared>> -> memref<10080x128xf32, #tpu.memory_space<vmem_shared>>
        tpu.wait_indirect_dma semaphore(%arg15 : memref<!tpu.dma_semaphore, #tpu.memory_space<semaphore_mem>>) src(%arg8 : memref<80x128xf32, #tpu.memory_space<vmem>>) dst(%dma_wait3A_266 : memref<10080x128xf32, #tpu.memory_space<vmem_shared>>)
      } else {
      }
      %add3A_221 = arith.constant 3 : i32
      %add3A_222 = arith.addi %add3A_203, %add3A_221 : i32
      %sub3A_223 = arith.constant 1 : i32
      %sub3A_224 = arith.subi %add3A_222, %sub3A_223 : i32
      %lt3A_225 = arith.constant 64 : i32
      %lt3A_226 = arith.cmpi slt, %sub3A_224, %lt3A_225 : i32
      %convert_element_type3A_227 = arith.extui %lt3A_226 : i1 to i32
      %cond3A_228 = arith.constant 0 : i32
      %cond3A_229 = arith.cmpi ne, %convert_element_type3A_227, %cond3A_228 : i32
      scf.if %cond3A_229 {
        %add3A_261 = arith.constant 3 : i32
        %add3A_262 = arith.addi %add3A_203, %add3A_261 : i32
        %sub3A_263 = arith.constant 1 : i32
        %sub3A_264 = arith.subi %add3A_262, %sub3A_263 : i32
        %dma_start3A_265 = arith.constant 0 : i32
        %dma_start3A_266 = tpu.memref_slice %arg6[%sub3A_264, %dma_start3A_265] : memref<64x80xi32, #tpu.memory_space<vmem>> -> memref<1x80xi32, #tpu.memory_space<vmem>>
        %dma_start3A_267 = tpu.memref_squeeze %dma_start3A_266 : memref<1x80xi32, #tpu.memory_space<vmem>> -> memref<80xi32, #tpu.memory_space<vmem>>
        %dma_start3A_268 = arith.constant 0 : i32
        %dma_start3A_269 = arith.constant 0 : i32
        %dma_start3A_270 = tpu.memref_slice %arg2[%dma_start3A_268, %dma_start3A_269] : memref<10000x128xf32, #tpu.memory_space<hbm>> -> memref<10000x128xf32, #tpu.memory_space<hbm>>
        tpu.enqueue_indirect_dma source(%dma_start3A_270 : memref<10000x128xf32, #tpu.memory_space<hbm>>) target(%arg8 : memref<80x128xf32, #tpu.memory_space<vmem>>) offsets(%dma_start3A_267 : memref<80xi32, #tpu.memory_space<vmem>>) semaphore(%arg12 : memref<!tpu.dma_semaphore, #tpu.memory_space<semaphore_mem>>)
      } else {
      }
      %mul3A_230 = arith.constant 3 : i32
      %mul3A_231 = arith.muli %scan3A_168, %mul3A_230 : i32
      %add3A_232 = arith.constant 2 : i32
      %add3A_233 = arith.addi %mul3A_231, %add3A_232 : i32
      %dma_wait3A_234 = arith.constant 0 : i32
      %dma_wait3A_235 = tpu.memref_slice %arg6[%add3A_233, %dma_wait3A_234] : memref<64x80xi32, #tpu.memory_space<vmem>> -> memref<1x80xi32, #tpu.memory_space<vmem>>
      %dma_wait3A_236 = tpu.memref_squeeze %dma_wait3A_235 : memref<1x80xi32, #tpu.memory_space<vmem>> -> memref<80xi32, #tpu.memory_space<vmem>>
      %dma_wait3A_237 = arith.constant 0 : i32
      %dma_wait3A_238 = arith.constant 0 : i32
      %dma_wait3A_239 = tpu.memref_slice %arg2[%dma_wait3A_237, %dma_wait3A_238] : memref<10000x128xf32, #tpu.memory_space<hbm>> -> memref<10000x128xf32, #tpu.memory_space<hbm>>
      tpu.wait_indirect_dma semaphore(%arg14 : memref<!tpu.dma_semaphore, #tpu.memory_space<semaphore_mem>>) src(%dma_wait3A_239 : memref<10000x128xf32, #tpu.memory_space<hbm>>) dst(%arg10 : memref<80x128xf32, #tpu.memory_space<vmem>>)
      %dma_start3A_240 = arith.constant 0 : i32
      %dma_start3A_241 = tpu.memref_slice %arg7[%add3A_233, %dma_start3A_240] : memref<64x80xi32, #tpu.memory_space<vmem>> -> memref<1x80xi32, #tpu.memory_space<vmem>>
      %dma_start3A_242 = tpu.memref_squeeze %dma_start3A_241 : memref<1x80xi32, #tpu.memory_space<vmem>> -> memref<80xi32, #tpu.memory_space<vmem>>
      %dma_start3A_243 = arith.constant 0 : i32
      %dma_start3A_244 = arith.constant 0 : i32
      %dma_start3A_245 = tpu.memref_slice %arg11[%dma_start3A_243, %dma_start3A_244] : memref<10080x128xf32, #tpu.memory_space<vmem_shared>> -> memref<10080x128xf32, #tpu.memory_space<vmem_shared>>
      tpu.enqueue_indirect_dma source(%arg10 : memref<80x128xf32, #tpu.memory_space<vmem>>) target(%dma_start3A_245 : memref<10080x128xf32, #tpu.memory_space<vmem_shared>>) offsets(%dma_start3A_242 : memref<80xi32, #tpu.memory_space<vmem>>) semaphore(%arg17 : memref<!tpu.dma_semaphore, #tpu.memory_space<semaphore_mem>>) {add = true}
      %gt3A_246 = arith.constant 0 : i32
      %gt3A_247 = arith.cmpi sgt, %add3A_233, %gt3A_246 : i32
      %convert_element_type3A_248 = arith.extui %gt3A_247 : i1 to i32
      %cond3A_249 = arith.constant 0 : i32
      %cond3A_250 = arith.cmpi ne, %convert_element_type3A_248, %cond3A_249 : i32
      scf.if %cond3A_250 {
        %dma_wait3A_261 = arith.constant 0 : i32
        %dma_wait3A_262 = tpu.memref_slice %arg7[%add3A_233, %dma_wait3A_261] : memref<64x80xi32, #tpu.memory_space<vmem>> -> memref<1x80xi32, #tpu.memory_space<vmem>>
        %dma_wait3A_263 = tpu.memref_squeeze %dma_wait3A_262 : memref<1x80xi32, #tpu.memory_space<vmem>> -> memref<80xi32, #tpu.memory_space<vmem>>
        %dma_wait3A_264 = arith.constant 0 : i32
        %dma_wait3A_265 = arith.constant 0 : i32
        %dma_wait3A_266 = tpu.memref_slice %arg11[%dma_wait3A_264, %dma_wait3A_265] : memref<10080x128xf32, #tpu.memory_space<vmem_shared>> -> memref<10080x128xf32, #tpu.memory_space<vmem_shared>>
        tpu.wait_indirect_dma semaphore(%arg16 : memref<!tpu.dma_semaphore, #tpu.memory_space<semaphore_mem>>) src(%arg9 : memref<80x128xf32, #tpu.memory_space<vmem>>) dst(%dma_wait3A_266 : memref<10080x128xf32, #tpu.memory_space<vmem_shared>>)
      } else {
      }
      %add3A_251 = arith.constant 3 : i32
      %add3A_252 = arith.addi %add3A_233, %add3A_251 : i32
      %sub3A_253 = arith.constant 1 : i32
      %sub3A_254 = arith.subi %add3A_252, %sub3A_253 : i32
      %lt3A_255 = arith.constant 64 : i32
      %lt3A_256 = arith.cmpi slt, %sub3A_254, %lt3A_255 : i32
      %convert_element_type3A_257 = arith.extui %lt3A_256 : i1 to i32
      %cond3A_258 = arith.constant 0 : i32
      %cond3A_259 = arith.cmpi ne, %convert_element_type3A_257, %cond3A_258 : i32
      scf.if %cond3A_259 {
        %add3A_261 = arith.constant 3 : i32
        %add3A_262 = arith.addi %add3A_233, %add3A_261 : i32
        %sub3A_263 = arith.constant 1 : i32
        %sub3A_264 = arith.subi %add3A_262, %sub3A_263 : i32
        %dma_start3A_265 = arith.constant 0 : i32
        %dma_start3A_266 = tpu.memref_slice %arg6[%sub3A_264, %dma_start3A_265] : memref<64x80xi32, #tpu.memory_space<vmem>> -> memref<1x80xi32, #tpu.memory_space<vmem>>
        %dma_start3A_267 = tpu.memref_squeeze %dma_start3A_266 : memref<1x80xi32, #tpu.memory_space<vmem>> -> memref<80xi32, #tpu.memory_space<vmem>>
        %dma_start3A_268 = arith.constant 0 : i32
        %dma_start3A_269 = arith.constant 0 : i32
        %dma_start3A_270 = tpu.memref_slice %arg2[%dma_start3A_268, %dma_start3A_269] : memref<10000x128xf32, #tpu.memory_space<hbm>> -> memref<10000x128xf32, #tpu.memory_space<hbm>>
        tpu.enqueue_indirect_dma source(%dma_start3A_270 : memref<10000x128xf32, #tpu.memory_space<hbm>>) target(%arg9 : memref<80x128xf32, #tpu.memory_space<vmem>>) offsets(%dma_start3A_267 : memref<80xi32, #tpu.memory_space<vmem>>) semaphore(%arg13 : memref<!tpu.dma_semaphore, #tpu.memory_space<semaphore_mem>>)
      } else {
      }
      %scan3A_260 = arith.constant 0 : i32
      scf.yield %scan3A_260 : i32
    }
    %scan3A_60 = arith.constant 21 : i32
    %dma_wait3A = arith.constant 63 : i32
    %dma_wait3A_61 = arith.constant 0 : i32
    %dma_wait3A_62 = tpu.memref_slice %arg6[%dma_wait3A, %dma_wait3A_61] : memref<64x80xi32, #tpu.memory_space<vmem>> -> memref<1x80xi32, #tpu.memory_space<vmem>>
    %dma_wait3A_63 = tpu.memref_squeeze %dma_wait3A_62 : memref<1x80xi32, #tpu.memory_space<vmem>> -> memref<80xi32, #tpu.memory_space<vmem>>
    %dma_wait3A_64 = arith.constant 0 : i32
    %dma_wait3A_65 = arith.constant 0 : i32
    %dma_wait3A_66 = tpu.memref_slice %arg2[%dma_wait3A_64, %dma_wait3A_65] : memref<10000x128xf32, #tpu.memory_space<hbm>> -> memref<10000x128xf32, #tpu.memory_space<hbm>>
    tpu.wait_indirect_dma semaphore(%arg12 : memref<!tpu.dma_semaphore, #tpu.memory_space<semaphore_mem>>) src(%dma_wait3A_66 : memref<10000x128xf32, #tpu.memory_space<hbm>>) dst(%arg8 : memref<80x128xf32, #tpu.memory_space<vmem>>)
    %dma_start3A_67 = arith.constant 63 : i32
    %dma_start3A_68 = arith.constant 0 : i32
    %dma_start3A_69 = tpu.memref_slice %arg7[%dma_start3A_67, %dma_start3A_68] : memref<64x80xi32, #tpu.memory_space<vmem>> -> memref<1x80xi32, #tpu.memory_space<vmem>>
    %dma_start3A_70 = tpu.memref_squeeze %dma_start3A_69 : memref<1x80xi32, #tpu.memory_space<vmem>> -> memref<80xi32, #tpu.memory_space<vmem>>
    %dma_start3A_71 = arith.constant 0 : i32
    %dma_start3A_72 = arith.constant 0 : i32
    %dma_start3A_73 = tpu.memref_slice %arg11[%dma_start3A_71, %dma_start3A_72] : memref<10080x128xf32, #tpu.memory_space<vmem_shared>> -> memref<10080x128xf32, #tpu.memory_space<vmem_shared>>
    tpu.enqueue_indirect_dma source(%arg8 : memref<80x128xf32, #tpu.memory_space<vmem>>) target(%dma_start3A_73 : memref<10080x128xf32, #tpu.memory_space<vmem_shared>>) offsets(%dma_start3A_70 : memref<80xi32, #tpu.memory_space<vmem>>) semaphore(%arg15 : memref<!tpu.dma_semaphore, #tpu.memory_space<semaphore_mem>>) {add = true}
    %gt3A = arith.constant 63 : i32
    %gt3A_74 = arith.constant 0 : i32
    %gt3A_75 = arith.cmpi sgt, %gt3A, %gt3A_74 : i32
    %convert_element_type3A = arith.extui %gt3A_75 : i1 to i32
    %cond3A = arith.constant 63 : i32
    %cond3A_76 = arith.constant 0 : i32
    %cond3A_77 = arith.cmpi ne, %convert_element_type3A, %cond3A_76 : i32
    scf.if %cond3A_77 {
      %dma_wait3A_168 = arith.constant 0 : i32
      %dma_wait3A_169 = tpu.memref_slice %arg7[%cond3A, %dma_wait3A_168] : memref<64x80xi32, #tpu.memory_space<vmem>> -> memref<1x80xi32, #tpu.memory_space<vmem>>
      %dma_wait3A_170 = tpu.memref_squeeze %dma_wait3A_169 : memref<1x80xi32, #tpu.memory_space<vmem>> -> memref<80xi32, #tpu.memory_space<vmem>>
      %dma_wait3A_171 = arith.constant 0 : i32
      %dma_wait3A_172 = arith.constant 0 : i32
      %dma_wait3A_173 = tpu.memref_slice %arg11[%dma_wait3A_171, %dma_wait3A_172] : memref<10080x128xf32, #tpu.memory_space<vmem_shared>> -> memref<10080x128xf32, #tpu.memory_space<vmem_shared>>
      tpu.wait_indirect_dma semaphore(%arg17 : memref<!tpu.dma_semaphore, #tpu.memory_space<semaphore_mem>>) src(%arg10 : memref<80x128xf32, #tpu.memory_space<vmem>>) dst(%dma_wait3A_173 : memref<10080x128xf32, #tpu.memory_space<vmem_shared>>)
    } else {
    }
    %add3A_78 = arith.constant 63 : i32
    %add3A_79 = arith.constant 3 : i32
    %add3A_80 = arith.addi %add3A_78, %add3A_79 : i32
    %sub3A_81 = arith.constant 1 : i32
    %sub3A_82 = arith.subi %add3A_80, %sub3A_81 : i32
    %lt3A = arith.constant 64 : i32
    %lt3A_83 = arith.cmpi slt, %sub3A_82, %lt3A : i32
    %convert_element_type3A_84 = arith.extui %lt3A_83 : i1 to i32
    %cond3A_85 = arith.constant 63 : i32
    %cond3A_86 = arith.constant 0 : i32
    %cond3A_87 = arith.cmpi ne, %convert_element_type3A_84, %cond3A_86 : i32
    scf.if %cond3A_87 {
      %add3A_168 = arith.constant 3 : i32
      %add3A_169 = arith.addi %cond3A_85, %add3A_168 : i32
      %sub3A_170 = arith.constant 1 : i32
      %sub3A_171 = arith.subi %add3A_169, %sub3A_170 : i32
      %dma_start3A_172 = arith.constant 0 : i32
      %dma_start3A_173 = tpu.memref_slice %arg6[%sub3A_171, %dma_start3A_172] : memref<64x80xi32, #tpu.memory_space<vmem>> -> memref<1x80xi32, #tpu.memory_space<vmem>>
      %dma_start3A_174 = tpu.memref_squeeze %dma_start3A_173 : memref<1x80xi32, #tpu.memory_space<vmem>> -> memref<80xi32, #tpu.memory_space<vmem>>
      %dma_start3A_175 = arith.constant 0 : i32
      %dma_start3A_176 = arith.constant 0 : i32
      %dma_start3A_177 = tpu.memref_slice %arg2[%dma_start3A_175, %dma_start3A_176] : memref<10000x128xf32, #tpu.memory_space<hbm>> -> memref<10000x128xf32, #tpu.memory_space<hbm>>
      tpu.enqueue_indirect_dma source(%dma_start3A_177 : memref<10000x128xf32, #tpu.memory_space<hbm>>) target(%arg10 : memref<80x128xf32, #tpu.memory_space<vmem>>) offsets(%dma_start3A_174 : memref<80xi32, #tpu.memory_space<vmem>>) semaphore(%arg14 : memref<!tpu.dma_semaphore, #tpu.memory_space<semaphore_mem>>)
    } else {
    }
    %dma_wait3A_88 = arith.constant 0 : i32
    %dma_wait3A_89 = arith.constant 0 : i32
    %dma_wait3A_90 = tpu.memref_slice %arg7[%dma_wait3A_88, %dma_wait3A_89] : memref<64x80xi32, #tpu.memory_space<vmem>> -> memref<1x80xi32, #tpu.memory_space<vmem>>
    %dma_wait3A_91 = tpu.memref_squeeze %dma_wait3A_90 : memref<1x80xi32, #tpu.memory_space<vmem>> -> memref<80xi32, #tpu.memory_space<vmem>>
    %dma_wait3A_92 = arith.constant 0 : i32
    %dma_wait3A_93 = arith.constant 0 : i32
    %dma_wait3A_94 = tpu.memref_slice %arg11[%dma_wait3A_92, %dma_wait3A_93] : memref<10080x128xf32, #tpu.memory_space<vmem_shared>> -> memref<10080x128xf32, #tpu.memory_space<vmem_shared>>
    tpu.wait_indirect_dma semaphore(%arg15 : memref<!tpu.dma_semaphore, #tpu.memory_space<semaphore_mem>>) src(%arg8 : memref<80x128xf32, #tpu.memory_space<vmem>>) dst(%dma_wait3A_94 : memref<10080x128xf32, #tpu.memory_space<vmem_shared>>)
    "tpu.region"() ({
      %run_scoped3A = tpu.sem_alloc : memref<!tpu.dma_semaphore, #tpu.memory_space<semaphore_mem>>
      %dma_start3A_168 = arith.constant 0 : i32
      %dma_start3A_169 = arith.constant 0 : i32
      %dma_start3A_170 = tpu.memref_slice %arg6[%dma_start3A_168, %dma_start3A_169] : memref<64x80xi32, #tpu.memory_space<vmem>> -> memref<61x80xi32, #tpu.memory_space<vmem>>
      %dma_start3A_171 = arith.constant 64 : i32
      %dma_start3A_172 = arith.constant 0 : i32
      %dma_start3A_173 = tpu.memref_slice %arg3[%add3A, %dma_start3A_171, %dma_start3A_172] : memref<32x125x80xi32, #tpu.memory_space<hbm>> -> memref<1x61x80xi32, #tpu.memory_space<hbm>>
      %dma_start3A_174 = tpu.memref_squeeze %dma_start3A_173 : memref<1x61x80xi32, #tpu.memory_space<hbm>> -> memref<61x80xi32, #tpu.memory_space<hbm>>
      %dma_start3A_175 = arith.constant 0 : i32
      %dma_start3A_176 = arith.constant 0 : i32
      %dma_start3A_177 = tpu.memref_slice %arg6[%dma_start3A_175, %dma_start3A_176] : memref<64x80xi32, #tpu.memory_space<vmem>> -> memref<61x80xi32, #tpu.memory_space<vmem>>
      %dma_start3A_178 = arith.constant 64 : i32
      %dma_start3A_179 = arith.constant 0 : i32
      %dma_start3A_180 = tpu.memref_slice %arg3[%add3A, %dma_start3A_178, %dma_start3A_179] : memref<32x125x80xi32, #tpu.memory_space<hbm>> -> memref<1x61x80xi32, #tpu.memory_space<hbm>>
      %dma_start3A_181 = tpu.memref_squeeze %dma_start3A_180 : memref<1x61x80xi32, #tpu.memory_space<hbm>> -> memref<61x80xi32, #tpu.memory_space<hbm>>
      tpu.enqueue_dma source(%dma_start3A_181 : memref<61x80xi32, #tpu.memory_space<hbm>>) target(%dma_start3A_177 : memref<61x80xi32, #tpu.memory_space<vmem>>) target_semaphore(%run_scoped3A : memref<!tpu.dma_semaphore, #tpu.memory_space<semaphore_mem>>)
      %dma_wait3A_182 = arith.constant 0 : i32
      %dma_wait3A_183 = arith.constant 0 : i32
      %dma_wait3A_184 = tpu.memref_slice %arg6[%dma_wait3A_182, %dma_wait3A_183] : memref<64x80xi32, #tpu.memory_space<vmem>> -> memref<61x80xi32, #tpu.memory_space<vmem>>
      %dma_wait3A_185 = arith.constant 64 : i32
      %dma_wait3A_186 = arith.constant 0 : i32
      %dma_wait3A_187 = tpu.memref_slice %arg3[%add3A, %dma_wait3A_185, %dma_wait3A_186] : memref<32x125x80xi32, #tpu.memory_space<hbm>> -> memref<1x61x80xi32, #tpu.memory_space<hbm>>
      %dma_wait3A_188 = tpu.memref_squeeze %dma_wait3A_187 : memref<1x61x80xi32, #tpu.memory_space<hbm>> -> memref<61x80xi32, #tpu.memory_space<hbm>>
      %dma_wait3A_189 = arith.constant 0 : i32
      %dma_wait3A_190 = arith.constant 0 : i32
      %dma_wait3A_191 = tpu.memref_slice %arg6[%dma_wait3A_189, %dma_wait3A_190] : memref<64x80xi32, #tpu.memory_space<vmem>> -> memref<61x80xi32, #tpu.memory_space<vmem>>
      %dma_wait3A_192 = arith.constant 64 : i32
      %dma_wait3A_193 = arith.constant 0 : i32
      %dma_wait3A_194 = tpu.memref_slice %arg3[%add3A, %dma_wait3A_192, %dma_wait3A_193] : memref<32x125x80xi32, #tpu.memory_space<hbm>> -> memref<1x61x80xi32, #tpu.memory_space<hbm>>
      %dma_wait3A_195 = tpu.memref_squeeze %dma_wait3A_194 : memref<1x61x80xi32, #tpu.memory_space<hbm>> -> memref<61x80xi32, #tpu.memory_space<hbm>>
      tpu.wait_dma2 semaphore(%run_scoped3A : memref<!tpu.dma_semaphore, #tpu.memory_space<semaphore_mem>>) src(%dma_wait3A_195 : memref<61x80xi32, #tpu.memory_space<hbm>>) dst(%dma_wait3A_191 : memref<61x80xi32, #tpu.memory_space<vmem>>)
      tpu.yield
    }) : () -> ()
    "tpu.region"() ({
      %run_scoped3A = tpu.sem_alloc : memref<!tpu.dma_semaphore, #tpu.memory_space<semaphore_mem>>
      %dma_start3A_168 = arith.constant 0 : i32
      %dma_start3A_169 = arith.constant 0 : i32
      %dma_start3A_170 = tpu.memref_slice %arg7[%dma_start3A_168, %dma_start3A_169] : memref<64x80xi32, #tpu.memory_space<vmem>> -> memref<61x80xi32, #tpu.memory_space<vmem>>
      %dma_start3A_171 = arith.constant 64 : i32
      %dma_start3A_172 = arith.constant 0 : i32
      %dma_start3A_173 = tpu.memref_slice %arg4[%add3A, %dma_start3A_171, %dma_start3A_172] : memref<32x125x80xi32, #tpu.memory_space<hbm>> -> memref<1x61x80xi32, #tpu.memory_space<hbm>>
      %dma_start3A_174 = tpu.memref_squeeze %dma_start3A_173 : memref<1x61x80xi32, #tpu.memory_space<hbm>> -> memref<61x80xi32, #tpu.memory_space<hbm>>
      %dma_start3A_175 = arith.constant 0 : i32
      %dma_start3A_176 = arith.constant 0 : i32
      %dma_start3A_177 = tpu.memref_slice %arg7[%dma_start3A_175, %dma_start3A_176] : memref<64x80xi32, #tpu.memory_space<vmem>> -> memref<61x80xi32, #tpu.memory_space<vmem>>
      %dma_start3A_178 = arith.constant 64 : i32
      %dma_start3A_179 = arith.constant 0 : i32
      %dma_start3A_180 = tpu.memref_slice %arg4[%add3A, %dma_start3A_178, %dma_start3A_179] : memref<32x125x80xi32, #tpu.memory_space<hbm>> -> memref<1x61x80xi32, #tpu.memory_space<hbm>>
      %dma_start3A_181 = tpu.memref_squeeze %dma_start3A_180 : memref<1x61x80xi32, #tpu.memory_space<hbm>> -> memref<61x80xi32, #tpu.memory_space<hbm>>
      tpu.enqueue_dma source(%dma_start3A_181 : memref<61x80xi32, #tpu.memory_space<hbm>>) target(%dma_start3A_177 : memref<61x80xi32, #tpu.memory_space<vmem>>) target_semaphore(%run_scoped3A : memref<!tpu.dma_semaphore, #tpu.memory_space<semaphore_mem>>)
      %dma_wait3A_182 = arith.constant 0 : i32
      %dma_wait3A_183 = arith.constant 0 : i32
      %dma_wait3A_184 = tpu.memref_slice %arg7[%dma_wait3A_182, %dma_wait3A_183] : memref<64x80xi32, #tpu.memory_space<vmem>> -> memref<61x80xi32, #tpu.memory_space<vmem>>
      %dma_wait3A_185 = arith.constant 64 : i32
      %dma_wait3A_186 = arith.constant 0 : i32
      %dma_wait3A_187 = tpu.memref_slice %arg4[%add3A, %dma_wait3A_185, %dma_wait3A_186] : memref<32x125x80xi32, #tpu.memory_space<hbm>> -> memref<1x61x80xi32, #tpu.memory_space<hbm>>
      %dma_wait3A_188 = tpu.memref_squeeze %dma_wait3A_187 : memref<1x61x80xi32, #tpu.memory_space<hbm>> -> memref<61x80xi32, #tpu.memory_space<hbm>>
      %dma_wait3A_189 = arith.constant 0 : i32
      %dma_wait3A_190 = arith.constant 0 : i32
      %dma_wait3A_191 = tpu.memref_slice %arg7[%dma_wait3A_189, %dma_wait3A_190] : memref<64x80xi32, #tpu.memory_space<vmem>> -> memref<61x80xi32, #tpu.memory_space<vmem>>
      %dma_wait3A_192 = arith.constant 64 : i32
      %dma_wait3A_193 = arith.constant 0 : i32
      %dma_wait3A_194 = tpu.memref_slice %arg4[%add3A, %dma_wait3A_192, %dma_wait3A_193] : memref<32x125x80xi32, #tpu.memory_space<hbm>> -> memref<1x61x80xi32, #tpu.memory_space<hbm>>
      %dma_wait3A_195 = tpu.memref_squeeze %dma_wait3A_194 : memref<1x61x80xi32, #tpu.memory_space<hbm>> -> memref<61x80xi32, #tpu.memory_space<hbm>>
      tpu.wait_dma2 semaphore(%run_scoped3A : memref<!tpu.dma_semaphore, #tpu.memory_space<semaphore_mem>>) src(%dma_wait3A_195 : memref<61x80xi32, #tpu.memory_space<hbm>>) dst(%dma_wait3A_191 : memref<61x80xi32, #tpu.memory_space<vmem>>)
      tpu.yield
    }) : () -> ()
    %dma_start3A_95 = arith.constant 0 : i32
    %dma_start3A_96 = arith.constant 0 : i32
    %dma_start3A_97 = tpu.memref_slice %arg6[%dma_start3A_95, %dma_start3A_96] : memref<64x80xi32, #tpu.memory_space<vmem>> -> memref<1x80xi32, #tpu.memory_space<vmem>>
    %dma_start3A_98 = tpu.memref_squeeze %dma_start3A_97 : memref<1x80xi32, #tpu.memory_space<vmem>> -> memref<80xi32, #tpu.memory_space<vmem>>
    %dma_start3A_99 = arith.constant 0 : i32
    %dma_start3A_100 = arith.constant 0 : i32
    %dma_start3A_101 = tpu.memref_slice %arg2[%dma_start3A_99, %dma_start3A_100] : memref<10000x128xf32, #tpu.memory_space<hbm>> -> memref<10000x128xf32, #tpu.memory_space<hbm>>
    tpu.enqueue_indirect_dma source(%dma_start3A_101 : memref<10000x128xf32, #tpu.memory_space<hbm>>) target(%arg8 : memref<80x128xf32, #tpu.memory_space<vmem>>) offsets(%dma_start3A_98 : memref<80xi32, #tpu.memory_space<vmem>>) semaphore(%arg12 : memref<!tpu.dma_semaphore, #tpu.memory_space<semaphore_mem>>)
    %dma_start3A_102 = arith.constant 1 : i32
    %dma_start3A_103 = arith.constant 0 : i32
    %dma_start3A_104 = tpu.memref_slice %arg6[%dma_start3A_102, %dma_start3A_103] : memref<64x80xi32, #tpu.memory_space<vmem>> -> memref<1x80xi32, #tpu.memory_space<vmem>>
    %dma_start3A_105 = tpu.memref_squeeze %dma_start3A_104 : memref<1x80xi32, #tpu.memory_space<vmem>> -> memref<80xi32, #tpu.memory_space<vmem>>
    %dma_start3A_106 = arith.constant 0 : i32
    %dma_start3A_107 = arith.constant 0 : i32
    %dma_start3A_108 = tpu.memref_slice %arg2[%dma_start3A_106, %dma_start3A_107] : memref<10000x128xf32, #tpu.memory_space<hbm>> -> memref<10000x128xf32, #tpu.memory_space<hbm>>
    tpu.enqueue_indirect_dma source(%dma_start3A_108 : memref<10000x128xf32, #tpu.memory_space<hbm>>) target(%arg9 : memref<80x128xf32, #tpu.memory_space<vmem>>) offsets(%dma_start3A_105 : memref<80xi32, #tpu.memory_space<vmem>>) semaphore(%arg13 : memref<!tpu.dma_semaphore, #tpu.memory_space<semaphore_mem>>)
    %scan3A_109 = arith.constant 0 : i32
    %scan3A_110 = arith.constant 0 : i32
    %scan3A_111 = arith.constant 20 : i32
    %scan3A_112 = arith.addi %scan3A_110, %scan3A_111 : i32
    %scan3A_113 = arith.constant 1 : i32
    %scan3A_114 = scf.for %scan3A_168 = %scan3A_110 to %scan3A_112 step %scan3A_113 iter_args(%scan3A_169 = %scan3A_109) -> (i32)  : i32 {
      %mul3A_170 = arith.constant 3 : i32
      %mul3A_171 = arith.muli %scan3A_168, %mul3A_170 : i32
      %add3A_172 = arith.constant 0 : i32
      %add3A_173 = arith.addi %mul3A_171, %add3A_172 : i32
      %dma_wait3A_174 = arith.constant 0 : i32
      %dma_wait3A_175 = tpu.memref_slice %arg6[%add3A_173, %dma_wait3A_174] : memref<64x80xi32, #tpu.memory_space<vmem>> -> memref<1x80xi32, #tpu.memory_space<vmem>>
      %dma_wait3A_176 = tpu.memref_squeeze %dma_wait3A_175 : memref<1x80xi32, #tpu.memory_space<vmem>> -> memref<80xi32, #tpu.memory_space<vmem>>
      %dma_wait3A_177 = arith.constant 0 : i32
      %dma_wait3A_178 = arith.constant 0 : i32
      %dma_wait3A_179 = tpu.memref_slice %arg2[%dma_wait3A_177, %dma_wait3A_178] : memref<10000x128xf32, #tpu.memory_space<hbm>> -> memref<10000x128xf32, #tpu.memory_space<hbm>>
      tpu.wait_indirect_dma semaphore(%arg12 : memref<!tpu.dma_semaphore, #tpu.memory_space<semaphore_mem>>) src(%dma_wait3A_179 : memref<10000x128xf32, #tpu.memory_space<hbm>>) dst(%arg8 : memref<80x128xf32, #tpu.memory_space<vmem>>)
      %dma_start3A_180 = arith.constant 0 : i32
      %dma_start3A_181 = tpu.memref_slice %arg7[%add3A_173, %dma_start3A_180] : memref<64x80xi32, #tpu.memory_space<vmem>> -> memref<1x80xi32, #tpu.memory_space<vmem>>
      %dma_start3A_182 = tpu.memref_squeeze %dma_start3A_181 : memref<1x80xi32, #tpu.memory_space<vmem>> -> memref<80xi32, #tpu.memory_space<vmem>>
      %dma_start3A_183 = arith.constant 0 : i32
      %dma_start3A_184 = arith.constant 0 : i32
      %dma_start3A_185 = tpu.memref_slice %arg11[%dma_start3A_183, %dma_start3A_184] : memref<10080x128xf32, #tpu.memory_space<vmem_shared>> -> memref<10080x128xf32, #tpu.memory_space<vmem_shared>>
      tpu.enqueue_indirect_dma source(%arg8 : memref<80x128xf32, #tpu.memory_space<vmem>>) target(%dma_start3A_185 : memref<10080x128xf32, #tpu.memory_space<vmem_shared>>) offsets(%dma_start3A_182 : memref<80xi32, #tpu.memory_space<vmem>>) semaphore(%arg15 : memref<!tpu.dma_semaphore, #tpu.memory_space<semaphore_mem>>) {add = true}
      %gt3A_186 = arith.constant 0 : i32
      %gt3A_187 = arith.cmpi sgt, %add3A_173, %gt3A_186 : i32
      %convert_element_type3A_188 = arith.extui %gt3A_187 : i1 to i32
      %cond3A_189 = arith.constant 0 : i32
      %cond3A_190 = arith.cmpi ne, %convert_element_type3A_188, %cond3A_189 : i32
      scf.if %cond3A_190 {
        %dma_wait3A_261 = arith.constant 0 : i32
        %dma_wait3A_262 = tpu.memref_slice %arg7[%add3A_173, %dma_wait3A_261] : memref<64x80xi32, #tpu.memory_space<vmem>> -> memref<1x80xi32, #tpu.memory_space<vmem>>
        %dma_wait3A_263 = tpu.memref_squeeze %dma_wait3A_262 : memref<1x80xi32, #tpu.memory_space<vmem>> -> memref<80xi32, #tpu.memory_space<vmem>>
        %dma_wait3A_264 = arith.constant 0 : i32
        %dma_wait3A_265 = arith.constant 0 : i32
        %dma_wait3A_266 = tpu.memref_slice %arg11[%dma_wait3A_264, %dma_wait3A_265] : memref<10080x128xf32, #tpu.memory_space<vmem_shared>> -> memref<10080x128xf32, #tpu.memory_space<vmem_shared>>
        tpu.wait_indirect_dma semaphore(%arg17 : memref<!tpu.dma_semaphore, #tpu.memory_space<semaphore_mem>>) src(%arg10 : memref<80x128xf32, #tpu.memory_space<vmem>>) dst(%dma_wait3A_266 : memref<10080x128xf32, #tpu.memory_space<vmem_shared>>)
      } else {
      }
      %add3A_191 = arith.constant 3 : i32
      %add3A_192 = arith.addi %add3A_173, %add3A_191 : i32
      %sub3A_193 = arith.constant 1 : i32
      %sub3A_194 = arith.subi %add3A_192, %sub3A_193 : i32
      %lt3A_195 = arith.constant 61 : i32
      %lt3A_196 = arith.cmpi slt, %sub3A_194, %lt3A_195 : i32
      %convert_element_type3A_197 = arith.extui %lt3A_196 : i1 to i32
      %cond3A_198 = arith.constant 0 : i32
      %cond3A_199 = arith.cmpi ne, %convert_element_type3A_197, %cond3A_198 : i32
      scf.if %cond3A_199 {
        %add3A_261 = arith.constant 3 : i32
        %add3A_262 = arith.addi %add3A_173, %add3A_261 : i32
        %sub3A_263 = arith.constant 1 : i32
        %sub3A_264 = arith.subi %add3A_262, %sub3A_263 : i32
        %dma_start3A_265 = arith.constant 0 : i32
        %dma_start3A_266 = tpu.memref_slice %arg6[%sub3A_264, %dma_start3A_265] : memref<64x80xi32, #tpu.memory_space<vmem>> -> memref<1x80xi32, #tpu.memory_space<vmem>>
        %dma_start3A_267 = tpu.memref_squeeze %dma_start3A_266 : memref<1x80xi32, #tpu.memory_space<vmem>> -> memref<80xi32, #tpu.memory_space<vmem>>
        %dma_start3A_268 = arith.constant 0 : i32
        %dma_start3A_269 = arith.constant 0 : i32
        %dma_start3A_270 = tpu.memref_slice %arg2[%dma_start3A_268, %dma_start3A_269] : memref<10000x128xf32, #tpu.memory_space<hbm>> -> memref<10000x128xf32, #tpu.memory_space<hbm>>
        tpu.enqueue_indirect_dma source(%dma_start3A_270 : memref<10000x128xf32, #tpu.memory_space<hbm>>) target(%arg10 : memref<80x128xf32, #tpu.memory_space<vmem>>) offsets(%dma_start3A_267 : memref<80xi32, #tpu.memory_space<vmem>>) semaphore(%arg14 : memref<!tpu.dma_semaphore, #tpu.memory_space<semaphore_mem>>)
      } else {
      }
      %mul3A_200 = arith.constant 3 : i32
      %mul3A_201 = arith.muli %scan3A_168, %mul3A_200 : i32
      %add3A_202 = arith.constant 1 : i32
      %add3A_203 = arith.addi %mul3A_201, %add3A_202 : i32
      %dma_wait3A_204 = arith.constant 0 : i32
      %dma_wait3A_205 = tpu.memref_slice %arg6[%add3A_203, %dma_wait3A_204] : memref<64x80xi32, #tpu.memory_space<vmem>> -> memref<1x80xi32, #tpu.memory_space<vmem>>
      %dma_wait3A_206 = tpu.memref_squeeze %dma_wait3A_205 : memref<1x80xi32, #tpu.memory_space<vmem>> -> memref<80xi32, #tpu.memory_space<vmem>>
      %dma_wait3A_207 = arith.constant 0 : i32
      %dma_wait3A_208 = arith.constant 0 : i32
      %dma_wait3A_209 = tpu.memref_slice %arg2[%dma_wait3A_207, %dma_wait3A_208] : memref<10000x128xf32, #tpu.memory_space<hbm>> -> memref<10000x128xf32, #tpu.memory_space<hbm>>
      tpu.wait_indirect_dma semaphore(%arg13 : memref<!tpu.dma_semaphore, #tpu.memory_space<semaphore_mem>>) src(%dma_wait3A_209 : memref<10000x128xf32, #tpu.memory_space<hbm>>) dst(%arg9 : memref<80x128xf32, #tpu.memory_space<vmem>>)
      %dma_start3A_210 = arith.constant 0 : i32
      %dma_start3A_211 = tpu.memref_slice %arg7[%add3A_203, %dma_start3A_210] : memref<64x80xi32, #tpu.memory_space<vmem>> -> memref<1x80xi32, #tpu.memory_space<vmem>>
      %dma_start3A_212 = tpu.memref_squeeze %dma_start3A_211 : memref<1x80xi32, #tpu.memory_space<vmem>> -> memref<80xi32, #tpu.memory_space<vmem>>
      %dma_start3A_213 = arith.constant 0 : i32
      %dma_start3A_214 = arith.constant 0 : i32
      %dma_start3A_215 = tpu.memref_slice %arg11[%dma_start3A_213, %dma_start3A_214] : memref<10080x128xf32, #tpu.memory_space<vmem_shared>> -> memref<10080x128xf32, #tpu.memory_space<vmem_shared>>
      tpu.enqueue_indirect_dma source(%arg9 : memref<80x128xf32, #tpu.memory_space<vmem>>) target(%dma_start3A_215 : memref<10080x128xf32, #tpu.memory_space<vmem_shared>>) offsets(%dma_start3A_212 : memref<80xi32, #tpu.memory_space<vmem>>) semaphore(%arg16 : memref<!tpu.dma_semaphore, #tpu.memory_space<semaphore_mem>>) {add = true}
      %gt3A_216 = arith.constant 0 : i32
      %gt3A_217 = arith.cmpi sgt, %add3A_203, %gt3A_216 : i32
      %convert_element_type3A_218 = arith.extui %gt3A_217 : i1 to i32
      %cond3A_219 = arith.constant 0 : i32
      %cond3A_220 = arith.cmpi ne, %convert_element_type3A_218, %cond3A_219 : i32
      scf.if %cond3A_220 {
        %dma_wait3A_261 = arith.constant 0 : i32
        %dma_wait3A_262 = tpu.memref_slice %arg7[%add3A_203, %dma_wait3A_261] : memref<64x80xi32, #tpu.memory_space<vmem>> -> memref<1x80xi32, #tpu.memory_space<vmem>>
        %dma_wait3A_263 = tpu.memref_squeeze %dma_wait3A_262 : memref<1x80xi32, #tpu.memory_space<vmem>> -> memref<80xi32, #tpu.memory_space<vmem>>
        %dma_wait3A_264 = arith.constant 0 : i32
        %dma_wait3A_265 = arith.constant 0 : i32
        %dma_wait3A_266 = tpu.memref_slice %arg11[%dma_wait3A_264, %dma_wait3A_265] : memref<10080x128xf32, #tpu.memory_space<vmem_shared>> -> memref<10080x128xf32, #tpu.memory_space<vmem_shared>>
        tpu.wait_indirect_dma semaphore(%arg15 : memref<!tpu.dma_semaphore, #tpu.memory_space<semaphore_mem>>) src(%arg8 : memref<80x128xf32, #tpu.memory_space<vmem>>) dst(%dma_wait3A_266 : memref<10080x128xf32, #tpu.memory_space<vmem_shared>>)
      } else {
      }
      %add3A_221 = arith.constant 3 : i32
      %add3A_222 = arith.addi %add3A_203, %add3A_221 : i32
      %sub3A_223 = arith.constant 1 : i32
      %sub3A_224 = arith.subi %add3A_222, %sub3A_223 : i32
      %lt3A_225 = arith.constant 61 : i32
      %lt3A_226 = arith.cmpi slt, %sub3A_224, %lt3A_225 : i32
      %convert_element_type3A_227 = arith.extui %lt3A_226 : i1 to i32
      %cond3A_228 = arith.constant 0 : i32
      %cond3A_229 = arith.cmpi ne, %convert_element_type3A_227, %cond3A_228 : i32
      scf.if %cond3A_229 {
        %add3A_261 = arith.constant 3 : i32
        %add3A_262 = arith.addi %add3A_203, %add3A_261 : i32
        %sub3A_263 = arith.constant 1 : i32
        %sub3A_264 = arith.subi %add3A_262, %sub3A_263 : i32
        %dma_start3A_265 = arith.constant 0 : i32
        %dma_start3A_266 = tpu.memref_slice %arg6[%sub3A_264, %dma_start3A_265] : memref<64x80xi32, #tpu.memory_space<vmem>> -> memref<1x80xi32, #tpu.memory_space<vmem>>
        %dma_start3A_267 = tpu.memref_squeeze %dma_start3A_266 : memref<1x80xi32, #tpu.memory_space<vmem>> -> memref<80xi32, #tpu.memory_space<vmem>>
        %dma_start3A_268 = arith.constant 0 : i32
        %dma_start3A_269 = arith.constant 0 : i32
        %dma_start3A_270 = tpu.memref_slice %arg2[%dma_start3A_268, %dma_start3A_269] : memref<10000x128xf32, #tpu.memory_space<hbm>> -> memref<10000x128xf32, #tpu.memory_space<hbm>>
        tpu.enqueue_indirect_dma source(%dma_start3A_270 : memref<10000x128xf32, #tpu.memory_space<hbm>>) target(%arg8 : memref<80x128xf32, #tpu.memory_space<vmem>>) offsets(%dma_start3A_267 : memref<80xi32, #tpu.memory_space<vmem>>) semaphore(%arg12 : memref<!tpu.dma_semaphore, #tpu.memory_space<semaphore_mem>>)
      } else {
      }
      %mul3A_230 = arith.constant 3 : i32
      %mul3A_231 = arith.muli %scan3A_168, %mul3A_230 : i32
      %add3A_232 = arith.constant 2 : i32
      %add3A_233 = arith.addi %mul3A_231, %add3A_232 : i32
      %dma_wait3A_234 = arith.constant 0 : i32
      %dma_wait3A_235 = tpu.memref_slice %arg6[%add3A_233, %dma_wait3A_234] : memref<64x80xi32, #tpu.memory_space<vmem>> -> memref<1x80xi32, #tpu.memory_space<vmem>>
      %dma_wait3A_236 = tpu.memref_squeeze %dma_wait3A_235 : memref<1x80xi32, #tpu.memory_space<vmem>> -> memref<80xi32, #tpu.memory_space<vmem>>
      %dma_wait3A_237 = arith.constant 0 : i32
      %dma_wait3A_238 = arith.constant 0 : i32
      %dma_wait3A_239 = tpu.memref_slice %arg2[%dma_wait3A_237, %dma_wait3A_238] : memref<10000x128xf32, #tpu.memory_space<hbm>> -> memref<10000x128xf32, #tpu.memory_space<hbm>>
      tpu.wait_indirect_dma semaphore(%arg14 : memref<!tpu.dma_semaphore, #tpu.memory_space<semaphore_mem>>) src(%dma_wait3A_239 : memref<10000x128xf32, #tpu.memory_space<hbm>>) dst(%arg10 : memref<80x128xf32, #tpu.memory_space<vmem>>)
      %dma_start3A_240 = arith.constant 0 : i32
      %dma_start3A_241 = tpu.memref_slice %arg7[%add3A_233, %dma_start3A_240] : memref<64x80xi32, #tpu.memory_space<vmem>> -> memref<1x80xi32, #tpu.memory_space<vmem>>
      %dma_start3A_242 = tpu.memref_squeeze %dma_start3A_241 : memref<1x80xi32, #tpu.memory_space<vmem>> -> memref<80xi32, #tpu.memory_space<vmem>>
      %dma_start3A_243 = arith.constant 0 : i32
      %dma_start3A_244 = arith.constant 0 : i32
      %dma_start3A_245 = tpu.memref_slice %arg11[%dma_start3A_243, %dma_start3A_244] : memref<10080x128xf32, #tpu.memory_space<vmem_shared>> -> memref<10080x128xf32, #tpu.memory_space<vmem_shared>>
      tpu.enqueue_indirect_dma source(%arg10 : memref<80x128xf32, #tpu.memory_space<vmem>>) target(%dma_start3A_245 : memref<10080x128xf32, #tpu.memory_space<vmem_shared>>) offsets(%dma_start3A_242 : memref<80xi32, #tpu.memory_space<vmem>>) semaphore(%arg17 : memref<!tpu.dma_semaphore, #tpu.memory_space<semaphore_mem>>) {add = true}
      %gt3A_246 = arith.constant 0 : i32
      %gt3A_247 = arith.cmpi sgt, %add3A_233, %gt3A_246 : i32
      %convert_element_type3A_248 = arith.extui %gt3A_247 : i1 to i32
      %cond3A_249 = arith.constant 0 : i32
      %cond3A_250 = arith.cmpi ne, %convert_element_type3A_248, %cond3A_249 : i32
      scf.if %cond3A_250 {
        %dma_wait3A_261 = arith.constant 0 : i32
        %dma_wait3A_262 = tpu.memref_slice %arg7[%add3A_233, %dma_wait3A_261] : memref<64x80xi32, #tpu.memory_space<vmem>> -> memref<1x80xi32, #tpu.memory_space<vmem>>
        %dma_wait3A_263 = tpu.memref_squeeze %dma_wait3A_262 : memref<1x80xi32, #tpu.memory_space<vmem>> -> memref<80xi32, #tpu.memory_space<vmem>>
        %dma_wait3A_264 = arith.constant 0 : i32
        %dma_wait3A_265 = arith.constant 0 : i32
        %dma_wait3A_266 = tpu.memref_slice %arg11[%dma_wait3A_264, %dma_wait3A_265] : memref<10080x128xf32, #tpu.memory_space<vmem_shared>> -> memref<10080x128xf32, #tpu.memory_space<vmem_shared>>
        tpu.wait_indirect_dma semaphore(%arg16 : memref<!tpu.dma_semaphore, #tpu.memory_space<semaphore_mem>>) src(%arg9 : memref<80x128xf32, #tpu.memory_space<vmem>>) dst(%dma_wait3A_266 : memref<10080x128xf32, #tpu.memory_space<vmem_shared>>)
      } else {
      }
      %add3A_251 = arith.constant 3 : i32
      %add3A_252 = arith.addi %add3A_233, %add3A_251 : i32
      %sub3A_253 = arith.constant 1 : i32
      %sub3A_254 = arith.subi %add3A_252, %sub3A_253 : i32
      %lt3A_255 = arith.constant 61 : i32
      %lt3A_256 = arith.cmpi slt, %sub3A_254, %lt3A_255 : i32
      %convert_element_type3A_257 = arith.extui %lt3A_256 : i1 to i32
      %cond3A_258 = arith.constant 0 : i32
      %cond3A_259 = arith.cmpi ne, %convert_element_type3A_257, %cond3A_258 : i32
      scf.if %cond3A_259 {
        %add3A_261 = arith.constant 3 : i32
        %add3A_262 = arith.addi %add3A_233, %add3A_261 : i32
        %sub3A_263 = arith.constant 1 : i32
        %sub3A_264 = arith.subi %add3A_262, %sub3A_263 : i32
        %dma_start3A_265 = arith.constant 0 : i32
        %dma_start3A_266 = tpu.memref_slice %arg6[%sub3A_264, %dma_start3A_265] : memref<64x80xi32, #tpu.memory_space<vmem>> -> memref<1x80xi32, #tpu.memory_space<vmem>>
        %dma_start3A_267 = tpu.memref_squeeze %dma_start3A_266 : memref<1x80xi32, #tpu.memory_space<vmem>> -> memref<80xi32, #tpu.memory_space<vmem>>
        %dma_start3A_268 = arith.constant 0 : i32
        %dma_start3A_269 = arith.constant 0 : i32
        %dma_start3A_270 = tpu.memref_slice %arg2[%dma_start3A_268, %dma_start3A_269] : memref<10000x128xf32, #tpu.memory_space<hbm>> -> memref<10000x128xf32, #tpu.memory_space<hbm>>
        tpu.enqueue_indirect_dma source(%dma_start3A_270 : memref<10000x128xf32, #tpu.memory_space<hbm>>) target(%arg9 : memref<80x128xf32, #tpu.memory_space<vmem>>) offsets(%dma_start3A_267 : memref<80xi32, #tpu.memory_space<vmem>>) semaphore(%arg13 : memref<!tpu.dma_semaphore, #tpu.memory_space<semaphore_mem>>)
      } else {
      }
      %scan3A_260 = arith.constant 0 : i32
      scf.yield %scan3A_260 : i32
    }
    %scan3A_115 = arith.constant 20 : i32
    %dma_wait3A_116 = arith.constant 60 : i32
    %dma_wait3A_117 = arith.constant 0 : i32
    %dma_wait3A_118 = tpu.memref_slice %arg6[%dma_wait3A_116, %dma_wait3A_117] : memref<64x80xi32, #tpu.memory_space<vmem>> -> memref<1x80xi32, #tpu.memory_space<vmem>>
    %dma_wait3A_119 = tpu.memref_squeeze %dma_wait3A_118 : memref<1x80xi32, #tpu.memory_space<vmem>> -> memref<80xi32, #tpu.memory_space<vmem>>
    %dma_wait3A_120 = arith.constant 0 : i32
    %dma_wait3A_121 = arith.constant 0 : i32
    %dma_wait3A_122 = tpu.memref_slice %arg2[%dma_wait3A_120, %dma_wait3A_121] : memref<10000x128xf32, #tpu.memory_space<hbm>> -> memref<10000x128xf32, #tpu.memory_space<hbm>>
    tpu.wait_indirect_dma semaphore(%arg12 : memref<!tpu.dma_semaphore, #tpu.memory_space<semaphore_mem>>) src(%dma_wait3A_122 : memref<10000x128xf32, #tpu.memory_space<hbm>>) dst(%arg8 : memref<80x128xf32, #tpu.memory_space<vmem>>)
    %dma_start3A_123 = arith.constant 60 : i32
    %dma_start3A_124 = arith.constant 0 : i32
    %dma_start3A_125 = tpu.memref_slice %arg7[%dma_start3A_123, %dma_start3A_124] : memref<64x80xi32, #tpu.memory_space<vmem>> -> memref<1x80xi32, #tpu.memory_space<vmem>>
    %dma_start3A_126 = tpu.memref_squeeze %dma_start3A_125 : memref<1x80xi32, #tpu.memory_space<vmem>> -> memref<80xi32, #tpu.memory_space<vmem>>
    %dma_start3A_127 = arith.constant 0 : i32
    %dma_start3A_128 = arith.constant 0 : i32
    %dma_start3A_129 = tpu.memref_slice %arg11[%dma_start3A_127, %dma_start3A_128] : memref<10080x128xf32, #tpu.memory_space<vmem_shared>> -> memref<10080x128xf32, #tpu.memory_space<vmem_shared>>
    tpu.enqueue_indirect_dma source(%arg8 : memref<80x128xf32, #tpu.memory_space<vmem>>) target(%dma_start3A_129 : memref<10080x128xf32, #tpu.memory_space<vmem_shared>>) offsets(%dma_start3A_126 : memref<80xi32, #tpu.memory_space<vmem>>) semaphore(%arg15 : memref<!tpu.dma_semaphore, #tpu.memory_space<semaphore_mem>>) {add = true}
    %gt3A_130 = arith.constant 60 : i32
    %gt3A_131 = arith.constant 0 : i32
    %gt3A_132 = arith.cmpi sgt, %gt3A_130, %gt3A_131 : i32
    %convert_element_type3A_133 = arith.extui %gt3A_132 : i1 to i32
    %cond3A_134 = arith.constant 60 : i32
    %cond3A_135 = arith.constant 0 : i32
    %cond3A_136 = arith.cmpi ne, %convert_element_type3A_133, %cond3A_135 : i32
    scf.if %cond3A_136 {
      %dma_wait3A_168 = arith.constant 0 : i32
      %dma_wait3A_169 = tpu.memref_slice %arg7[%cond3A_134, %dma_wait3A_168] : memref<64x80xi32, #tpu.memory_space<vmem>> -> memref<1x80xi32, #tpu.memory_space<vmem>>
      %dma_wait3A_170 = tpu.memref_squeeze %dma_wait3A_169 : memref<1x80xi32, #tpu.memory_space<vmem>> -> memref<80xi32, #tpu.memory_space<vmem>>
      %dma_wait3A_171 = arith.constant 0 : i32
      %dma_wait3A_172 = arith.constant 0 : i32
      %dma_wait3A_173 = tpu.memref_slice %arg11[%dma_wait3A_171, %dma_wait3A_172] : memref<10080x128xf32, #tpu.memory_space<vmem_shared>> -> memref<10080x128xf32, #tpu.memory_space<vmem_shared>>
      tpu.wait_indirect_dma semaphore(%arg17 : memref<!tpu.dma_semaphore, #tpu.memory_space<semaphore_mem>>) src(%arg10 : memref<80x128xf32, #tpu.memory_space<vmem>>) dst(%dma_wait3A_173 : memref<10080x128xf32, #tpu.memory_space<vmem_shared>>)
    } else {
    }
    %add3A_137 = arith.constant 60 : i32
    %add3A_138 = arith.constant 3 : i32
    %add3A_139 = arith.addi %add3A_137, %add3A_138 : i32
    %sub3A_140 = arith.constant 1 : i32
    %sub3A_141 = arith.subi %add3A_139, %sub3A_140 : i32
    %lt3A_142 = arith.constant 61 : i32
    %lt3A_143 = arith.cmpi slt, %sub3A_141, %lt3A_142 : i32
    %convert_element_type3A_144 = arith.extui %lt3A_143 : i1 to i32
    %cond3A_145 = arith.constant 60 : i32
    %cond3A_146 = arith.constant 0 : i32
    %cond3A_147 = arith.cmpi ne, %convert_element_type3A_144, %cond3A_146 : i32
    scf.if %cond3A_147 {
      %add3A_168 = arith.constant 3 : i32
      %add3A_169 = arith.addi %cond3A_145, %add3A_168 : i32
      %sub3A_170 = arith.constant 1 : i32
      %sub3A_171 = arith.subi %add3A_169, %sub3A_170 : i32
      %dma_start3A_172 = arith.constant 0 : i32
      %dma_start3A_173 = tpu.memref_slice %arg6[%sub3A_171, %dma_start3A_172] : memref<64x80xi32, #tpu.memory_space<vmem>> -> memref<1x80xi32, #tpu.memory_space<vmem>>
      %dma_start3A_174 = tpu.memref_squeeze %dma_start3A_173 : memref<1x80xi32, #tpu.memory_space<vmem>> -> memref<80xi32, #tpu.memory_space<vmem>>
      %dma_start3A_175 = arith.constant 0 : i32
      %dma_start3A_176 = arith.constant 0 : i32
      %dma_start3A_177 = tpu.memref_slice %arg2[%dma_start3A_175, %dma_start3A_176] : memref<10000x128xf32, #tpu.memory_space<hbm>> -> memref<10000x128xf32, #tpu.memory_space<hbm>>
      tpu.enqueue_indirect_dma source(%dma_start3A_177 : memref<10000x128xf32, #tpu.memory_space<hbm>>) target(%arg10 : memref<80x128xf32, #tpu.memory_space<vmem>>) offsets(%dma_start3A_174 : memref<80xi32, #tpu.memory_space<vmem>>) semaphore(%arg14 : memref<!tpu.dma_semaphore, #tpu.memory_space<semaphore_mem>>)
    } else {
    }
    %dma_wait3A_148 = arith.constant 0 : i32
    %dma_wait3A_149 = arith.constant 0 : i32
    %dma_wait3A_150 = tpu.memref_slice %arg7[%dma_wait3A_148, %dma_wait3A_149] : memref<64x80xi32, #tpu.memory_space<vmem>> -> memref<1x80xi32, #tpu.memory_space<vmem>>
    %dma_wait3A_151 = tpu.memref_squeeze %dma_wait3A_150 : memref<1x80xi32, #tpu.memory_space<vmem>> -> memref<80xi32, #tpu.memory_space<vmem>>
    %dma_wait3A_152 = arith.constant 0 : i32
    %dma_wait3A_153 = arith.constant 0 : i32
    %dma_wait3A_154 = tpu.memref_slice %arg11[%dma_wait3A_152, %dma_wait3A_153] : memref<10080x128xf32, #tpu.memory_space<vmem_shared>> -> memref<10080x128xf32, #tpu.memory_space<vmem_shared>>
    tpu.wait_indirect_dma semaphore(%arg15 : memref<!tpu.dma_semaphore, #tpu.memory_space<semaphore_mem>>) src(%arg8 : memref<80x128xf32, #tpu.memory_space<vmem>>) dst(%dma_wait3A_154 : memref<10080x128xf32, #tpu.memory_space<vmem_shared>>)
    %barrier3A_155 = arith.constant 0 : index
    tpu.barrier barrier_id(%barrier3A_155)
    %while3A_156 = arith.constant 0 : i32
    %while3A_157 = arith.constant 0 : i32
    %while3A_158 = arith.subi %select_n3A, %while3A_156 : i32
    %while3A_159 = arith.addi %while3A_156, %while3A_158 : i32
    %while3A_160 = arith.constant 1 : i32
    %while3A_161 = arith.divsi %while3A_158, %while3A_160 : i32
    %while3A_162 = arith.muli %while3A_161, %while3A_160 : i32
    %while3A_163 = arith.addi %while3A_156, %while3A_162 : i32
    %while3A_164 = arith.constant 1 : i32
    %while3A_165 = scf.for %while3A_168 = %while3A_156 to %while3A_163 step %while3A_164 iter_args(%while3A_169 = %while3A_157) -> (i32)  : i32 {
      %mul3A_170 = arith.constant 16 : i32
      %mul3A_171 = arith.muli %while3A_168, %mul3A_170 : i32
      %add3A_172 = arith.addi %arg1, %mul3A_171 : i32
      %mul3A_173 = arith.constant 80 : i32
      %mul3A_174 = arith.muli %add3A_172, %mul3A_173 : i32
      "tpu.region"() ({
        %run_scoped3A = tpu.sem_alloc : memref<!tpu.dma_semaphore, #tpu.memory_space<semaphore_mem>>
        %dma_start3A_176 = arith.constant 0 : i32
        %dma_start3A_177 = tpu.memref_slice %arg5[%arg0, %mul3A_174, %dma_start3A_176] : memref<2x10080x128xf32, #tpu.memory_space<hbm>> -> memref<1x80x128xf32, #tpu.memory_space<hbm>>
        %dma_start3A_178 = tpu.memref_squeeze %dma_start3A_177 : memref<1x80x128xf32, #tpu.memory_space<hbm>> -> memref<80x128xf32, #tpu.memory_space<hbm>>
        %dma_start3A_179 = arith.constant 0 : i32
        %dma_start3A_180 = tpu.memref_slice %arg11[%mul3A_174, %dma_start3A_179] : memref<10080x128xf32, #tpu.memory_space<vmem_shared>> -> memref<80x128xf32, #tpu.memory_space<vmem_shared>>
        tpu.enqueue_dma source(%dma_start3A_180 : memref<80x128xf32, #tpu.memory_space<vmem_shared>>) target(%dma_start3A_178 : memref<80x128xf32, #tpu.memory_space<hbm>>) target_semaphore(%run_scoped3A : memref<!tpu.dma_semaphore, #tpu.memory_space<semaphore_mem>>)
        %dma_wait3A_181 = arith.constant 0 : i32
        %dma_wait3A_182 = tpu.memref_slice %arg5[%arg0, %mul3A_174, %dma_wait3A_181] : memref<2x10080x128xf32, #tpu.memory_space<hbm>> -> memref<1x80x128xf32, #tpu.memory_space<hbm>>
        %dma_wait3A_183 = tpu.memref_squeeze %dma_wait3A_182 : memref<1x80x128xf32, #tpu.memory_space<hbm>> -> memref<80x128xf32, #tpu.memory_space<hbm>>
        %dma_wait3A_184 = arith.constant 0 : i32
        %dma_wait3A_185 = tpu.memref_slice %arg11[%mul3A_174, %dma_wait3A_184] : memref<10080x128xf32, #tpu.memory_space<vmem_shared>> -> memref<80x128xf32, #tpu.memory_space<vmem_shared>>
        tpu.wait_dma2 semaphore(%run_scoped3A : memref<!tpu.dma_semaphore, #tpu.memory_space<semaphore_mem>>) src(%dma_wait3A_185 : memref<80x128xf32, #tpu.memory_space<vmem_shared>>) dst(%dma_wait3A_183 : memref<80x128xf32, #tpu.memory_space<hbm>>)
        tpu.yield
      }) : () -> ()
      %while3A_175 = arith.constant 0 : i32
      scf.yield %while3A_175 : i32
    }
    %while3A_166 = arith.constant 1 : i32
    %while3A_167 = scf.for %while3A_168 = %while3A_163 to %while3A_159 step %while3A_166 iter_args(%while3A_169 = %while3A_165) -> (i32)  : i32 {
      %mul3A_170 = arith.constant 16 : i32
      %mul3A_171 = arith.muli %while3A_168, %mul3A_170 : i32
      %add3A_172 = arith.addi %arg1, %mul3A_171 : i32
      %mul3A_173 = arith.constant 80 : i32
      %mul3A_174 = arith.muli %add3A_172, %mul3A_173 : i32
      "tpu.region"() ({
        %run_scoped3A = tpu.sem_alloc : memref<!tpu.dma_semaphore, #tpu.memory_space<semaphore_mem>>
        %dma_start3A_176 = arith.constant 0 : i32
        %dma_start3A_177 = tpu.memref_slice %arg5[%arg0, %mul3A_174, %dma_start3A_176] : memref<2x10080x128xf32, #tpu.memory_space<hbm>> -> memref<1x80x128xf32, #tpu.memory_space<hbm>>
        %dma_start3A_178 = tpu.memref_squeeze %dma_start3A_177 : memref<1x80x128xf32, #tpu.memory_space<hbm>> -> memref<80x128xf32, #tpu.memory_space<hbm>>
        %dma_start3A_179 = arith.constant 0 : i32
        %dma_start3A_180 = tpu.memref_slice %arg11[%mul3A_174, %dma_start3A_179] : memref<10080x128xf32, #tpu.memory_space<vmem_shared>> -> memref<80x128xf32, #tpu.memory_space<vmem_shared>>
        tpu.enqueue_dma source(%dma_start3A_180 : memref<80x128xf32, #tpu.memory_space<vmem_shared>>) target(%dma_start3A_178 : memref<80x128xf32, #tpu.memory_space<hbm>>) target_semaphore(%run_scoped3A : memref<!tpu.dma_semaphore, #tpu.memory_space<semaphore_mem>>)
        %dma_wait3A_181 = arith.constant 0 : i32
        %dma_wait3A_182 = tpu.memref_slice %arg5[%arg0, %mul3A_174, %dma_wait3A_181] : memref<2x10080x128xf32, #tpu.memory_space<hbm>> -> memref<1x80x128xf32, #tpu.memory_space<hbm>>
        %dma_wait3A_183 = tpu.memref_squeeze %dma_wait3A_182 : memref<1x80x128xf32, #tpu.memory_space<hbm>> -> memref<80x128xf32, #tpu.memory_space<hbm>>
        %dma_wait3A_184 = arith.constant 0 : i32
        %dma_wait3A_185 = tpu.memref_slice %arg11[%mul3A_174, %dma_wait3A_184] : memref<10080x128xf32, #tpu.memory_space<vmem_shared>> -> memref<80x128xf32, #tpu.memory_space<vmem_shared>>
        tpu.wait_dma2 semaphore(%run_scoped3A : memref<!tpu.dma_semaphore, #tpu.memory_space<semaphore_mem>>) src(%dma_wait3A_185 : memref<80x128xf32, #tpu.memory_space<vmem_shared>>) dst(%dma_wait3A_183 : memref<80x128xf32, #tpu.memory_space<hbm>>)
        tpu.yield
      }) : () -> ()
      %while3A_175 = arith.constant 0 : i32
      scf.yield %while3A_175 : i32
    }
    return
  }
}

module attributes {stable_mosaic.version = 14 : i64} {
  func.func @_mm_first(%arg0: memref<10000x128xf32, #tpu.memory_space<vmem>>, %arg1: memref<128x128xf32, #tpu.memory_space<vmem>>, %arg2: memref<10000x1xf32, #tpu.memory_space<vmem>>, %arg3: memref<10000x1xf32, #tpu.memory_space<vmem>>, %arg4: memref<10000x128xf32, #tpu.memory_space<vmem>>) attributes {dimension_semantics = [], scalar_prefetch = 0 : i64, scratch_operands = 0 : i64, tpu.core_type = #tpu.core_type<tc>} {
    %get3A = arith.constant 0 : index
    %get3A_0 = arith.constant 0 : index
    %get3A_1 = vector.load %arg2[%get3A, %get3A_0] : memref<10000x1xf32, #tpu.memory_space<vmem>>, vector<10000x1xf32>
    %get3A_2 = arith.constant 0 : index
    %get3A_3 = arith.constant 0 : index
    %get3A_4 = vector.load %arg3[%get3A_2, %get3A_3] : memref<10000x1xf32, #tpu.memory_space<vmem>>, vector<10000x1xf32>
    %add3A = arith.addf %get3A_1, %get3A_4 : vector<10000x1xf32>
    %add3A_5 = arith.constant 1.000000e+00 : f32
    %add3A_6 = vector.broadcast %add3A_5 : f32 to vector<10000x1xf32>
    %add3A_7 = arith.addf %add3A, %add3A_6 : vector<10000x1xf32>
    %rsqrt3A = math.rsqrt %add3A_7 : vector<10000x1xf32>
    %get3A_8 = arith.constant 0 : index
    %get3A_9 = arith.constant 0 : index
    %get3A_10 = vector.load %arg0[%get3A_8, %get3A_9] : memref<10000x128xf32, #tpu.memory_space<vmem>>, vector<10000x128xf32>
    %mul3A = vector.broadcast %rsqrt3A : vector<10000x1xf32> to vector<10000x128xf32>
    %mul3A_11 = arith.mulf %get3A_10, %mul3A : vector<10000x128xf32>
    %get3A_12 = arith.constant 0 : index
    %get3A_13 = arith.constant 0 : index
    %get3A_14 = vector.load %arg1[%get3A_12, %get3A_13] : memref<128x128xf32, #tpu.memory_space<vmem>>, vector<128x128xf32>
    %dot_general3A = arith.constant dense<0.000000e+00> : vector<10000x128xf32>
    %dot_general3A_15 = tpu.matmul %mul3A_11, %get3A_14, %dot_general3A {dimension_numbers = #tpu.dot_dimension_numbers<[1], [0], [0], [1], [0, 0, 1, 1], [], []>, transpose_lhs_hint = false} : vector<10000x128xf32>, vector<128x128xf32>, vector<10000x128xf32> -> vector<10000x128xf32>
    %swap3A = arith.constant 0 : index
    %swap3A_16 = arith.constant 0 : index
    %swap3A_17 = vector.load %arg4[%swap3A, %swap3A_16] : memref<10000x128xf32, #tpu.memory_space<vmem>>, vector<10000x128xf32>
    tpu.vector_store %arg4[%swap3A, %swap3A_16], %dot_general3A_15 {strides = array<i32>} : memref<10000x128xf32, #tpu.memory_space<vmem>>, vector<10000x128xf32>,
    return
  }
}

module attributes {stable_mosaic.version = 14 : i64} {
  func.func @_mm_mid(%arg0: memref<2x10080x128xf32, #tpu.memory_space<vmem>>, %arg1: memref<10000x128xf32, #tpu.memory_space<vmem>>, %arg2: memref<1x128xf32, #tpu.memory_space<vmem>>, %arg3: memref<128x128xf32, #tpu.memory_space<vmem>>, %arg4: memref<10000x1xf32, #tpu.memory_space<vmem>>, %arg5: memref<10000x1xf32, #tpu.memory_space<vmem>>, %arg6: memref<10000x128xf32, #tpu.memory_space<vmem>>) attributes {dimension_semantics = [], scalar_prefetch = 0 : i64, scratch_operands = 0 : i64, tpu.core_type = #tpu.core_type<tc>} {
    %get3A = arith.constant 0 : index
    %get3A_0 = arith.constant 0 : index
    %get3A_1 = vector.load %arg4[%get3A, %get3A_0] : memref<10000x1xf32, #tpu.memory_space<vmem>>, vector<10000x1xf32>
    %get3A_2 = arith.constant 0 : index
    %get3A_3 = arith.constant 0 : index
    %get3A_4 = vector.load %arg5[%get3A_2, %get3A_3] : memref<10000x1xf32, #tpu.memory_space<vmem>>, vector<10000x1xf32>
    %add3A = arith.addf %get3A_1, %get3A_4 : vector<10000x1xf32>
    %add3A_5 = arith.constant 1.000000e+00 : f32
    %add3A_6 = vector.broadcast %add3A_5 : f32 to vector<10000x1xf32>
    %add3A_7 = arith.addf %add3A, %add3A_6 : vector<10000x1xf32>
    %rsqrt3A = math.rsqrt %add3A_7 : vector<10000x1xf32>
    %get3A_8 = arith.constant 0 : index
    %get3A_9 = arith.constant 0 : index
    %get3A_10 = arith.constant 0 : index
    %get3A_11 = vector.load %arg0[%get3A_8, %get3A_9, %get3A_10] : memref<2x10080x128xf32, #tpu.memory_space<vmem>>, vector<1x10000x128xf32>
    %get3A_12 = vector.shape_cast %get3A_11 : vector<1x10000x128xf32> to vector<10000x128xf32>
    %get3A_13 = arith.constant 1 : index
    %get3A_14 = arith.constant 0 : index
    %get3A_15 = arith.constant 0 : index
    %get3A_16 = vector.load %arg0[%get3A_13, %get3A_14, %get3A_15] : memref<2x10080x128xf32, #tpu.memory_space<vmem>>, vector<1x10000x128xf32>
    %get3A_17 = vector.shape_cast %get3A_16 : vector<1x10000x128xf32> to vector<10000x128xf32>
    %add3A_18 = arith.addf %get3A_12, %get3A_17 : vector<10000x128xf32>
    %get3A_19 = arith.constant 0 : index
    %get3A_20 = arith.constant 0 : index
    %get3A_21 = vector.load %arg1[%get3A_19, %get3A_20] : memref<10000x128xf32, #tpu.memory_space<vmem>>, vector<10000x128xf32>
    %add3A_22 = arith.addf %add3A_18, %get3A_21 : vector<10000x128xf32>
    %mul3A = vector.broadcast %rsqrt3A : vector<10000x1xf32> to vector<10000x128xf32>
    %mul3A_23 = arith.mulf %add3A_22, %mul3A : vector<10000x128xf32>
    %get3A_24 = arith.constant 0 : index
    %get3A_25 = arith.constant 0 : index
    %get3A_26 = vector.load %arg2[%get3A_24, %get3A_25] : memref<1x128xf32, #tpu.memory_space<vmem>>, vector<1x128xf32>
    %add3A_27 = vector.broadcast %get3A_26 : vector<1x128xf32> to vector<10000x128xf32>
    %add3A_28 = arith.addf %mul3A_23, %add3A_27 : vector<10000x128xf32>
    %max3A = arith.constant 0.000000e+00 : f32
    %max3A_29 = vector.broadcast %max3A : f32 to vector<10000x128xf32>
    %max3A_30 = arith.maximumf %add3A_28, %max3A_29 : vector<10000x128xf32>
    %mul3A_31 = vector.broadcast %rsqrt3A : vector<10000x1xf32> to vector<10000x128xf32>
    %mul3A_32 = arith.mulf %max3A_30, %mul3A_31 : vector<10000x128xf32>
    %get3A_33 = arith.constant 0 : index
    %get3A_34 = arith.constant 0 : index
    %get3A_35 = vector.load %arg3[%get3A_33, %get3A_34] : memref<128x128xf32, #tpu.memory_space<vmem>>, vector<128x128xf32>
    %dot_general3A = arith.constant dense<0.000000e+00> : vector<10000x128xf32>
    %dot_general3A_36 = tpu.matmul %mul3A_32, %get3A_35, %dot_general3A {dimension_numbers = #tpu.dot_dimension_numbers<[1], [0], [0], [1], [0, 0, 1, 1], [], []>, transpose_lhs_hint = false} : vector<10000x128xf32>, vector<128x128xf32>, vector<10000x128xf32> -> vector<10000x128xf32>
    %swap3A = arith.constant 0 : index
    %swap3A_37 = arith.constant 0 : index
    %swap3A_38 = vector.load %arg6[%swap3A, %swap3A_37] : memref<10000x128xf32, #tpu.memory_space<vmem>>, vector<10000x128xf32>
    tpu.vector_store %arg6[%swap3A, %swap3A_37], %dot_general3A_36 {strides = array<i32>} : memref<10000x128xf32, #tpu.memory_space<vmem>>, vector<10000x128xf32>,
    return
  }
}

module attributes {stable_mosaic.version = 14 : i64} {
  func.func @_mm_last(%arg0: memref<2x10080x128xf32, #tpu.memory_space<vmem>>, %arg1: memref<10000x128xf32, #tpu.memory_space<vmem>>, %arg2: memref<1x128xf32, #tpu.memory_space<vmem>>, %arg3: memref<10000x1xf32, #tpu.memory_space<vmem>>, %arg4: memref<10000x1xf32, #tpu.memory_space<vmem>>, %arg5: memref<10000x128xf32, #tpu.memory_space<vmem>>) attributes {dimension_semantics = [], scalar_prefetch = 0 : i64, scratch_operands = 0 : i64, tpu.core_type = #tpu.core_type<tc>} {
    %get3A = arith.constant 0 : index
    %get3A_0 = arith.constant 0 : index
    %get3A_1 = vector.load %arg3[%get3A, %get3A_0] : memref<10000x1xf32, #tpu.memory_space<vmem>>, vector<10000x1xf32>
    %get3A_2 = arith.constant 0 : index
    %get3A_3 = arith.constant 0 : index
    %get3A_4 = vector.load %arg4[%get3A_2, %get3A_3] : memref<10000x1xf32, #tpu.memory_space<vmem>>, vector<10000x1xf32>
    %add3A = arith.addf %get3A_1, %get3A_4 : vector<10000x1xf32>
    %add3A_5 = arith.constant 1.000000e+00 : f32
    %add3A_6 = vector.broadcast %add3A_5 : f32 to vector<10000x1xf32>
    %add3A_7 = arith.addf %add3A, %add3A_6 : vector<10000x1xf32>
    %rsqrt3A = math.rsqrt %add3A_7 : vector<10000x1xf32>
    %get3A_8 = arith.constant 0 : index
    %get3A_9 = arith.constant 0 : index
    %get3A_10 = arith.constant 0 : index
    %get3A_11 = vector.load %arg0[%get3A_8, %get3A_9, %get3A_10] : memref<2x10080x128xf32, #tpu.memory_space<vmem>>, vector<1x10000x128xf32>
    %get3A_12 = vector.shape_cast %get3A_11 : vector<1x10000x128xf32> to vector<10000x128xf32>
    %get3A_13 = arith.constant 1 : index
    %get3A_14 = arith.constant 0 : index
    %get3A_15 = arith.constant 0 : index
    %get3A_16 = vector.load %arg0[%get3A_13, %get3A_14, %get3A_15] : memref<2x10080x128xf32, #tpu.memory_space<vmem>>, vector<1x10000x128xf32>
    %get3A_17 = vector.shape_cast %get3A_16 : vector<1x10000x128xf32> to vector<10000x128xf32>
    %add3A_18 = arith.addf %get3A_12, %get3A_17 : vector<10000x128xf32>
    %get3A_19 = arith.constant 0 : index
    %get3A_20 = arith.constant 0 : index
    %get3A_21 = vector.load %arg1[%get3A_19, %get3A_20] : memref<10000x128xf32, #tpu.memory_space<vmem>>, vector<10000x128xf32>
    %add3A_22 = arith.addf %add3A_18, %get3A_21 : vector<10000x128xf32>
    %mul3A = vector.broadcast %rsqrt3A : vector<10000x1xf32> to vector<10000x128xf32>
    %mul3A_23 = arith.mulf %add3A_22, %mul3A : vector<10000x128xf32>
    %get3A_24 = arith.constant 0 : index
    %get3A_25 = arith.constant 0 : index
    %get3A_26 = vector.load %arg2[%get3A_24, %get3A_25] : memref<1x128xf32, #tpu.memory_space<vmem>>, vector<1x128xf32>
    %add3A_27 = vector.broadcast %get3A_26 : vector<1x128xf32> to vector<10000x128xf32>
    %add3A_28 = arith.addf %mul3A_23, %add3A_27 : vector<10000x128xf32>
    %swap3A = arith.constant 0 : index
    %swap3A_29 = arith.constant 0 : index
    %swap3A_30 = vector.load %arg5[%swap3A, %swap3A_29] : memref<10000x128xf32, #tpu.memory_space<vmem>>, vector<10000x128xf32>
    tpu.vector_store %arg5[%swap3A, %swap3A_29], %add3A_28 {strides = array<i32>} : memref<10000x128xf32, #tpu.memory_space<vmem>>, vector<10000x128xf32>,
    return
  }
}

</mosaic_0001>

<sc_bundles>
// kernel: kernel.10.cloned.1.call-start
scs
__scs_entry_jumppad:
0x0: {  	(pc) =	sbr.rel $0x88, $3  }
0x1: {  	(tag) =	ssettag $0x0;
	lr =	simm.s32 $0x1  }
0x2: {  	[smem:$0x3F99] =	sst lr;
	_ =	strace $0xD0000000  }
0x3: {  	_ = 	snop  }
0x4: {  	_ = 	snop  }
0x5: {  	_ = 	snop  }
0x6: {  	_ = 	snop  }
0x7: {  	_ = 	snop  }
__scs_overlays_trampoline_lowered:
0x8: {  	[smem:$0x3FA8] =	sst s0  }
0x9: {  	[smem:$0x3FA9] =	sst s1  }
0xa: {  	[smem:$0x3FAA] =	sst s2  }
0xb: {  	[smem:$0x3FAB] =	sst s3  }
0xc: {  	[smem:$0x3FAC] =	sst s4  }
0xd: {  	[smem:$0x3FAD] =	sst s5  }
0xe: {  	[smem:$0x3FAE] =	sst s6  }
0xf: {  	[smem:$0x3FAF] =	sst s7  }
0x10: {  	[smem:$0x3FB0] =	sst s8  }
0x11: {  	[smem:$0x3FB1] =	sst s9;
	s0 =	simm.s32 @!p0 $0x0  }
0x12: {  	s1 =	sld [smem:$0x3F97];
	s0 =	simm.s32 @p0 $0x1  }
0x13: {  	[smem:$0x3FB2] =	sst s0;
	s0 =	simm.s32 @!p1 $0x0  }
0x14: {  	s2 =	sld [smem:$0x3F96];
	s0 =	simm.s32 @p1 $0x1  }
0x15: {  	[smem:$0x3FB3] =	sst s0;
	s0 =	simm.s32 @!p2 $0x0  }
0x16: {  	s3 =	sld [smem:$0x3FDB];
	s0 =	simm.s32 @p2 $0x1  }
0x17: {  	s4 =	simm.s32 $0x1BF5;
	[smem:$0x3FB5] =	sst s0  }
0x18: {  	s0 =	sld [smem:$0x3F98];
	_ =	swait.ge [sflag:s4], $0x0  }
0x19: {  	s7 =	sld [smem:$0x3F99]  }
0x1a: {  	s8 =	sadd.s32 $0xFFFFE003, lr  }
0x1b: {  	s9 =	sadd.s32 $0xFFFFFEF7, lr;
	s5 =	simm.s32 $0xFFFFFFFF;
	p2 =	slt.u32 s8, $0xFFFFF086  }
0x1c: {  	p1 =	slt.u32 s9, $0xF7A;
	s5 =	simm.s32 @!p2 $0x0  }
0x1d: {  	s5 =	simm.s32 @p1 $0x1;
	p0 =	seq.s32 s7, s2  }
0x1e: {  	s7 =	smul.u32 @!p0 $0xF7A, s2;
	p2 =	seq.s32 @!p0 s5, $0x0  }
0x1f: {  	s9 =	smul.u32 $0xF7A, s1;
	s8 =	simm.s32 @!p0 $0x1BF5;
	p2 =	por !p2, p0  }
0x20: {  	[sflag:s8] =	ssyncset.s32 @!p0 $0xFFFFF086;
	s6 =	sadd.s32 @!p0 s3, s7;
	s7 =	simm.s32 @!p0 $0x108  }
0x21: {  	s3 =	sadd.s32 s3, s9;
	s6 =	sadd.s32 @!p0 $0x88, s6;
	s7 =	simm.s32 @p2 $0x1082  }
0x22: {  	[simem:s7], [sflag:s8] =	dma.local @!p0 [hbm:s6], $0xF7A  }
0x23: {  	s9 =	sor.u32 $0xD0000000, s2;
	s6 =	simm.s32 $0x108;
	_ =	swait.ge @!p0 [sflag:s8], $0x0  }
0x24: {  	s3 =	sadd.s32 $0x88, s3;
	s6 =	simm.s32 @!p1 $0x1082;
	[sflag:s4] =	ssyncset.s32 $0xFFFFF086  }
0x25: {  	[simem:s6], [sflag:s4] =	dma.local [hbm:s3], $0xF7A  }
0x26: {  	[smem:$0x3F99] =	sst s1;
	(tag) =	ssettag s2;
	_ =	strace s9  }
0x27: {  	s1 =	sld [smem:$0x3FA9]  }
0x28: {  	s2 =	sld [smem:$0x3FAA]  }
0x29: {  	s4 =	sld [smem:$0x3FAC]  }
0x2a: {  	p0 =	seq.s32 s5, $0x0;
	s5 =	sld [smem:$0x3FAD]  }
0x2b: {  	s6 =	sld [smem:$0x3FAE]  }
0x2c: {  	s7 =	sld [smem:$0x3FAF]  }
0x2d: {  	s3 =	simm.s32 $0x108;
	s8 =	sld [smem:$0x3FB0]  }
0x2e: {  	s3 =	simm.s32 @!p0 $0x1082;
	s9 =	sld [smem:$0x3FB1]  }
0x2f: {  	lr =	sadd.s32 s0, s3;
	s0 =	sld [smem:$0x3FA8]  }
0x30: {  	s3 =	sld [smem:$0x3FAB]  }
0x31: {  	[smem:$0x3FB4] =	sst s10  }
0x32: {  	s10 =	sld [smem:$0x3FB2];
	_ =	sdelay $0x3  }
0x33: {  	p0 =	seq.s32 s10, $0x1;
	s10 =	sld [smem:$0x3FB4];
	_ =	sdelay $0x3  }
0x34: {  	[smem:$0x3FB4] =	sst s10  }
0x35: {  	s10 =	sld [smem:$0x3FB3];
	_ =	sdelay $0x3  }
0x36: {  	p1 =	seq.s32 s10, $0x1;
	s10 =	sld [smem:$0x3FB4];
	_ =	sdelay $0x3  }
0x37: {  	[smem:$0x3FB4] =	sst s10  }
0x38: {  	s10 =	sld [smem:$0x3FB5]  }
0x39: {  	_ = 	snop;
	(pc) =	sbr.ind lr, $3  }
0x3a: {  	_ = 	snop  }
0x3b: {  	_ = 	snop  }
0x3c: {  	p2 =	seq.s32 s10, $0x1;
	s10 =	sld [smem:$0x3FB4]  }
0x3d: {  	_ =	shalt  }
0x3e: {  	_ =	shalt  }
0x3f: {  	_ =	shalt  }
0x40: {  	_ =	shalt  }
0x41: {  	_ =	shalt  }
0x42: {  	_ =	shalt  }
0x43: {  	_ =	shalt  }
0x44: {  	_ =	shalt  }
0x45: {  	_ =	shalt  }
0x46: {  	_ =	shalt  }
0x47: {  	_ =	shalt  }
0x48: {  	_ =	shalt  }
0x49: {  	_ =	shalt  }
0x4a: {  	_ =	shalt  }
0x4b: {  	_ =	shalt  }
0x4c: {  	_ =	shalt  }
0x4d: {  	_ =	shalt  }
0x4e: {  	_ =	shalt  }
0x4f: {  	_ =	shalt  }
0x50: {  	_ =	shalt  }
0x51: {  	_ =	shalt  }
0x52: {  	_ =	shalt  }
0x53: {  	_ =	shalt  }
0x54: {  	_ =	shalt  }
0x55: {  	_ =	shalt  }
0x56: {  	_ =	shalt  }
0x57: {  	_ =	shalt  }
0x58: {  	_ =	shalt  }
0x59: {  	_ =	shalt  }
0x5a: {  	_ =	shalt  }
0x5b: {  	_ =	shalt  }
0x5c: {  	_ =	shalt  }
0x5d: {  	_ =	shalt  }
0x5e: {  	_ =	shalt  }
0x5f: {  	_ =	shalt  }
0x60: {  	_ =	shalt  }
0x61: {  	_ =	shalt  }
0x62: {  	_ =	shalt  }
0x63: {  	_ =	shalt  }
0x64: {  	_ =	shalt  }
0x65: {  	_ =	shalt  }
0x66: {  	_ =	shalt  }
0x67: {  	_ =	shalt  }
0x68: {  	_ =	shalt  }
0x69: {  	_ =	shalt  }
0x6a: {  	_ =	shalt  }
0x6b: {  	_ =	shalt  }
0x6c: {  	_ =	shalt  }
0x6d: {  	_ =	shalt  }
0x6e: {  	_ =	shalt  }
0x6f: {  	_ =	shalt  }
0x70: {  	_ =	shalt  }
0x71: {  	_ =	shalt  }
0x72: {  	_ =	shalt  }
0x73: {  	_ =	shalt  }
0x74: {  	_ =	shalt  }
0x75: {  	_ =	shalt  }
0x76: {  	_ =	shalt  }
0x77: {  	_ =	shalt  }
0x78: {  	_ =	shalt  }
0x79: {  	_ =	shalt  }
0x7a: {  	_ =	shalt  }
0x7b: {  	_ =	shalt  }
0x7c: {  	_ =	shalt  }
0x7d: {  	_ =	shalt  }
0x7e: {  	_ =	shalt  }
0x7f: {  	_ =	shalt  }
0x80: {  	_ =	shalt  }
0x81: {  	_ =	shalt  }
0x82: {  	_ =	shalt  }
0x83: {  	_ =	shalt  }
0x84: {  	_ =	shalt  }
0x85: {  	_ =	shalt  }
0x86: {  	_ =	shalt  }
0x87: {  	_ =	shalt  }
.Lfunc_end0:
.L_simem_size_0:
called_computation_lowered:
.L_overlay_start_0:
0x88: {  	s2 =	sld [smem:$0x3FD9]  }
0x89: {  	s3 =	sld [smem:$0x3FFE];
	_ =	sdelay $0x1  }
0x8a: {  	s1 =	srdreg.scid  }
0x8b: {  	s0 =	sand.u32 $0x1, s1  }
0x8c: {  	s17 =	sshll.u32 s0, $0xA;
	s2 =	sadd.s32 s3, s2  }
0x8d: {  	s2 =	sadd.s32 s2, s17  }
0x8e: {  	[smem:$0x3FC0] =	sst s2  }
0x8f: {  	_ = 	snop  }
0x90: {  	s2 =	sld [smem:$0x3FD0];
	(tm) =	ssettm $0x1  }
0x91: {  	s18 =	sld [smem:$0x3FFB];
	_ =	sdelay $0x3  }
0x92: {  	_ =	strace s18  }
0x93: {  	s3 =	sld [smem:$0x3FFC];
	_ =	sdelay $0x3  }
0x94: {  	_ =	strace s3  }
0x95: {  	s3 =	sld [smem:$0x3FFD];
	_ =	sdelay $0x3  }
0x96: {  	_ =	strace s3  }
0x97: {  	_ =	strace $0x8FFFFFFF  }
0x98: {  	s19 =	sld [smem:$0x3FDB];
	_ =	sdelay $0x1  }
0x99: {  	s4 =	simm.s32 $_scs_section_size  }
0x9a: {  	s5 =	simm.s32 $_size__tile_overlayer_lowered;
	s6 =	simm.s32 $_tile_overlayer_lowered  }
0x9b: {  	s22 =	simm.s32 $0x1BFF;
	s21 =	sshll.u32 s6, $0x1;
	s3 =	sadd.s32 s4, s19  }
0x9c: {  	s7 =	simm.s32 $0x0;
	s20 =	sshll.u32 s5, $0x1;
	s5 =	sadd.s32 s21, s3  }
0x9d: {  	[timem:s7], [sflag:s22] =	dma.local [hbm:s5], s20  }
0x9e: {  	_ =	swait.ge [sflag:s22], s20  }
0x9f: {  	s4 =	ssub.s32 $0x0, s20;
	[sflag:s22] =	ssyncset.done $0x0  }
0xa0: {  	[sflag:s22] =	ssyncadd.s32 s4;
	_ =	sdelay $0x1  }
0xa1: {  	s23 =	simm.s32 $0x1B8B  }
0xa2: {  	_ =	swait.ge [sflag:s23], $0x1  }
0xa3: {  	[sflag:s23] =	ssyncset.done $0x0  }
0xa4: {  	s25 =	simm.s32 $0x1B8E;
	s24 =	sld [smem:$0x3FFE];
	[sflag:s23] =	ssyncadd.s32 $0xFFFFFFFF  }
0xa5: {  	s26 =	simm.s32 $execute0_lowered;
	[smem:$0x3FD2] =	sst s25  }
0xa6: {  	s5 =	sshll.u32 s26, $0x1;
	_ =	strace $0x80000046;
	[dreg:$0x1] =	wrdreg $0xFFFFFFFF  }
0xa7: {  	s28 =	simm.s32 $_size_execute0_lowered;
	s3 =	sadd.s32 s3, s5;
	[dreg:$0x0] =	wrdreg $0x0  }
0xa8: {  	s5 =	sshll.u32 s28, $0x1;
	[dreg:$0x2] =	wrdreg s3  }
0xa9: {  	[dreg:$0x3] =	wrdreg s5  }
0xaa: {  	[dreg:$0x4] =	wrdreg $0xC0  }
0xab: {  	_ =	task [dreg:s7], $0x5FFFF  }
0xac: {  	[dreg:$0x1] =	wrdreg $0xFFFFFFFF  }
0xad: {  	[dreg:$0x0] =	wrdreg $0x60  }
0xae: {  	[dreg:$0x2] =	wrdreg s24  }
0xaf: {  	[dreg:$0x3] =	wrdreg s2  }
0xb0: {  	[dreg:$0x4] =	wrdreg $0x68800  }
0xb1: {  	[dreg:$0x5] =	wrdreg $0x9  }
0xb2: {  	_ =	task.clear_ibuf [dreg:s7], $0x6FFFF;
	_ =	strace $0x90000046  }
0xb3: {  	s29 =	simm.s32 $0x9;
	_ =	strace $0x80000048  }
0xb4: {  	_ =	swait.ge [sflag:s29], $0x1  }
0xb5: {  	[sflag:s29] =	ssyncadd.s32 $0xFFFFFFFF  }
0xb6: {  	_ =	strace $0x90000048  }
0xb7: {  	_ =	sfence  }
0xb8: {  	s30 =	sld [smem:$0x0];
	_ =	sdelay $0x2  }
0xb9: {  	s31 =	sshll.u32 s1, $0xD;
	s1 =	sshrl.u32 s1, $0x2  }
0xba: {  	s3 =	sand.u32 $0x4000, s31;
	s1 =	sadd.s32 s1, s30  }
0xbb: {  	s0 =	sor.u32 s3, s0;
	s1 =	sshll.u32 s1, $0x11  }
0xbc: {  	s0 =	sor.u32 s1, s0  }
0xbd: {  	s0 =	sadd.s32 $0x8F2B, s0  }
0xbe: {  	[sflag:s0] =	ssyncadd.remote.s32 $0x1  }
0xbf: {  	_ =	sfence.sel $0xFFFF  }
0xc0: {  	[dreg:$0x0] =	wrdreg $0xFFFFFFFF;
	(pc) =	sbr.abs _section_cstart, $3  }
0xc1: {  	[dreg:$0x1] =	wrdreg $0xFFFFFFFF  }
0xc2: {  	_ =	task.clear_ibuf [dreg:s7], $0x2FFFF;
	_ =	strace $0x9FFFFFFF  }
0xc3: {  	(tm) =	ssettm $0x7FFFFFFF  }
tec
execute0_lowered:
.L_overlay_start_1:
0x0: {  	(tag) =	ssettag $0x1  }
0x1: {  	s3 =	rddreg [dreg:$0x0]  }
0x2: {  	s4 =	rddreg [dreg:$0x1]  }
0x3: {  	s1 =	rddreg [dreg:$0x2]  }
0x4: {  	s0 =	rddreg [dreg:$0x3];
	s6 =	stileid.u32  }
0x5: {  	s2 =	simm.s32 $0x0;
	s7 =	srdreg.scid;
	s5 =	sshll.u32 s6, $0xB  }
0x6: {  	[smem:$0x7FF] =	sst s2;
	s31 =	sand.u32 $0x1, s7;
	p0 =	sne.s32 s6, $0x0  }
0x7: {  	s6 =	simm.s32 $0x1;
	s3 =	sadd.s32 s5, s3;
	s7 =	ssub.s32 $0x2, s31  }
0x8: {  	s8 =	sshll.u32 s31, $0xF;
	s5 =	smul.u32 $0x500, s31;
	_ =	strace $0x80000047  }
0x9: {  	v0 =	vlaneseq.u32;
	s9 =	sshrl.u32 s7, $0x1;
	s3 =	sadd.s32 s8, s3;
	s8 =	simm.s32 $0x50  }
0xa: {  	v1 =	vimm.f32 $0.0e+00;
	v6 =	vimm.f32 $1.000000000e+00;
	v2 =	vor.u32 $0x10, v0;
	s7 =	ssub.s32 s7, s9;
	s3 =	sadd.s32 $0x2A00, s3;
	s4 =	sadd.s32 s4, s5  }
0xb: {  	v3 =	vor.u32 $0x20, v0;
	v4 =	vor.u32 $0x30, v0;
	v5 =	vor.u32 $0x40, v0;
	s9 =	simm.s32 $0x6800;
	s5 =	smax.u32 s7, $0x1;
	s7 =	simm.s32 $0x4000  }
.LBB2_1:
0xc: {  	s10 =	simm.s32 $0x0;
	s11 =	simm.s32 $0x200  }
.LBB2_2:
0xd: {  	p1 =	sne.s32 s11, $0x9E00;
	[tilespmem:s10+$0x4070] =	vst v1  }
0xe: {  	[tilespmem:s10+$0x4000] =	vst v1  }
0xf: {  	[tilespmem:s10+$0x4010] =	vst v1  }
.Ltmp0:
0x10: {  	[tilespmem:s10+$0x4020] =	vst v1;
	(pc) =	sbr.rel @p1 .LBB2_2-.Ltmp0, $4  }
0x11: {  	[tilespmem:s10+$0x4030] =	vst v1  }
0x12: {  	[tilespmem:s10+$0x4040] =	vst v1  }
0x13: {  	[tilespmem:s10+$0x4050] =	vst v1  }
0x14: {  	[tilespmem:s10+$0x4060] =	vst v1;
	s10 =	sshra.s32 s11, $0x2;
	s11 =	sadd.s32 $0x200, s11  }
0x15: {  	[tilespmem:s10+$0x4070] =	vst v1  }
0x16: {  	[tilespmem:s10+$0x4000] =	vst v1  }
0x17: {  	[tilespmem:s10+$0x4010] =	vst v1  }
0x18: {  	[tilespmem:s10+$0x4020] =	vst v1  }
0x19: {  	[tilespmem:s10+$0x4030] =	vst v1  }
0x1a: {  	[tilespmem:s10+$0x4040] =	vst v1  }
0x1b: {  	[tilespmem:s10+$0x4050] =	vst v1  }
0x1c: {  	[tilespmem:s10+$0x4060] =	vst v1  }
0x1d: {  	[tilespmem:$0x6800] =	vst v0  }
0x1e: {  	[tilespmem:$0x6810] =	vst v2  }
0x1f: {  	[tilespmem:$0x6820] =	vst v3  }
0x20: {  	[tilespmem:$0x6830] =	vst v4  }
0x21: {  	s10 =	simm.s32 @!p0 $0x4000;
	[tilespmem:$0x6840] =	vst v5  }
0x22: {  	[spmem:s1] =	stream.linear.scatter @!p0 [tilespmem:s10], [sflag:$0x1], $0x2800, $0x38;
	[tilespmem:$0x6B00] =	vst v63  }
0x23: {  	s10 =	simm.s32 @!p0 $0x1  }
0x24: {  	_ =	swait.ge @!p0 [sflag:s10], $0x2800  }
0x25: {  	[sflag:s10] =	ssyncset.done @!p0 $0x0  }
0x26: {  	[sflag:s10] =	ssyncadd.s32 @!p0 $0xFFFFD800;
	s10 =	simm.s32 $0x0  }
0x27: {  	[tilespmem:s10], [sflag:$0x1] =	stream.linear.gather [hbm4b:s3+s10], $0x3E80, $0x38;
	[tilespmem:$0x6B00] =	vst v63  }
0x28: {  	_ =	swait.ge [sflag:s6], $0x3E80  }
0x29: {  	[sflag:s6] =	ssyncset.done $0x0  }
0x2a: {  	[sflag:s6] =	ssyncadd.s32 $0xFFFFC180  }
.LBB2_4:
0x2b: {  	s11 =	sshra.s32 s10, $0x2  }
0x2c: {  	v7 =	vld [tilespmem:s11+$0x0];
	_ =	sdelay $0x7  }
0x2d: {  	[tilespmem:v7+s7+$0x0] =	vst.idx.add.f32.msk $0xffff, v6  }
0x2e: {  	v7 =	vld [tilespmem:s11+$0x10];
	_ =	sdelay $0x7  }
0x2f: {  	[tilespmem:v7+s7+$0x0] =	vst.idx.add.f32.msk $0xffff, v6  }
0x30: {  	v7 =	vld [tilespmem:s11+$0x20];
	_ =	sdelay $0x7  }
0x31: {  	[tilespmem:v7+s7+$0x0] =	vst.idx.add.f32.msk $0xffff, v6  }
0x32: {  	v7 =	vld [tilespmem:s11+$0x30];
	_ =	sdelay $0x7  }
0x33: {  	[tilespmem:v7+s7+$0x0] =	vst.idx.add.f32.msk $0xffff, v6  }
0x34: {  	v7 =	vld [tilespmem:s11+$0x40];
	_ =	sdelay $0x2  }
0x35: {  	p1 =	sne.s32 s10, $0xF800  }
.Ltmp1:
0x36: {  	_ = 	snop;
	(pc) =	sbr.rel @p1 .LBB2_4-.Ltmp1, $2  }
0x37: {  	_ =	sdelay $0x2  }
0x38: {  	s10 =	sadd.s32 $0x200, s10;
	[tilespmem:v7+s7+$0x0] =	vst.idx.add.f32.msk $0xffff, v6  }
0x39: {  	[bflag:$0x0] =	sbarrier.arrive $0xFFFF  }
0x3a: {  	[spmem:s1] =	stream.indirect.scatter.add.f32 [tilespmem:s7], [sflag:$0x1], $0x80, s9, s8, $0xb8;
	[tilespmem:$0x6B00] =	vst v63  }
0x3b: {  	_ =	swait.ge [sflag:s6], $0x2800  }
0x3c: {  	[sflag:s6] =	ssyncset.done $0x0  }
0x3d: {  	[sflag:s6] =	ssyncadd.s32 $0xFFFFD800  }
0x3e: {  	s10 =	simm.s32 @!p0 $0x4000;
	s11 =	simm.s32 @!p0 $0x1;
	[bflag:$0x0] =	sbarrier.arrive $0xFFFF  }
0x3f: {  	[tilespmem:s10], [sflag:$0x1] =	stream.linear.gather @!p0 [spmem:s1], $0x2800, $0x38;
	[tilespmem:$0x6B00] =	vst v63  }
0x40: {  	s2 =	sadd.s32 $0x1, s2;
	_ =	swait.ge @!p0 [sflag:s11], $0x2800  }
0x41: {  	p1 =	sne.s32 s2, s5;
	[sflag:s11] =	ssyncset.done @!p0 $0x0  }
.Ltmp2:
0x42: {  	s12 =	simm.s32 @!p0 $0x0;
	[sflag:s11] =	ssyncadd.s32 @!p0 $0xFFFFD800;
	(pc) =	sbr.rel @p1 .LBB2_1-.Ltmp2, $4  }
0x43: {  	[hbm4b:s4+s12] =	stream.linear.scatter @!p0 [tilespmem:s10], [sflag:$0x1], $0x2800, $0x38;
	[tilespmem:$0x6B00] =	vst v63  }
0x44: {  	_ =	swait.ge @!p0 [sflag:s11], $0x2800  }
0x45: {  	[sflag:s11] =	ssyncset.done @!p0 $0x0  }
0x46: {  	[sflag:s11] =	ssyncadd.s32 @!p0 $0xFFFFD800  }
0x47: {  	_ =	sfence.sel $0x180000  }
0x48: {  	[bflag:$0x0] =	sbarrier.arrive $0xFFFF  }
0x49: {  	_ =	strace $0x90000047  }
0x4a: {  	s0 =	sadd.s32 @!p0 $0x100000, s0;
	[bflag:$0x2] =	sbarrier.arrive $0xFFFF  }
0x4b: {  	[sflag:s0] =	ssyncadd.tile.s32 @!p0 $0x1;
	_ =	shalt  }
.Lfunc_end2:
_tile_overlayer_lowered:
.L_overlay_start_2:
0x4c: {  	(tag) =	ssettag $0x2  }
0x4d: {  	s0 =	rddreg [dreg:$0x0];
	s2 =	stileid.u32  }
0x4e: {  	s1 =	rddreg [dreg:$0x1];
	p0 =	sne.s32 s2, $0x0  }
0x4f: {  	s3 =	rddreg [dreg:$0x2];
	[bflag:$0x3] =	sbarrier.arrive $0xFFFF;
	s2 =	simm.s32 @!p0 $0x1C01  }
0x50: {  	[timem:s3], [sflag:s2] =	dma.local @!p0 [hbm:s0], s1  }
0x51: {  	s0 =	simm.s32 @!p0 $0x1  }
0x52: {  	_ =	swait.ge @!p0 [sflag:s0], s1  }
0x53: {  	s1 =	ssub.s32 @!p0 $0x0, s1;
	[sflag:s0] =	ssyncset.done @!p0 $0x0  }
0x54: {  	[sflag:s0] =	ssyncadd.s32 @!p0 s1  }
0x55: {  	[bflag:$0x3] =	sbarrier.arrive $0xFFFF  }
0x56: {  	_ =	shalt  }

// kernel: kernel.13.cloned.1.call-start
scs
__scs_entry_jumppad:
0x0: {  	(pc) =	sbr.rel $0x88, $3  }
0x1: {  	(tag) =	ssettag $0x0;
	lr =	simm.s32 $0x1  }
0x2: {  	[smem:$0x3F99] =	sst lr;
	_ =	strace $0xD0000000  }
0x3: {  	_ = 	snop  }
0x4: {  	_ = 	snop  }
0x5: {  	_ = 	snop  }
0x6: {  	_ = 	snop  }
0x7: {  	_ = 	snop  }
__scs_overlays_trampoline_lowered:
0x8: {  	[smem:$0x3FA8] =	sst s0  }
0x9: {  	[smem:$0x3FA9] =	sst s1  }
0xa: {  	[smem:$0x3FAA] =	sst s2  }
0xb: {  	[smem:$0x3FAB] =	sst s3  }
0xc: {  	[smem:$0x3FAC] =	sst s4  }
0xd: {  	[smem:$0x3FAD] =	sst s5  }
0xe: {  	[smem:$0x3FAE] =	sst s6  }
0xf: {  	[smem:$0x3FAF] =	sst s7  }
0x10: {  	[smem:$0x3FB0] =	sst s8  }
0x11: {  	[smem:$0x3FB1] =	sst s9;
	s0 =	simm.s32 @!p0 $0x0  }
0x12: {  	s1 =	sld [smem:$0x3F97];
	s0 =	simm.s32 @p0 $0x1  }
0x13: {  	[smem:$0x3FB2] =	sst s0;
	s0 =	simm.s32 @!p1 $0x0  }
0x14: {  	s2 =	sld [smem:$0x3F96];
	s0 =	simm.s32 @p1 $0x1  }
0x15: {  	[smem:$0x3FB3] =	sst s0;
	s0 =	simm.s32 @!p2 $0x0  }
0x16: {  	s3 =	sld [smem:$0x3FDB];
	s0 =	simm.s32 @p2 $0x1  }
0x17: {  	s4 =	simm.s32 $0x1BF5;
	[smem:$0x3FB5] =	sst s0  }
0x18: {  	s0 =	sld [smem:$0x3F98];
	_ =	swait.ge [sflag:s4], $0x0  }
0x19: {  	s7 =	sld [smem:$0x3F99]  }
0x1a: {  	s8 =	sadd.s32 $0xFFFFE003, lr  }
0x1b: {  	s9 =	sadd.s32 $0xFFFFFEF7, lr;
	s5 =	simm.s32 $0xFFFFFFFF;
	p2 =	slt.u32 s8, $0xFFFFF086  }
0x1c: {  	p1 =	slt.u32 s9, $0xF7A;
	s5 =	simm.s32 @!p2 $0x0  }
0x1d: {  	s5 =	simm.s32 @p1 $0x1;
	p0 =	seq.s32 s7, s2  }
0x1e: {  	s7 =	smul.u32 @!p0 $0xF7A, s2;
	p2 =	seq.s32 @!p0 s5, $0x0  }
0x1f: {  	s9 =	smul.u32 $0xF7A, s1;
	s8 =	simm.s32 @!p0 $0x1BF5;
	p2 =	por !p2, p0  }
0x20: {  	[sflag:s8] =	ssyncset.s32 @!p0 $0xFFFFF086;
	s6 =	sadd.s32 @!p0 s3, s7;
	s7 =	simm.s32 @!p0 $0x108  }
0x21: {  	s3 =	sadd.s32 s3, s9;
	s6 =	sadd.s32 @!p0 $0x88, s6;
	s7 =	simm.s32 @p2 $0x1082  }
0x22: {  	[simem:s7], [sflag:s8] =	dma.local @!p0 [hbm:s6], $0xF7A  }
0x23: {  	s9 =	sor.u32 $0xD0000000, s2;
	s6 =	simm.s32 $0x108;
	_ =	swait.ge @!p0 [sflag:s8], $0x0  }
0x24: {  	s3 =	sadd.s32 $0x88, s3;
	s6 =	simm.s32 @!p1 $0x1082;
	[sflag:s4] =	ssyncset.s32 $0xFFFFF086  }
0x25: {  	[simem:s6], [sflag:s4] =	dma.local [hbm:s3], $0xF7A  }
0x26: {  	[smem:$0x3F99] =	sst s1;
	(tag) =	ssettag s2;
	_ =	strace s9  }
0x27: {  	s1 =	sld [smem:$0x3FA9]  }
0x28: {  	s2 =	sld [smem:$0x3FAA]  }
0x29: {  	s4 =	sld [smem:$0x3FAC]  }
0x2a: {  	p0 =	seq.s32 s5, $0x0;
	s5 =	sld [smem:$0x3FAD]  }
0x2b: {  	s6 =	sld [smem:$0x3FAE]  }
0x2c: {  	s7 =	sld [smem:$0x3FAF]  }
0x2d: {  	s3 =	simm.s32 $0x108;
	s8 =	sld [smem:$0x3FB0]  }
0x2e: {  	s3 =	simm.s32 @!p0 $0x1082;
	s9 =	sld [smem:$0x3FB1]  }
0x2f: {  	lr =	sadd.s32 s0, s3;
	s0 =	sld [smem:$0x3FA8]  }
0x30: {  	s3 =	sld [smem:$0x3FAB]  }
0x31: {  	[smem:$0x3FB4] =	sst s10  }
0x32: {  	s10 =	sld [smem:$0x3FB2];
	_ =	sdelay $0x3  }
0x33: {  	p0 =	seq.s32 s10, $0x1;
	s10 =	sld [smem:$0x3FB4];
	_ =	sdelay $0x3  }
0x34: {  	[smem:$0x3FB4] =	sst s10  }
0x35: {  	s10 =	sld [smem:$0x3FB3];
	_ =	sdelay $0x3  }
0x36: {  	p1 =	seq.s32 s10, $0x1;
	s10 =	sld [smem:$0x3FB4];
	_ =	sdelay $0x3  }
0x37: {  	[smem:$0x3FB4] =	sst s10  }
0x38: {  	s10 =	sld [smem:$0x3FB5]  }
0x39: {  	_ = 	snop;
	(pc) =	sbr.ind lr, $3  }
0x3a: {  	_ = 	snop  }
0x3b: {  	_ = 	snop  }
0x3c: {  	p2 =	seq.s32 s10, $0x1;
	s10 =	sld [smem:$0x3FB4]  }
0x3d: {  	_ =	shalt  }
0x3e: {  	_ =	shalt  }
0x3f: {  	_ =	shalt  }
0x40: {  	_ =	shalt  }
0x41: {  	_ =	shalt  }
0x42: {  	_ =	shalt  }
0x43: {  	_ =	shalt  }
0x44: {  	_ =	shalt  }
0x45: {  	_ =	shalt  }
0x46: {  	_ =	shalt  }
0x47: {  	_ =	shalt  }
0x48: {  	_ =	shalt  }
0x49: {  	_ =	shalt  }
0x4a: {  	_ =	shalt  }
0x4b: {  	_ =	shalt  }
0x4c: {  	_ =	shalt  }
0x4d: {  	_ =	shalt  }
0x4e: {  	_ =	shalt  }
0x4f: {  	_ =	shalt  }
0x50: {  	_ =	shalt  }
0x51: {  	_ =	shalt  }
0x52: {  	_ =	shalt  }
0x53: {  	_ =	shalt  }
0x54: {  	_ =	shalt  }
0x55: {  	_ =	shalt  }
0x56: {  	_ =	shalt  }
0x57: {  	_ =	shalt  }
0x58: {  	_ =	shalt  }
0x59: {  	_ =	shalt  }
0x5a: {  	_ =	shalt  }
0x5b: {  	_ =	shalt  }
0x5c: {  	_ =	shalt  }
0x5d: {  	_ =	shalt  }
0x5e: {  	_ =	shalt  }
0x5f: {  	_ =	shalt  }
0x60: {  	_ =	shalt  }
0x61: {  	_ =	shalt  }
0x62: {  	_ =	shalt  }
0x63: {  	_ =	shalt  }
0x64: {  	_ =	shalt  }
0x65: {  	_ =	shalt  }
0x66: {  	_ =	shalt  }
0x67: {  	_ =	shalt  }
0x68: {  	_ =	shalt  }
0x69: {  	_ =	shalt  }
0x6a: {  	_ =	shalt  }
0x6b: {  	_ =	shalt  }
0x6c: {  	_ =	shalt  }
0x6d: {  	_ =	shalt  }
0x6e: {  	_ =	shalt  }
0x6f: {  	_ =	shalt  }
0x70: {  	_ =	shalt  }
0x71: {  	_ =	shalt  }
0x72: {  	_ =	shalt  }
0x73: {  	_ =	shalt  }
0x74: {  	_ =	shalt  }
0x75: {  	_ =	shalt  }
0x76: {  	_ =	shalt  }
0x77: {  	_ =	shalt  }
0x78: {  	_ =	shalt  }
0x79: {  	_ =	shalt  }
0x7a: {  	_ =	shalt  }
0x7b: {  	_ =	shalt  }
0x7c: {  	_ =	shalt  }
0x7d: {  	_ =	shalt  }
0x7e: {  	_ =	shalt  }
0x7f: {  	_ =	shalt  }
0x80: {  	_ =	shalt  }
0x81: {  	_ =	shalt  }
0x82: {  	_ =	shalt  }
0x83: {  	_ =	shalt  }
0x84: {  	_ =	shalt  }
0x85: {  	_ =	shalt  }
0x86: {  	_ =	shalt  }
0x87: {  	_ =	shalt  }
.Lfunc_end0:
.L_simem_size_0:
called_computation.1_lowered:
.L_overlay_start_0:
0x88: {  	s2 =	sld [smem:$0x3FD9]  }
0x89: {  	s3 =	sld [smem:$0x3FFE];
	_ =	sdelay $0x1  }
0x8a: {  	s1 =	srdreg.scid  }
0x8b: {  	s0 =	sand.u32 $0x1, s1  }
0x8c: {  	s17 =	sshll.u32 s0, $0xA;
	s2 =	sadd.s32 s3, s2  }
0x8d: {  	s2 =	sadd.s32 s2, s17  }
0x8e: {  	[smem:$0x3FC0] =	sst s2  }
0x8f: {  	_ = 	snop  }
0x90: {  	s2 =	sld [smem:$0x3FD0];
	(tm) =	ssettm $0x1  }
0x91: {  	s18 =	sld [smem:$0x3FFB];
	_ =	sdelay $0x3  }
0x92: {  	_ =	strace s18  }
0x93: {  	s3 =	sld [smem:$0x3FFC];
	_ =	sdelay $0x3  }
0x94: {  	_ =	strace s3  }
0x95: {  	s3 =	sld [smem:$0x3FFD];
	_ =	sdelay $0x3  }
0x96: {  	_ =	strace s3  }
0x97: {  	_ =	strace $0x8FFFFFFF  }
0x98: {  	s19 =	sld [smem:$0x3FDB];
	_ =	sdelay $0x1  }
0x99: {  	s4 =	simm.s32 $_scs_section_size  }
0x9a: {  	s5 =	simm.s32 $_size__tile_overlayer_lowered;
	s6 =	simm.s32 $_tile_overlayer_lowered  }
0x9b: {  	s22 =	simm.s32 $0x1BFF;
	s21 =	sshll.u32 s6, $0x1;
	s3 =	sadd.s32 s4, s19  }
0x9c: {  	s7 =	simm.s32 $0x0;
	s20 =	sshll.u32 s5, $0x1;
	s5 =	sadd.s32 s21, s3  }
0x9d: {  	[timem:s7], [sflag:s22] =	dma.local [hbm:s5], s20  }
0x9e: {  	_ =	swait.ge [sflag:s22], s20  }
0x9f: {  	s4 =	ssub.s32 $0x0, s20;
	[sflag:s22] =	ssyncset.done $0x0  }
0xa0: {  	[sflag:s22] =	ssyncadd.s32 s4;
	_ =	sdelay $0x1  }
0xa1: {  	s23 =	simm.s32 $0x1B8B  }
0xa2: {  	_ =	swait.ge [sflag:s23], $0x1  }
0xa3: {  	[sflag:s23] =	ssyncset.done $0x0  }
0xa4: {  	s25 =	simm.s32 $0x1B8E;
	s24 =	sld [smem:$0x3FFE];
	[sflag:s23] =	ssyncadd.s32 $0xFFFFFFFF  }
0xa5: {  	s26 =	simm.s32 $execute0_lowered;
	[smem:$0x3FD2] =	sst s25  }
0xa6: {  	s5 =	sshll.u32 s26, $0x1;
	_ =	strace $0x80000049;
	[dreg:$0x1] =	wrdreg $0xFFFFFFFF  }
0xa7: {  	s28 =	simm.s32 $_size_execute0_lowered;
	s3 =	sadd.s32 s3, s5;
	[dreg:$0x0] =	wrdreg $0x0  }
0xa8: {  	s5 =	sshll.u32 s28, $0x1;
	[dreg:$0x2] =	wrdreg s3  }
0xa9: {  	[dreg:$0x3] =	wrdreg s5  }
0xaa: {  	[dreg:$0x4] =	wrdreg $0xC0  }
0xab: {  	_ =	task [dreg:s7], $0x5FFFF  }
0xac: {  	[dreg:$0x1] =	wrdreg $0xFFFFFFFF  }
0xad: {  	[dreg:$0x0] =	wrdreg $0x60  }
0xae: {  	[dreg:$0x2] =	wrdreg s2  }
0xaf: {  	[dreg:$0x3] =	wrdreg s24  }
0xb0: {  	[dreg:$0x4] =	wrdreg $0xB8000  }
0xb1: {  	[dreg:$0x5] =	wrdreg $0x9  }
0xb2: {  	_ =	task.clear_ibuf [dreg:s7], $0x6FFFF;
	_ =	strace $0x90000049  }
0xb3: {  	s29 =	simm.s32 $0x9;
	_ =	strace $0x8000004B  }
0xb4: {  	_ =	swait.ge [sflag:s29], $0x1  }
0xb5: {  	[sflag:s29] =	ssyncadd.s32 $0xFFFFFFFF  }
0xb6: {  	_ =	strace $0x9000004B  }
0xb7: {  	_ =	sfence  }
0xb8: {  	s30 =	sld [smem:$0x0];
	_ =	sdelay $0x2  }
0xb9: {  	s31 =	sshll.u32 s1, $0xD;
	s1 =	sshrl.u32 s1, $0x2  }
0xba: {  	s3 =	sand.u32 $0x4000, s31;
	s1 =	sadd.s32 s1, s30  }
0xbb: {  	s0 =	sor.u32 s3, s0;
	s1 =	sshll.u32 s1, $0x11  }
0xbc: {  	s0 =	sor.u32 s1, s0  }
0xbd: {  	s0 =	sadd.s32 $0x8F2B, s0  }
0xbe: {  	[sflag:s0] =	ssyncadd.remote.s32 $0x1  }
0xbf: {  	_ =	sfence.sel $0xFFFF  }
0xc0: {  	[dreg:$0x0] =	wrdreg $0xFFFFFFFF;
	(pc) =	sbr.abs _section_cstart, $3  }
0xc1: {  	[dreg:$0x1] =	wrdreg $0xFFFFFFFF  }
0xc2: {  	_ =	task.clear_ibuf [dreg:s7], $0x2FFFF;
	_ =	strace $0x9FFFFFFF  }
0xc3: {  	(tm) =	ssettm $0x7FFFFFFF  }
tec
execute0_lowered:
.L_overlay_start_1:
0x0: {  	(tag) =	ssettag $0x1  }
0x1: {  	s0 =	rddreg [dreg:$0x0]  }
0x2: {  	s1 =	rddreg [dreg:$0x1]  }
0x3: {  	s2 =	srdreg.scid;
	s3 =	rddreg [dreg:$0x2]  }
0x4: {  	s10 =	stileid.u32;
	s4 =	simm.s32 $0x0;
	s13 =	simm.s32 $0x4000  }
0x5: {  	s14 =	simm.s32 $0x7;
	s15 =	simm.s32 $0x2000;
	s16 =	simm.s32 $0x50  }
0x6: {  	s17 =	simm.s32 $0x80;
	s18 =	simm.s32 $0x6800;
	s19 =	simm.s32 $0x1  }
0x7: {  	s20 =	simm.s32 $0x100;
	s28 =	simm.s32 $0x2100;
	s29 =	simm.s32 $0x5  }
0x8: {  	s30 =	simm.s32 $0x200;
	s31 =	simm.s32 $0x6;
	s2 =	sand.u32 $0x1, s2  }
0x9: {  	s6 =	smul.u32 $0x2800, s10;
	[smem:$0x7FF] =	sst s4;
	s21 =	sadd.s32 $0x12A00, s1  }
0xa: {  	s23 =	sshll.u32 s10, $0xB;
	s8 =	ssub.s32 $0x8D, s10;
	s10 =	smul.u32 $0xA000, s10  }
0xb: {  	s9 =	sadd.s32 $0x2A00, s1;
	s5 =	smul.u32 $0x13B000, s2;
	s7 =	ssub.s32 $0x2, s2  }
0xc: {  	_ =	strace $0x8000004A;
	s2 =	sshll.u32 s2, $0xF;
	s22 =	sshrl.u32 s7, $0x1  }
0xd: {  	s2 =	sor.u32 s23, s2;
	s26 =	sshrl.u32 s10, $0x2;
	s23 =	simm.s32 $0x2080  }
0xe: {  	s5 =	sadd.s32 s6, s5;
	s7 =	ssub.s32 s7, s22;
	s24 =	sadd.s32 s21, s2  }
0xf: {  	s11 =	sor.u32 $0x400, s2;
	s2 =	sadd.s32 s9, s2;
	[dreg:$0x4] =	wrdreg s24  }
0x10: {  	s22 =	simm.s32 $0x2;
	s5 =	sshrl.u32 s5, $0x3;
	[dreg:$0x5] =	wrdreg s2  }
0x11: {  	s25 =	sadd.s32 s21, s11;
	s9 =	sadd.s32 s9, s11;
	s10 =	smax.u32 s7, $0x1  }
0x12: {  	s7 =	sadd.s32 s26, s3;
	s21 =	simm.s32 $0x9000;
	s24 =	simm.s32 $0x4  }
0x13: {  	s26 =	simm.s32 $0x3;
	s1 =	sadd.s32 s5, s1;
	s5 =	sshrl.u32 s8, $0x4  }
0x14: {  	v0 =	vimm.f32 $0.0e+00;
	[dreg:$0x6] =	wrdreg s25;
	s25 =	simm.s32 $0x180;
	s12 =	sadd.s32 $0x22A00, s1  }
.LBB2_1:
0x15: {  	s1 =	simm.s32 $0x0;
	s2 =	simm.s32 $0x200  }
.LBB2_2:
0x16: {  	p0 =	sne.s32 s2, $0x9E00;
	[tilespmem:s1+$0x4070] =	vst v0  }
0x17: {  	[tilespmem:s1+$0x4000] =	vst v0  }
0x18: {  	[tilespmem:s1+$0x4010] =	vst v0  }
.Ltmp0:
0x19: {  	[tilespmem:s1+$0x4020] =	vst v0;
	(pc) =	sbr.rel @p0 .LBB2_2-.Ltmp0, $4  }
0x1a: {  	[tilespmem:s1+$0x4030] =	vst v0  }
0x1b: {  	[tilespmem:s1+$0x4040] =	vst v0  }
0x1c: {  	[tilespmem:s1+$0x4050] =	vst v0  }
0x1d: {  	[tilespmem:s1+$0x4060] =	vst v0;
	s1 =	sshra.s32 s2, $0x2;
	s2 =	sadd.s32 $0x200, s2  }
0x1e: {  	[tilespmem:s1+$0x4070] =	vst v0  }
0x1f: {  	[tilespmem:s1+$0x4000] =	vst v0  }
0x20: {  	[tilespmem:s1+$0x4010] =	vst v0  }
0x21: {  	[tilespmem:s1+$0x4020] =	vst v0  }
0x22: {  	[tilespmem:s1+$0x4030] =	vst v0  }
0x23: {  	[tilespmem:s1+$0x4040] =	vst v0;
	p0 =	sne.s32 s5, $0x1  }
.Ltmp1:
0x24: {  	[tilespmem:s1+$0x4050] =	vst v0;
	(pc) =	sbr.rel @!p0 .LBB2_5-.Ltmp1, $4  }
0x25: {  	[tilespmem:s1+$0x4060] =	vst v0  }
0x26: {  	[spmem:s7] =	stream.linear.scatter [tilespmem:s13], [sflag:$0x7], $0x2800, $0x38;
	[tilespmem:$0x1F300] =	vst v63  }
0x27: {  	_ =	swait.ge [sflag:s14], $0x2800  }
0x28: {  	s1 =	sadd.s32 $0xFFFFFFFF, s5;
	s2 =	smov.u32 s7;
	[sflag:s14] =	ssyncset.done $0x0  }
.LBB2_4:
0x29: {  	p1 =	sne.s32 s1, $0x1;
	[sflag:s14] =	ssyncadd.s32 $0xFFFFD800;
	s2 =	sadd.s32 $0x28000, s2  }
.Ltmp2:
0x2a: {  	s1 =	sadd.s32 $0xFFFFFFFF, s1;
	(pc) =	sbr.rel @p1 .LBB2_4-.Ltmp2, $4  }
0x2b: {  	_ = 	snop  }
0x2c: {  	[spmem:s2] =	stream.linear.scatter [tilespmem:s13], [sflag:$0x7], $0x2800, $0x38;
	[tilespmem:$0x1F300] =	vst v63  }
0x2d: {  	_ =	swait.ge [sflag:s14], $0x2800  }
0x2e: {  	[sflag:s14] =	ssyncset.done $0x0  }
.LBB2_5:
0x2f: {  	[sflag:s14] =	ssyncadd.s32 $0xFFFFD800  }
0x30: {  	[bflag:$0x0] =	sbarrier.arrive $0xFFFF  }
0x31: {  	s1 =	simm.s32 $0x0;
	s2 =	rddreg [dreg:$0x4]  }
0x32: {  	[tilespmem:s1], [sflag:$0x7] =	stream.linear.gather [hbm4b:s2+s1], $0x2000, $0x38;
	[tilespmem:$0x1F300] =	vst v63  }
0x33: {  	_ =	swait.ge [sflag:s14], $0x2000  }
0x34: {  	[sflag:s14] =	ssyncset.done $0x0  }
0x35: {  	s11 =	rddreg [dreg:$0x5];
	[sflag:s14] =	ssyncadd.s32 $0xFFFFE000  }
0x36: {  	[tilespmem:s15], [sflag:$0x7] =	stream.linear.gather [hbm4b:s11+s1], $0x2000, $0x38;
	[tilespmem:$0x1F300] =	vst v63  }
0x37: {  	_ =	swait.ge [sflag:s14], $0x2000  }
0x38: {  	[sflag:s14] =	ssyncset.done $0x0  }
0x39: {  	[sflag:s14] =	ssyncadd.s32 $0xFFFFE000  }
0x3a: {  	[tilespmem:s13], [sflag:$0x1] =	stream.indirect.gather [hbm4b:s0+s16], $0x80, s1, s16, $0xb8;
	[tilespmem:$0x1F300] =	vst v63  }
0x3b: {  	_ = 	snop  }
0x3c: {  	[tilespmem:s18], [sflag:$0x2] =	stream.indirect.gather [hbm4b:s0+s16], $0x80, s17, s16, $0xb8;
	[tilespmem:$0x1F300] =	vst v63  }
0x3d: {  	_ =	swait.ge [sflag:s19], $0x2800  }
0x3e: {  	[sflag:s19] =	ssyncset.done $0x0  }
0x3f: {  	[sflag:s19] =	ssyncadd.s32 $0xFFFFD800  }
0x40: {  	[spmem:s3] =	stream.indirect.scatter.add.f32 [tilespmem:s13], [sflag:$0x4], $0x80, s15, s16, $0xb8;
	[tilespmem:$0x1F300] =	vst v63  }
0x41: {  	_ = 	snop  }
0x42: {  	[tilespmem:s21], [sflag:$0x3] =	stream.indirect.gather [hbm4b:s0+s16], $0x80, s20, s16, $0xb8;
	[tilespmem:$0x1F300] =	vst v63  }
0x43: {  	_ =	swait.ge [sflag:s22], $0x2800  }
0x44: {  	[sflag:s22] =	ssyncset.done $0x0  }
0x45: {  	[sflag:s22] =	ssyncadd.s32 $0xFFFFD800  }
0x46: {  	[spmem:s3] =	stream.indirect.scatter.add.f32 [tilespmem:s18], [sflag:$0x5], $0x80, s23, s16, $0xb8;
	[tilespmem:$0x1F300] =	vst v63  }
0x47: {  	_ =	swait.ge [sflag:s24], $0x2800  }
0x48: {  	[sflag:s24] =	ssyncset.done $0x0  }
0x49: {  	[sflag:s24] =	ssyncadd.s32 $0xFFFFD800  }
0x4a: {  	[tilespmem:s13], [sflag:$0x1] =	stream.indirect.gather [hbm4b:s0+s16], $0x80, s25, s16, $0xb8;
	[tilespmem:$0x1F300] =	vst v63  }
0x4b: {  	_ =	swait.ge [sflag:s26], $0x2800  }
0x4c: {  	[sflag:s26] =	ssyncset.done $0x0  }
0x4d: {  	[sflag:s26] =	ssyncadd.s32 $0xFFFFD800  }
0x4e: {  	[spmem:s3] =	stream.indirect.scatter.add.f32 [tilespmem:s21], [sflag:$0x6], $0x80, s28, s16, $0xb8;
	[tilespmem:$0x1F300] =	vst v63  }
0x4f: {  	_ =	swait.ge [sflag:s29], $0x2800  }
0x50: {  	[sflag:s29] =	ssyncset.done $0x0  }
0x51: {  	[sflag:s29] =	ssyncadd.s32 $0xFFFFD800  }
0x52: {  	[tilespmem:s18], [sflag:$0x2] =	stream.indirect.gather [hbm4b:s0+s16], $0x80, s30, s16, $0xb8;
	[tilespmem:$0x1F300] =	vst v63  }
.LBB2_6:
0x53: {  	_ =	swait.ge [sflag:s19], $0x2800  }
0x54: {  	s2 =	sshra.s32 s1, $0x2;
	[sflag:s19] =	ssyncset.done $0x0  }
0x55: {  	s6 =	sadd.s32 $0x2180, s2;
	[sflag:s19] =	ssyncadd.s32 $0xFFFFD800  }
0x56: {  	[spmem:s3] =	stream.indirect.scatter.add.f32 [tilespmem:s13], [sflag:$0x4], $0x80, s6, s16, $0xb8;
	[tilespmem:$0x1F300] =	vst v63  }
0x57: {  	_ =	swait.ge [sflag:s31], $0x2800  }
0x58: {  	[sflag:s31] =	ssyncset.done $0x0  }
0x59: {  	s8 =	sadd.s32 $0x280, s2;
	[sflag:s31] =	ssyncadd.s32 $0xFFFFD800  }
0x5a: {  	[tilespmem:s21], [sflag:$0x3] =	stream.indirect.gather [hbm4b:s0+s16], $0x80, s8, s16, $0xb8;
	[tilespmem:$0x1F300] =	vst v63  }
0x5b: {  	_ =	swait.ge [sflag:s22], $0x2800  }
0x5c: {  	[sflag:s22] =	ssyncset.done $0x0  }
0x5d: {  	s11 =	sadd.s32 $0x2200, s2;
	[sflag:s22] =	ssyncadd.s32 $0xFFFFD800  }
0x5e: {  	[spmem:s3] =	stream.indirect.scatter.add.f32 [tilespmem:s18], [sflag:$0x5], $0x80, s11, s16, $0xb8;
	[tilespmem:$0x1F300] =	vst v63  }
0x5f: {  	_ =	swait.ge [sflag:s24], $0x2800  }
0x60: {  	[sflag:s24] =	ssyncset.done $0x0  }
0x61: {  	s8 =	sadd.s32 $0x300, s2;
	[sflag:s24] =	ssyncadd.s32 $0xFFFFD800  }
0x62: {  	[tilespmem:s13], [sflag:$0x1] =	stream.indirect.gather [hbm4b:s0+s16], $0x80, s8, s16, $0xb8;
	[tilespmem:$0x1F300] =	vst v63  }
0x63: {  	_ =	swait.ge [sflag:s26], $0x2800  }
0x64: {  	p1 =	seq.s32 s1, $0x7200;
	[sflag:s26] =	ssyncset.done $0x0  }
.Ltmp3:
0x65: {  	s11 =	sadd.s32 $0x2280, s2;
	[sflag:s26] =	ssyncadd.s32 $0xFFFFD800;
	(pc) =	sbr.rel @p1 .LBB2_8-.Ltmp3, $4  }
0x66: {  	[spmem:s3] =	stream.indirect.scatter.add.f32 [tilespmem:s21], [sflag:$0x6], $0x80, s11, s16, $0xb8;
	[tilespmem:$0x1F300] =	vst v63  }
0x67: {  	_ =	swait.ge [sflag:s29], $0x2800  }
0x68: {  	[sflag:s29] =	ssyncset.done $0x0  }
0x69: {  	[sflag:s29] =	ssyncadd.s32 $0xFFFFD800  }
.Ltmp4:
0x6a: {  	(pc) =	sbr.rel .LBB2_6-.Ltmp4, $3  }
0x6b: {  	_ =	sdelay $0x1  }
0x6c: {  	s2 =	sadd.s32 $0x380, s2;
	s1 =	sadd.s32 $0x600, s1  }
0x6d: {  	[tilespmem:s18], [sflag:$0x2] =	stream.indirect.gather [hbm4b:s0+s16], $0x80, s2, s16, $0xb8;
	[tilespmem:$0x1F300] =	vst v63  }
.LBB2_8:
0x6e: {  	_ =	swait.ge [sflag:s19], $0x2800  }
0x6f: {  	[sflag:s19] =	ssyncset.done $0x0  }
0x70: {  	s1 =	simm.s32 $0x3F80;
	[sflag:s19] =	ssyncadd.s32 $0xFFFFD800  }
0x71: {  	[spmem:s3] =	stream.indirect.scatter.add.f32 [tilespmem:s13], [sflag:$0x4], $0x80, s1, s16, $0xb8;
	[tilespmem:$0x1F300] =	vst v63  }
0x72: {  	_ =	swait.ge [sflag:s31], $0x2800  }
0x73: {  	[sflag:s31] =	ssyncset.done $0x0  }
0x74: {  	[sflag:s31] =	ssyncadd.s32 $0xFFFFD800  }
0x75: {  	_ =	swait.ge [sflag:s24], $0x2800  }
0x76: {  	[sflag:s24] =	ssyncset.done $0x0  }
0x77: {  	s1 =	simm.s32 $0x0;
	s2 =	rddreg [dreg:$0x6];
	[sflag:s24] =	ssyncadd.s32 $0xFFFFD800  }
0x78: {  	[tilespmem:s1], [sflag:$0x7] =	stream.linear.gather [hbm4b:s2+s1], $0x1E80, $0x38;
	[tilespmem:$0x1F300] =	vst v63  }
0x79: {  	_ =	swait.ge [sflag:s14], $0x1E80  }
0x7a: {  	[sflag:s14] =	ssyncset.done $0x0  }
0x7b: {  	[sflag:s14] =	ssyncadd.s32 $0xFFFFE180  }
0x7c: {  	[tilespmem:s15], [sflag:$0x7] =	stream.linear.gather [hbm4b:s9+s1], $0x1E80, $0x38;
	[tilespmem:$0x1F300] =	vst v63  }
0x7d: {  	_ =	swait.ge [sflag:s14], $0x1E80  }
0x7e: {  	[sflag:s14] =	ssyncset.done $0x0  }
0x7f: {  	[sflag:s14] =	ssyncadd.s32 $0xFFFFE180  }
0x80: {  	[tilespmem:s13], [sflag:$0x1] =	stream.indirect.gather [hbm4b:s0+s16], $0x80, s1, s16, $0xb8;
	[tilespmem:$0x1F300] =	vst v63  }
0x81: {  	_ = 	snop  }
0x82: {  	[tilespmem:s18], [sflag:$0x2] =	stream.indirect.gather [hbm4b:s0+s16], $0x80, s17, s16, $0xb8;
	[tilespmem:$0x1F300] =	vst v63  }
0x83: {  	_ =	swait.ge [sflag:s19], $0x2800  }
0x84: {  	[sflag:s19] =	ssyncset.done $0x0  }
0x85: {  	[sflag:s19] =	ssyncadd.s32 $0xFFFFD800  }
0x86: {  	[spmem:s3] =	stream.indirect.scatter.add.f32 [tilespmem:s13], [sflag:$0x4], $0x80, s15, s16, $0xb8;
	[tilespmem:$0x1F300] =	vst v63  }
0x87: {  	_ = 	snop  }
0x88: {  	[tilespmem:s21], [sflag:$0x3] =	stream.indirect.gather [hbm4b:s0+s16], $0x80, s20, s16, $0xb8;
	[tilespmem:$0x1F300] =	vst v63  }
0x89: {  	_ =	swait.ge [sflag:s22], $0x2800  }
0x8a: {  	[sflag:s22] =	ssyncset.done $0x0  }
0x8b: {  	[sflag:s22] =	ssyncadd.s32 $0xFFFFD800  }
0x8c: {  	[spmem:s3] =	stream.indirect.scatter.add.f32 [tilespmem:s18], [sflag:$0x5], $0x80, s23, s16, $0xb8;
	[tilespmem:$0x1F300] =	vst v63  }
0x8d: {  	_ =	swait.ge [sflag:s24], $0x2800  }
0x8e: {  	[sflag:s24] =	ssyncset.done $0x0  }
0x8f: {  	[sflag:s24] =	ssyncadd.s32 $0xFFFFD800  }
0x90: {  	[tilespmem:s13], [sflag:$0x1] =	stream.indirect.gather [hbm4b:s0+s16], $0x80, s25, s16, $0xb8;
	[tilespmem:$0x1F300] =	vst v63  }
0x91: {  	_ =	swait.ge [sflag:s26], $0x2800  }
0x92: {  	[sflag:s26] =	ssyncset.done $0x0  }
0x93: {  	[sflag:s26] =	ssyncadd.s32 $0xFFFFD800  }
0x94: {  	[spmem:s3] =	stream.indirect.scatter.add.f32 [tilespmem:s21], [sflag:$0x6], $0x80, s28, s16, $0xb8;
	[tilespmem:$0x1F300] =	vst v63  }
0x95: {  	_ =	swait.ge [sflag:s29], $0x2800  }
0x96: {  	[sflag:s29] =	ssyncset.done $0x0  }
0x97: {  	[sflag:s29] =	ssyncadd.s32 $0xFFFFD800  }
0x98: {  	[tilespmem:s18], [sflag:$0x2] =	stream.indirect.gather [hbm4b:s0+s16], $0x80, s30, s16, $0xb8;
	[tilespmem:$0x1F300] =	vst v63  }
.LBB2_9:
0x99: {  	_ =	swait.ge [sflag:s19], $0x2800  }
0x9a: {  	s2 =	sshra.s32 s1, $0x2;
	[sflag:s19] =	ssyncset.done $0x0  }
0x9b: {  	s6 =	sadd.s32 $0x2180, s2;
	[sflag:s19] =	ssyncadd.s32 $0xFFFFD800  }
0x9c: {  	[spmem:s3] =	stream.indirect.scatter.add.f32 [tilespmem:s13], [sflag:$0x4], $0x80, s6, s16, $0xb8;
	[tilespmem:$0x1F300] =	vst v63  }
0x9d: {  	_ =	swait.ge [sflag:s31], $0x2800  }
0x9e: {  	[sflag:s31] =	ssyncset.done $0x0  }
0x9f: {  	s8 =	sadd.s32 $0x280, s2;
	[sflag:s31] =	ssyncadd.s32 $0xFFFFD800  }
0xa0: {  	[tilespmem:s21], [sflag:$0x3] =	stream.indirect.gather [hbm4b:s0+s16], $0x80, s8, s16, $0xb8;
	[tilespmem:$0x1F300] =	vst v63  }
0xa1: {  	_ =	swait.ge [sflag:s22], $0x2800  }
0xa2: {  	[sflag:s22] =	ssyncset.done $0x0  }
0xa3: {  	s11 =	sadd.s32 $0x2200, s2;
	[sflag:s22] =	ssyncadd.s32 $0xFFFFD800  }
0xa4: {  	[spmem:s3] =	stream.indirect.scatter.add.f32 [tilespmem:s18], [sflag:$0x5], $0x80, s11, s16, $0xb8;
	[tilespmem:$0x1F300] =	vst v63  }
0xa5: {  	_ =	swait.ge [sflag:s24], $0x2800  }
0xa6: {  	[sflag:s24] =	ssyncset.done $0x0  }
0xa7: {  	s8 =	sadd.s32 $0x300, s2;
	[sflag:s24] =	ssyncadd.s32 $0xFFFFD800  }
0xa8: {  	[tilespmem:s13], [sflag:$0x1] =	stream.indirect.gather [hbm4b:s0+s16], $0x80, s8, s16, $0xb8;
	[tilespmem:$0x1F300] =	vst v63  }
0xa9: {  	_ =	swait.ge [sflag:s26], $0x2800  }
0xaa: {  	p1 =	seq.s32 s1, $0x6C00;
	[sflag:s26] =	ssyncset.done $0x0  }
.Ltmp5:
0xab: {  	s11 =	sadd.s32 $0x2280, s2;
	[sflag:s26] =	ssyncadd.s32 $0xFFFFD800;
	(pc) =	sbr.rel @p1 .LBB2_11-.Ltmp5, $4  }
0xac: {  	[spmem:s3] =	stream.indirect.scatter.add.f32 [tilespmem:s21], [sflag:$0x6], $0x80, s11, s16, $0xb8;
	[tilespmem:$0x1F300] =	vst v63  }
0xad: {  	_ =	swait.ge [sflag:s29], $0x2800  }
0xae: {  	[sflag:s29] =	ssyncset.done $0x0  }
0xaf: {  	[sflag:s29] =	ssyncadd.s32 $0xFFFFD800  }
.Ltmp6:
0xb0: {  	(pc) =	sbr.rel .LBB2_9-.Ltmp6, $3  }
0xb1: {  	_ =	sdelay $0x1  }
0xb2: {  	s2 =	sadd.s32 $0x380, s2;
	s1 =	sadd.s32 $0x600, s1  }
0xb3: {  	[tilespmem:s18], [sflag:$0x2] =	stream.indirect.gather [hbm4b:s0+s16], $0x80, s2, s16, $0xb8;
	[tilespmem:$0x1F300] =	vst v63  }
.LBB2_11:
0xb4: {  	_ =	swait.ge [sflag:s19], $0x2800  }
0xb5: {  	[sflag:s19] =	ssyncset.done $0x0  }
0xb6: {  	s1 =	simm.s32 $0x3E00;
	[sflag:s19] =	ssyncadd.s32 $0xFFFFD800  }
0xb7: {  	[spmem:s3] =	stream.indirect.scatter.add.f32 [tilespmem:s13], [sflag:$0x4], $0x80, s1, s16, $0xb8;
	[tilespmem:$0x1F300] =	vst v63  }
0xb8: {  	_ =	swait.ge [sflag:s31], $0x2800  }
0xb9: {  	[sflag:s31] =	ssyncset.done $0x0  }
0xba: {  	[sflag:s31] =	ssyncadd.s32 $0xFFFFD800  }
0xbb: {  	_ =	swait.ge [sflag:s24], $0x2800  }
.Ltmp7:
0xbc: {  	s11 =	stileid.u32;
	[sflag:s24] =	ssyncset.done $0x0;
	(pc) =	sbr.rel @!p0 .LBB2_13-.Ltmp7, $4  }
0xbd: {  	s2 =	sshrl.u32 s7, $0x3;
	s1 =	sshll.u32 s11, $0x6;
	[sflag:s24] =	ssyncadd.s32 $0xFFFFD800  }
0xbe: {  	s6 =	sadd.s32 $0x5000, s12;
	s1 =	sor.u32 $0x1C07, s1;
	[bflag:$0x0] =	sbarrier.arrive $0xFFFF  }
0xbf: {  	[hbm:s12], [sflag:s1] =	dma.local [spmem:s2], $0x500  }
0xc0: {  	s11 =	smov.u32 s7;
	s2 =	sadd.s32 $0xFFFFFFFF, s5;
	_ =	swait.ge [sflag:s14], $0x500  }
.LBB2_12:
0xc1: {  	[sflag:s14] =	ssyncset.done $0x0;
	s11 =	sadd.s32 $0x28000, s11;
	p0 =	sne.s32 s2, $0x1  }
.Ltmp8:
0xc2: {  	s8 =	sshrl.u32 s11, $0x3;
	[sflag:s14] =	ssyncadd.s32 $0xFFFFFB00;
	(pc) =	sbr.rel @p0 .LBB2_12-.Ltmp8, $3  }
0xc3: {  	[hbm:s6], [sflag:s1] =	dma.local [spmem:s8], $0x500  }
0xc4: {  	s2 =	sadd.s32 $0xFFFFFFFF, s2;
	_ =	sdelay $0x1  }
0xc5: {  	s6 =	sadd.s32 $0x5000, s6;
	_ =	swait.ge [sflag:s14], $0x500  }
.LBB2_13:
0xc6: {  	s4 =	sadd.s32 $0x1, s4  }
0xc7: {  	p0 =	sne.s32 s4, s10  }
.Ltmp9:
0xc8: {  	_ = 	snop;
	(pc) =	sbr.rel @p0 .LBB2_1-.Ltmp9, $3  }
0xc9: {  	_ =	sdelay $0x1  }
0xca: {  	[sflag:s14] =	ssyncset.done $0x0  }
0xcb: {  	[sflag:s14] =	ssyncadd.s32 $0xFFFFFB00  }
0xcc: {  	_ =	sfence.sel $0x180000  }
0xcd: {  	[bflag:$0x0] =	sbarrier.arrive $0xFFFF  }
0xce: {  	_ =	strace $0x9000004A  }
0xcf: {  	s0 =	stileid.u32;
	[bflag:$0x2] =	sbarrier.arrive $0xFFFF  }
0xd0: {  	p0 =	sne.s32 s0, $0x0;
	s0 =	rddreg [dreg:$0x3]  }
0xd1: {  	s0 =	sadd.s32 @!p0 $0x100000, s0  }
0xd2: {  	[sflag:s0] =	ssyncadd.tile.s32 @!p0 $0x1;
	_ =	shalt  }
.Lfunc_end2:
_tile_overlayer_lowered:
.L_overlay_start_2:
0xd3: {  	(tag) =	ssettag $0x2  }
0xd4: {  	s0 =	rddreg [dreg:$0x0];
	s2 =	stileid.u32  }
0xd5: {  	s1 =	rddreg [dreg:$0x1];
	p0 =	sne.s32 s2, $0x0  }
0xd6: {  	s3 =	rddreg [dreg:$0x2];
	[bflag:$0x3] =	sbarrier.arrive $0xFFFF;
	s2 =	simm.s32 @!p0 $0x1C07  }
0xd7: {  	[timem:s3], [sflag:s2] =	dma.local @!p0 [hbm:s0], s1  }
0xd8: {  	s0 =	simm.s32 @!p0 $0x7  }
0xd9: {  	_ =	swait.ge @!p0 [sflag:s0], s1  }
0xda: {  	s1 =	ssub.s32 @!p0 $0x0, s1;
	[sflag:s0] =	ssyncset.done @!p0 $0x0  }
0xdb: {  	[sflag:s0] =	ssyncadd.s32 @!p0 s1  }
0xdc: {  	[bflag:$0x3] =	sbarrier.arrive $0xFFFF  }
0xdd: {  	_ =	shalt  }

// kernel: kernel.16.cloned.1.call-start
scs
__scs_entry_jumppad:
0x0: {  	(pc) =	sbr.rel $0x88, $3  }
0x1: {  	(tag) =	ssettag $0x0;
	lr =	simm.s32 $0x1  }
0x2: {  	[smem:$0x3F99] =	sst lr;
	_ =	strace $0xD0000000  }
0x3: {  	_ = 	snop  }
0x4: {  	_ = 	snop  }
0x5: {  	_ = 	snop  }
0x6: {  	_ = 	snop  }
0x7: {  	_ = 	snop  }
__scs_overlays_trampoline_lowered:
0x8: {  	[smem:$0x3FA8] =	sst s0  }
0x9: {  	[smem:$0x3FA9] =	sst s1  }
0xa: {  	[smem:$0x3FAA] =	sst s2  }
0xb: {  	[smem:$0x3FAB] =	sst s3  }
0xc: {  	[smem:$0x3FAC] =	sst s4  }
0xd: {  	[smem:$0x3FAD] =	sst s5  }
0xe: {  	[smem:$0x3FAE] =	sst s6  }
0xf: {  	[smem:$0x3FAF] =	sst s7  }
0x10: {  	[smem:$0x3FB0] =	sst s8  }
0x11: {  	[smem:$0x3FB1] =	sst s9;
	s0 =	simm.s32 @!p0 $0x0  }
0x12: {  	s1 =	sld [smem:$0x3F97];
	s0 =	simm.s32 @p0 $0x1  }
0x13: {  	[smem:$0x3FB2] =	sst s0;
	s0 =	simm.s32 @!p1 $0x0  }
0x14: {  	s2 =	sld [smem:$0x3F96];
	s0 =	simm.s32 @p1 $0x1  }
0x15: {  	[smem:$0x3FB3] =	sst s0;
	s0 =	simm.s32 @!p2 $0x0  }
0x16: {  	s3 =	sld [smem:$0x3FDB];
	s0 =	simm.s32 @p2 $0x1  }
0x17: {  	s4 =	simm.s32 $0x1BF5;
	[smem:$0x3FB5] =	sst s0  }
0x18: {  	s0 =	sld [smem:$0x3F98];
	_ =	swait.ge [sflag:s4], $0x0  }
0x19: {  	s7 =	sld [smem:$0x3F99]  }
0x1a: {  	s8 =	sadd.s32 $0xFFFFE003, lr  }
0x1b: {  	s9 =	sadd.s32 $0xFFFFFEF7, lr;
	s5 =	simm.s32 $0xFFFFFFFF;
	p2 =	slt.u32 s8, $0xFFFFF086  }
0x1c: {  	p1 =	slt.u32 s9, $0xF7A;
	s5 =	simm.s32 @!p2 $0x0  }
0x1d: {  	s5 =	simm.s32 @p1 $0x1;
	p0 =	seq.s32 s7, s2  }
0x1e: {  	s7 =	smul.u32 @!p0 $0xF7A, s2;
	p2 =	seq.s32 @!p0 s5, $0x0  }
0x1f: {  	s9 =	smul.u32 $0xF7A, s1;
	s8 =	simm.s32 @!p0 $0x1BF5;
	p2 =	por !p2, p0  }
0x20: {  	[sflag:s8] =	ssyncset.s32 @!p0 $0xFFFFF086;
	s6 =	sadd.s32 @!p0 s3, s7;
	s7 =	simm.s32 @!p0 $0x108  }
0x21: {  	s3 =	sadd.s32 s3, s9;
	s6 =	sadd.s32 @!p0 $0x88, s6;
	s7 =	simm.s32 @p2 $0x1082  }
0x22: {  	[simem:s7], [sflag:s8] =	dma.local @!p0 [hbm:s6], $0xF7A  }
0x23: {  	s9 =	sor.u32 $0xD0000000, s2;
	s6 =	simm.s32 $0x108;
	_ =	swait.ge @!p0 [sflag:s8], $0x0  }
0x24: {  	s3 =	sadd.s32 $0x88, s3;
	s6 =	simm.s32 @!p1 $0x1082;
	[sflag:s4] =	ssyncset.s32 $0xFFFFF086  }
0x25: {  	[simem:s6], [sflag:s4] =	dma.local [hbm:s3], $0xF7A  }
0x26: {  	[smem:$0x3F99] =	sst s1;
	(tag) =	ssettag s2;
	_ =	strace s9  }
0x27: {  	s1 =	sld [smem:$0x3FA9]  }
0x28: {  	s2 =	sld [smem:$0x3FAA]  }
0x29: {  	s4 =	sld [smem:$0x3FAC]  }
0x2a: {  	p0 =	seq.s32 s5, $0x0;
	s5 =	sld [smem:$0x3FAD]  }
0x2b: {  	s6 =	sld [smem:$0x3FAE]  }
0x2c: {  	s7 =	sld [smem:$0x3FAF]  }
0x2d: {  	s3 =	simm.s32 $0x108;
	s8 =	sld [smem:$0x3FB0]  }
0x2e: {  	s3 =	simm.s32 @!p0 $0x1082;
	s9 =	sld [smem:$0x3FB1]  }
0x2f: {  	lr =	sadd.s32 s0, s3;
	s0 =	sld [smem:$0x3FA8]  }
0x30: {  	s3 =	sld [smem:$0x3FAB]  }
0x31: {  	[smem:$0x3FB4] =	sst s10  }
0x32: {  	s10 =	sld [smem:$0x3FB2];
	_ =	sdelay $0x3  }
0x33: {  	p0 =	seq.s32 s10, $0x1;
	s10 =	sld [smem:$0x3FB4];
	_ =	sdelay $0x3  }
0x34: {  	[smem:$0x3FB4] =	sst s10  }
0x35: {  	s10 =	sld [smem:$0x3FB3];
	_ =	sdelay $0x3  }
0x36: {  	p1 =	seq.s32 s10, $0x1;
	s10 =	sld [smem:$0x3FB4];
	_ =	sdelay $0x3  }
0x37: {  	[smem:$0x3FB4] =	sst s10  }
0x38: {  	s10 =	sld [smem:$0x3FB5]  }
0x39: {  	_ = 	snop;
	(pc) =	sbr.ind lr, $3  }
0x3a: {  	_ = 	snop  }
0x3b: {  	_ = 	snop  }
0x3c: {  	p2 =	seq.s32 s10, $0x1;
	s10 =	sld [smem:$0x3FB4]  }
0x3d: {  	_ =	shalt  }
0x3e: {  	_ =	shalt  }
0x3f: {  	_ =	shalt  }
0x40: {  	_ =	shalt  }
0x41: {  	_ =	shalt  }
0x42: {  	_ =	shalt  }
0x43: {  	_ =	shalt  }
0x44: {  	_ =	shalt  }
0x45: {  	_ =	shalt  }
0x46: {  	_ =	shalt  }
0x47: {  	_ =	shalt  }
0x48: {  	_ =	shalt  }
0x49: {  	_ =	shalt  }
0x4a: {  	_ =	shalt  }
0x4b: {  	_ =	shalt  }
0x4c: {  	_ =	shalt  }
0x4d: {  	_ =	shalt  }
0x4e: {  	_ =	shalt  }
0x4f: {  	_ =	shalt  }
0x50: {  	_ =	shalt  }
0x51: {  	_ =	shalt  }
0x52: {  	_ =	shalt  }
0x53: {  	_ =	shalt  }
0x54: {  	_ =	shalt  }
0x55: {  	_ =	shalt  }
0x56: {  	_ =	shalt  }
0x57: {  	_ =	shalt  }
0x58: {  	_ =	shalt  }
0x59: {  	_ =	shalt  }
0x5a: {  	_ =	shalt  }
0x5b: {  	_ =	shalt  }
0x5c: {  	_ =	shalt  }
0x5d: {  	_ =	shalt  }
0x5e: {  	_ =	shalt  }
0x5f: {  	_ =	shalt  }
0x60: {  	_ =	shalt  }
0x61: {  	_ =	shalt  }
0x62: {  	_ =	shalt  }
0x63: {  	_ =	shalt  }
0x64: {  	_ =	shalt  }
0x65: {  	_ =	shalt  }
0x66: {  	_ =	shalt  }
0x67: {  	_ =	shalt  }
0x68: {  	_ =	shalt  }
0x69: {  	_ =	shalt  }
0x6a: {  	_ =	shalt  }
0x6b: {  	_ =	shalt  }
0x6c: {  	_ =	shalt  }
0x6d: {  	_ =	shalt  }
0x6e: {  	_ =	shalt  }
0x6f: {  	_ =	shalt  }
0x70: {  	_ =	shalt  }
0x71: {  	_ =	shalt  }
0x72: {  	_ =	shalt  }
0x73: {  	_ =	shalt  }
0x74: {  	_ =	shalt  }
0x75: {  	_ =	shalt  }
0x76: {  	_ =	shalt  }
0x77: {  	_ =	shalt  }
0x78: {  	_ =	shalt  }
0x79: {  	_ =	shalt  }
0x7a: {  	_ =	shalt  }
0x7b: {  	_ =	shalt  }
0x7c: {  	_ =	shalt  }
0x7d: {  	_ =	shalt  }
0x7e: {  	_ =	shalt  }
0x7f: {  	_ =	shalt  }
0x80: {  	_ =	shalt  }
0x81: {  	_ =	shalt  }
0x82: {  	_ =	shalt  }
0x83: {  	_ =	shalt  }
0x84: {  	_ =	shalt  }
0x85: {  	_ =	shalt  }
0x86: {  	_ =	shalt  }
0x87: {  	_ =	shalt  }
.Lfunc_end0:
.L_simem_size_0:
called_computation.2_lowered:
.L_overlay_start_0:
0x88: {  	s2 =	sld [smem:$0x3FD9]  }
0x89: {  	s3 =	sld [smem:$0x3FFE];
	_ =	sdelay $0x1  }
0x8a: {  	s1 =	srdreg.scid  }
0x8b: {  	s0 =	sand.u32 $0x1, s1  }
0x8c: {  	s17 =	sshll.u32 s0, $0xA;
	s2 =	sadd.s32 s3, s2  }
0x8d: {  	s2 =	sadd.s32 s2, s17  }
0x8e: {  	[smem:$0x3FC0] =	sst s2  }
0x8f: {  	_ = 	snop  }
0x90: {  	s2 =	sld [smem:$0x3FD0];
	(tm) =	ssettm $0x1  }
0x91: {  	s18 =	sld [smem:$0x3FFB];
	_ =	sdelay $0x3  }
0x92: {  	_ =	strace s18  }
0x93: {  	s3 =	sld [smem:$0x3FFC];
	_ =	sdelay $0x3  }
0x94: {  	_ =	strace s3  }
0x95: {  	s3 =	sld [smem:$0x3FFD];
	_ =	sdelay $0x3  }
0x96: {  	_ =	strace s3  }
0x97: {  	_ =	strace $0x8FFFFFFF  }
0x98: {  	s19 =	sld [smem:$0x3FDB];
	_ =	sdelay $0x1  }
0x99: {  	s4 =	simm.s32 $_scs_section_size  }
0x9a: {  	s5 =	simm.s32 $_size__tile_overlayer_lowered;
	s6 =	simm.s32 $_tile_overlayer_lowered  }
0x9b: {  	s22 =	simm.s32 $0x1BFF;
	s21 =	sshll.u32 s6, $0x1;
	s3 =	sadd.s32 s4, s19  }
0x9c: {  	s7 =	simm.s32 $0x0;
	s20 =	sshll.u32 s5, $0x1;
	s5 =	sadd.s32 s21, s3  }
0x9d: {  	[timem:s7], [sflag:s22] =	dma.local [hbm:s5], s20  }
0x9e: {  	_ =	swait.ge [sflag:s22], s20  }
0x9f: {  	s4 =	ssub.s32 $0x0, s20;
	[sflag:s22] =	ssyncset.done $0x0  }
0xa0: {  	[sflag:s22] =	ssyncadd.s32 s4;
	_ =	sdelay $0x1  }
0xa1: {  	s23 =	simm.s32 $0x1B8B  }
0xa2: {  	_ =	swait.ge [sflag:s23], $0x1  }
0xa3: {  	[sflag:s23] =	ssyncset.done $0x0  }
0xa4: {  	s25 =	simm.s32 $0x1B8E;
	s24 =	sld [smem:$0x3FFE];
	[sflag:s23] =	ssyncadd.s32 $0xFFFFFFFF  }
0xa5: {  	s26 =	simm.s32 $execute0_lowered;
	[smem:$0x3FD2] =	sst s25  }
0xa6: {  	s5 =	sshll.u32 s26, $0x1;
	_ =	strace $0x8000004C;
	[dreg:$0x1] =	wrdreg $0xFFFFFFFF  }
0xa7: {  	s28 =	simm.s32 $_size_execute0_lowered;
	s3 =	sadd.s32 s3, s5;
	[dreg:$0x0] =	wrdreg $0x0  }
0xa8: {  	s5 =	sshll.u32 s28, $0x1;
	[dreg:$0x2] =	wrdreg s3  }
0xa9: {  	[dreg:$0x3] =	wrdreg s5  }
0xaa: {  	[dreg:$0x4] =	wrdreg $0xC0  }
0xab: {  	_ =	task [dreg:s7], $0x5FFFF  }
0xac: {  	[dreg:$0x1] =	wrdreg $0xFFFFFFFF  }
0xad: {  	[dreg:$0x0] =	wrdreg $0x60  }
0xae: {  	[dreg:$0x2] =	wrdreg s2  }
0xaf: {  	[dreg:$0x3] =	wrdreg s24  }
0xb0: {  	[dreg:$0x4] =	wrdreg $0xB8000  }
0xb1: {  	[dreg:$0x5] =	wrdreg $0x9  }
0xb2: {  	_ =	task.clear_ibuf [dreg:s7], $0x6FFFF;
	_ =	strace $0x9000004C  }
0xb3: {  	s29 =	simm.s32 $0x9;
	_ =	strace $0x8000004E  }
0xb4: {  	_ =	swait.ge [sflag:s29], $0x1  }
0xb5: {  	[sflag:s29] =	ssyncadd.s32 $0xFFFFFFFF  }
0xb6: {  	_ =	strace $0x9000004E  }
0xb7: {  	_ =	sfence  }
0xb8: {  	s30 =	sld [smem:$0x0];
	_ =	sdelay $0x2  }
0xb9: {  	s31 =	sshll.u32 s1, $0xD;
	s1 =	sshrl.u32 s1, $0x2  }
0xba: {  	s3 =	sand.u32 $0x4000, s31;
	s1 =	sadd.s32 s1, s30  }
0xbb: {  	s0 =	sor.u32 s3, s0;
	s1 =	sshll.u32 s1, $0x11  }
0xbc: {  	s0 =	sor.u32 s1, s0  }
0xbd: {  	s0 =	sadd.s32 $0x8F2B, s0  }
0xbe: {  	[sflag:s0] =	ssyncadd.remote.s32 $0x1  }
0xbf: {  	_ =	sfence.sel $0xFFFF  }
0xc0: {  	[dreg:$0x0] =	wrdreg $0xFFFFFFFF;
	(pc) =	sbr.abs _section_cstart, $3  }
0xc1: {  	[dreg:$0x1] =	wrdreg $0xFFFFFFFF  }
0xc2: {  	_ =	task.clear_ibuf [dreg:s7], $0x2FFFF;
	_ =	strace $0x9FFFFFFF  }
0xc3: {  	(tm) =	ssettm $0x7FFFFFFF  }
tec
execute0_lowered:
.L_overlay_start_1:
0x0: {  	(tag) =	ssettag $0x1  }
0x1: {  	s0 =	rddreg [dreg:$0x0]  }
0x2: {  	s1 =	rddreg [dreg:$0x1]  }
0x3: {  	s2 =	srdreg.scid;
	s3 =	rddreg [dreg:$0x2]  }
0x4: {  	s10 =	stileid.u32;
	s4 =	simm.s32 $0x0;
	s13 =	simm.s32 $0x4000  }
0x5: {  	s14 =	simm.s32 $0x7;
	s15 =	simm.s32 $0x2000;
	s16 =	simm.s32 $0x50  }
0x6: {  	s17 =	simm.s32 $0x80;
	s18 =	simm.s32 $0x6800;
	s19 =	simm.s32 $0x1  }
0x7: {  	s20 =	simm.s32 $0x100;
	s28 =	simm.s32 $0x2100;
	s29 =	simm.s32 $0x5  }
0x8: {  	s30 =	simm.s32 $0x200;
	s31 =	simm.s32 $0x6;
	s2 =	sand.u32 $0x1, s2  }
0x9: {  	s6 =	smul.u32 $0x2800, s10;
	[smem:$0x7FF] =	sst s4;
	s21 =	sadd.s32 $0x12A00, s1  }
0xa: {  	s23 =	sshll.u32 s10, $0xB;
	s8 =	ssub.s32 $0x8D, s10;
	s10 =	smul.u32 $0xA000, s10  }
0xb: {  	s9 =	sadd.s32 $0x2A00, s1;
	s5 =	smul.u32 $0x13B000, s2;
	s7 =	ssub.s32 $0x2, s2  }
0xc: {  	_ =	strace $0x8000004D;
	s2 =	sshll.u32 s2, $0xF;
	s22 =	sshrl.u32 s7, $0x1  }
0xd: {  	s2 =	sor.u32 s23, s2;
	s26 =	sshrl.u32 s10, $0x2;
	s23 =	simm.s32 $0x2080  }
0xe: {  	s5 =	sadd.s32 s6, s5;
	s7 =	ssub.s32 s7, s22;
	s24 =	sadd.s32 s21, s2  }
0xf: {  	s11 =	sor.u32 $0x400, s2;
	s2 =	sadd.s32 s9, s2;
	[dreg:$0x4] =	wrdreg s24  }
0x10: {  	s22 =	simm.s32 $0x2;
	s5 =	sshrl.u32 s5, $0x3;
	[dreg:$0x5] =	wrdreg s2  }
0x11: {  	s25 =	sadd.s32 s21, s11;
	s9 =	sadd.s32 s9, s11;
	s10 =	smax.u32 s7, $0x1  }
0x12: {  	s7 =	sadd.s32 s26, s3;
	s21 =	simm.s32 $0x9000;
	s24 =	simm.s32 $0x4  }
0x13: {  	s26 =	simm.s32 $0x3;
	s1 =	sadd.s32 s5, s1;
	s5 =	sshrl.u32 s8, $0x4  }
0x14: {  	v0 =	vimm.f32 $0.0e+00;
	[dreg:$0x6] =	wrdreg s25;
	s25 =	simm.s32 $0x180;
	s12 =	sadd.s32 $0x22A00, s1  }
.LBB2_1:
0x15: {  	s1 =	simm.s32 $0x0;
	s2 =	simm.s32 $0x200  }
.LBB2_2:
0x16: {  	p0 =	sne.s32 s2, $0x9E00;
	[tilespmem:s1+$0x4070] =	vst v0  }
0x17: {  	[tilespmem:s1+$0x4000] =	vst v0  }
0x18: {  	[tilespmem:s1+$0x4010] =	vst v0  }
.Ltmp0:
0x19: {  	[tilespmem:s1+$0x4020] =	vst v0;
	(pc) =	sbr.rel @p0 .LBB2_2-.Ltmp0, $4  }
0x1a: {  	[tilespmem:s1+$0x4030] =	vst v0  }
0x1b: {  	[tilespmem:s1+$0x4040] =	vst v0  }
0x1c: {  	[tilespmem:s1+$0x4050] =	vst v0  }
0x1d: {  	[tilespmem:s1+$0x4060] =	vst v0;
	s1 =	sshra.s32 s2, $0x2;
	s2 =	sadd.s32 $0x200, s2  }
0x1e: {  	[tilespmem:s1+$0x4070] =	vst v0  }
0x1f: {  	[tilespmem:s1+$0x4000] =	vst v0  }
0x20: {  	[tilespmem:s1+$0x4010] =	vst v0  }
0x21: {  	[tilespmem:s1+$0x4020] =	vst v0  }
0x22: {  	[tilespmem:s1+$0x4030] =	vst v0  }
0x23: {  	[tilespmem:s1+$0x4040] =	vst v0;
	p0 =	sne.s32 s5, $0x1  }
.Ltmp1:
0x24: {  	[tilespmem:s1+$0x4050] =	vst v0;
	(pc) =	sbr.rel @!p0 .LBB2_5-.Ltmp1, $4  }
0x25: {  	[tilespmem:s1+$0x4060] =	vst v0  }
0x26: {  	[spmem:s7] =	stream.linear.scatter [tilespmem:s13], [sflag:$0x7], $0x2800, $0x38;
	[tilespmem:$0x1F300] =	vst v63  }
0x27: {  	_ =	swait.ge [sflag:s14], $0x2800  }
0x28: {  	s1 =	sadd.s32 $0xFFFFFFFF, s5;
	s2 =	smov.u32 s7;
	[sflag:s14] =	ssyncset.done $0x0  }
.LBB2_4:
0x29: {  	p1 =	sne.s32 s1, $0x1;
	[sflag:s14] =	ssyncadd.s32 $0xFFFFD800;
	s2 =	sadd.s32 $0x28000, s2  }
.Ltmp2:
0x2a: {  	s1 =	sadd.s32 $0xFFFFFFFF, s1;
	(pc) =	sbr.rel @p1 .LBB2_4-.Ltmp2, $4  }
0x2b: {  	_ = 	snop  }
0x2c: {  	[spmem:s2] =	stream.linear.scatter [tilespmem:s13], [sflag:$0x7], $0x2800, $0x38;
	[tilespmem:$0x1F300] =	vst v63  }
0x2d: {  	_ =	swait.ge [sflag:s14], $0x2800  }
0x2e: {  	[sflag:s14] =	ssyncset.done $0x0  }
.LBB2_5:
0x2f: {  	[sflag:s14] =	ssyncadd.s32 $0xFFFFD800  }
0x30: {  	[bflag:$0x0] =	sbarrier.arrive $0xFFFF  }
0x31: {  	s1 =	simm.s32 $0x0;
	s2 =	rddreg [dreg:$0x4]  }
0x32: {  	[tilespmem:s1], [sflag:$0x7] =	stream.linear.gather [hbm4b:s2+s1], $0x2000, $0x38;
	[tilespmem:$0x1F300] =	vst v63  }
0x33: {  	_ =	swait.ge [sflag:s14], $0x2000  }
0x34: {  	[sflag:s14] =	ssyncset.done $0x0  }
0x35: {  	s11 =	rddreg [dreg:$0x5];
	[sflag:s14] =	ssyncadd.s32 $0xFFFFE000  }
0x36: {  	[tilespmem:s15], [sflag:$0x7] =	stream.linear.gather [hbm4b:s11+s1], $0x2000, $0x38;
	[tilespmem:$0x1F300] =	vst v63  }
0x37: {  	_ =	swait.ge [sflag:s14], $0x2000  }
0x38: {  	[sflag:s14] =	ssyncset.done $0x0  }
0x39: {  	[sflag:s14] =	ssyncadd.s32 $0xFFFFE000  }
0x3a: {  	[tilespmem:s13], [sflag:$0x1] =	stream.indirect.gather [hbm4b:s0+s16], $0x80, s1, s16, $0xb8;
	[tilespmem:$0x1F300] =	vst v63  }
0x3b: {  	_ = 	snop  }
0x3c: {  	[tilespmem:s18], [sflag:$0x2] =	stream.indirect.gather [hbm4b:s0+s16], $0x80, s17, s16, $0xb8;
	[tilespmem:$0x1F300] =	vst v63  }
0x3d: {  	_ =	swait.ge [sflag:s19], $0x2800  }
0x3e: {  	[sflag:s19] =	ssyncset.done $0x0  }
0x3f: {  	[sflag:s19] =	ssyncadd.s32 $0xFFFFD800  }
0x40: {  	[spmem:s3] =	stream.indirect.scatter.add.f32 [tilespmem:s13], [sflag:$0x4], $0x80, s15, s16, $0xb8;
	[tilespmem:$0x1F300] =	vst v63  }
0x41: {  	_ = 	snop  }
0x42: {  	[tilespmem:s21], [sflag:$0x3] =	stream.indirect.gather [hbm4b:s0+s16], $0x80, s20, s16, $0xb8;
	[tilespmem:$0x1F300] =	vst v63  }
0x43: {  	_ =	swait.ge [sflag:s22], $0x2800  }
0x44: {  	[sflag:s22] =	ssyncset.done $0x0  }
0x45: {  	[sflag:s22] =	ssyncadd.s32 $0xFFFFD800  }
0x46: {  	[spmem:s3] =	stream.indirect.scatter.add.f32 [tilespmem:s18], [sflag:$0x5], $0x80, s23, s16, $0xb8;
	[tilespmem:$0x1F300] =	vst v63  }
0x47: {  	_ =	swait.ge [sflag:s24], $0x2800  }
0x48: {  	[sflag:s24] =	ssyncset.done $0x0  }
0x49: {  	[sflag:s24] =	ssyncadd.s32 $0xFFFFD800  }
0x4a: {  	[tilespmem:s13], [sflag:$0x1] =	stream.indirect.gather [hbm4b:s0+s16], $0x80, s25, s16, $0xb8;
	[tilespmem:$0x1F300] =	vst v63  }
0x4b: {  	_ =	swait.ge [sflag:s26], $0x2800  }
0x4c: {  	[sflag:s26] =	ssyncset.done $0x0  }
0x4d: {  	[sflag:s26] =	ssyncadd.s32 $0xFFFFD800  }
0x4e: {  	[spmem:s3] =	stream.indirect.scatter.add.f32 [tilespmem:s21], [sflag:$0x6], $0x80, s28, s16, $0xb8;
	[tilespmem:$0x1F300] =	vst v63  }
0x4f: {  	_ =	swait.ge [sflag:s29], $0x2800  }
0x50: {  	[sflag:s29] =	ssyncset.done $0x0  }
0x51: {  	[sflag:s29] =	ssyncadd.s32 $0xFFFFD800  }
0x52: {  	[tilespmem:s18], [sflag:$0x2] =	stream.indirect.gather [hbm4b:s0+s16], $0x80, s30, s16, $0xb8;
	[tilespmem:$0x1F300] =	vst v63  }
.LBB2_6:
0x53: {  	_ =	swait.ge [sflag:s19], $0x2800  }
0x54: {  	s2 =	sshra.s32 s1, $0x2;
	[sflag:s19] =	ssyncset.done $0x0  }
0x55: {  	s6 =	sadd.s32 $0x2180, s2;
	[sflag:s19] =	ssyncadd.s32 $0xFFFFD800  }
0x56: {  	[spmem:s3] =	stream.indirect.scatter.add.f32 [tilespmem:s13], [sflag:$0x4], $0x80, s6, s16, $0xb8;
	[tilespmem:$0x1F300] =	vst v63  }
0x57: {  	_ =	swait.ge [sflag:s31], $0x2800  }
0x58: {  	[sflag:s31] =	ssyncset.done $0x0  }
0x59: {  	s8 =	sadd.s32 $0x280, s2;
	[sflag:s31] =	ssyncadd.s32 $0xFFFFD800  }
0x5a: {  	[tilespmem:s21], [sflag:$0x3] =	stream.indirect.gather [hbm4b:s0+s16], $0x80, s8, s16, $0xb8;
	[tilespmem:$0x1F300] =	vst v63  }
0x5b: {  	_ =	swait.ge [sflag:s22], $0x2800  }
0x5c: {  	[sflag:s22] =	ssyncset.done $0x0  }
0x5d: {  	s11 =	sadd.s32 $0x2200, s2;
	[sflag:s22] =	ssyncadd.s32 $0xFFFFD800  }
0x5e: {  	[spmem:s3] =	stream.indirect.scatter.add.f32 [tilespmem:s18], [sflag:$0x5], $0x80, s11, s16, $0xb8;
	[tilespmem:$0x1F300] =	vst v63  }
0x5f: {  	_ =	swait.ge [sflag:s24], $0x2800  }
0x60: {  	[sflag:s24] =	ssyncset.done $0x0  }
0x61: {  	s8 =	sadd.s32 $0x300, s2;
	[sflag:s24] =	ssyncadd.s32 $0xFFFFD800  }
0x62: {  	[tilespmem:s13], [sflag:$0x1] =	stream.indirect.gather [hbm4b:s0+s16], $0x80, s8, s16, $0xb8;
	[tilespmem:$0x1F300] =	vst v63  }
0x63: {  	_ =	swait.ge [sflag:s26], $0x2800  }
0x64: {  	p1 =	seq.s32 s1, $0x7200;
	[sflag:s26] =	ssyncset.done $0x0  }
.Ltmp3:
0x65: {  	s11 =	sadd.s32 $0x2280, s2;
	[sflag:s26] =	ssyncadd.s32 $0xFFFFD800;
	(pc) =	sbr.rel @p1 .LBB2_8-.Ltmp3, $4  }
0x66: {  	[spmem:s3] =	stream.indirect.scatter.add.f32 [tilespmem:s21], [sflag:$0x6], $0x80, s11, s16, $0xb8;
	[tilespmem:$0x1F300] =	vst v63  }
0x67: {  	_ =	swait.ge [sflag:s29], $0x2800  }
0x68: {  	[sflag:s29] =	ssyncset.done $0x0  }
0x69: {  	[sflag:s29] =	ssyncadd.s32 $0xFFFFD800  }
.Ltmp4:
0x6a: {  	(pc) =	sbr.rel .LBB2_6-.Ltmp4, $3  }
0x6b: {  	_ =	sdelay $0x1  }
0x6c: {  	s2 =	sadd.s32 $0x380, s2;
	s1 =	sadd.s32 $0x600, s1  }
0x6d: {  	[tilespmem:s18], [sflag:$0x2] =	stream.indirect.gather [hbm4b:s0+s16], $0x80, s2, s16, $0xb8;
	[tilespmem:$0x1F300] =	vst v63  }
.LBB2_8:
0x6e: {  	_ =	swait.ge [sflag:s19], $0x2800  }
0x6f: {  	[sflag:s19] =	ssyncset.done $0x0  }
0x70: {  	s1 =	simm.s32 $0x3F80;
	[sflag:s19] =	ssyncadd.s32 $0xFFFFD800  }
0x71: {  	[spmem:s3] =	stream.indirect.scatter.add.f32 [tilespmem:s13], [sflag:$0x4], $0x80, s1, s16, $0xb8;
	[tilespmem:$0x1F300] =	vst v63  }
0x72: {  	_ =	swait.ge [sflag:s31], $0x2800  }
0x73: {  	[sflag:s31] =	ssyncset.done $0x0  }
0x74: {  	[sflag:s31] =	ssyncadd.s32 $0xFFFFD800  }
0x75: {  	_ =	swait.ge [sflag:s24], $0x2800  }
0x76: {  	[sflag:s24] =	ssyncset.done $0x0  }
0x77: {  	s1 =	simm.s32 $0x0;
	s2 =	rddreg [dreg:$0x6];
	[sflag:s24] =	ssyncadd.s32 $0xFFFFD800  }
0x78: {  	[tilespmem:s1], [sflag:$0x7] =	stream.linear.gather [hbm4b:s2+s1], $0x1E80, $0x38;
	[tilespmem:$0x1F300] =	vst v63  }
0x79: {  	_ =	swait.ge [sflag:s14], $0x1E80  }
0x7a: {  	[sflag:s14] =	ssyncset.done $0x0  }
0x7b: {  	[sflag:s14] =	ssyncadd.s32 $0xFFFFE180  }
0x7c: {  	[tilespmem:s15], [sflag:$0x7] =	stream.linear.gather [hbm4b:s9+s1], $0x1E80, $0x38;
	[tilespmem:$0x1F300] =	vst v63  }
0x7d: {  	_ =	swait.ge [sflag:s14], $0x1E80  }
0x7e: {  	[sflag:s14] =	ssyncset.done $0x0  }
0x7f: {  	[sflag:s14] =	ssyncadd.s32 $0xFFFFE180  }
0x80: {  	[tilespmem:s13], [sflag:$0x1] =	stream.indirect.gather [hbm4b:s0+s16], $0x80, s1, s16, $0xb8;
	[tilespmem:$0x1F300] =	vst v63  }
0x81: {  	_ = 	snop  }
0x82: {  	[tilespmem:s18], [sflag:$0x2] =	stream.indirect.gather [hbm4b:s0+s16], $0x80, s17, s16, $0xb8;
	[tilespmem:$0x1F300] =	vst v63  }
0x83: {  	_ =	swait.ge [sflag:s19], $0x2800  }
0x84: {  	[sflag:s19] =	ssyncset.done $0x0  }
0x85: {  	[sflag:s19] =	ssyncadd.s32 $0xFFFFD800  }
0x86: {  	[spmem:s3] =	stream.indirect.scatter.add.f32 [tilespmem:s13], [sflag:$0x4], $0x80, s15, s16, $0xb8;
	[tilespmem:$0x1F300] =	vst v63  }
0x87: {  	_ = 	snop  }
0x88: {  	[tilespmem:s21], [sflag:$0x3] =	stream.indirect.gather [hbm4b:s0+s16], $0x80, s20, s16, $0xb8;
	[tilespmem:$0x1F300] =	vst v63  }
0x89: {  	_ =	swait.ge [sflag:s22], $0x2800  }
0x8a: {  	[sflag:s22] =	ssyncset.done $0x0  }
0x8b: {  	[sflag:s22] =	ssyncadd.s32 $0xFFFFD800  }
0x8c: {  	[spmem:s3] =	stream.indirect.scatter.add.f32 [tilespmem:s18], [sflag:$0x5], $0x80, s23, s16, $0xb8;
	[tilespmem:$0x1F300] =	vst v63  }
0x8d: {  	_ =	swait.ge [sflag:s24], $0x2800  }
0x8e: {  	[sflag:s24] =	ssyncset.done $0x0  }
0x8f: {  	[sflag:s24] =	ssyncadd.s32 $0xFFFFD800  }
0x90: {  	[tilespmem:s13], [sflag:$0x1] =	stream.indirect.gather [hbm4b:s0+s16], $0x80, s25, s16, $0xb8;
	[tilespmem:$0x1F300] =	vst v63  }
0x91: {  	_ =	swait.ge [sflag:s26], $0x2800  }
0x92: {  	[sflag:s26] =	ssyncset.done $0x0  }
0x93: {  	[sflag:s26] =	ssyncadd.s32 $0xFFFFD800  }
0x94: {  	[spmem:s3] =	stream.indirect.scatter.add.f32 [tilespmem:s21], [sflag:$0x6], $0x80, s28, s16, $0xb8;
	[tilespmem:$0x1F300] =	vst v63  }
0x95: {  	_ =	swait.ge [sflag:s29], $0x2800  }
0x96: {  	[sflag:s29] =	ssyncset.done $0x0  }
0x97: {  	[sflag:s29] =	ssyncadd.s32 $0xFFFFD800  }
0x98: {  	[tilespmem:s18], [sflag:$0x2] =	stream.indirect.gather [hbm4b:s0+s16], $0x80, s30, s16, $0xb8;
	[tilespmem:$0x1F300] =	vst v63  }
.LBB2_9:
0x99: {  	_ =	swait.ge [sflag:s19], $0x2800  }
0x9a: {  	s2 =	sshra.s32 s1, $0x2;
	[sflag:s19] =	ssyncset.done $0x0  }
0x9b: {  	s6 =	sadd.s32 $0x2180, s2;
	[sflag:s19] =	ssyncadd.s32 $0xFFFFD800  }
0x9c: {  	[spmem:s3] =	stream.indirect.scatter.add.f32 [tilespmem:s13], [sflag:$0x4], $0x80, s6, s16, $0xb8;
	[tilespmem:$0x1F300] =	vst v63  }
0x9d: {  	_ =	swait.ge [sflag:s31], $0x2800  }
0x9e: {  	[sflag:s31] =	ssyncset.done $0x0  }
0x9f: {  	s8 =	sadd.s32 $0x280, s2;
	[sflag:s31] =	ssyncadd.s32 $0xFFFFD800  }
0xa0: {  	[tilespmem:s21], [sflag:$0x3] =	stream.indirect.gather [hbm4b:s0+s16], $0x80, s8, s16, $0xb8;
	[tilespmem:$0x1F300] =	vst v63  }
0xa1: {  	_ =	swait.ge [sflag:s22], $0x2800  }
0xa2: {  	[sflag:s22] =	ssyncset.done $0x0  }
0xa3: {  	s11 =	sadd.s32 $0x2200, s2;
	[sflag:s22] =	ssyncadd.s32 $0xFFFFD800  }
0xa4: {  	[spmem:s3] =	stream.indirect.scatter.add.f32 [tilespmem:s18], [sflag:$0x5], $0x80, s11, s16, $0xb8;
	[tilespmem:$0x1F300] =	vst v63  }
0xa5: {  	_ =	swait.ge [sflag:s24], $0x2800  }
0xa6: {  	[sflag:s24] =	ssyncset.done $0x0  }
0xa7: {  	s8 =	sadd.s32 $0x300, s2;
	[sflag:s24] =	ssyncadd.s32 $0xFFFFD800  }
0xa8: {  	[tilespmem:s13], [sflag:$0x1] =	stream.indirect.gather [hbm4b:s0+s16], $0x80, s8, s16, $0xb8;
	[tilespmem:$0x1F300] =	vst v63  }
0xa9: {  	_ =	swait.ge [sflag:s26], $0x2800  }
0xaa: {  	p1 =	seq.s32 s1, $0x6C00;
	[sflag:s26] =	ssyncset.done $0x0  }
.Ltmp5:
0xab: {  	s11 =	sadd.s32 $0x2280, s2;
	[sflag:s26] =	ssyncadd.s32 $0xFFFFD800;
	(pc) =	sbr.rel @p1 .LBB2_11-.Ltmp5, $4  }
0xac: {  	[spmem:s3] =	stream.indirect.scatter.add.f32 [tilespmem:s21], [sflag:$0x6], $0x80, s11, s16, $0xb8;
	[tilespmem:$0x1F300] =	vst v63  }
0xad: {  	_ =	swait.ge [sflag:s29], $0x2800  }
0xae: {  	[sflag:s29] =	ssyncset.done $0x0  }
0xaf: {  	[sflag:s29] =	ssyncadd.s32 $0xFFFFD800  }
.Ltmp6:
0xb0: {  	(pc) =	sbr.rel .LBB2_9-.Ltmp6, $3  }
0xb1: {  	_ =	sdelay $0x1  }
0xb2: {  	s2 =	sadd.s32 $0x380, s2;
	s1 =	sadd.s32 $0x600, s1  }
0xb3: {  	[tilespmem:s18], [sflag:$0x2] =	stream.indirect.gather [hbm4b:s0+s16], $0x80, s2, s16, $0xb8;
	[tilespmem:$0x1F300] =	vst v63  }
.LBB2_11:
0xb4: {  	_ =	swait.ge [sflag:s19], $0x2800  }
0xb5: {  	[sflag:s19] =	ssyncset.done $0x0  }
0xb6: {  	s1 =	simm.s32 $0x3E00;
	[sflag:s19] =	ssyncadd.s32 $0xFFFFD800  }
0xb7: {  	[spmem:s3] =	stream.indirect.scatter.add.f32 [tilespmem:s13], [sflag:$0x4], $0x80, s1, s16, $0xb8;
	[tilespmem:$0x1F300] =	vst v63  }
0xb8: {  	_ =	swait.ge [sflag:s31], $0x2800  }
0xb9: {  	[sflag:s31] =	ssyncset.done $0x0  }
0xba: {  	[sflag:s31] =	ssyncadd.s32 $0xFFFFD800  }
0xbb: {  	_ =	swait.ge [sflag:s24], $0x2800  }
.Ltmp7:
0xbc: {  	s11 =	stileid.u32;
	[sflag:s24] =	ssyncset.done $0x0;
	(pc) =	sbr.rel @!p0 .LBB2_13-.Ltmp7, $4  }
0xbd: {  	s2 =	sshrl.u32 s7, $0x3;
	s1 =	sshll.u32 s11, $0x6;
	[sflag:s24] =	ssyncadd.s32 $0xFFFFD800  }
0xbe: {  	s6 =	sadd.s32 $0x5000, s12;
	s1 =	sor.u32 $0x1C07, s1;
	[bflag:$0x0] =	sbarrier.arrive $0xFFFF  }
0xbf: {  	[hbm:s12], [sflag:s1] =	dma.local [spmem:s2], $0x500  }
0xc0: {  	s11 =	smov.u32 s7;
	s2 =	sadd.s32 $0xFFFFFFFF, s5;
	_ =	swait.ge [sflag:s14], $0x500  }
.LBB2_12:
0xc1: {  	[sflag:s14] =	ssyncset.done $0x0;
	s11 =	sadd.s32 $0x28000, s11;
	p0 =	sne.s32 s2, $0x1  }
.Ltmp8:
0xc2: {  	s8 =	sshrl.u32 s11, $0x3;
	[sflag:s14] =	ssyncadd.s32 $0xFFFFFB00;
	(pc) =	sbr.rel @p0 .LBB2_12-.Ltmp8, $3  }
0xc3: {  	[hbm:s6], [sflag:s1] =	dma.local [spmem:s8], $0x500  }
0xc4: {  	s2 =	sadd.s32 $0xFFFFFFFF, s2;
	_ =	sdelay $0x1  }
0xc5: {  	s6 =	sadd.s32 $0x5000, s6;
	_ =	swait.ge [sflag:s14], $0x500  }
.LBB2_13:
0xc6: {  	s4 =	sadd.s32 $0x1, s4  }
0xc7: {  	p0 =	sne.s32 s4, s10  }
.Ltmp9:
0xc8: {  	_ = 	snop;
	(pc) =	sbr.rel @p0 .LBB2_1-.Ltmp9, $3  }
0xc9: {  	_ =	sdelay $0x1  }
0xca: {  	[sflag:s14] =	ssyncset.done $0x0  }
0xcb: {  	[sflag:s14] =	ssyncadd.s32 $0xFFFFFB00  }
0xcc: {  	_ =	sfence.sel $0x180000  }
0xcd: {  	[bflag:$0x0] =	sbarrier.arrive $0xFFFF  }
0xce: {  	_ =	strace $0x9000004D  }
0xcf: {  	s0 =	stileid.u32;
	[bflag:$0x2] =	sbarrier.arrive $0xFFFF  }
0xd0: {  	p0 =	sne.s32 s0, $0x0;
	s0 =	rddreg [dreg:$0x3]  }
0xd1: {  	s0 =	sadd.s32 @!p0 $0x100000, s0  }
0xd2: {  	[sflag:s0] =	ssyncadd.tile.s32 @!p0 $0x1;
	_ =	shalt  }
.Lfunc_end2:
_tile_overlayer_lowered:
.L_overlay_start_2:
0xd3: {  	(tag) =	ssettag $0x2  }
0xd4: {  	s0 =	rddreg [dreg:$0x0];
	s2 =	stileid.u32  }
0xd5: {  	s1 =	rddreg [dreg:$0x1];
	p0 =	sne.s32 s2, $0x0  }
0xd6: {  	s3 =	rddreg [dreg:$0x2];
	[bflag:$0x3] =	sbarrier.arrive $0xFFFF;
	s2 =	simm.s32 @!p0 $0x1C07  }
0xd7: {  	[timem:s3], [sflag:s2] =	dma.local @!p0 [hbm:s0], s1  }
0xd8: {  	s0 =	simm.s32 @!p0 $0x7  }
0xd9: {  	_ =	swait.ge @!p0 [sflag:s0], s1  }
0xda: {  	s1 =	ssub.s32 @!p0 $0x0, s1;
	[sflag:s0] =	ssyncset.done @!p0 $0x0  }
0xdb: {  	[sflag:s0] =	ssyncadd.s32 @!p0 s1  }
0xdc: {  	[bflag:$0x3] =	sbarrier.arrive $0xFFFF  }
0xdd: {  	_ =	shalt  }

// kernel: kernel.19.cloned.1.call-start
scs
__scs_entry_jumppad:
0x0: {  	(pc) =	sbr.rel $0x88, $3  }
0x1: {  	(tag) =	ssettag $0x0;
	lr =	simm.s32 $0x1  }
0x2: {  	[smem:$0x3F99] =	sst lr;
	_ =	strace $0xD0000000  }
0x3: {  	_ = 	snop  }
0x4: {  	_ = 	snop  }
0x5: {  	_ = 	snop  }
0x6: {  	_ = 	snop  }
0x7: {  	_ = 	snop  }
__scs_overlays_trampoline_lowered:
0x8: {  	[smem:$0x3FA8] =	sst s0  }
0x9: {  	[smem:$0x3FA9] =	sst s1  }
0xa: {  	[smem:$0x3FAA] =	sst s2  }
0xb: {  	[smem:$0x3FAB] =	sst s3  }
0xc: {  	[smem:$0x3FAC] =	sst s4  }
0xd: {  	[smem:$0x3FAD] =	sst s5  }
0xe: {  	[smem:$0x3FAE] =	sst s6  }
0xf: {  	[smem:$0x3FAF] =	sst s7  }
0x10: {  	[smem:$0x3FB0] =	sst s8  }
0x11: {  	[smem:$0x3FB1] =	sst s9;
	s0 =	simm.s32 @!p0 $0x0  }
0x12: {  	s1 =	sld [smem:$0x3F97];
	s0 =	simm.s32 @p0 $0x1  }
0x13: {  	[smem:$0x3FB2] =	sst s0;
	s0 =	simm.s32 @!p1 $0x0  }
0x14: {  	s2 =	sld [smem:$0x3F96];
	s0 =	simm.s32 @p1 $0x1  }
0x15: {  	[smem:$0x3FB3] =	sst s0;
	s0 =	simm.s32 @!p2 $0x0  }
0x16: {  	s3 =	sld [smem:$0x3FDB];
	s0 =	simm.s32 @p2 $0x1  }
0x17: {  	s4 =	simm.s32 $0x1BF5;
	[smem:$0x3FB5] =	sst s0  }
0x18: {  	s0 =	sld [smem:$0x3F98];
	_ =	swait.ge [sflag:s4], $0x0  }
0x19: {  	s7 =	sld [smem:$0x3F99]  }
0x1a: {  	s8 =	sadd.s32 $0xFFFFE003, lr  }
0x1b: {  	s9 =	sadd.s32 $0xFFFFFEF7, lr;
	s5 =	simm.s32 $0xFFFFFFFF;
	p2 =	slt.u32 s8, $0xFFFFF086  }
0x1c: {  	p1 =	slt.u32 s9, $0xF7A;
	s5 =	simm.s32 @!p2 $0x0  }
0x1d: {  	s5 =	simm.s32 @p1 $0x1;
	p0 =	seq.s32 s7, s2  }
0x1e: {  	s7 =	smul.u32 @!p0 $0xF7A, s2;
	p2 =	seq.s32 @!p0 s5, $0x0  }
0x1f: {  	s9 =	smul.u32 $0xF7A, s1;
	s8 =	simm.s32 @!p0 $0x1BF5;
	p2 =	por !p2, p0  }
0x20: {  	[sflag:s8] =	ssyncset.s32 @!p0 $0xFFFFF086;
	s6 =	sadd.s32 @!p0 s3, s7;
	s7 =	simm.s32 @!p0 $0x108  }
0x21: {  	s3 =	sadd.s32 s3, s9;
	s6 =	sadd.s32 @!p0 $0x88, s6;
	s7 =	simm.s32 @p2 $0x1082  }
0x22: {  	[simem:s7], [sflag:s8] =	dma.local @!p0 [hbm:s6], $0xF7A  }
0x23: {  	s9 =	sor.u32 $0xD0000000, s2;
	s6 =	simm.s32 $0x108;
	_ =	swait.ge @!p0 [sflag:s8], $0x0  }
0x24: {  	s3 =	sadd.s32 $0x88, s3;
	s6 =	simm.s32 @!p1 $0x1082;
	[sflag:s4] =	ssyncset.s32 $0xFFFFF086  }
0x25: {  	[simem:s6], [sflag:s4] =	dma.local [hbm:s3], $0xF7A  }
0x26: {  	[smem:$0x3F99] =	sst s1;
	(tag) =	ssettag s2;
	_ =	strace s9  }
0x27: {  	s1 =	sld [smem:$0x3FA9]  }
0x28: {  	s2 =	sld [smem:$0x3FAA]  }
0x29: {  	s4 =	sld [smem:$0x3FAC]  }
0x2a: {  	p0 =	seq.s32 s5, $0x0;
	s5 =	sld [smem:$0x3FAD]  }
0x2b: {  	s6 =	sld [smem:$0x3FAE]  }
0x2c: {  	s7 =	sld [smem:$0x3FAF]  }
0x2d: {  	s3 =	simm.s32 $0x108;
	s8 =	sld [smem:$0x3FB0]  }
0x2e: {  	s3 =	simm.s32 @!p0 $0x1082;
	s9 =	sld [smem:$0x3FB1]  }
0x2f: {  	lr =	sadd.s32 s0, s3;
	s0 =	sld [smem:$0x3FA8]  }
0x30: {  	s3 =	sld [smem:$0x3FAB]  }
0x31: {  	[smem:$0x3FB4] =	sst s10  }
0x32: {  	s10 =	sld [smem:$0x3FB2];
	_ =	sdelay $0x3  }
0x33: {  	p0 =	seq.s32 s10, $0x1;
	s10 =	sld [smem:$0x3FB4];
	_ =	sdelay $0x3  }
0x34: {  	[smem:$0x3FB4] =	sst s10  }
0x35: {  	s10 =	sld [smem:$0x3FB3];
	_ =	sdelay $0x3  }
0x36: {  	p1 =	seq.s32 s10, $0x1;
	s10 =	sld [smem:$0x3FB4];
	_ =	sdelay $0x3  }
0x37: {  	[smem:$0x3FB4] =	sst s10  }
0x38: {  	s10 =	sld [smem:$0x3FB5]  }
0x39: {  	_ = 	snop;
	(pc) =	sbr.ind lr, $3  }
0x3a: {  	_ = 	snop  }
0x3b: {  	_ = 	snop  }
0x3c: {  	p2 =	seq.s32 s10, $0x1;
	s10 =	sld [smem:$0x3FB4]  }
0x3d: {  	_ =	shalt  }
0x3e: {  	_ =	shalt  }
0x3f: {  	_ =	shalt  }
0x40: {  	_ =	shalt  }
0x41: {  	_ =	shalt  }
0x42: {  	_ =	shalt  }
0x43: {  	_ =	shalt  }
0x44: {  	_ =	shalt  }
0x45: {  	_ =	shalt  }
0x46: {  	_ =	shalt  }
0x47: {  	_ =	shalt  }
0x48: {  	_ =	shalt  }
0x49: {  	_ =	shalt  }
0x4a: {  	_ =	shalt  }
0x4b: {  	_ =	shalt  }
0x4c: {  	_ =	shalt  }
0x4d: {  	_ =	shalt  }
0x4e: {  	_ =	shalt  }
0x4f: {  	_ =	shalt  }
0x50: {  	_ =	shalt  }
0x51: {  	_ =	shalt  }
0x52: {  	_ =	shalt  }
0x53: {  	_ =	shalt  }
0x54: {  	_ =	shalt  }
0x55: {  	_ =	shalt  }
0x56: {  	_ =	shalt  }
0x57: {  	_ =	shalt  }
0x58: {  	_ =	shalt  }
0x59: {  	_ =	shalt  }
0x5a: {  	_ =	shalt  }
0x5b: {  	_ =	shalt  }
0x5c: {  	_ =	shalt  }
0x5d: {  	_ =	shalt  }
0x5e: {  	_ =	shalt  }
0x5f: {  	_ =	shalt  }
0x60: {  	_ =	shalt  }
0x61: {  	_ =	shalt  }
0x62: {  	_ =	shalt  }
0x63: {  	_ =	shalt  }
0x64: {  	_ =	shalt  }
0x65: {  	_ =	shalt  }
0x66: {  	_ =	shalt  }
0x67: {  	_ =	shalt  }
0x68: {  	_ =	shalt  }
0x69: {  	_ =	shalt  }
0x6a: {  	_ =	shalt  }
0x6b: {  	_ =	shalt  }
0x6c: {  	_ =	shalt  }
0x6d: {  	_ =	shalt  }
0x6e: {  	_ =	shalt  }
0x6f: {  	_ =	shalt  }
0x70: {  	_ =	shalt  }
0x71: {  	_ =	shalt  }
0x72: {  	_ =	shalt  }
0x73: {  	_ =	shalt  }
0x74: {  	_ =	shalt  }
0x75: {  	_ =	shalt  }
0x76: {  	_ =	shalt  }
0x77: {  	_ =	shalt  }
0x78: {  	_ =	shalt  }
0x79: {  	_ =	shalt  }
0x7a: {  	_ =	shalt  }
0x7b: {  	_ =	shalt  }
0x7c: {  	_ =	shalt  }
0x7d: {  	_ =	shalt  }
0x7e: {  	_ =	shalt  }
0x7f: {  	_ =	shalt  }
0x80: {  	_ =	shalt  }
0x81: {  	_ =	shalt  }
0x82: {  	_ =	shalt  }
0x83: {  	_ =	shalt  }
0x84: {  	_ =	shalt  }
0x85: {  	_ =	shalt  }
0x86: {  	_ =	shalt  }
0x87: {  	_ =	shalt  }
.Lfunc_end0:
.L_simem_size_0:
called_computation.3_lowered:
.L_overlay_start_0:
0x88: {  	s2 =	sld [smem:$0x3FD9]  }
0x89: {  	s3 =	sld [smem:$0x3FFE];
	_ =	sdelay $0x1  }
0x8a: {  	s1 =	srdreg.scid  }
0x8b: {  	s0 =	sand.u32 $0x1, s1  }
0x8c: {  	s17 =	sshll.u32 s0, $0xA;
	s2 =	sadd.s32 s3, s2  }
0x8d: {  	s2 =	sadd.s32 s2, s17  }
0x8e: {  	[smem:$0x3FC0] =	sst s2  }
0x8f: {  	_ = 	snop  }
0x90: {  	s2 =	sld [smem:$0x3FD0];
	(tm) =	ssettm $0x1  }
0x91: {  	s18 =	sld [smem:$0x3FFB];
	_ =	sdelay $0x3  }
0x92: {  	_ =	strace s18  }
0x93: {  	s3 =	sld [smem:$0x3FFC];
	_ =	sdelay $0x3  }
0x94: {  	_ =	strace s3  }
0x95: {  	s3 =	sld [smem:$0x3FFD];
	_ =	sdelay $0x3  }
0x96: {  	_ =	strace s3  }
0x97: {  	_ =	strace $0x8FFFFFFF  }
0x98: {  	s19 =	sld [smem:$0x3FDB];
	_ =	sdelay $0x1  }
0x99: {  	s4 =	simm.s32 $_scs_section_size  }
0x9a: {  	s5 =	simm.s32 $_size__tile_overlayer_lowered;
	s6 =	simm.s32 $_tile_overlayer_lowered  }
0x9b: {  	s22 =	simm.s32 $0x1BFF;
	s21 =	sshll.u32 s6, $0x1;
	s3 =	sadd.s32 s4, s19  }
0x9c: {  	s7 =	simm.s32 $0x0;
	s20 =	sshll.u32 s5, $0x1;
	s5 =	sadd.s32 s21, s3  }
0x9d: {  	[timem:s7], [sflag:s22] =	dma.local [hbm:s5], s20  }
0x9e: {  	_ =	swait.ge [sflag:s22], s20  }
0x9f: {  	s4 =	ssub.s32 $0x0, s20;
	[sflag:s22] =	ssyncset.done $0x0  }
0xa0: {  	[sflag:s22] =	ssyncadd.s32 s4;
	_ =	sdelay $0x1  }
0xa1: {  	s23 =	simm.s32 $0x1B8B  }
0xa2: {  	_ =	swait.ge [sflag:s23], $0x1  }
0xa3: {  	[sflag:s23] =	ssyncset.done $0x0  }
0xa4: {  	s25 =	simm.s32 $0x1B8E;
	s24 =	sld [smem:$0x3FFE];
	[sflag:s23] =	ssyncadd.s32 $0xFFFFFFFF  }
0xa5: {  	s26 =	simm.s32 $execute0_lowered;
	[smem:$0x3FD2] =	sst s25  }
0xa6: {  	s5 =	sshll.u32 s26, $0x1;
	_ =	strace $0x8000004F;
	[dreg:$0x1] =	wrdreg $0xFFFFFFFF  }
0xa7: {  	s28 =	simm.s32 $_size_execute0_lowered;
	s3 =	sadd.s32 s3, s5;
	[dreg:$0x0] =	wrdreg $0x0  }
0xa8: {  	s5 =	sshll.u32 s28, $0x1;
	[dreg:$0x2] =	wrdreg s3  }
0xa9: {  	[dreg:$0x3] =	wrdreg s5  }
0xaa: {  	[dreg:$0x4] =	wrdreg $0xC0  }
0xab: {  	_ =	task [dreg:s7], $0x5FFFF  }
0xac: {  	[dreg:$0x1] =	wrdreg $0xFFFFFFFF  }
0xad: {  	[dreg:$0x0] =	wrdreg $0x60  }
0xae: {  	[dreg:$0x2] =	wrdreg s2  }
0xaf: {  	[dreg:$0x3] =	wrdreg s24  }
0xb0: {  	[dreg:$0x4] =	wrdreg $0xB8000  }
0xb1: {  	[dreg:$0x5] =	wrdreg $0x9  }
0xb2: {  	_ =	task.clear_ibuf [dreg:s7], $0x6FFFF;
	_ =	strace $0x9000004F  }
0xb3: {  	s29 =	simm.s32 $0x9;
	_ =	strace $0x80000051  }
0xb4: {  	_ =	swait.ge [sflag:s29], $0x1  }
0xb5: {  	[sflag:s29] =	ssyncadd.s32 $0xFFFFFFFF  }
0xb6: {  	_ =	strace $0x90000051  }
0xb7: {  	_ =	sfence  }
0xb8: {  	s30 =	sld [smem:$0x0];
	_ =	sdelay $0x2  }
0xb9: {  	s31 =	sshll.u32 s1, $0xD;
	s1 =	sshrl.u32 s1, $0x2  }
0xba: {  	s3 =	sand.u32 $0x4000, s31;
	s1 =	sadd.s32 s1, s30  }
0xbb: {  	s0 =	sor.u32 s3, s0;
	s1 =	sshll.u32 s1, $0x11  }
0xbc: {  	s0 =	sor.u32 s1, s0  }
0xbd: {  	s0 =	sadd.s32 $0x8F2B, s0  }
0xbe: {  	[sflag:s0] =	ssyncadd.remote.s32 $0x1  }
0xbf: {  	_ =	sfence.sel $0xFFFF  }
0xc0: {  	[dreg:$0x0] =	wrdreg $0xFFFFFFFF;
	(pc) =	sbr.abs _section_cstart, $3  }
0xc1: {  	[dreg:$0x1] =	wrdreg $0xFFFFFFFF  }
0xc2: {  	_ =	task.clear_ibuf [dreg:s7], $0x2FFFF;
	_ =	strace $0x9FFFFFFF  }
0xc3: {  	(tm) =	ssettm $0x7FFFFFFF  }
tec
execute0_lowered:
.L_overlay_start_1:
0x0: {  	(tag) =	ssettag $0x1  }
0x1: {  	s0 =	rddreg [dreg:$0x0]  }
0x2: {  	s1 =	rddreg [dreg:$0x1]  }
0x3: {  	s2 =	srdreg.scid;
	s3 =	rddreg [dreg:$0x2]  }
0x4: {  	s10 =	stileid.u32;
	s4 =	simm.s32 $0x0;
	s13 =	simm.s32 $0x4000  }
0x5: {  	s14 =	simm.s32 $0x7;
	s15 =	simm.s32 $0x2000;
	s16 =	simm.s32 $0x50  }
0x6: {  	s17 =	simm.s32 $0x80;
	s18 =	simm.s32 $0x6800;
	s19 =	simm.s32 $0x1  }
0x7: {  	s20 =	simm.s32 $0x100;
	s28 =	simm.s32 $0x2100;
	s29 =	simm.s32 $0x5  }
0x8: {  	s30 =	simm.s32 $0x200;
	s31 =	simm.s32 $0x6;
	s2 =	sand.u32 $0x1, s2  }
0x9: {  	s6 =	smul.u32 $0x2800, s10;
	[smem:$0x7FF] =	sst s4;
	s21 =	sadd.s32 $0x12A00, s1  }
0xa: {  	s23 =	sshll.u32 s10, $0xB;
	s8 =	ssub.s32 $0x8D, s10;
	s10 =	smul.u32 $0xA000, s10  }
0xb: {  	s9 =	sadd.s32 $0x2A00, s1;
	s5 =	smul.u32 $0x13B000, s2;
	s7 =	ssub.s32 $0x2, s2  }
0xc: {  	_ =	strace $0x80000050;
	s2 =	sshll.u32 s2, $0xF;
	s22 =	sshrl.u32 s7, $0x1  }
0xd: {  	s2 =	sor.u32 s23, s2;
	s26 =	sshrl.u32 s10, $0x2;
	s23 =	simm.s32 $0x2080  }
0xe: {  	s5 =	sadd.s32 s6, s5;
	s7 =	ssub.s32 s7, s22;
	s24 =	sadd.s32 s21, s2  }
0xf: {  	s11 =	sor.u32 $0x400, s2;
	s2 =	sadd.s32 s9, s2;
	[dreg:$0x4] =	wrdreg s24  }
0x10: {  	s22 =	simm.s32 $0x2;
	s5 =	sshrl.u32 s5, $0x3;
	[dreg:$0x5] =	wrdreg s2  }
0x11: {  	s25 =	sadd.s32 s21, s11;
	s9 =	sadd.s32 s9, s11;
	s10 =	smax.u32 s7, $0x1  }
0x12: {  	s7 =	sadd.s32 s26, s3;
	s21 =	simm.s32 $0x9000;
	s24 =	simm.s32 $0x4  }
0x13: {  	s26 =	simm.s32 $0x3;
	s1 =	sadd.s32 s5, s1;
	s5 =	sshrl.u32 s8, $0x4  }
0x14: {  	v0 =	vimm.f32 $0.0e+00;
	[dreg:$0x6] =	wrdreg s25;
	s25 =	simm.s32 $0x180;
	s12 =	sadd.s32 $0x22A00, s1  }
.LBB2_1:
0x15: {  	s1 =	simm.s32 $0x0;
	s2 =	simm.s32 $0x200  }
.LBB2_2:
0x16: {  	p0 =	sne.s32 s2, $0x9E00;
	[tilespmem:s1+$0x4070] =	vst v0  }
0x17: {  	[tilespmem:s1+$0x4000] =	vst v0  }
0x18: {  	[tilespmem:s1+$0x4010] =	vst v0  }
.Ltmp0:
0x19: {  	[tilespmem:s1+$0x4020] =	vst v0;
	(pc) =	sbr.rel @p0 .LBB2_2-.Ltmp0, $4  }
0x1a: {  	[tilespmem:s1+$0x4030] =	vst v0  }
0x1b: {  	[tilespmem:s1+$0x4040] =	vst v0  }
0x1c: {  	[tilespmem:s1+$0x4050] =	vst v0  }
0x1d: {  	[tilespmem:s1+$0x4060] =	vst v0;
	s1 =	sshra.s32 s2, $0x2;
	s2 =	sadd.s32 $0x200, s2  }
0x1e: {  	[tilespmem:s1+$0x4070] =	vst v0  }
0x1f: {  	[tilespmem:s1+$0x4000] =	vst v0  }
0x20: {  	[tilespmem:s1+$0x4010] =	vst v0  }
0x21: {  	[tilespmem:s1+$0x4020] =	vst v0  }
0x22: {  	[tilespmem:s1+$0x4030] =	vst v0  }
0x23: {  	[tilespmem:s1+$0x4040] =	vst v0;
	p0 =	sne.s32 s5, $0x1  }
.Ltmp1:
0x24: {  	[tilespmem:s1+$0x4050] =	vst v0;
	(pc) =	sbr.rel @!p0 .LBB2_5-.Ltmp1, $4  }
0x25: {  	[tilespmem:s1+$0x4060] =	vst v0  }
0x26: {  	[spmem:s7] =	stream.linear.scatter [tilespmem:s13], [sflag:$0x7], $0x2800, $0x38;
	[tilespmem:$0x1F300] =	vst v63  }
0x27: {  	_ =	swait.ge [sflag:s14], $0x2800  }
0x28: {  	s1 =	sadd.s32 $0xFFFFFFFF, s5;
	s2 =	smov.u32 s7;
	[sflag:s14] =	ssyncset.done $0x0  }
.LBB2_4:
0x29: {  	p1 =	sne.s32 s1, $0x1;
	[sflag:s14] =	ssyncadd.s32 $0xFFFFD800;
	s2 =	sadd.s32 $0x28000, s2  }
.Ltmp2:
0x2a: {  	s1 =	sadd.s32 $0xFFFFFFFF, s1;
	(pc) =	sbr.rel @p1 .LBB2_4-.Ltmp2, $4  }
0x2b: {  	_ = 	snop  }
0x2c: {  	[spmem:s2] =	stream.linear.scatter [tilespmem:s13], [sflag:$0x7], $0x2800, $0x38;
	[tilespmem:$0x1F300] =	vst v63  }
0x2d: {  	_ =	swait.ge [sflag:s14], $0x2800  }
0x2e: {  	[sflag:s14] =	ssyncset.done $0x0  }
.LBB2_5:
0x2f: {  	[sflag:s14] =	ssyncadd.s32 $0xFFFFD800  }
0x30: {  	[bflag:$0x0] =	sbarrier.arrive $0xFFFF  }
0x31: {  	s1 =	simm.s32 $0x0;
	s2 =	rddreg [dreg:$0x4]  }
0x32: {  	[tilespmem:s1], [sflag:$0x7] =	stream.linear.gather [hbm4b:s2+s1], $0x2000, $0x38;
	[tilespmem:$0x1F300] =	vst v63  }
0x33: {  	_ =	swait.ge [sflag:s14], $0x2000  }
0x34: {  	[sflag:s14] =	ssyncset.done $0x0  }
0x35: {  	s11 =	rddreg [dreg:$0x5];
	[sflag:s14] =	ssyncadd.s32 $0xFFFFE000  }
0x36: {  	[tilespmem:s15], [sflag:$0x7] =	stream.linear.gather [hbm4b:s11+s1], $0x2000, $0x38;
	[tilespmem:$0x1F300] =	vst v63  }
0x37: {  	_ =	swait.ge [sflag:s14], $0x2000  }
0x38: {  	[sflag:s14] =	ssyncset.done $0x0  }
0x39: {  	[sflag:s14] =	ssyncadd.s32 $0xFFFFE000  }
0x3a: {  	[tilespmem:s13], [sflag:$0x1] =	stream.indirect.gather [hbm4b:s0+s16], $0x80, s1, s16, $0xb8;
	[tilespmem:$0x1F300] =	vst v63  }
0x3b: {  	_ = 	snop  }
0x3c: {  	[tilespmem:s18], [sflag:$0x2] =	stream.indirect.gather [hbm4b:s0+s16], $0x80, s17, s16, $0xb8;
	[tilespmem:$0x1F300] =	vst v63  }
0x3d: {  	_ =	swait.ge [sflag:s19], $0x2800  }
0x3e: {  	[sflag:s19] =	ssyncset.done $0x0  }
0x3f: {  	[sflag:s19] =	ssyncadd.s32 $0xFFFFD800  }
0x40: {  	[spmem:s3] =	stream.indirect.scatter.add.f32 [tilespmem:s13], [sflag:$0x4], $0x80, s15, s16, $0xb8;
	[tilespmem:$0x1F300] =	vst v63  }
0x41: {  	_ = 	snop  }
0x42: {  	[tilespmem:s21], [sflag:$0x3] =	stream.indirect.gather [hbm4b:s0+s16], $0x80, s20, s16, $0xb8;
	[tilespmem:$0x1F300] =	vst v63  }
0x43: {  	_ =	swait.ge [sflag:s22], $0x2800  }
0x44: {  	[sflag:s22] =	ssyncset.done $0x0  }
0x45: {  	[sflag:s22] =	ssyncadd.s32 $0xFFFFD800  }
0x46: {  	[spmem:s3] =	stream.indirect.scatter.add.f32 [tilespmem:s18], [sflag:$0x5], $0x80, s23, s16, $0xb8;
	[tilespmem:$0x1F300] =	vst v63  }
0x47: {  	_ =	swait.ge [sflag:s24], $0x2800  }
0x48: {  	[sflag:s24] =	ssyncset.done $0x0  }
0x49: {  	[sflag:s24] =	ssyncadd.s32 $0xFFFFD800  }
0x4a: {  	[tilespmem:s13], [sflag:$0x1] =	stream.indirect.gather [hbm4b:s0+s16], $0x80, s25, s16, $0xb8;
	[tilespmem:$0x1F300] =	vst v63  }
0x4b: {  	_ =	swait.ge [sflag:s26], $0x2800  }
0x4c: {  	[sflag:s26] =	ssyncset.done $0x0  }
0x4d: {  	[sflag:s26] =	ssyncadd.s32 $0xFFFFD800  }
0x4e: {  	[spmem:s3] =	stream.indirect.scatter.add.f32 [tilespmem:s21], [sflag:$0x6], $0x80, s28, s16, $0xb8;
	[tilespmem:$0x1F300] =	vst v63  }
0x4f: {  	_ =	swait.ge [sflag:s29], $0x2800  }
0x50: {  	[sflag:s29] =	ssyncset.done $0x0  }
0x51: {  	[sflag:s29] =	ssyncadd.s32 $0xFFFFD800  }
0x52: {  	[tilespmem:s18], [sflag:$0x2] =	stream.indirect.gather [hbm4b:s0+s16], $0x80, s30, s16, $0xb8;
	[tilespmem:$0x1F300] =	vst v63  }
.LBB2_6:
0x53: {  	_ =	swait.ge [sflag:s19], $0x2800  }
0x54: {  	s2 =	sshra.s32 s1, $0x2;
	[sflag:s19] =	ssyncset.done $0x0  }
0x55: {  	s6 =	sadd.s32 $0x2180, s2;
	[sflag:s19] =	ssyncadd.s32 $0xFFFFD800  }
0x56: {  	[spmem:s3] =	stream.indirect.scatter.add.f32 [tilespmem:s13], [sflag:$0x4], $0x80, s6, s16, $0xb8;
	[tilespmem:$0x1F300] =	vst v63  }
0x57: {  	_ =	swait.ge [sflag:s31], $0x2800  }
0x58: {  	[sflag:s31] =	ssyncset.done $0x0  }
0x59: {  	s8 =	sadd.s32 $0x280, s2;
	[sflag:s31] =	ssyncadd.s32 $0xFFFFD800  }
0x5a: {  	[tilespmem:s21], [sflag:$0x3] =	stream.indirect.gather [hbm4b:s0+s16], $0x80, s8, s16, $0xb8;
	[tilespmem:$0x1F300] =	vst v63  }
0x5b: {  	_ =	swait.ge [sflag:s22], $0x2800  }
0x5c: {  	[sflag:s22] =	ssyncset.done $0x0  }
0x5d: {  	s11 =	sadd.s32 $0x2200, s2;
	[sflag:s22] =	ssyncadd.s32 $0xFFFFD800  }
0x5e: {  	[spmem:s3] =	stream.indirect.scatter.add.f32 [tilespmem:s18], [sflag:$0x5], $0x80, s11, s16, $0xb8;
	[tilespmem:$0x1F300] =	vst v63  }
0x5f: {  	_ =	swait.ge [sflag:s24], $0x2800  }
0x60: {  	[sflag:s24] =	ssyncset.done $0x0  }
0x61: {  	s8 =	sadd.s32 $0x300, s2;
	[sflag:s24] =	ssyncadd.s32 $0xFFFFD800  }
0x62: {  	[tilespmem:s13], [sflag:$0x1] =	stream.indirect.gather [hbm4b:s0+s16], $0x80, s8, s16, $0xb8;
	[tilespmem:$0x1F300] =	vst v63  }
0x63: {  	_ =	swait.ge [sflag:s26], $0x2800  }
0x64: {  	p1 =	seq.s32 s1, $0x7200;
	[sflag:s26] =	ssyncset.done $0x0  }
.Ltmp3:
0x65: {  	s11 =	sadd.s32 $0x2280, s2;
	[sflag:s26] =	ssyncadd.s32 $0xFFFFD800;
	(pc) =	sbr.rel @p1 .LBB2_8-.Ltmp3, $4  }
0x66: {  	[spmem:s3] =	stream.indirect.scatter.add.f32 [tilespmem:s21], [sflag:$0x6], $0x80, s11, s16, $0xb8;
	[tilespmem:$0x1F300] =	vst v63  }
0x67: {  	_ =	swait.ge [sflag:s29], $0x2800  }
0x68: {  	[sflag:s29] =	ssyncset.done $0x0  }
0x69: {  	[sflag:s29] =	ssyncadd.s32 $0xFFFFD800  }
.Ltmp4:
0x6a: {  	(pc) =	sbr.rel .LBB2_6-.Ltmp4, $3  }
0x6b: {  	_ =	sdelay $0x1  }
0x6c: {  	s2 =	sadd.s32 $0x380, s2;
	s1 =	sadd.s32 $0x600, s1  }
0x6d: {  	[tilespmem:s18], [sflag:$0x2] =	stream.indirect.gather [hbm4b:s0+s16], $0x80, s2, s16, $0xb8;
	[tilespmem:$0x1F300] =	vst v63  }
.LBB2_8:
0x6e: {  	_ =	swait.ge [sflag:s19], $0x2800  }
0x6f: {  	[sflag:s19] =	ssyncset.done $0x0  }
0x70: {  	s1 =	simm.s32 $0x3F80;
	[sflag:s19] =	ssyncadd.s32 $0xFFFFD800  }
0x71: {  	[spmem:s3] =	stream.indirect.scatter.add.f32 [tilespmem:s13], [sflag:$0x4], $0x80, s1, s16, $0xb8;
	[tilespmem:$0x1F300] =	vst v63  }
0x72: {  	_ =	swait.ge [sflag:s31], $0x2800  }
0x73: {  	[sflag:s31] =	ssyncset.done $0x0  }
0x74: {  	[sflag:s31] =	ssyncadd.s32 $0xFFFFD800  }
0x75: {  	_ =	swait.ge [sflag:s24], $0x2800  }
0x76: {  	[sflag:s24] =	ssyncset.done $0x0  }
0x77: {  	s1 =	simm.s32 $0x0;
	s2 =	rddreg [dreg:$0x6];
	[sflag:s24] =	ssyncadd.s32 $0xFFFFD800  }
0x78: {  	[tilespmem:s1], [sflag:$0x7] =	stream.linear.gather [hbm4b:s2+s1], $0x1E80, $0x38;
	[tilespmem:$0x1F300] =	vst v63  }
0x79: {  	_ =	swait.ge [sflag:s14], $0x1E80  }
0x7a: {  	[sflag:s14] =	ssyncset.done $0x0  }
0x7b: {  	[sflag:s14] =	ssyncadd.s32 $0xFFFFE180  }
0x7c: {  	[tilespmem:s15], [sflag:$0x7] =	stream.linear.gather [hbm4b:s9+s1], $0x1E80, $0x38;
	[tilespmem:$0x1F300] =	vst v63  }
0x7d: {  	_ =	swait.ge [sflag:s14], $0x1E80  }
0x7e: {  	[sflag:s14] =	ssyncset.done $0x0  }
0x7f: {  	[sflag:s14] =	ssyncadd.s32 $0xFFFFE180  }
0x80: {  	[tilespmem:s13], [sflag:$0x1] =	stream.indirect.gather [hbm4b:s0+s16], $0x80, s1, s16, $0xb8;
	[tilespmem:$0x1F300] =	vst v63  }
0x81: {  	_ = 	snop  }
0x82: {  	[tilespmem:s18], [sflag:$0x2] =	stream.indirect.gather [hbm4b:s0+s16], $0x80, s17, s16, $0xb8;
	[tilespmem:$0x1F300] =	vst v63  }
0x83: {  	_ =	swait.ge [sflag:s19], $0x2800  }
0x84: {  	[sflag:s19] =	ssyncset.done $0x0  }
0x85: {  	[sflag:s19] =	ssyncadd.s32 $0xFFFFD800  }
0x86: {  	[spmem:s3] =	stream.indirect.scatter.add.f32 [tilespmem:s13], [sflag:$0x4], $0x80, s15, s16, $0xb8;
	[tilespmem:$0x1F300] =	vst v63  }
0x87: {  	_ = 	snop  }
0x88: {  	[tilespmem:s21], [sflag:$0x3] =	stream.indirect.gather [hbm4b:s0+s16], $0x80, s20, s16, $0xb8;
	[tilespmem:$0x1F300] =	vst v63  }
0x89: {  	_ =	swait.ge [sflag:s22], $0x2800  }
0x8a: {  	[sflag:s22] =	ssyncset.done $0x0  }
0x8b: {  	[sflag:s22] =	ssyncadd.s32 $0xFFFFD800  }
0x8c: {  	[spmem:s3] =	stream.indirect.scatter.add.f32 [tilespmem:s18], [sflag:$0x5], $0x80, s23, s16, $0xb8;
	[tilespmem:$0x1F300] =	vst v63  }
0x8d: {  	_ =	swait.ge [sflag:s24], $0x2800  }
0x8e: {  	[sflag:s24] =	ssyncset.done $0x0  }
0x8f: {  	[sflag:s24] =	ssyncadd.s32 $0xFFFFD800  }
0x90: {  	[tilespmem:s13], [sflag:$0x1] =	stream.indirect.gather [hbm4b:s0+s16], $0x80, s25, s16, $0xb8;
	[tilespmem:$0x1F300] =	vst v63  }
0x91: {  	_ =	swait.ge [sflag:s26], $0x2800  }
0x92: {  	[sflag:s26] =	ssyncset.done $0x0  }
0x93: {  	[sflag:s26] =	ssyncadd.s32 $0xFFFFD800  }
0x94: {  	[spmem:s3] =	stream.indirect.scatter.add.f32 [tilespmem:s21], [sflag:$0x6], $0x80, s28, s16, $0xb8;
	[tilespmem:$0x1F300] =	vst v63  }
0x95: {  	_ =	swait.ge [sflag:s29], $0x2800  }
0x96: {  	[sflag:s29] =	ssyncset.done $0x0  }
0x97: {  	[sflag:s29] =	ssyncadd.s32 $0xFFFFD800  }
0x98: {  	[tilespmem:s18], [sflag:$0x2] =	stream.indirect.gather [hbm4b:s0+s16], $0x80, s30, s16, $0xb8;
	[tilespmem:$0x1F300] =	vst v63  }
.LBB2_9:
0x99: {  	_ =	swait.ge [sflag:s19], $0x2800  }
0x9a: {  	s2 =	sshra.s32 s1, $0x2;
	[sflag:s19] =	ssyncset.done $0x0  }
0x9b: {  	s6 =	sadd.s32 $0x2180, s2;
	[sflag:s19] =	ssyncadd.s32 $0xFFFFD800  }
0x9c: {  	[spmem:s3] =	stream.indirect.scatter.add.f32 [tilespmem:s13], [sflag:$0x4], $0x80, s6, s16, $0xb8;
	[tilespmem:$0x1F300] =	vst v63  }
0x9d: {  	_ =	swait.ge [sflag:s31], $0x2800  }
0x9e: {  	[sflag:s31] =	ssyncset.done $0x0  }
0x9f: {  	s8 =	sadd.s32 $0x280, s2;
	[sflag:s31] =	ssyncadd.s32 $0xFFFFD800  }
0xa0: {  	[tilespmem:s21], [sflag:$0x3] =	stream.indirect.gather [hbm4b:s0+s16], $0x80, s8, s16, $0xb8;
	[tilespmem:$0x1F300] =	vst v63  }
0xa1: {  	_ =	swait.ge [sflag:s22], $0x2800  }
0xa2: {  	[sflag:s22] =	ssyncset.done $0x0  }
0xa3: {  	s11 =	sadd.s32 $0x2200, s2;
	[sflag:s22] =	ssyncadd.s32 $0xFFFFD800  }
0xa4: {  	[spmem:s3] =	stream.indirect.scatter.add.f32 [tilespmem:s18], [sflag:$0x5], $0x80, s11, s16, $0xb8;
	[tilespmem:$0x1F300] =	vst v63  }
0xa5: {  	_ =	swait.ge [sflag:s24], $0x2800  }
0xa6: {  	[sflag:s24] =	ssyncset.done $0x0  }
0xa7: {  	s8 =	sadd.s32 $0x300, s2;
	[sflag:s24] =	ssyncadd.s32 $0xFFFFD800  }
0xa8: {  	[tilespmem:s13], [sflag:$0x1] =	stream.indirect.gather [hbm4b:s0+s16], $0x80, s8, s16, $0xb8;
	[tilespmem:$0x1F300] =	vst v63  }
0xa9: {  	_ =	swait.ge [sflag:s26], $0x2800  }
0xaa: {  	p1 =	seq.s32 s1, $0x6C00;
	[sflag:s26] =	ssyncset.done $0x0  }
.Ltmp5:
0xab: {  	s11 =	sadd.s32 $0x2280, s2;
	[sflag:s26] =	ssyncadd.s32 $0xFFFFD800;
	(pc) =	sbr.rel @p1 .LBB2_11-.Ltmp5, $4  }
0xac: {  	[spmem:s3] =	stream.indirect.scatter.add.f32 [tilespmem:s21], [sflag:$0x6], $0x80, s11, s16, $0xb8;
	[tilespmem:$0x1F300] =	vst v63  }
0xad: {  	_ =	swait.ge [sflag:s29], $0x2800  }
0xae: {  	[sflag:s29] =	ssyncset.done $0x0  }
0xaf: {  	[sflag:s29] =	ssyncadd.s32 $0xFFFFD800  }
.Ltmp6:
0xb0: {  	(pc) =	sbr.rel .LBB2_9-.Ltmp6, $3  }
0xb1: {  	_ =	sdelay $0x1  }
0xb2: {  	s2 =	sadd.s32 $0x380, s2;
	s1 =	sadd.s32 $0x600, s1  }
0xb3: {  	[tilespmem:s18], [sflag:$0x2] =	stream.indirect.gather [hbm4b:s0+s16], $0x80, s2, s16, $0xb8;
	[tilespmem:$0x1F300] =	vst v63  }
.LBB2_11:
0xb4: {  	_ =	swait.ge [sflag:s19], $0x2800  }
0xb5: {  	[sflag:s19] =	ssyncset.done $0x0  }
0xb6: {  	s1 =	simm.s32 $0x3E00;
	[sflag:s19] =	ssyncadd.s32 $0xFFFFD800  }
0xb7: {  	[spmem:s3] =	stream.indirect.scatter.add.f32 [tilespmem:s13], [sflag:$0x4], $0x80, s1, s16, $0xb8;
	[tilespmem:$0x1F300] =	vst v63  }
0xb8: {  	_ =	swait.ge [sflag:s31], $0x2800  }
0xb9: {  	[sflag:s31] =	ssyncset.done $0x0  }
0xba: {  	[sflag:s31] =	ssyncadd.s32 $0xFFFFD800  }
0xbb: {  	_ =	swait.ge [sflag:s24], $0x2800  }
.Ltmp7:
0xbc: {  	s11 =	stileid.u32;
	[sflag:s24] =	ssyncset.done $0x0;
	(pc) =	sbr.rel @!p0 .LBB2_13-.Ltmp7, $4  }
0xbd: {  	s2 =	sshrl.u32 s7, $0x3;
	s1 =	sshll.u32 s11, $0x6;
	[sflag:s24] =	ssyncadd.s32 $0xFFFFD800  }
0xbe: {  	s6 =	sadd.s32 $0x5000, s12;
	s1 =	sor.u32 $0x1C07, s1;
	[bflag:$0x0] =	sbarrier.arrive $0xFFFF  }
0xbf: {  	[hbm:s12], [sflag:s1] =	dma.local [spmem:s2], $0x500  }
0xc0: {  	s11 =	smov.u32 s7;
	s2 =	sadd.s32 $0xFFFFFFFF, s5;
	_ =	swait.ge [sflag:s14], $0x500  }
.LBB2_12:
0xc1: {  	[sflag:s14] =	ssyncset.done $0x0;
	s11 =	sadd.s32 $0x28000, s11;
	p0 =	sne.s32 s2, $0x1  }
.Ltmp8:
0xc2: {  	s8 =	sshrl.u32 s11, $0x3;
	[sflag:s14] =	ssyncadd.s32 $0xFFFFFB00;
	(pc) =	sbr.rel @p0 .LBB2_12-.Ltmp8, $3  }
0xc3: {  	[hbm:s6], [sflag:s1] =	dma.local [spmem:s8], $0x500  }
0xc4: {  	s2 =	sadd.s32 $0xFFFFFFFF, s2;
	_ =	sdelay $0x1  }
0xc5: {  	s6 =	sadd.s32 $0x5000, s6;
	_ =	swait.ge [sflag:s14], $0x500  }
.LBB2_13:
0xc6: {  	s4 =	sadd.s32 $0x1, s4  }
0xc7: {  	p0 =	sne.s32 s4, s10  }
.Ltmp9:
0xc8: {  	_ = 	snop;
	(pc) =	sbr.rel @p0 .LBB2_1-.Ltmp9, $3  }
0xc9: {  	_ =	sdelay $0x1  }
0xca: {  	[sflag:s14] =	ssyncset.done $0x0  }
0xcb: {  	[sflag:s14] =	ssyncadd.s32 $0xFFFFFB00  }
0xcc: {  	_ =	sfence.sel $0x180000  }
0xcd: {  	[bflag:$0x0] =	sbarrier.arrive $0xFFFF  }
0xce: {  	_ =	strace $0x90000050  }
0xcf: {  	s0 =	stileid.u32;
	[bflag:$0x2] =	sbarrier.arrive $0xFFFF  }
0xd0: {  	p0 =	sne.s32 s0, $0x0;
	s0 =	rddreg [dreg:$0x3]  }
0xd1: {  	s0 =	sadd.s32 @!p0 $0x100000, s0  }
0xd2: {  	[sflag:s0] =	ssyncadd.tile.s32 @!p0 $0x1;
	_ =	shalt  }
.Lfunc_end2:
_tile_overlayer_lowered:
.L_overlay_start_2:
0xd3: {  	(tag) =	ssettag $0x2  }
0xd4: {  	s0 =	rddreg [dreg:$0x0];
	s2 =	stileid.u32  }
0xd5: {  	s1 =	rddreg [dreg:$0x1];
	p0 =	sne.s32 s2, $0x0  }
0xd6: {  	s3 =	rddreg [dreg:$0x2];
	[bflag:$0x3] =	sbarrier.arrive $0xFFFF;
	s2 =	simm.s32 @!p0 $0x1C07  }
0xd7: {  	[timem:s3], [sflag:s2] =	dma.local @!p0 [hbm:s0], s1  }
0xd8: {  	s0 =	simm.s32 @!p0 $0x7  }
0xd9: {  	_ =	swait.ge @!p0 [sflag:s0], s1  }
0xda: {  	s1 =	ssub.s32 @!p0 $0x0, s1;
	[sflag:s0] =	ssyncset.done @!p0 $0x0  }
0xdb: {  	[sflag:s0] =	ssyncadd.s32 @!p0 s1  }
0xdc: {  	[bflag:$0x3] =	sbarrier.arrive $0xFFFF  }
0xdd: {  	_ =	shalt  }

</sc_bundles>
